<compile_context>
chip_gen: v7x
topology: tpu7x:2x2x1
jax: 0.10.2.dev20260603
libtpu: 0.0.44.dev20260713+nightly
codegen_flags: <defaults>
</compile_context>

<pallas_src>
import functools

import jax
import jax.numpy as jnp
from jax import lax
from jax.experimental import pallas as pl
from jax.experimental.pallas import tpu as pltpu
from jax.experimental.pallas import tpu_sc as plsc

L = 16
INT_MAX = 2**31 - 1


def _cdiv(a, b):
    return (a + b - 1) // b


def _search_steps(n):
    steps = []
    s = 1
    while s < n:
        s *= 2
    s //= 2
    while s >= 1:
        steps.append(s)
        s //= 2
    return steps


def kernel(values, offsets, pos_weight):
    total = values.shape[0]
    noff = offsets.shape[0]
    maxlen = pos_weight.shape[0]

    info = plsc.get_sparse_core_info()
    num_cores = info.num_cores
    nw = num_cores * info.num_subcores

    nvec = _cdiv(maxlen, L)
    pwpad = nvec * L
    t = max(2 * L, _cdiv(_cdiv(total, nw), 2 * L) * 2 * L)
    nq = 1
    qt = t // nq
    npad = nw * t
    offpad = _cdiv(noff, L) * L

    bags_per_w = _cdiv(noff - 1, nw)
    w = min(offpad, (bags_per_w + 2 * max(384, bags_per_w // 2) + 7) // 8 * 8)
    use_window = w + 16 < noff

    npiece = 16
    piece = (noff - 1) // npiece // 8 * 8
    if piece == 0:
        npiece = 1
        piece = max(8, (noff - 1) // 8 * 8)
    nfull = min(noff - 1, npiece * piece)

    offs32 = offsets.astype(jnp.int32)
    pwf = pos_weight.astype(jnp.float32)

    mesh = plsc.VectorSubcoreMesh(core_axis_name="c", subcore_axis_name="s",
                                  num_cores=num_cores)

    @functools.partial(
        pl.kernel,
        mesh=mesh,
        out_type=jax.ShapeDtypeStruct((npad,), jnp.float32),
        scratch_types=[
            pltpu.VMEM((w,), jnp.int32),
            pltpu.VMEM((offpad,), jnp.int32),
            pltpu.VMEM((pwpad,), jnp.float32),
            pltpu.VMEM((t,), jnp.float32),
            pltpu.SemaphoreType.DMA,
        ],
        compiler_params=pltpu.CompilerParams(needs_layout_passes=False),
    )
    def pw_expand(offs_hbm, pw_hbm, out_hbm, win_v, offs_v, pw_v, out_v, sem):
        cid = lax.axis_index("c")
        sid = lax.axis_index("s")
        wid = sid * num_cores + cid

        iota = lax.broadcasted_iota(jnp.int32, (L,), 0)
        lo = wid * t
        hi = lo + t
        lo_v = jnp.full((L,), lo, jnp.int32)

        pwc = pltpu.async_copy(pw_hbm, pw_v.at[pl.ds(0, maxlen)], sem)

        if use_window:
            c0 = jnp.clip(wid * bags_per_w - (w - bags_per_w) // 2, 0,
                          noff - w) // 8 * 8
            winc = pltpu.async_copy(offs_hbm.at[pl.ds(c0, w)],
                                    win_v.at[pl.ds(0, w)], sem)
            winc.wait()
        pwc.wait()
        plsc.store_scatter(pw_v, [jnp.full((L,), maxlen, jnp.int32) + iota],
                           jnp.zeros((L,), jnp.float32),
                           mask=iota < (pwpad - maxlen))

        def search(ref, n, key_v):
            pos = jnp.zeros((L,), jnp.int32)
            for st in _search_steps(n):
                cand = jnp.minimum(pos + st, n - 1)
                vals = plsc.load_gather(ref, [cand])
                pos = jnp.where(vals <= key_v, cand, pos)
            return pos

        def bag_loop(ref, n, first, last):
            pw_regs = [pw_v[pl.ds(j * L, L)] for j in range(nvec)]
            consts = [iota + (j * L) for j in range(nvec)]
            t_u = jnp.full((L,), t, jnp.uint32)
            unroll = 8
            niter = (last + 1 - first + unroll - 1) // unroll

            def body(i, carry):
                b0 = first + i * unroll
                for u in range(unroll):
                    b = jnp.minimum(b0 + u, n - 1)
                    start_v = plsc.load_gather(
                        ref, [jnp.full((L,), b, jnp.int32)])
                    base = start_v - lo_v
                    for j in range(nvec):
                        idx = base + consts[j]
                        mask = plsc.bitcast(idx, jnp.uint32) < t_u
                        plsc.store_scatter(out_v, [idx], pw_regs[j],
                                           mask=mask)
                return carry

            lax.fori_loop(0, niter, body, 0)

        def search2(ref, n, key_a, key_b):
            pa = jnp.zeros((L,), jnp.int32)
            pb = jnp.zeros((L,), jnp.int32)
            for st in _search_steps(n):
                ca = jnp.minimum(pa + st, n - 1)
                cb = jnp.minimum(pb + st, n - 1)
                va = plsc.load_gather(ref, [ca])
                vb = plsc.load_gather(ref, [cb])
                pa = jnp.where(va <= key_a, ca, pa)
                pb = jnp.where(vb <= key_b, cb, pb)
            return pa, pb

        def run(ref, n):
            first_v, last_v = search2(ref, n, lo_v, lo_v + (t - 1))
            first = jnp.max(first_v)
            handles = []
            for q in range(nq):
                if q + 1 < nq:
                    key_v = jnp.full((L,), lo + (q + 1) * qt - 1, jnp.int32)
                    lastq = jnp.max(search(ref, n, key_v))
                else:
                    lastq = jnp.max(last_v)
                bag_loop(ref, n, first, lastq)
                handles.append(pltpu.async_copy(
                    out_v.at[pl.ds(q * qt, qt)],
                    out_hbm.at[pl.ds(lo + q * qt, qt)], sem))
                first = lastq
            for h in handles:
                h.wait()

        def _stage_full_and_run():
            for base in range(nfull // L * L, offpad, L):
                tailw = jnp.where(iota == (noff - 1 - base),
                                  jnp.full((L,), total, jnp.int32),
                                  jnp.full((L,), INT_MAX, jnp.int32))
                offs_v[pl.ds(base, L)] = tailw

            copies = []
            rot = sid + 8 * cid
            for j in range(npiece):
                p = lax.rem(rot + j, npiece)
                off = p * piece
                copies.append(pltpu.async_copy(
                    offs_hbm.at[pl.ds(off, piece)],
                    offs_v.at[pl.ds(off, piece)], sem))
            rem = (noff - 1) - nfull
            if rem > 0:
                copies.append(pltpu.async_copy(
                    offs_hbm.at[pl.ds(nfull, rem)],
                    offs_v.at[pl.ds(nfull, rem)], sem))
            for c in copies:
                c.wait()

            run(offs_v, offpad)

        if use_window:
            head_v = plsc.load_gather(win_v, [jnp.zeros((L,), jnp.int32)])
            tail_v = plsc.load_gather(win_v,
                                      [jnp.full((L,), w - 1, jnp.int32)])
            covers_lo = jnp.max(head_v) <= lo
            covers_hi = (jnp.max(tail_v) >= hi) | ((c0 + w) >= noff - 1)
            ok = covers_lo & covers_hi

            @pl.when(ok)
            def _window_path():
                run(win_v, w)

            @pl.when(jnp.logical_not(ok))
            def _full_path():
                _stage_full_and_run()
        else:
            _stage_full_and_run()

    out = pw_expand(offs32, pwf)
    return out[:total]

# --- scband reference (transcript-rebuilt; emitter-appended) ---
"""Pipeline reference for scband-position-weighted-module-7387343749282 (READ-ONLY COPY).

The authoritative reference and input builder live on the scoring server;
editing this copy changes nothing except your own understanding.
"""

import jax, jax.numpy as jnp
import numpy as np

BATCH = 16384
MAX_LEN = 200
VOCAB = 100000


def setup_inputs() -> dict:
    rng = np.random.default_rng(0)
    # ragged lengths in [0, MAX_LEN]
    lengths = rng.integers(0, MAX_LEN + 1, size=BATCH)
    offsets = np.concatenate([[0], np.cumsum(lengths)]).astype(np.int64)
    total = int(offsets[-1])
    values = jnp.asarray(rng.integers(0, VOCAB, size=total), dtype=jnp.int64)
    offsets = jnp.asarray(offsets, dtype=jnp.int64)
    # learned position weight parameter, initialized to 1.0 as in the module
    pos_weight = jnp.ones([MAX_LEN], dtype=jnp.float32)
    return {"values": values, "offsets": offsets, "pos_weight": pos_weight}


def reference(values, offsets, pos_weight):
    # Equivalent of torch.ops.fbgemm.offsets_range(offsets, numel(values)):
    # for each flat token index i belonging to bag b, seq[i] = i - offsets[b]
    total = values.shape[0]
    lengths = offsets[1:] - offsets[:-1]
    starts_per_token = jnp.repeat(offsets[:-1], lengths, total_repeat_length=total)
    seq = jnp.arange(total, dtype=jnp.int64) - starts_per_token
    # weights = torch.gather(pos_weight, dim=0, index=seq)
    weights = jnp.take(pos_weight, seq, axis=0)
    # The JaggedTensor output carries the same values/offsets with weights populated;
    # the newly computed field is `weights`.
    return weights

if __name__ == "__main__":
    import jax
    _d = setup_inputs()
    print(jax.jit(kernel)(*tuple(_d.values())))

</pallas_src>

<mosaic_0001>
#map = affine_map<(d0, d1) -> (0)>
module attributes {stable_mosaic.version = 14 : i64} {
  func.func @pw_expand(%arg0: i32, %arg1: i32, %arg2: memref<16385xi32, #tpu.memory_space<hbm>>, %arg3: memref<200xf32, #tpu.memory_space<hbm>>, %arg4: memref<1635328xf32, #tpu.memory_space<hbm>>, %arg5: memref<1280xi32, #tpu.memory_space<vmem>>, %arg6: memref<16400xi32, #tpu.memory_space<vmem>>, %arg7: memref<208xf32, #tpu.memory_space<vmem>>, %arg8: memref<51104xf32, #tpu.memory_space<vmem>>, %arg9: memref<!tpu.dma_semaphore, #tpu.memory_space<semaphore_mem>>) attributes {dimension_semantics = [#tpu.dimension_semantics<core_parallel>, #tpu.dimension_semantics<subcore_parallel>], iteration_bounds = array<i64: 2, 16>, scalar_prefetch = 0 : i64, scratch_operands = 5 : i64, tpu.core_type = #tpu.core_type<sc_vector_subcore>, window_params = [{transform_indices = #map}, {transform_indices = #map}, {transform_indices = #map}]} {
    %mul3A = arith.constant 2 : i32
    %mul3A_0 = arith.muli %arg1, %mul3A : i32
    %add3A = arith.addi %mul3A_0, %arg0 : i32
    %iota3A = tpu.iota {dimensions = array<i32: 0>} : vector<16xi32>
    %mul3A_1 = arith.constant 51104 : i32
    %mul3A_2 = arith.muli %add3A, %mul3A_1 : i32
    %add3A_3 = arith.constant 51104 : i32
    %add3A_4 = arith.addi %mul3A_2, %add3A_3 : i32
    %broadcast_in_dim3A = vector.broadcast %mul3A_2 : i32 to vector<16xi32>
    %dma_start3A = arith.constant 0 : i32
    %dma_start3A_5 = tpu.memref_slice %arg7[%dma_start3A] : memref<208xf32, #tpu.memory_space<vmem>> -> memref<200xf32, #tpu.memory_space<vmem>>
    %dma_start3A_6 = arith.constant 0 : i32
    %dma_start3A_7 = tpu.memref_slice %arg7[%dma_start3A_6] : memref<208xf32, #tpu.memory_space<vmem>> -> memref<200xf32, #tpu.memory_space<vmem>>
    tpu.enqueue_dma source(%arg3 : memref<200xf32, #tpu.memory_space<hbm>>) target(%dma_start3A_7 : memref<200xf32, #tpu.memory_space<vmem>>) target_semaphore(%arg9 : memref<!tpu.dma_semaphore, #tpu.memory_space<semaphore_mem>>)
    %mul3A_8 = arith.constant 512 : i32
    %mul3A_9 = arith.muli %add3A, %mul3A_8 : i32
    %sub3A = arith.constant 384 : i32
    %sub3A_10 = arith.subi %mul3A_9, %sub3A : i32
    %jit3A = arith.constant 0 : i32
    %jit3A_11 = arith.constant 15105 : i32
    %max3A = arith.maxsi %jit3A, %sub3A_10 : i32
    %min3A = arith.minsi %jit3A_11, %max3A : i32
    %jit3A_12 = arith.constant 8 : i32
    %div3A = arith.divsi %min3A, %jit3A_12 : i32
    %sign3A = arith.constant 0 : i32
    %sign3A_13 = arith.cmpi sgt, %min3A, %sign3A : i32
    %sign3A_14 = arith.extui %sign3A_13 : i1 to i32
    %sign3A_15 = arith.constant 0 : i32
    %sign3A_16 = arith.cmpi slt, %min3A, %sign3A_15 : i32
    %sign3A_17 = arith.extui %sign3A_16 : i1 to i32
    %sign3A_18 = arith.subi %sign3A_14, %sign3A_17 : i32
    %sign3A_19 = arith.constant 0 : i32
    %sign3A_20 = arith.cmpi sgt, %jit3A_12, %sign3A_19 : i32
    %sign3A_21 = arith.extui %sign3A_20 : i1 to i32
    %sign3A_22 = arith.constant 0 : i32
    %sign3A_23 = arith.cmpi slt, %jit3A_12, %sign3A_22 : i32
    %sign3A_24 = arith.extui %sign3A_23 : i1 to i32
    %sign3A_25 = arith.subi %sign3A_21, %sign3A_24 : i32
    %ne3A = arith.cmpi ne, %sign3A_18, %sign3A_25 : i32
    %rem3A = arith.remsi %min3A, %jit3A_12 : i32
    %ne3A_26 = arith.constant 0 : i32
    %ne3A_27 = arith.cmpi ne, %rem3A, %ne3A_26 : i32
    %and3A = arith.andi %ne3A, %ne3A_27 : i1
    %sub3A_28 = arith.constant 1 : i32
    %sub3A_29 = arith.subi %div3A, %sub3A_28 : i32
    %select_n3A = arith.select %and3A, %sub3A_29, %div3A : i32
    %mul3A_30 = arith.constant 8 : i32
    %mul3A_31 = arith.muli %select_n3A, %mul3A_30 : i32
    %dma_start3A_32 = arith.constant 0 : i32
    %dma_start3A_33 = tpu.memref_slice %arg5[%dma_start3A_32] : memref<1280xi32, #tpu.memory_space<vmem>> -> memref<1280xi32, #tpu.memory_space<vmem>>
    %dma_start3A_34 = tpu.memref_slice %arg2[%mul3A_31] : memref<16385xi32, #tpu.memory_space<hbm>> -> memref<1280xi32, #tpu.memory_space<hbm>>
    %dma_start3A_35 = arith.constant 0 : i32
    %dma_start3A_36 = tpu.memref_slice %arg5[%dma_start3A_35] : memref<1280xi32, #tpu.memory_space<vmem>> -> memref<1280xi32, #tpu.memory_space<vmem>>
    %dma_start3A_37 = tpu.memref_slice %arg2[%mul3A_31] : memref<16385xi32, #tpu.memory_space<hbm>> -> memref<1280xi32, #tpu.memory_space<hbm>>
    tpu.enqueue_dma source(%dma_start3A_37 : memref<1280xi32, #tpu.memory_space<hbm>>) target(%dma_start3A_36 : memref<1280xi32, #tpu.memory_space<vmem>>) target_semaphore(%arg9 : memref<!tpu.dma_semaphore, #tpu.memory_space<semaphore_mem>>)
    %dma_wait3A = arith.constant 0 : i32
    %dma_wait3A_38 = tpu.memref_slice %arg5[%dma_wait3A] : memref<1280xi32, #tpu.memory_space<vmem>> -> memref<1280xi32, #tpu.memory_space<vmem>>
    %dma_wait3A_39 = tpu.memref_slice %arg2[%mul3A_31] : memref<16385xi32, #tpu.memory_space<hbm>> -> memref<1280xi32, #tpu.memory_space<hbm>>
    %dma_wait3A_40 = arith.constant 0 : i32
    %dma_wait3A_41 = tpu.memref_slice %arg5[%dma_wait3A_40] : memref<1280xi32, #tpu.memory_space<vmem>> -> memref<1280xi32, #tpu.memory_space<vmem>>
    %dma_wait3A_42 = tpu.memref_slice %arg2[%mul3A_31] : memref<16385xi32, #tpu.memory_space<hbm>> -> memref<1280xi32, #tpu.memory_space<hbm>>
    tpu.wait_dma2 semaphore(%arg9 : memref<!tpu.dma_semaphore, #tpu.memory_space<semaphore_mem>>) src(%dma_wait3A_42 : memref<1280xi32, #tpu.memory_space<hbm>>) dst(%dma_wait3A_41 : memref<1280xi32, #tpu.memory_space<vmem>>)
    %dma_wait3A_43 = arith.constant 0 : i32
    %dma_wait3A_44 = tpu.memref_slice %arg7[%dma_wait3A_43] : memref<208xf32, #tpu.memory_space<vmem>> -> memref<200xf32, #tpu.memory_space<vmem>>
    %dma_wait3A_45 = arith.constant 0 : i32
    %dma_wait3A_46 = tpu.memref_slice %arg7[%dma_wait3A_45] : memref<208xf32, #tpu.memory_space<vmem>> -> memref<200xf32, #tpu.memory_space<vmem>>
    tpu.wait_dma2 semaphore(%arg9 : memref<!tpu.dma_semaphore, #tpu.memory_space<semaphore_mem>>) src(%arg3 : memref<200xf32, #tpu.memory_space<hbm>>) dst(%dma_wait3A_46 : memref<200xf32, #tpu.memory_space<vmem>>)
    %broadcast_in_dim3A_47 = arith.constant 200 : i32
    %broadcast_in_dim3A_48 = vector.broadcast %broadcast_in_dim3A_47 : i32 to vector<16xi32>
    %add3A_49 = arith.addi %broadcast_in_dim3A_48, %iota3A : vector<16xi32>
    %broadcast_in_dim3A_50 = arith.constant 0.000000e+00 : f32
    %broadcast_in_dim3A_51 = vector.broadcast %broadcast_in_dim3A_50 : f32 to vector<16xf32>
    %lt3A = arith.constant 8 : i32
    %lt3A_52 = vector.broadcast %lt3A : i32 to vector<16xi32>
    %lt3A_53 = arith.cmpi slt, %iota3A, %lt3A_52 : vector<16xi32>
    tpu.vector_store_idx %arg7[%add3A_49], %broadcast_in_dim3A_51 masked %lt3A_53 : memref<208xf32, #tpu.memory_space<vmem>>[vector<16xi32>], vector<16xf32>, vector<16xi1>
    %broadcast_in_dim3A_54 = arith.constant 0 : i32
    %broadcast_in_dim3A_55 = vector.broadcast %broadcast_in_dim3A_54 : i32 to vector<16xi32>
    %gather3A = tpu.vector_load_idx %arg5[%broadcast_in_dim3A_55] : memref<1280xi32, #tpu.memory_space<vmem>>[vector<16xi32>], vector<16xi32>,
    %broadcast_in_dim3A_56 = arith.constant 1279 : i32
    %broadcast_in_dim3A_57 = vector.broadcast %broadcast_in_dim3A_56 : i32 to vector<16xi32>
    %gather3A_58 = tpu.vector_load_idx %arg5[%broadcast_in_dim3A_57] : memref<1280xi32, #tpu.memory_space<vmem>>[vector<16xi32>], vector<16xi32>,
    %reduce_max3A = arith.constant true
    %reduce_max3A_59 = vector.broadcast %reduce_max3A : i1 to vector<16xi1>
    %reduce_max3A_60 = arith.constant -2147483648 : i32
    %reduce_max3A_61 = vector.broadcast %reduce_max3A_60 : i32 to vector<16xi32>
    %reduce_max3A_62 = arith.xori %gather3A, %reduce_max3A_61 : vector<16xi32>
    %reduce_max3A_63 = tpu.scan <max>, %reduce_max3A_62 masked %reduce_max3A_59 : vector<16xi32>, vector<16xi1> -> vector<16xi32>
    %reduce_max3A_64 = arith.xori %reduce_max3A_63, %reduce_max3A_61 : vector<16xi32>
    %reduce_max3A_65 = vector.extract %reduce_max3A_64[15] : i32 from vector<16xi32>
    %le3A = arith.cmpi sle, %reduce_max3A_65, %mul3A_2 : i32
    %reduce_max3A_66 = arith.constant true
    %reduce_max3A_67 = vector.broadcast %reduce_max3A_66 : i1 to vector<16xi1>
    %reduce_max3A_68 = arith.constant -2147483648 : i32
    %reduce_max3A_69 = vector.broadcast %reduce_max3A_68 : i32 to vector<16xi32>
    %reduce_max3A_70 = arith.xori %gather3A_58, %reduce_max3A_69 : vector<16xi32>
    %reduce_max3A_71 = tpu.scan <max>, %reduce_max3A_70 masked %reduce_max3A_67 : vector<16xi32>, vector<16xi1> -> vector<16xi32>
    %reduce_max3A_72 = arith.xori %reduce_max3A_71, %reduce_max3A_69 : vector<16xi32>
    %reduce_max3A_73 = vector.extract %reduce_max3A_72[15] : i32 from vector<16xi32>
    %ge3A = arith.cmpi sge, %reduce_max3A_73, %add3A_4 : i32
    %add3A_74 = arith.constant 1280 : i32
    %add3A_75 = arith.addi %mul3A_31, %add3A_74 : i32
    %ge3A_76 = arith.constant 16384 : i32
    %ge3A_77 = arith.cmpi sge, %add3A_75, %ge3A_76 : i32
    %or3A = arith.ori %ge3A, %ge3A_77 : i1
    %and3A_78 = arith.andi %le3A, %or3A : i1
    %convert_element_type3A = arith.extui %and3A_78 : i1 to i32
    %cond3A = arith.constant 0 : i32
    %cond3A_79 = arith.cmpi ne, %convert_element_type3A, %cond3A : i32
    scf.if %cond3A_79 {
      %add3A_84 = arith.constant 51103 : i32
      %add3A_85 = vector.broadcast %add3A_84 : i32 to vector<16xi32>
      %add3A_86 = arith.addi %broadcast_in_dim3A, %add3A_85 : vector<16xi32>
      %broadcast_in_dim3A_87 = arith.constant 0 : i32
      %broadcast_in_dim3A_88 = vector.broadcast %broadcast_in_dim3A_87 : i32 to vector<16xi32>
      %broadcast_in_dim3A_89 = arith.constant 0 : i32
      %broadcast_in_dim3A_90 = vector.broadcast %broadcast_in_dim3A_89 : i32 to vector<16xi32>
      %add3A_91 = arith.constant 1024 : i32
      %add3A_92 = vector.broadcast %add3A_91 : i32 to vector<16xi32>
      %add3A_93 = arith.addi %broadcast_in_dim3A_88, %add3A_92 : vector<16xi32>
      %min3A_94 = arith.constant 1279 : i32
      %min3A_95 = vector.broadcast %min3A_94 : i32 to vector<16xi32>
      %min3A_96 = arith.minsi %add3A_93, %min3A_95 : vector<16xi32>
      %add3A_97 = arith.constant 1024 : i32
      %add3A_98 = vector.broadcast %add3A_97 : i32 to vector<16xi32>
      %add3A_99 = arith.addi %broadcast_in_dim3A_90, %add3A_98 : vector<16xi32>
      %min3A_100 = arith.constant 1279 : i32
      %min3A_101 = vector.broadcast %min3A_100 : i32 to vector<16xi32>
      %min3A_102 = arith.minsi %add3A_99, %min3A_101 : vector<16xi32>
      %gather3A_103 = tpu.vector_load_idx %arg5[%min3A_96] : memref<1280xi32, #tpu.memory_space<vmem>>[vector<16xi32>], vector<16xi32>,
      %gather3A_104 = tpu.vector_load_idx %arg5[%min3A_102] : memref<1280xi32, #tpu.memory_space<vmem>>[vector<16xi32>], vector<16xi32>,
      %le3A_105 = arith.cmpi sle, %gather3A_103, %broadcast_in_dim3A : vector<16xi32>
      %select_n3A_106 = arith.select %le3A_105, %min3A_96, %broadcast_in_dim3A_88 : vector<16xi1>, vector<16xi32>
      %le3A_107 = arith.cmpi sle, %gather3A_104, %add3A_86 : vector<16xi32>
      %select_n3A_108 = arith.select %le3A_107, %min3A_102, %broadcast_in_dim3A_90 : vector<16xi1>, vector<16xi32>
      %add3A_109 = arith.constant 512 : i32
      %add3A_110 = vector.broadcast %add3A_109 : i32 to vector<16xi32>
      %add3A_111 = arith.addi %select_n3A_106, %add3A_110 : vector<16xi32>
      %min3A_112 = arith.constant 1279 : i32
      %min3A_113 = vector.broadcast %min3A_112 : i32 to vector<16xi32>
      %min3A_114 = arith.minsi %add3A_111, %min3A_113 : vector<16xi32>
      %add3A_115 = arith.constant 512 : i32
      %add3A_116 = vector.broadcast %add3A_115 : i32 to vector<16xi32>
      %add3A_117 = arith.addi %select_n3A_108, %add3A_116 : vector<16xi32>
      %min3A_118 = arith.constant 1279 : i32
      %min3A_119 = vector.broadcast %min3A_118 : i32 to vector<16xi32>
      %min3A_120 = arith.minsi %add3A_117, %min3A_119 : vector<16xi32>
      %gather3A_121 = tpu.vector_load_idx %arg5[%min3A_114] : memref<1280xi32, #tpu.memory_space<vmem>>[vector<16xi32>], vector<16xi32>,
      %gather3A_122 = tpu.vector_load_idx %arg5[%min3A_120] : memref<1280xi32, #tpu.memory_space<vmem>>[vector<16xi32>], vector<16xi32>,
      %le3A_123 = arith.cmpi sle, %gather3A_121, %broadcast_in_dim3A : vector<16xi32>
      %select_n3A_124 = arith.select %le3A_123, %min3A_114, %select_n3A_106 : vector<16xi1>, vector<16xi32>
      %le3A_125 = arith.cmpi sle, %gather3A_122, %add3A_86 : vector<16xi32>
      %select_n3A_126 = arith.select %le3A_125, %min3A_120, %select_n3A_108 : vector<16xi1>, vector<16xi32>
      %add3A_127 = arith.constant 256 : i32
      %add3A_128 = vector.broadcast %add3A_127 : i32 to vector<16xi32>
      %add3A_129 = arith.addi %select_n3A_124, %add3A_128 : vector<16xi32>
      %min3A_130 = arith.constant 1279 : i32
      %min3A_131 = vector.broadcast %min3A_130 : i32 to vector<16xi32>
      %min3A_132 = arith.minsi %add3A_129, %min3A_131 : vector<16xi32>
      %add3A_133 = arith.constant 256 : i32
      %add3A_134 = vector.broadcast %add3A_133 : i32 to vector<16xi32>
      %add3A_135 = arith.addi %select_n3A_126, %add3A_134 : vector<16xi32>
      %min3A_136 = arith.constant 1279 : i32
      %min3A_137 = vector.broadcast %min3A_136 : i32 to vector<16xi32>
      %min3A_138 = arith.minsi %add3A_135, %min3A_137 : vector<16xi32>
      %gather3A_139 = tpu.vector_load_idx %arg5[%min3A_132] : memref<1280xi32, #tpu.memory_space<vmem>>[vector<16xi32>], vector<16xi32>,
      %gather3A_140 = tpu.vector_load_idx %arg5[%min3A_138] : memref<1280xi32, #tpu.memory_space<vmem>>[vector<16xi32>], vector<16xi32>,
      %le3A_141 = arith.cmpi sle, %gather3A_139, %broadcast_in_dim3A : vector<16xi32>
      %select_n3A_142 = arith.select %le3A_141, %min3A_132, %select_n3A_124 : vector<16xi1>, vector<16xi32>
      %le3A_143 = arith.cmpi sle, %gather3A_140, %add3A_86 : vector<16xi32>
      %select_n3A_144 = arith.select %le3A_143, %min3A_138, %select_n3A_126 : vector<16xi1>, vector<16xi32>
      %add3A_145 = arith.constant 128 : i32
      %add3A_146 = vector.broadcast %add3A_145 : i32 to vector<16xi32>
      %add3A_147 = arith.addi %select_n3A_142, %add3A_146 : vector<16xi32>
      %min3A_148 = arith.constant 1279 : i32
      %min3A_149 = vector.broadcast %min3A_148 : i32 to vector<16xi32>
      %min3A_150 = arith.minsi %add3A_147, %min3A_149 : vector<16xi32>
      %add3A_151 = arith.constant 128 : i32
      %add3A_152 = vector.broadcast %add3A_151 : i32 to vector<16xi32>
      %add3A_153 = arith.addi %select_n3A_144, %add3A_152 : vector<16xi32>
      %min3A_154 = arith.constant 1279 : i32
      %min3A_155 = vector.broadcast %min3A_154 : i32 to vector<16xi32>
      %min3A_156 = arith.minsi %add3A_153, %min3A_155 : vector<16xi32>
      %gather3A_157 = tpu.vector_load_idx %arg5[%min3A_150] : memref<1280xi32, #tpu.memory_space<vmem>>[vector<16xi32>], vector<16xi32>,
      %gather3A_158 = tpu.vector_load_idx %arg5[%min3A_156] : memref<1280xi32, #tpu.memory_space<vmem>>[vector<16xi32>], vector<16xi32>,
      %le3A_159 = arith.cmpi sle, %gather3A_157, %broadcast_in_dim3A : vector<16xi32>
      %select_n3A_160 = arith.select %le3A_159, %min3A_150, %select_n3A_142 : vector<16xi1>, vector<16xi32>
      %le3A_161 = arith.cmpi sle, %gather3A_158, %add3A_86 : vector<16xi32>
      %select_n3A_162 = arith.select %le3A_161, %min3A_156, %select_n3A_144 : vector<16xi1>, vector<16xi32>
      %add3A_163 = arith.constant 64 : i32
      %add3A_164 = vector.broadcast %add3A_163 : i32 to vector<16xi32>
      %add3A_165 = arith.addi %select_n3A_160, %add3A_164 : vector<16xi32>
      %min3A_166 = arith.constant 1279 : i32
      %min3A_167 = vector.broadcast %min3A_166 : i32 to vector<16xi32>
      %min3A_168 = arith.minsi %add3A_165, %min3A_167 : vector<16xi32>
      %add3A_169 = arith.constant 64 : i32
      %add3A_170 = vector.broadcast %add3A_169 : i32 to vector<16xi32>
      %add3A_171 = arith.addi %select_n3A_162, %add3A_170 : vector<16xi32>
      %min3A_172 = arith.constant 1279 : i32
      %min3A_173 = vector.broadcast %min3A_172 : i32 to vector<16xi32>
      %min3A_174 = arith.minsi %add3A_171, %min3A_173 : vector<16xi32>
      %gather3A_175 = tpu.vector_load_idx %arg5[%min3A_168] : memref<1280xi32, #tpu.memory_space<vmem>>[vector<16xi32>], vector<16xi32>,
      %gather3A_176 = tpu.vector_load_idx %arg5[%min3A_174] : memref<1280xi32, #tpu.memory_space<vmem>>[vector<16xi32>], vector<16xi32>,
      %le3A_177 = arith.cmpi sle, %gather3A_175, %broadcast_in_dim3A : vector<16xi32>
      %select_n3A_178 = arith.select %le3A_177, %min3A_168, %select_n3A_160 : vector<16xi1>, vector<16xi32>
      %le3A_179 = arith.cmpi sle, %gather3A_176, %add3A_86 : vector<16xi32>
      %select_n3A_180 = arith.select %le3A_179, %min3A_174, %select_n3A_162 : vector<16xi1>, vector<16xi32>
      %add3A_181 = arith.constant 32 : i32
      %add3A_182 = vector.broadcast %add3A_181 : i32 to vector<16xi32>
      %add3A_183 = arith.addi %select_n3A_178, %add3A_182 : vector<16xi32>
      %min3A_184 = arith.constant 1279 : i32
      %min3A_185 = vector.broadcast %min3A_184 : i32 to vector<16xi32>
      %min3A_186 = arith.minsi %add3A_183, %min3A_185 : vector<16xi32>
      %add3A_187 = arith.constant 32 : i32
      %add3A_188 = vector.broadcast %add3A_187 : i32 to vector<16xi32>
      %add3A_189 = arith.addi %select_n3A_180, %add3A_188 : vector<16xi32>
      %min3A_190 = arith.constant 1279 : i32
      %min3A_191 = vector.broadcast %min3A_190 : i32 to vector<16xi32>
      %min3A_192 = arith.minsi %add3A_189, %min3A_191 : vector<16xi32>
      %gather3A_193 = tpu.vector_load_idx %arg5[%min3A_186] : memref<1280xi32, #tpu.memory_space<vmem>>[vector<16xi32>], vector<16xi32>,
      %gather3A_194 = tpu.vector_load_idx %arg5[%min3A_192] : memref<1280xi32, #tpu.memory_space<vmem>>[vector<16xi32>], vector<16xi32>,
      %le3A_195 = arith.cmpi sle, %gather3A_193, %broadcast_in_dim3A : vector<16xi32>
      %select_n3A_196 = arith.select %le3A_195, %min3A_186, %select_n3A_178 : vector<16xi1>, vector<16xi32>
      %le3A_197 = arith.cmpi sle, %gather3A_194, %add3A_86 : vector<16xi32>
      %select_n3A_198 = arith.select %le3A_197, %min3A_192, %select_n3A_180 : vector<16xi1>, vector<16xi32>
      %add3A_199 = arith.constant 16 : i32
      %add3A_200 = vector.broadcast %add3A_199 : i32 to vector<16xi32>
      %add3A_201 = arith.addi %select_n3A_196, %add3A_200 : vector<16xi32>
      %min3A_202 = arith.constant 1279 : i32
      %min3A_203 = vector.broadcast %min3A_202 : i32 to vector<16xi32>
      %min3A_204 = arith.minsi %add3A_201, %min3A_203 : vector<16xi32>
      %add3A_205 = arith.constant 16 : i32
      %add3A_206 = vector.broadcast %add3A_205 : i32 to vector<16xi32>
      %add3A_207 = arith.addi %select_n3A_198, %add3A_206 : vector<16xi32>
      %min3A_208 = arith.constant 1279 : i32
      %min3A_209 = vector.broadcast %min3A_208 : i32 to vector<16xi32>
      %min3A_210 = arith.minsi %add3A_207, %min3A_209 : vector<16xi32>
      %gather3A_211 = tpu.vector_load_idx %arg5[%min3A_204] : memref<1280xi32, #tpu.memory_space<vmem>>[vector<16xi32>], vector<16xi32>,
      %gather3A_212 = tpu.vector_load_idx %arg5[%min3A_210] : memref<1280xi32, #tpu.memory_space<vmem>>[vector<16xi32>], vector<16xi32>,
      %le3A_213 = arith.cmpi sle, %gather3A_211, %broadcast_in_dim3A : vector<16xi32>
      %select_n3A_214 = arith.select %le3A_213, %min3A_204, %select_n3A_196 : vector<16xi1>, vector<16xi32>
      %le3A_215 = arith.cmpi sle, %gather3A_212, %add3A_86 : vector<16xi32>
      %select_n3A_216 = arith.select %le3A_215, %min3A_210, %select_n3A_198 : vector<16xi1>, vector<16xi32>
      %add3A_217 = arith.constant 8 : i32
      %add3A_218 = vector.broadcast %add3A_217 : i32 to vector<16xi32>
      %add3A_219 = arith.addi %select_n3A_214, %add3A_218 : vector<16xi32>
      %min3A_220 = arith.constant 1279 : i32
      %min3A_221 = vector.broadcast %min3A_220 : i32 to vector<16xi32>
      %min3A_222 = arith.minsi %add3A_219, %min3A_221 : vector<16xi32>
      %add3A_223 = arith.constant 8 : i32
      %add3A_224 = vector.broadcast %add3A_223 : i32 to vector<16xi32>
      %add3A_225 = arith.addi %select_n3A_216, %add3A_224 : vector<16xi32>
      %min3A_226 = arith.constant 1279 : i32
      %min3A_227 = vector.broadcast %min3A_226 : i32 to vector<16xi32>
      %min3A_228 = arith.minsi %add3A_225, %min3A_227 : vector<16xi32>
      %gather3A_229 = tpu.vector_load_idx %arg5[%min3A_222] : memref<1280xi32, #tpu.memory_space<vmem>>[vector<16xi32>], vector<16xi32>,
      %gather3A_230 = tpu.vector_load_idx %arg5[%min3A_228] : memref<1280xi32, #tpu.memory_space<vmem>>[vector<16xi32>], vector<16xi32>,
      %le3A_231 = arith.cmpi sle, %gather3A_229, %broadcast_in_dim3A : vector<16xi32>
      %select_n3A_232 = arith.select %le3A_231, %min3A_222, %select_n3A_214 : vector<16xi1>, vector<16xi32>
      %le3A_233 = arith.cmpi sle, %gather3A_230, %add3A_86 : vector<16xi32>
      %select_n3A_234 = arith.select %le3A_233, %min3A_228, %select_n3A_216 : vector<16xi1>, vector<16xi32>
      %add3A_235 = arith.constant 4 : i32
      %add3A_236 = vector.broadcast %add3A_235 : i32 to vector<16xi32>
      %add3A_237 = arith.addi %select_n3A_232, %add3A_236 : vector<16xi32>
      %min3A_238 = arith.constant 1279 : i32
      %min3A_239 = vector.broadcast %min3A_238 : i32 to vector<16xi32>
      %min3A_240 = arith.minsi %add3A_237, %min3A_239 : vector<16xi32>
      %add3A_241 = arith.constant 4 : i32
      %add3A_242 = vector.broadcast %add3A_241 : i32 to vector<16xi32>
      %add3A_243 = arith.addi %select_n3A_234, %add3A_242 : vector<16xi32>
      %min3A_244 = arith.constant 1279 : i32
      %min3A_245 = vector.broadcast %min3A_244 : i32 to vector<16xi32>
      %min3A_246 = arith.minsi %add3A_243, %min3A_245 : vector<16xi32>
      %gather3A_247 = tpu.vector_load_idx %arg5[%min3A_240] : memref<1280xi32, #tpu.memory_space<vmem>>[vector<16xi32>], vector<16xi32>,
      %gather3A_248 = tpu.vector_load_idx %arg5[%min3A_246] : memref<1280xi32, #tpu.memory_space<vmem>>[vector<16xi32>], vector<16xi32>,
      %le3A_249 = arith.cmpi sle, %gather3A_247, %broadcast_in_dim3A : vector<16xi32>
      %select_n3A_250 = arith.select %le3A_249, %min3A_240, %select_n3A_232 : vector<16xi1>, vector<16xi32>
      %le3A_251 = arith.cmpi sle, %gather3A_248, %add3A_86 : vector<16xi32>
      %select_n3A_252 = arith.select %le3A_251, %min3A_246, %select_n3A_234 : vector<16xi1>, vector<16xi32>
      %add3A_253 = arith.constant 2 : i32
      %add3A_254 = vector.broadcast %add3A_253 : i32 to vector<16xi32>
      %add3A_255 = arith.addi %select_n3A_250, %add3A_254 : vector<16xi32>
      %min3A_256 = arith.constant 1279 : i32
      %min3A_257 = vector.broadcast %min3A_256 : i32 to vector<16xi32>
      %min3A_258 = arith.minsi %add3A_255, %min3A_257 : vector<16xi32>
      %add3A_259 = arith.constant 2 : i32
      %add3A_260 = vector.broadcast %add3A_259 : i32 to vector<16xi32>
      %add3A_261 = arith.addi %select_n3A_252, %add3A_260 : vector<16xi32>
      %min3A_262 = arith.constant 1279 : i32
      %min3A_263 = vector.broadcast %min3A_262 : i32 to vector<16xi32>
      %min3A_264 = arith.minsi %add3A_261, %min3A_263 : vector<16xi32>
      %gather3A_265 = tpu.vector_load_idx %arg5[%min3A_258] : memref<1280xi32, #tpu.memory_space<vmem>>[vector<16xi32>], vector<16xi32>,
      %gather3A_266 = tpu.vector_load_idx %arg5[%min3A_264] : memref<1280xi32, #tpu.memory_space<vmem>>[vector<16xi32>], vector<16xi32>,
      %le3A_267 = arith.cmpi sle, %gather3A_265, %broadcast_in_dim3A : vector<16xi32>
      %select_n3A_268 = arith.select %le3A_267, %min3A_258, %select_n3A_250 : vector<16xi1>, vector<16xi32>
      %le3A_269 = arith.cmpi sle, %gather3A_266, %add3A_86 : vector<16xi32>
      %select_n3A_270 = arith.select %le3A_269, %min3A_264, %select_n3A_252 : vector<16xi1>, vector<16xi32>
      %add3A_271 = arith.constant 1 : i32
      %add3A_272 = vector.broadcast %add3A_271 : i32 to vector<16xi32>
      %add3A_273 = arith.addi %select_n3A_268, %add3A_272 : vector<16xi32>
      %min3A_274 = arith.constant 1279 : i32
      %min3A_275 = vector.broadcast %min3A_274 : i32 to vector<16xi32>
      %min3A_276 = arith.minsi %add3A_273, %min3A_275 : vector<16xi32>
      %add3A_277 = arith.constant 1 : i32
      %add3A_278 = vector.broadcast %add3A_277 : i32 to vector<16xi32>
      %add3A_279 = arith.addi %select_n3A_270, %add3A_278 : vector<16xi32>
      %min3A_280 = arith.constant 1279 : i32
      %min3A_281 = vector.broadcast %min3A_280 : i32 to vector<16xi32>
      %min3A_282 = arith.minsi %add3A_279, %min3A_281 : vector<16xi32>
      %gather3A_283 = tpu.vector_load_idx %arg5[%min3A_276] : memref<1280xi32, #tpu.memory_space<vmem>>[vector<16xi32>], vector<16xi32>,
      %gather3A_284 = tpu.vector_load_idx %arg5[%min3A_282] : memref<1280xi32, #tpu.memory_space<vmem>>[vector<16xi32>], vector<16xi32>,
      %le3A_285 = arith.cmpi sle, %gather3A_283, %broadcast_in_dim3A : vector<16xi32>
      %select_n3A_286 = arith.select %le3A_285, %min3A_276, %select_n3A_268 : vector<16xi1>, vector<16xi32>
      %le3A_287 = arith.cmpi sle, %gather3A_284, %add3A_86 : vector<16xi32>
      %select_n3A_288 = arith.select %le3A_287, %min3A_282, %select_n3A_270 : vector<16xi1>, vector<16xi32>
      %reduce_max3A_289 = arith.constant true
      %reduce_max3A_290 = vector.broadcast %reduce_max3A_289 : i1 to vector<16xi1>
      %reduce_max3A_291 = arith.constant -2147483648 : i32
      %reduce_max3A_292 = vector.broadcast %reduce_max3A_291 : i32 to vector<16xi32>
      %reduce_max3A_293 = arith.xori %select_n3A_286, %reduce_max3A_292 : vector<16xi32>
      %reduce_max3A_294 = tpu.scan <max>, %reduce_max3A_293 masked %reduce_max3A_290 : vector<16xi32>, vector<16xi1> -> vector<16xi32>
      %reduce_max3A_295 = arith.xori %reduce_max3A_294, %reduce_max3A_292 : vector<16xi32>
      %reduce_max3A_296 = vector.extract %reduce_max3A_295[15] : i32 from vector<16xi32>
      %reduce_max3A_297 = arith.constant true
      %reduce_max3A_298 = vector.broadcast %reduce_max3A_297 : i1 to vector<16xi1>
      %reduce_max3A_299 = arith.constant -2147483648 : i32
      %reduce_max3A_300 = vector.broadcast %reduce_max3A_299 : i32 to vector<16xi32>
      %reduce_max3A_301 = arith.xori %select_n3A_288, %reduce_max3A_300 : vector<16xi32>
      %reduce_max3A_302 = tpu.scan <max>, %reduce_max3A_301 masked %reduce_max3A_298 : vector<16xi32>, vector<16xi1> -> vector<16xi32>
      %reduce_max3A_303 = arith.xori %reduce_max3A_302, %reduce_max3A_300 : vector<16xi32>
      %reduce_max3A_304 = vector.extract %reduce_max3A_303[15] : i32 from vector<16xi32>
      %get3A = arith.constant 0 : index
      %get3A_305 = tpu.vector_load %arg7[%get3A] {strides = array<i32>} : memref<208xf32, #tpu.memory_space<vmem>>, vector<16xf32>,
      %get3A_306 = arith.constant 16 : index
      %get3A_307 = tpu.vector_load %arg7[%get3A_306] {strides = array<i32>} : memref<208xf32, #tpu.memory_space<vmem>>, vector<16xf32>,
      %get3A_308 = arith.constant 32 : index
      %get3A_309 = tpu.vector_load %arg7[%get3A_308] {strides = array<i32>} : memref<208xf32, #tpu.memory_space<vmem>>, vector<16xf32>,
      %get3A_310 = arith.constant 48 : index
      %get3A_311 = tpu.vector_load %arg7[%get3A_310] {strides = array<i32>} : memref<208xf32, #tpu.memory_space<vmem>>, vector<16xf32>,
      %get3A_312 = arith.constant 64 : index
      %get3A_313 = tpu.vector_load %arg7[%get3A_312] {strides = array<i32>} : memref<208xf32, #tpu.memory_space<vmem>>, vector<16xf32>,
      %get3A_314 = arith.constant 80 : index
      %get3A_315 = tpu.vector_load %arg7[%get3A_314] {strides = array<i32>} : memref<208xf32, #tpu.memory_space<vmem>>, vector<16xf32>,
      %get3A_316 = arith.constant 96 : index
      %get3A_317 = tpu.vector_load %arg7[%get3A_316] {strides = array<i32>} : memref<208xf32, #tpu.memory_space<vmem>>, vector<16xf32>,
      %get3A_318 = arith.constant 112 : index
      %get3A_319 = tpu.vector_load %arg7[%get3A_318] {strides = array<i32>} : memref<208xf32, #tpu.memory_space<vmem>>, vector<16xf32>,
      %get3A_320 = arith.constant 128 : index
      %get3A_321 = tpu.vector_load %arg7[%get3A_320] {strides = array<i32>} : memref<208xf32, #tpu.memory_space<vmem>>, vector<16xf32>,
      %get3A_322 = arith.constant 144 : index
      %get3A_323 = tpu.vector_load %arg7[%get3A_322] {strides = array<i32>} : memref<208xf32, #tpu.memory_space<vmem>>, vector<16xf32>,
      %get3A_324 = arith.constant 160 : index
      %get3A_325 = tpu.vector_load %arg7[%get3A_324] {strides = array<i32>} : memref<208xf32, #tpu.memory_space<vmem>>, vector<16xf32>,
      %get3A_326 = arith.constant 176 : index
      %get3A_327 = tpu.vector_load %arg7[%get3A_326] {strides = array<i32>} : memref<208xf32, #tpu.memory_space<vmem>>, vector<16xf32>,
      %get3A_328 = arith.constant 192 : index
      %get3A_329 = tpu.vector_load %arg7[%get3A_328] {strides = array<i32>} : memref<208xf32, #tpu.memory_space<vmem>>, vector<16xf32>,
      %add3A_330 = arith.constant 0 : i32
      %add3A_331 = vector.broadcast %add3A_330 : i32 to vector<16xi32>
      %add3A_332 = arith.addi %iota3A, %add3A_331 : vector<16xi32>
      %add3A_333 = arith.constant 16 : i32
      %add3A_334 = vector.broadcast %add3A_333 : i32 to vector<16xi32>
      %add3A_335 = arith.addi %iota3A, %add3A_334 : vector<16xi32>
      %add3A_336 = arith.constant 32 : i32
      %add3A_337 = vector.broadcast %add3A_336 : i32 to vector<16xi32>
      %add3A_338 = arith.addi %iota3A, %add3A_337 : vector<16xi32>
      %add3A_339 = arith.constant 48 : i32
      %add3A_340 = vector.broadcast %add3A_339 : i32 to vector<16xi32>
      %add3A_341 = arith.addi %iota3A, %add3A_340 : vector<16xi32>
      %add3A_342 = arith.constant 64 : i32
      %add3A_343 = vector.broadcast %add3A_342 : i32 to vector<16xi32>
      %add3A_344 = arith.addi %iota3A, %add3A_343 : vector<16xi32>
      %add3A_345 = arith.constant 80 : i32
      %add3A_346 = vector.broadcast %add3A_345 : i32 to vector<16xi32>
      %add3A_347 = arith.addi %iota3A, %add3A_346 : vector<16xi32>
      %add3A_348 = arith.constant 96 : i32
      %add3A_349 = vector.broadcast %add3A_348 : i32 to vector<16xi32>
      %add3A_350 = arith.addi %iota3A, %add3A_349 : vector<16xi32>
      %add3A_351 = arith.constant 112 : i32
      %add3A_352 = vector.broadcast %add3A_351 : i32 to vector<16xi32>
      %add3A_353 = arith.addi %iota3A, %add3A_352 : vector<16xi32>
      %add3A_354 = arith.constant 128 : i32
      %add3A_355 = vector.broadcast %add3A_354 : i32 to vector<16xi32>
      %add3A_356 = arith.addi %iota3A, %add3A_355 : vector<16xi32>
      %add3A_357 = arith.constant 144 : i32
      %add3A_358 = vector.broadcast %add3A_357 : i32 to vector<16xi32>
      %add3A_359 = arith.addi %iota3A, %add3A_358 : vector<16xi32>
      %add3A_360 = arith.constant 160 : i32
      %add3A_361 = vector.broadcast %add3A_360 : i32 to vector<16xi32>
      %add3A_362 = arith.addi %iota3A, %add3A_361 : vector<16xi32>
      %add3A_363 = arith.constant 176 : i32
      %add3A_364 = vector.broadcast %add3A_363 : i32 to vector<16xi32>
      %add3A_365 = arith.addi %iota3A, %add3A_364 : vector<16xi32>
      %add3A_366 = arith.constant 192 : i32
      %add3A_367 = vector.broadcast %add3A_366 : i32 to vector<16xi32>
      %add3A_368 = arith.addi %iota3A, %add3A_367 : vector<16xi32>
      %broadcast_in_dim3A_369 = arith.constant 51104 : i32
      %broadcast_in_dim3A_370 = vector.broadcast %broadcast_in_dim3A_369 : i32 to vector<16xi32>
      %add3A_371 = arith.constant 1 : i32
      %add3A_372 = arith.addi %reduce_max3A_304, %add3A_371 : i32
      %sub3A_373 = arith.subi %add3A_372, %reduce_max3A_296 : i32
      %add3A_374 = arith.constant 8 : i32
      %add3A_375 = arith.addi %sub3A_373, %add3A_374 : i32
      %sub3A_376 = arith.constant 1 : i32
      %sub3A_377 = arith.subi %add3A_375, %sub3A_376 : i32
      %jit3A_378 = arith.constant 8 : i32
      %div3A_379 = arith.divsi %sub3A_377, %jit3A_378 : i32
      %sign3A_380 = arith.constant 0 : i32
      %sign3A_381 = arith.cmpi sgt, %sub3A_377, %sign3A_380 : i32
      %sign3A_382 = arith.extui %sign3A_381 : i1 to i32
      %sign3A_383 = arith.constant 0 : i32
      %sign3A_384 = arith.cmpi slt, %sub3A_377, %sign3A_383 : i32
      %sign3A_385 = arith.extui %sign3A_384 : i1 to i32
      %sign3A_386 = arith.subi %sign3A_382, %sign3A_385 : i32
      %sign3A_387 = arith.constant 0 : i32
      %sign3A_388 = arith.cmpi sgt, %jit3A_378, %sign3A_387 : i32
      %sign3A_389 = arith.extui %sign3A_388 : i1 to i32
      %sign3A_390 = arith.constant 0 : i32
      %sign3A_391 = arith.cmpi slt, %jit3A_378, %sign3A_390 : i32
      %sign3A_392 = arith.extui %sign3A_391 : i1 to i32
      %sign3A_393 = arith.subi %sign3A_389, %sign3A_392 : i32
      %ne3A_394 = arith.cmpi ne, %sign3A_386, %sign3A_393 : i32
      %rem3A_395 = arith.remsi %sub3A_377, %jit3A_378 : i32
      %ne3A_396 = arith.constant 0 : i32
      %ne3A_397 = arith.cmpi ne, %rem3A_395, %ne3A_396 : i32
      %and3A_398 = arith.andi %ne3A_394, %ne3A_397 : i1
      %sub3A_399 = arith.constant 1 : i32
      %sub3A_400 = arith.subi %div3A_379, %sub3A_399 : i32
      %select_n3A_401 = arith.select %and3A_398, %sub3A_400, %div3A_379 : i32
      %while3A = arith.constant 0 : i32
      %while3A_402 = arith.constant 0 : i32
      %while3A_403 = arith.subi %select_n3A_401, %while3A_402 : i32
      %while3A_404 = arith.addi %while3A_402, %while3A_403 : i32
      %while3A_405 = arith.constant 1 : i32
      %while3A_406 = arith.divsi %while3A_403, %while3A_405 : i32
      %while3A_407 = arith.muli %while3A_406, %while3A_405 : i32
      %while3A_408 = arith.addi %while3A_402, %while3A_407 : i32
      %while3A_409 = arith.constant 1 : i32
      scf.for %while3A_425 = %while3A_402 to %while3A_408 step %while3A_409  : i32 {
        %mul3A_426 = arith.constant 8 : i32
        %mul3A_427 = arith.muli %while3A_425, %mul3A_426 : i32
        %add3A_428 = arith.addi %reduce_max3A_296, %mul3A_427 : i32
        %add3A_429 = arith.constant 0 : i32
        %add3A_430 = arith.addi %add3A_428, %add3A_429 : i32
        %min3A_431 = arith.constant 1279 : i32
        %min3A_432 = arith.minsi %add3A_430, %min3A_431 : i32
        %broadcast_in_dim3A_433 = vector.broadcast %min3A_432 : i32 to vector<16xi32>
        %gather3A_434 = tpu.vector_load_idx %arg5[%broadcast_in_dim3A_433] : memref<1280xi32, #tpu.memory_space<vmem>>[vector<16xi32>], vector<16xi32>,
        %sub3A_435 = arith.subi %gather3A_434, %broadcast_in_dim3A : vector<16xi32>
        %add3A_436 = arith.addi %sub3A_435, %add3A_332 : vector<16xi32>
        %bitcast3A = vector.bitcast %add3A_436 : vector<16xi32> to vector<16xi32>
        %lt3A_437 = arith.cmpi ult, %bitcast3A, %broadcast_in_dim3A_370 : vector<16xi32>
        tpu.vector_store_idx %arg8[%add3A_436], %get3A_305 masked %lt3A_437 : memref<51104xf32, #tpu.memory_space<vmem>>[vector<16xi32>], vector<16xf32>, vector<16xi1>
        %add3A_438 = arith.addi %sub3A_435, %add3A_335 : vector<16xi32>
        %bitcast3A_439 = vector.bitcast %add3A_438 : vector<16xi32> to vector<16xi32>
        %lt3A_440 = arith.cmpi ult, %bitcast3A_439, %broadcast_in_dim3A_370 : vector<16xi32>
        tpu.vector_store_idx %arg8[%add3A_438], %get3A_307 masked %lt3A_440 : memref<51104xf32, #tpu.memory_space<vmem>>[vector<16xi32>], vector<16xf32>, vector<16xi1>
        %add3A_441 = arith.addi %sub3A_435, %add3A_338 : vector<16xi32>
        %bitcast3A_442 = vector.bitcast %add3A_441 : vector<16xi32> to vector<16xi32>
        %lt3A_443 = arith.cmpi ult, %bitcast3A_442, %broadcast_in_dim3A_370 : vector<16xi32>
        tpu.vector_store_idx %arg8[%add3A_441], %get3A_309 masked %lt3A_443 : memref<51104xf32, #tpu.memory_space<vmem>>[vector<16xi32>], vector<16xf32>, vector<16xi1>
        %add3A_444 = arith.addi %sub3A_435, %add3A_341 : vector<16xi32>
        %bitcast3A_445 = vector.bitcast %add3A_444 : vector<16xi32> to vector<16xi32>
        %lt3A_446 = arith.cmpi ult, %bitcast3A_445, %broadcast_in_dim3A_370 : vector<16xi32>
        tpu.vector_store_idx %arg8[%add3A_444], %get3A_311 masked %lt3A_446 : memref<51104xf32, #tpu.memory_space<vmem>>[vector<16xi32>], vector<16xf32>, vector<16xi1>
        %add3A_447 = arith.addi %sub3A_435, %add3A_344 : vector<16xi32>
        %bitcast3A_448 = vector.bitcast %add3A_447 : vector<16xi32> to vector<16xi32>
        %lt3A_449 = arith.cmpi ult, %bitcast3A_448, %broadcast_in_dim3A_370 : vector<16xi32>
        tpu.vector_store_idx %arg8[%add3A_447], %get3A_313 masked %lt3A_449 : memref<51104xf32, #tpu.memory_space<vmem>>[vector<16xi32>], vector<16xf32>, vector<16xi1>
        %add3A_450 = arith.addi %sub3A_435, %add3A_347 : vector<16xi32>
        %bitcast3A_451 = vector.bitcast %add3A_450 : vector<16xi32> to vector<16xi32>
        %lt3A_452 = arith.cmpi ult, %bitcast3A_451, %broadcast_in_dim3A_370 : vector<16xi32>
        tpu.vector_store_idx %arg8[%add3A_450], %get3A_315 masked %lt3A_452 : memref<51104xf32, #tpu.memory_space<vmem>>[vector<16xi32>], vector<16xf32>, vector<16xi1>
        %add3A_453 = arith.addi %sub3A_435, %add3A_350 : vector<16xi32>
        %bitcast3A_454 = vector.bitcast %add3A_453 : vector<16xi32> to vector<16xi32>
        %lt3A_455 = arith.cmpi ult, %bitcast3A_454, %broadcast_in_dim3A_370 : vector<16xi32>
        tpu.vector_store_idx %arg8[%add3A_453], %get3A_317 masked %lt3A_455 : memref<51104xf32, #tpu.memory_space<vmem>>[vector<16xi32>], vector<16xf32>, vector<16xi1>
        %add3A_456 = arith.addi %sub3A_435, %add3A_353 : vector<16xi32>
        %bitcast3A_457 = vector.bitcast %add3A_456 : vector<16xi32> to vector<16xi32>
        %lt3A_458 = arith.cmpi ult, %bitcast3A_457, %broadcast_in_dim3A_370 : vector<16xi32>
        tpu.vector_store_idx %arg8[%add3A_456], %get3A_319 masked %lt3A_458 : memref<51104xf32, #tpu.memory_space<vmem>>[vector<16xi32>], vector<16xf32>, vector<16xi1>
        %add3A_459 = arith.addi %sub3A_435, %add3A_356 : vector<16xi32>
        %bitcast3A_460 = vector.bitcast %add3A_459 : vector<16xi32> to vector<16xi32>
        %lt3A_461 = arith.cmpi ult, %bitcast3A_460, %broadcast_in_dim3A_370 : vector<16xi32>
        tpu.vector_store_idx %arg8[%add3A_459], %get3A_321 masked %lt3A_461 : memref<51104xf32, #tpu.memory_space<vmem>>[vector<16xi32>], vector<16xf32>, vector<16xi1>
        %add3A_462 = arith.addi %sub3A_435, %add3A_359 : vector<16xi32>
        %bitcast3A_463 = vector.bitcast %add3A_462 : vector<16xi32> to vector<16xi32>
        %lt3A_464 = arith.cmpi ult, %bitcast3A_463, %broadcast_in_dim3A_370 : vector<16xi32>
        tpu.vector_store_idx %arg8[%add3A_462], %get3A_323 masked %lt3A_464 : memref<51104xf32, #tpu.memory_space<vmem>>[vector<16xi32>], vector<16xf32>, vector<16xi1>
        %add3A_465 = arith.addi %sub3A_435, %add3A_362 : vector<16xi32>
        %bitcast3A_466 = vector.bitcast %add3A_465 : vector<16xi32> to vector<16xi32>
        %lt3A_467 = arith.cmpi ult, %bitcast3A_466, %broadcast_in_dim3A_370 : vector<16xi32>
        tpu.vector_store_idx %arg8[%add3A_465], %get3A_325 masked %lt3A_467 : memref<51104xf32, #tpu.memory_space<vmem>>[vector<16xi32>], vector<16xf32>, vector<16xi1>
        %add3A_468 = arith.addi %sub3A_435, %add3A_365 : vector<16xi32>
        %bitcast3A_469 = vector.bitcast %add3A_468 : vector<16xi32> to vector<16xi32>
        %lt3A_470 = arith.cmpi ult, %bitcast3A_469, %broadcast_in_dim3A_370 : vector<16xi32>
        tpu.vector_store_idx %arg8[%add3A_468], %get3A_327 masked %lt3A_470 : memref<51104xf32, #tpu.memory_space<vmem>>[vector<16xi32>], vector<16xf32>, vector<16xi1>
        %add3A_471 = arith.addi %sub3A_435, %add3A_368 : vector<16xi32>
        %bitcast3A_472 = vector.bitcast %add3A_471 : vector<16xi32> to vector<16xi32>
        %lt3A_473 = arith.cmpi ult, %bitcast3A_472, %broadcast_in_dim3A_370 : vector<16xi32>
        tpu.vector_store_idx %arg8[%add3A_471], %get3A_329 masked %lt3A_473 : memref<51104xf32, #tpu.memory_space<vmem>>[vector<16xi32>], vector<16xf32>, vector<16xi1>
        %add3A_474 = arith.constant 1 : i32
        %add3A_475 = arith.addi %add3A_428, %add3A_474 : i32
        %min3A_476 = arith.constant 1279 : i32
        %min3A_477 = arith.minsi %add3A_475, %min3A_476 : i32
        %broadcast_in_dim3A_478 = vector.broadcast %min3A_477 : i32 to vector<16xi32>
        %gather3A_479 = tpu.vector_load_idx %arg5[%broadcast_in_dim3A_478] : memref<1280xi32, #tpu.memory_space<vmem>>[vector<16xi32>], vector<16xi32>,
        %sub3A_480 = arith.subi %gather3A_479, %broadcast_in_dim3A : vector<16xi32>
        %add3A_481 = arith.addi %sub3A_480, %add3A_332 : vector<16xi32>
        %bitcast3A_482 = vector.bitcast %add3A_481 : vector<16xi32> to vector<16xi32>
        %lt3A_483 = arith.cmpi ult, %bitcast3A_482, %broadcast_in_dim3A_370 : vector<16xi32>
        tpu.vector_store_idx %arg8[%add3A_481], %get3A_305 masked %lt3A_483 : memref<51104xf32, #tpu.memory_space<vmem>>[vector<16xi32>], vector<16xf32>, vector<16xi1>
        %add3A_484 = arith.addi %sub3A_480, %add3A_335 : vector<16xi32>
        %bitcast3A_485 = vector.bitcast %add3A_484 : vector<16xi32> to vector<16xi32>
        %lt3A_486 = arith.cmpi ult, %bitcast3A_485, %broadcast_in_dim3A_370 : vector<16xi32>
        tpu.vector_store_idx %arg8[%add3A_484], %get3A_307 masked %lt3A_486 : memref<51104xf32, #tpu.memory_space<vmem>>[vector<16xi32>], vector<16xf32>, vector<16xi1>
        %add3A_487 = arith.addi %sub3A_480, %add3A_338 : vector<16xi32>
        %bitcast3A_488 = vector.bitcast %add3A_487 : vector<16xi32> to vector<16xi32>
        %lt3A_489 = arith.cmpi ult, %bitcast3A_488, %broadcast_in_dim3A_370 : vector<16xi32>
        tpu.vector_store_idx %arg8[%add3A_487], %get3A_309 masked %lt3A_489 : memref<51104xf32, #tpu.memory_space<vmem>>[vector<16xi32>], vector<16xf32>, vector<16xi1>
        %add3A_490 = arith.addi %sub3A_480, %add3A_341 : vector<16xi32>
        %bitcast3A_491 = vector.bitcast %add3A_490 : vector<16xi32> to vector<16xi32>
        %lt3A_492 = arith.cmpi ult, %bitcast3A_491, %broadcast_in_dim3A_370 : vector<16xi32>
        tpu.vector_store_idx %arg8[%add3A_490], %get3A_311 masked %lt3A_492 : memref<51104xf32, #tpu.memory_space<vmem>>[vector<16xi32>], vector<16xf32>, vector<16xi1>
        %add3A_493 = arith.addi %sub3A_480, %add3A_344 : vector<16xi32>
        %bitcast3A_494 = vector.bitcast %add3A_493 : vector<16xi32> to vector<16xi32>
        %lt3A_495 = arith.cmpi ult, %bitcast3A_494, %broadcast_in_dim3A_370 : vector<16xi32>
        tpu.vector_store_idx %arg8[%add3A_493], %get3A_313 masked %lt3A_495 : memref<51104xf32, #tpu.memory_space<vmem>>[vector<16xi32>], vector<16xf32>, vector<16xi1>
        %add3A_496 = arith.addi %sub3A_480, %add3A_347 : vector<16xi32>
        %bitcast3A_497 = vector.bitcast %add3A_496 : vector<16xi32> to vector<16xi32>
        %lt3A_498 = arith.cmpi ult, %bitcast3A_497, %broadcast_in_dim3A_370 : vector<16xi32>
        tpu.vector_store_idx %arg8[%add3A_496], %get3A_315 masked %lt3A_498 : memref<51104xf32, #tpu.memory_space<vmem>>[vector<16xi32>], vector<16xf32>, vector<16xi1>
        %add3A_499 = arith.addi %sub3A_480, %add3A_350 : vector<16xi32>
        %bitcast3A_500 = vector.bitcast %add3A_499 : vector<16xi32> to vector<16xi32>
        %lt3A_501 = arith.cmpi ult, %bitcast3A_500, %broadcast_in_dim3A_370 : vector<16xi32>
        tpu.vector_store_idx %arg8[%add3A_499], %get3A_317 masked %lt3A_501 : memref<51104xf32, #tpu.memory_space<vmem>>[vector<16xi32>], vector<16xf32>, vector<16xi1>
        %add3A_502 = arith.addi %sub3A_480, %add3A_353 : vector<16xi32>
        %bitcast3A_503 = vector.bitcast %add3A_502 : vector<16xi32> to vector<16xi32>
        %lt3A_504 = arith.cmpi ult, %bitcast3A_503, %broadcast_in_dim3A_370 : vector<16xi32>
        tpu.vector_store_idx %arg8[%add3A_502], %get3A_319 masked %lt3A_504 : memref<51104xf32, #tpu.memory_space<vmem>>[vector<16xi32>], vector<16xf32>, vector<16xi1>
        %add3A_505 = arith.addi %sub3A_480, %add3A_356 : vector<16xi32>
        %bitcast3A_506 = vector.bitcast %add3A_505 : vector<16xi32> to vector<16xi32>
        %lt3A_507 = arith.cmpi ult, %bitcast3A_506, %broadcast_in_dim3A_370 : vector<16xi32>
        tpu.vector_store_idx %arg8[%add3A_505], %get3A_321 masked %lt3A_507 : memref<51104xf32, #tpu.memory_space<vmem>>[vector<16xi32>], vector<16xf32>, vector<16xi1>
        %add3A_508 = arith.addi %sub3A_480, %add3A_359 : vector<16xi32>
        %bitcast3A_509 = vector.bitcast %add3A_508 : vector<16xi32> to vector<16xi32>
        %lt3A_510 = arith.cmpi ult, %bitcast3A_509, %broadcast_in_dim3A_370 : vector<16xi32>
        tpu.vector_store_idx %arg8[%add3A_508], %get3A_323 masked %lt3A_510 : memref<51104xf32, #tpu.memory_space<vmem>>[vector<16xi32>], vector<16xf32>, vector<16xi1>
        %add3A_511 = arith.addi %sub3A_480, %add3A_362 : vector<16xi32>
        %bitcast3A_512 = vector.bitcast %add3A_511 : vector<16xi32> to vector<16xi32>
        %lt3A_513 = arith.cmpi ult, %bitcast3A_512, %broadcast_in_dim3A_370 : vector<16xi32>
        tpu.vector_store_idx %arg8[%add3A_511], %get3A_325 masked %lt3A_513 : memref<51104xf32, #tpu.memory_space<vmem>>[vector<16xi32>], vector<16xf32>, vector<16xi1>
        %add3A_514 = arith.addi %sub3A_480, %add3A_365 : vector<16xi32>
        %bitcast3A_515 = vector.bitcast %add3A_514 : vector<16xi32> to vector<16xi32>
        %lt3A_516 = arith.cmpi ult, %bitcast3A_515, %broadcast_in_dim3A_370 : vector<16xi32>
        tpu.vector_store_idx %arg8[%add3A_514], %get3A_327 masked %lt3A_516 : memref<51104xf32, #tpu.memory_space<vmem>>[vector<16xi32>], vector<16xf32>, vector<16xi1>
        %add3A_517 = arith.addi %sub3A_480, %add3A_368 : vector<16xi32>
        %bitcast3A_518 = vector.bitcast %add3A_517 : vector<16xi32> to vector<16xi32>
        %lt3A_519 = arith.cmpi ult, %bitcast3A_518, %broadcast_in_dim3A_370 : vector<16xi32>
        tpu.vector_store_idx %arg8[%add3A_517], %get3A_329 masked %lt3A_519 : memref<51104xf32, #tpu.memory_space<vmem>>[vector<16xi32>], vector<16xf32>, vector<16xi1>
        %add3A_520 = arith.constant 2 : i32
        %add3A_521 = arith.addi %add3A_428, %add3A_520 : i32
        %min3A_522 = arith.constant 1279 : i32
        %min3A_523 = arith.minsi %add3A_521, %min3A_522 : i32
        %broadcast_in_dim3A_524 = vector.broadcast %min3A_523 : i32 to vector<16xi32>
        %gather3A_525 = tpu.vector_load_idx %arg5[%broadcast_in_dim3A_524] : memref<1280xi32, #tpu.memory_space<vmem>>[vector<16xi32>], vector<16xi32>,
        %sub3A_526 = arith.subi %gather3A_525, %broadcast_in_dim3A : vector<16xi32>
        %add3A_527 = arith.addi %sub3A_526, %add3A_332 : vector<16xi32>
        %bitcast3A_528 = vector.bitcast %add3A_527 : vector<16xi32> to vector<16xi32>
        %lt3A_529 = arith.cmpi ult, %bitcast3A_528, %broadcast_in_dim3A_370 : vector<16xi32>
        tpu.vector_store_idx %arg8[%add3A_527], %get3A_305 masked %lt3A_529 : memref<51104xf32, #tpu.memory_space<vmem>>[vector<16xi32>], vector<16xf32>, vector<16xi1>
        %add3A_530 = arith.addi %sub3A_526, %add3A_335 : vector<16xi32>
        %bitcast3A_531 = vector.bitcast %add3A_530 : vector<16xi32> to vector<16xi32>
        %lt3A_532 = arith.cmpi ult, %bitcast3A_531, %broadcast_in_dim3A_370 : vector<16xi32>
        tpu.vector_store_idx %arg8[%add3A_530], %get3A_307 masked %lt3A_532 : memref<51104xf32, #tpu.memory_space<vmem>>[vector<16xi32>], vector<16xf32>, vector<16xi1>
        %add3A_533 = arith.addi %sub3A_526, %add3A_338 : vector<16xi32>
        %bitcast3A_534 = vector.bitcast %add3A_533 : vector<16xi32> to vector<16xi32>
        %lt3A_535 = arith.cmpi ult, %bitcast3A_534, %broadcast_in_dim3A_370 : vector<16xi32>
        tpu.vector_store_idx %arg8[%add3A_533], %get3A_309 masked %lt3A_535 : memref<51104xf32, #tpu.memory_space<vmem>>[vector<16xi32>], vector<16xf32>, vector<16xi1>
        %add3A_536 = arith.addi %sub3A_526, %add3A_341 : vector<16xi32>
        %bitcast3A_537 = vector.bitcast %add3A_536 : vector<16xi32> to vector<16xi32>
        %lt3A_538 = arith.cmpi ult, %bitcast3A_537, %broadcast_in_dim3A_370 : vector<16xi32>
        tpu.vector_store_idx %arg8[%add3A_536], %get3A_311 masked %lt3A_538 : memref<51104xf32, #tpu.memory_space<vmem>>[vector<16xi32>], vector<16xf32>, vector<16xi1>
        %add3A_539 = arith.addi %sub3A_526, %add3A_344 : vector<16xi32>
        %bitcast3A_540 = vector.bitcast %add3A_539 : vector<16xi32> to vector<16xi32>
        %lt3A_541 = arith.cmpi ult, %bitcast3A_540, %broadcast_in_dim3A_370 : vector<16xi32>
        tpu.vector_store_idx %arg8[%add3A_539], %get3A_313 masked %lt3A_541 : memref<51104xf32, #tpu.memory_space<vmem>>[vector<16xi32>], vector<16xf32>, vector<16xi1>
        %add3A_542 = arith.addi %sub3A_526, %add3A_347 : vector<16xi32>
        %bitcast3A_543 = vector.bitcast %add3A_542 : vector<16xi32> to vector<16xi32>
        %lt3A_544 = arith.cmpi ult, %bitcast3A_543, %broadcast_in_dim3A_370 : vector<16xi32>
        tpu.vector_store_idx %arg8[%add3A_542], %get3A_315 masked %lt3A_544 : memref<51104xf32, #tpu.memory_space<vmem>>[vector<16xi32>], vector<16xf32>, vector<16xi1>
        %add3A_545 = arith.addi %sub3A_526, %add3A_350 : vector<16xi32>
        %bitcast3A_546 = vector.bitcast %add3A_545 : vector<16xi32> to vector<16xi32>
        %lt3A_547 = arith.cmpi ult, %bitcast3A_546, %broadcast_in_dim3A_370 : vector<16xi32>
        tpu.vector_store_idx %arg8[%add3A_545], %get3A_317 masked %lt3A_547 : memref<51104xf32, #tpu.memory_space<vmem>>[vector<16xi32>], vector<16xf32>, vector<16xi1>
        %add3A_548 = arith.addi %sub3A_526, %add3A_353 : vector<16xi32>
        %bitcast3A_549 = vector.bitcast %add3A_548 : vector<16xi32> to vector<16xi32>
        %lt3A_550 = arith.cmpi ult, %bitcast3A_549, %broadcast_in_dim3A_370 : vector<16xi32>
        tpu.vector_store_idx %arg8[%add3A_548], %get3A_319 masked %lt3A_550 : memref<51104xf32, #tpu.memory_space<vmem>>[vector<16xi32>], vector<16xf32>, vector<16xi1>
        %add3A_551 = arith.addi %sub3A_526, %add3A_356 : vector<16xi32>
        %bitcast3A_552 = vector.bitcast %add3A_551 : vector<16xi32> to vector<16xi32>
        %lt3A_553 = arith.cmpi ult, %bitcast3A_552, %broadcast_in_dim3A_370 : vector<16xi32>
        tpu.vector_store_idx %arg8[%add3A_551], %get3A_321 masked %lt3A_553 : memref<51104xf32, #tpu.memory_space<vmem>>[vector<16xi32>], vector<16xf32>, vector<16xi1>
        %add3A_554 = arith.addi %sub3A_526, %add3A_359 : vector<16xi32>
        %bitcast3A_555 = vector.bitcast %add3A_554 : vector<16xi32> to vector<16xi32>
        %lt3A_556 = arith.cmpi ult, %bitcast3A_555, %broadcast_in_dim3A_370 : vector<16xi32>
        tpu.vector_store_idx %arg8[%add3A_554], %get3A_323 masked %lt3A_556 : memref<51104xf32, #tpu.memory_space<vmem>>[vector<16xi32>], vector<16xf32>, vector<16xi1>
        %add3A_557 = arith.addi %sub3A_526, %add3A_362 : vector<16xi32>
        %bitcast3A_558 = vector.bitcast %add3A_557 : vector<16xi32> to vector<16xi32>
        %lt3A_559 = arith.cmpi ult, %bitcast3A_558, %broadcast_in_dim3A_370 : vector<16xi32>
        tpu.vector_store_idx %arg8[%add3A_557], %get3A_325 masked %lt3A_559 : memref<51104xf32, #tpu.memory_space<vmem>>[vector<16xi32>], vector<16xf32>, vector<16xi1>
        %add3A_560 = arith.addi %sub3A_526, %add3A_365 : vector<16xi32>
        %bitcast3A_561 = vector.bitcast %add3A_560 : vector<16xi32> to vector<16xi32>
        %lt3A_562 = arith.cmpi ult, %bitcast3A_561, %broadcast_in_dim3A_370 : vector<16xi32>
        tpu.vector_store_idx %arg8[%add3A_560], %get3A_327 masked %lt3A_562 : memref<51104xf32, #tpu.memory_space<vmem>>[vector<16xi32>], vector<16xf32>, vector<16xi1>
        %add3A_563 = arith.addi %sub3A_526, %add3A_368 : vector<16xi32>
        %bitcast3A_564 = vector.bitcast %add3A_563 : vector<16xi32> to vector<16xi32>
        %lt3A_565 = arith.cmpi ult, %bitcast3A_564, %broadcast_in_dim3A_370 : vector<16xi32>
        tpu.vector_store_idx %arg8[%add3A_563], %get3A_329 masked %lt3A_565 : memref<51104xf32, #tpu.memory_space<vmem>>[vector<16xi32>], vector<16xf32>, vector<16xi1>
        %add3A_566 = arith.constant 3 : i32
        %add3A_567 = arith.addi %add3A_428, %add3A_566 : i32
        %min3A_568 = arith.constant 1279 : i32
        %min3A_569 = arith.minsi %add3A_567, %min3A_568 : i32
        %broadcast_in_dim3A_570 = vector.broadcast %min3A_569 : i32 to vector<16xi32>
        %gather3A_571 = tpu.vector_load_idx %arg5[%broadcast_in_dim3A_570] : memref<1280xi32, #tpu.memory_space<vmem>>[vector<16xi32>], vector<16xi32>,
        %sub3A_572 = arith.subi %gather3A_571, %broadcast_in_dim3A : vector<16xi32>
        %add3A_573 = arith.addi %sub3A_572, %add3A_332 : vector<16xi32>
        %bitcast3A_574 = vector.bitcast %add3A_573 : vector<16xi32> to vector<16xi32>
        %lt3A_575 = arith.cmpi ult, %bitcast3A_574, %broadcast_in_dim3A_370 : vector<16xi32>
        tpu.vector_store_idx %arg8[%add3A_573], %get3A_305 masked %lt3A_575 : memref<51104xf32, #tpu.memory_space<vmem>>[vector<16xi32>], vector<16xf32>, vector<16xi1>
        %add3A_576 = arith.addi %sub3A_572, %add3A_335 : vector<16xi32>
        %bitcast3A_577 = vector.bitcast %add3A_576 : vector<16xi32> to vector<16xi32>
        %lt3A_578 = arith.cmpi ult, %bitcast3A_577, %broadcast_in_dim3A_370 : vector<16xi32>
        tpu.vector_store_idx %arg8[%add3A_576], %get3A_307 masked %lt3A_578 : memref<51104xf32, #tpu.memory_space<vmem>>[vector<16xi32>], vector<16xf32>, vector<16xi1>
        %add3A_579 = arith.addi %sub3A_572, %add3A_338 : vector<16xi32>
        %bitcast3A_580 = vector.bitcast %add3A_579 : vector<16xi32> to vector<16xi32>
        %lt3A_581 = arith.cmpi ult, %bitcast3A_580, %broadcast_in_dim3A_370 : vector<16xi32>
        tpu.vector_store_idx %arg8[%add3A_579], %get3A_309 masked %lt3A_581 : memref<51104xf32, #tpu.memory_space<vmem>>[vector<16xi32>], vector<16xf32>, vector<16xi1>
        %add3A_582 = arith.addi %sub3A_572, %add3A_341 : vector<16xi32>
        %bitcast3A_583 = vector.bitcast %add3A_582 : vector<16xi32> to vector<16xi32>
        %lt3A_584 = arith.cmpi ult, %bitcast3A_583, %broadcast_in_dim3A_370 : vector<16xi32>
        tpu.vector_store_idx %arg8[%add3A_582], %get3A_311 masked %lt3A_584 : memref<51104xf32, #tpu.memory_space<vmem>>[vector<16xi32>], vector<16xf32>, vector<16xi1>
        %add3A_585 = arith.addi %sub3A_572, %add3A_344 : vector<16xi32>
        %bitcast3A_586 = vector.bitcast %add3A_585 : vector<16xi32> to vector<16xi32>
        %lt3A_587 = arith.cmpi ult, %bitcast3A_586, %broadcast_in_dim3A_370 : vector<16xi32>
        tpu.vector_store_idx %arg8[%add3A_585], %get3A_313 masked %lt3A_587 : memref<51104xf32, #tpu.memory_space<vmem>>[vector<16xi32>], vector<16xf32>, vector<16xi1>
        %add3A_588 = arith.addi %sub3A_572, %add3A_347 : vector<16xi32>
        %bitcast3A_589 = vector.bitcast %add3A_588 : vector<16xi32> to vector<16xi32>
        %lt3A_590 = arith.cmpi ult, %bitcast3A_589, %broadcast_in_dim3A_370 : vector<16xi32>
        tpu.vector_store_idx %arg8[%add3A_588], %get3A_315 masked %lt3A_590 : memref<51104xf32, #tpu.memory_space<vmem>>[vector<16xi32>], vector<16xf32>, vector<16xi1>
        %add3A_591 = arith.addi %sub3A_572, %add3A_350 : vector<16xi32>
        %bitcast3A_592 = vector.bitcast %add3A_591 : vector<16xi32> to vector<16xi32>
        %lt3A_593 = arith.cmpi ult, %bitcast3A_592, %broadcast_in_dim3A_370 : vector<16xi32>
        tpu.vector_store_idx %arg8[%add3A_591], %get3A_317 masked %lt3A_593 : memref<51104xf32, #tpu.memory_space<vmem>>[vector<16xi32>], vector<16xf32>, vector<16xi1>
        %add3A_594 = arith.addi %sub3A_572, %add3A_353 : vector<16xi32>
        %bitcast3A_595 = vector.bitcast %add3A_594 : vector<16xi32> to vector<16xi32>
        %lt3A_596 = arith.cmpi ult, %bitcast3A_595, %broadcast_in_dim3A_370 : vector<16xi32>
        tpu.vector_store_idx %arg8[%add3A_594], %get3A_319 masked %lt3A_596 : memref<51104xf32, #tpu.memory_space<vmem>>[vector<16xi32>], vector<16xf32>, vector<16xi1>
        %add3A_597 = arith.addi %sub3A_572, %add3A_356 : vector<16xi32>
        %bitcast3A_598 = vector.bitcast %add3A_597 : vector<16xi32> to vector<16xi32>
        %lt3A_599 = arith.cmpi ult, %bitcast3A_598, %broadcast_in_dim3A_370 : vector<16xi32>
        tpu.vector_store_idx %arg8[%add3A_597], %get3A_321 masked %lt3A_599 : memref<51104xf32, #tpu.memory_space<vmem>>[vector<16xi32>], vector<16xf32>, vector<16xi1>
        %add3A_600 = arith.addi %sub3A_572, %add3A_359 : vector<16xi32>
        %bitcast3A_601 = vector.bitcast %add3A_600 : vector<16xi32> to vector<16xi32>
        %lt3A_602 = arith.cmpi ult, %bitcast3A_601, %broadcast_in_dim3A_370 : vector<16xi32>
        tpu.vector_store_idx %arg8[%add3A_600], %get3A_323 masked %lt3A_602 : memref<51104xf32, #tpu.memory_space<vmem>>[vector<16xi32>], vector<16xf32>, vector<16xi1>
        %add3A_603 = arith.addi %sub3A_572, %add3A_362 : vector<16xi32>
        %bitcast3A_604 = vector.bitcast %add3A_603 : vector<16xi32> to vector<16xi32>
        %lt3A_605 = arith.cmpi ult, %bitcast3A_604, %broadcast_in_dim3A_370 : vector<16xi32>
        tpu.vector_store_idx %arg8[%add3A_603], %get3A_325 masked %lt3A_605 : memref<51104xf32, #tpu.memory_space<vmem>>[vector<16xi32>], vector<16xf32>, vector<16xi1>
        %add3A_606 = arith.addi %sub3A_572, %add3A_365 : vector<16xi32>
        %bitcast3A_607 = vector.bitcast %add3A_606 : vector<16xi32> to vector<16xi32>
        %lt3A_608 = arith.cmpi ult, %bitcast3A_607, %broadcast_in_dim3A_370 : vector<16xi32>
        tpu.vector_store_idx %arg8[%add3A_606], %get3A_327 masked %lt3A_608 : memref<51104xf32, #tpu.memory_space<vmem>>[vector<16xi32>], vector<16xf32>, vector<16xi1>
        %add3A_609 = arith.addi %sub3A_572, %add3A_368 : vector<16xi32>
        %bitcast3A_610 = vector.bitcast %add3A_609 : vector<16xi32> to vector<16xi32>
        %lt3A_611 = arith.cmpi ult, %bitcast3A_610, %broadcast_in_dim3A_370 : vector<16xi32>
        tpu.vector_store_idx %arg8[%add3A_609], %get3A_329 masked %lt3A_611 : memref<51104xf32, #tpu.memory_space<vmem>>[vector<16xi32>], vector<16xf32>, vector<16xi1>
        %add3A_612 = arith.constant 4 : i32
        %add3A_613 = arith.addi %add3A_428, %add3A_612 : i32
        %min3A_614 = arith.constant 1279 : i32
        %min3A_615 = arith.minsi %add3A_613, %min3A_614 : i32
        %broadcast_in_dim3A_616 = vector.broadcast %min3A_615 : i32 to vector<16xi32>
        %gather3A_617 = tpu.vector_load_idx %arg5[%broadcast_in_dim3A_616] : memref<1280xi32, #tpu.memory_space<vmem>>[vector<16xi32>], vector<16xi32>,
        %sub3A_618 = arith.subi %gather3A_617, %broadcast_in_dim3A : vector<16xi32>
        %add3A_619 = arith.addi %sub3A_618, %add3A_332 : vector<16xi32>
        %bitcast3A_620 = vector.bitcast %add3A_619 : vector<16xi32> to vector<16xi32>
        %lt3A_621 = arith.cmpi ult, %bitcast3A_620, %broadcast_in_dim3A_370 : vector<16xi32>
        tpu.vector_store_idx %arg8[%add3A_619], %get3A_305 masked %lt3A_621 : memref<51104xf32, #tpu.memory_space<vmem>>[vector<16xi32>], vector<16xf32>, vector<16xi1>
        %add3A_622 = arith.addi %sub3A_618, %add3A_335 : vector<16xi32>
        %bitcast3A_623 = vector.bitcast %add3A_622 : vector<16xi32> to vector<16xi32>
        %lt3A_624 = arith.cmpi ult, %bitcast3A_623, %broadcast_in_dim3A_370 : vector<16xi32>
        tpu.vector_store_idx %arg8[%add3A_622], %get3A_307 masked %lt3A_624 : memref<51104xf32, #tpu.memory_space<vmem>>[vector<16xi32>], vector<16xf32>, vector<16xi1>
        %add3A_625 = arith.addi %sub3A_618, %add3A_338 : vector<16xi32>
        %bitcast3A_626 = vector.bitcast %add3A_625 : vector<16xi32> to vector<16xi32>
        %lt3A_627 = arith.cmpi ult, %bitcast3A_626, %broadcast_in_dim3A_370 : vector<16xi32>
        tpu.vector_store_idx %arg8[%add3A_625], %get3A_309 masked %lt3A_627 : memref<51104xf32, #tpu.memory_space<vmem>>[vector<16xi32>], vector<16xf32>, vector<16xi1>
        %add3A_628 = arith.addi %sub3A_618, %add3A_341 : vector<16xi32>
        %bitcast3A_629 = vector.bitcast %add3A_628 : vector<16xi32> to vector<16xi32>
        %lt3A_630 = arith.cmpi ult, %bitcast3A_629, %broadcast_in_dim3A_370 : vector<16xi32>
        tpu.vector_store_idx %arg8[%add3A_628], %get3A_311 masked %lt3A_630 : memref<51104xf32, #tpu.memory_space<vmem>>[vector<16xi32>], vector<16xf32>, vector<16xi1>
        %add3A_631 = arith.addi %sub3A_618, %add3A_344 : vector<16xi32>
        %bitcast3A_632 = vector.bitcast %add3A_631 : vector<16xi32> to vector<16xi32>
        %lt3A_633 = arith.cmpi ult, %bitcast3A_632, %broadcast_in_dim3A_370 : vector<16xi32>
        tpu.vector_store_idx %arg8[%add3A_631], %get3A_313 masked %lt3A_633 : memref<51104xf32, #tpu.memory_space<vmem>>[vector<16xi32>], vector<16xf32>, vector<16xi1>
        %add3A_634 = arith.addi %sub3A_618, %add3A_347 : vector<16xi32>
        %bitcast3A_635 = vector.bitcast %add3A_634 : vector<16xi32> to vector<16xi32>
        %lt3A_636 = arith.cmpi ult, %bitcast3A_635, %broadcast_in_dim3A_370 : vector<16xi32>
        tpu.vector_store_idx %arg8[%add3A_634], %get3A_315 masked %lt3A_636 : memref<51104xf32, #tpu.memory_space<vmem>>[vector<16xi32>], vector<16xf32>, vector<16xi1>
        %add3A_637 = arith.addi %sub3A_618, %add3A_350 : vector<16xi32>
        %bitcast3A_638 = vector.bitcast %add3A_637 : vector<16xi32> to vector<16xi32>
        %lt3A_639 = arith.cmpi ult, %bitcast3A_638, %broadcast_in_dim3A_370 : vector<16xi32>
        tpu.vector_store_idx %arg8[%add3A_637], %get3A_317 masked %lt3A_639 : memref<51104xf32, #tpu.memory_space<vmem>>[vector<16xi32>], vector<16xf32>, vector<16xi1>
        %add3A_640 = arith.addi %sub3A_618, %add3A_353 : vector<16xi32>
        %bitcast3A_641 = vector.bitcast %add3A_640 : vector<16xi32> to vector<16xi32>
        %lt3A_642 = arith.cmpi ult, %bitcast3A_641, %broadcast_in_dim3A_370 : vector<16xi32>
        tpu.vector_store_idx %arg8[%add3A_640], %get3A_319 masked %lt3A_642 : memref<51104xf32, #tpu.memory_space<vmem>>[vector<16xi32>], vector<16xf32>, vector<16xi1>
        %add3A_643 = arith.addi %sub3A_618, %add3A_356 : vector<16xi32>
        %bitcast3A_644 = vector.bitcast %add3A_643 : vector<16xi32> to vector<16xi32>
        %lt3A_645 = arith.cmpi ult, %bitcast3A_644, %broadcast_in_dim3A_370 : vector<16xi32>
        tpu.vector_store_idx %arg8[%add3A_643], %get3A_321 masked %lt3A_645 : memref<51104xf32, #tpu.memory_space<vmem>>[vector<16xi32>], vector<16xf32>, vector<16xi1>
        %add3A_646 = arith.addi %sub3A_618, %add3A_359 : vector<16xi32>
        %bitcast3A_647 = vector.bitcast %add3A_646 : vector<16xi32> to vector<16xi32>
        %lt3A_648 = arith.cmpi ult, %bitcast3A_647, %broadcast_in_dim3A_370 : vector<16xi32>
        tpu.vector_store_idx %arg8[%add3A_646], %get3A_323 masked %lt3A_648 : memref<51104xf32, #tpu.memory_space<vmem>>[vector<16xi32>], vector<16xf32>, vector<16xi1>
        %add3A_649 = arith.addi %sub3A_618, %add3A_362 : vector<16xi32>
        %bitcast3A_650 = vector.bitcast %add3A_649 : vector<16xi32> to vector<16xi32>
        %lt3A_651 = arith.cmpi ult, %bitcast3A_650, %broadcast_in_dim3A_370 : vector<16xi32>
        tpu.vector_store_idx %arg8[%add3A_649], %get3A_325 masked %lt3A_651 : memref<51104xf32, #tpu.memory_space<vmem>>[vector<16xi32>], vector<16xf32>, vector<16xi1>
        %add3A_652 = arith.addi %sub3A_618, %add3A_365 : vector<16xi32>
        %bitcast3A_653 = vector.bitcast %add3A_652 : vector<16xi32> to vector<16xi32>
        %lt3A_654 = arith.cmpi ult, %bitcast3A_653, %broadcast_in_dim3A_370 : vector<16xi32>
        tpu.vector_store_idx %arg8[%add3A_652], %get3A_327 masked %lt3A_654 : memref<51104xf32, #tpu.memory_space<vmem>>[vector<16xi32>], vector<16xf32>, vector<16xi1>
        %add3A_655 = arith.addi %sub3A_618, %add3A_368 : vector<16xi32>
        %bitcast3A_656 = vector.bitcast %add3A_655 : vector<16xi32> to vector<16xi32>
        %lt3A_657 = arith.cmpi ult, %bitcast3A_656, %broadcast_in_dim3A_370 : vector<16xi32>
        tpu.vector_store_idx %arg8[%add3A_655], %get3A_329 masked %lt3A_657 : memref<51104xf32, #tpu.memory_space<vmem>>[vector<16xi32>], vector<16xf32>, vector<16xi1>
        %add3A_658 = arith.constant 5 : i32
        %add3A_659 = arith.addi %add3A_428, %add3A_658 : i32
        %min3A_660 = arith.constant 1279 : i32
        %min3A_661 = arith.minsi %add3A_659, %min3A_660 : i32
        %broadcast_in_dim3A_662 = vector.broadcast %min3A_661 : i32 to vector<16xi32>
        %gather3A_663 = tpu.vector_load_idx %arg5[%broadcast_in_dim3A_662] : memref<1280xi32, #tpu.memory_space<vmem>>[vector<16xi32>], vector<16xi32>,
        %sub3A_664 = arith.subi %gather3A_663, %broadcast_in_dim3A : vector<16xi32>
        %add3A_665 = arith.addi %sub3A_664, %add3A_332 : vector<16xi32>
        %bitcast3A_666 = vector.bitcast %add3A_665 : vector<16xi32> to vector<16xi32>
        %lt3A_667 = arith.cmpi ult, %bitcast3A_666, %broadcast_in_dim3A_370 : vector<16xi32>
        tpu.vector_store_idx %arg8[%add3A_665], %get3A_305 masked %lt3A_667 : memref<51104xf32, #tpu.memory_space<vmem>>[vector<16xi32>], vector<16xf32>, vector<16xi1>
        %add3A_668 = arith.addi %sub3A_664, %add3A_335 : vector<16xi32>
        %bitcast3A_669 = vector.bitcast %add3A_668 : vector<16xi32> to vector<16xi32>
        %lt3A_670 = arith.cmpi ult, %bitcast3A_669, %broadcast_in_dim3A_370 : vector<16xi32>
        tpu.vector_store_idx %arg8[%add3A_668], %get3A_307 masked %lt3A_670 : memref<51104xf32, #tpu.memory_space<vmem>>[vector<16xi32>], vector<16xf32>, vector<16xi1>
        %add3A_671 = arith.addi %sub3A_664, %add3A_338 : vector<16xi32>
        %bitcast3A_672 = vector.bitcast %add3A_671 : vector<16xi32> to vector<16xi32>
        %lt3A_673 = arith.cmpi ult, %bitcast3A_672, %broadcast_in_dim3A_370 : vector<16xi32>
        tpu.vector_store_idx %arg8[%add3A_671], %get3A_309 masked %lt3A_673 : memref<51104xf32, #tpu.memory_space<vmem>>[vector<16xi32>], vector<16xf32>, vector<16xi1>
        %add3A_674 = arith.addi %sub3A_664, %add3A_341 : vector<16xi32>
        %bitcast3A_675 = vector.bitcast %add3A_674 : vector<16xi32> to vector<16xi32>
        %lt3A_676 = arith.cmpi ult, %bitcast3A_675, %broadcast_in_dim3A_370 : vector<16xi32>
        tpu.vector_store_idx %arg8[%add3A_674], %get3A_311 masked %lt3A_676 : memref<51104xf32, #tpu.memory_space<vmem>>[vector<16xi32>], vector<16xf32>, vector<16xi1>
        %add3A_677 = arith.addi %sub3A_664, %add3A_344 : vector<16xi32>
        %bitcast3A_678 = vector.bitcast %add3A_677 : vector<16xi32> to vector<16xi32>
        %lt3A_679 = arith.cmpi ult, %bitcast3A_678, %broadcast_in_dim3A_370 : vector<16xi32>
        tpu.vector_store_idx %arg8[%add3A_677], %get3A_313 masked %lt3A_679 : memref<51104xf32, #tpu.memory_space<vmem>>[vector<16xi32>], vector<16xf32>, vector<16xi1>
        %add3A_680 = arith.addi %sub3A_664, %add3A_347 : vector<16xi32>
        %bitcast3A_681 = vector.bitcast %add3A_680 : vector<16xi32> to vector<16xi32>
        %lt3A_682 = arith.cmpi ult, %bitcast3A_681, %broadcast_in_dim3A_370 : vector<16xi32>
        tpu.vector_store_idx %arg8[%add3A_680], %get3A_315 masked %lt3A_682 : memref<51104xf32, #tpu.memory_space<vmem>>[vector<16xi32>], vector<16xf32>, vector<16xi1>
        %add3A_683 = arith.addi %sub3A_664, %add3A_350 : vector<16xi32>
        %bitcast3A_684 = vector.bitcast %add3A_683 : vector<16xi32> to vector<16xi32>
        %lt3A_685 = arith.cmpi ult, %bitcast3A_684, %broadcast_in_dim3A_370 : vector<16xi32>
        tpu.vector_store_idx %arg8[%add3A_683], %get3A_317 masked %lt3A_685 : memref<51104xf32, #tpu.memory_space<vmem>>[vector<16xi32>], vector<16xf32>, vector<16xi1>
        %add3A_686 = arith.addi %sub3A_664, %add3A_353 : vector<16xi32>
        %bitcast3A_687 = vector.bitcast %add3A_686 : vector<16xi32> to vector<16xi32>
        %lt3A_688 = arith.cmpi ult, %bitcast3A_687, %broadcast_in_dim3A_370 : vector<16xi32>
        tpu.vector_store_idx %arg8[%add3A_686], %get3A_319 masked %lt3A_688 : memref<51104xf32, #tpu.memory_space<vmem>>[vector<16xi32>], vector<16xf32>, vector<16xi1>
        %add3A_689 = arith.addi %sub3A_664, %add3A_356 : vector<16xi32>
        %bitcast3A_690 = vector.bitcast %add3A_689 : vector<16xi32> to vector<16xi32>
        %lt3A_691 = arith.cmpi ult, %bitcast3A_690, %broadcast_in_dim3A_370 : vector<16xi32>
        tpu.vector_store_idx %arg8[%add3A_689], %get3A_321 masked %lt3A_691 : memref<51104xf32, #tpu.memory_space<vmem>>[vector<16xi32>], vector<16xf32>, vector<16xi1>
        %add3A_692 = arith.addi %sub3A_664, %add3A_359 : vector<16xi32>
        %bitcast3A_693 = vector.bitcast %add3A_692 : vector<16xi32> to vector<16xi32>
        %lt3A_694 = arith.cmpi ult, %bitcast3A_693, %broadcast_in_dim3A_370 : vector<16xi32>
        tpu.vector_store_idx %arg8[%add3A_692], %get3A_323 masked %lt3A_694 : memref<51104xf32, #tpu.memory_space<vmem>>[vector<16xi32>], vector<16xf32>, vector<16xi1>
        %add3A_695 = arith.addi %sub3A_664, %add3A_362 : vector<16xi32>
        %bitcast3A_696 = vector.bitcast %add3A_695 : vector<16xi32> to vector<16xi32>
        %lt3A_697 = arith.cmpi ult, %bitcast3A_696, %broadcast_in_dim3A_370 : vector<16xi32>
        tpu.vector_store_idx %arg8[%add3A_695], %get3A_325 masked %lt3A_697 : memref<51104xf32, #tpu.memory_space<vmem>>[vector<16xi32>], vector<16xf32>, vector<16xi1>
        %add3A_698 = arith.addi %sub3A_664, %add3A_365 : vector<16xi32>
        %bitcast3A_699 = vector.bitcast %add3A_698 : vector<16xi32> to vector<16xi32>
        %lt3A_700 = arith.cmpi ult, %bitcast3A_699, %broadcast_in_dim3A_370 : vector<16xi32>
        tpu.vector_store_idx %arg8[%add3A_698], %get3A_327 masked %lt3A_700 : memref<51104xf32, #tpu.memory_space<vmem>>[vector<16xi32>], vector<16xf32>, vector<16xi1>
        %add3A_701 = arith.addi %sub3A_664, %add3A_368 : vector<16xi32>
        %bitcast3A_702 = vector.bitcast %add3A_701 : vector<16xi32> to vector<16xi32>
        %lt3A_703 = arith.cmpi ult, %bitcast3A_702, %broadcast_in_dim3A_370 : vector<16xi32>
        tpu.vector_store_idx %arg8[%add3A_701], %get3A_329 masked %lt3A_703 : memref<51104xf32, #tpu.memory_space<vmem>>[vector<16xi32>], vector<16xf32>, vector<16xi1>
        %add3A_704 = arith.constant 6 : i32
        %add3A_705 = arith.addi %add3A_428, %add3A_704 : i32
        %min3A_706 = arith.constant 1279 : i32
        %min3A_707 = arith.minsi %add3A_705, %min3A_706 : i32
        %broadcast_in_dim3A_708 = vector.broadcast %min3A_707 : i32 to vector<16xi32>
        %gather3A_709 = tpu.vector_load_idx %arg5[%broadcast_in_dim3A_708] : memref<1280xi32, #tpu.memory_space<vmem>>[vector<16xi32>], vector<16xi32>,
        %sub3A_710 = arith.subi %gather3A_709, %broadcast_in_dim3A : vector<16xi32>
        %add3A_711 = arith.addi %sub3A_710, %add3A_332 : vector<16xi32>
        %bitcast3A_712 = vector.bitcast %add3A_711 : vector<16xi32> to vector<16xi32>
        %lt3A_713 = arith.cmpi ult, %bitcast3A_712, %broadcast_in_dim3A_370 : vector<16xi32>
        tpu.vector_store_idx %arg8[%add3A_711], %get3A_305 masked %lt3A_713 : memref<51104xf32, #tpu.memory_space<vmem>>[vector<16xi32>], vector<16xf32>, vector<16xi1>
        %add3A_714 = arith.addi %sub3A_710, %add3A_335 : vector<16xi32>
        %bitcast3A_715 = vector.bitcast %add3A_714 : vector<16xi32> to vector<16xi32>
        %lt3A_716 = arith.cmpi ult, %bitcast3A_715, %broadcast_in_dim3A_370 : vector<16xi32>
        tpu.vector_store_idx %arg8[%add3A_714], %get3A_307 masked %lt3A_716 : memref<51104xf32, #tpu.memory_space<vmem>>[vector<16xi32>], vector<16xf32>, vector<16xi1>
        %add3A_717 = arith.addi %sub3A_710, %add3A_338 : vector<16xi32>
        %bitcast3A_718 = vector.bitcast %add3A_717 : vector<16xi32> to vector<16xi32>
        %lt3A_719 = arith.cmpi ult, %bitcast3A_718, %broadcast_in_dim3A_370 : vector<16xi32>
        tpu.vector_store_idx %arg8[%add3A_717], %get3A_309 masked %lt3A_719 : memref<51104xf32, #tpu.memory_space<vmem>>[vector<16xi32>], vector<16xf32>, vector<16xi1>
        %add3A_720 = arith.addi %sub3A_710, %add3A_341 : vector<16xi32>
        %bitcast3A_721 = vector.bitcast %add3A_720 : vector<16xi32> to vector<16xi32>
        %lt3A_722 = arith.cmpi ult, %bitcast3A_721, %broadcast_in_dim3A_370 : vector<16xi32>
        tpu.vector_store_idx %arg8[%add3A_720], %get3A_311 masked %lt3A_722 : memref<51104xf32, #tpu.memory_space<vmem>>[vector<16xi32>], vector<16xf32>, vector<16xi1>
        %add3A_723 = arith.addi %sub3A_710, %add3A_344 : vector<16xi32>
        %bitcast3A_724 = vector.bitcast %add3A_723 : vector<16xi32> to vector<16xi32>
        %lt3A_725 = arith.cmpi ult, %bitcast3A_724, %broadcast_in_dim3A_370 : vector<16xi32>
        tpu.vector_store_idx %arg8[%add3A_723], %get3A_313 masked %lt3A_725 : memref<51104xf32, #tpu.memory_space<vmem>>[vector<16xi32>], vector<16xf32>, vector<16xi1>
        %add3A_726 = arith.addi %sub3A_710, %add3A_347 : vector<16xi32>
        %bitcast3A_727 = vector.bitcast %add3A_726 : vector<16xi32> to vector<16xi32>
        %lt3A_728 = arith.cmpi ult, %bitcast3A_727, %broadcast_in_dim3A_370 : vector<16xi32>
        tpu.vector_store_idx %arg8[%add3A_726], %get3A_315 masked %lt3A_728 : memref<51104xf32, #tpu.memory_space<vmem>>[vector<16xi32>], vector<16xf32>, vector<16xi1>
        %add3A_729 = arith.addi %sub3A_710, %add3A_350 : vector<16xi32>
        %bitcast3A_730 = vector.bitcast %add3A_729 : vector<16xi32> to vector<16xi32>
        %lt3A_731 = arith.cmpi ult, %bitcast3A_730, %broadcast_in_dim3A_370 : vector<16xi32>
        tpu.vector_store_idx %arg8[%add3A_729], %get3A_317 masked %lt3A_731 : memref<51104xf32, #tpu.memory_space<vmem>>[vector<16xi32>], vector<16xf32>, vector<16xi1>
        %add3A_732 = arith.addi %sub3A_710, %add3A_353 : vector<16xi32>
        %bitcast3A_733 = vector.bitcast %add3A_732 : vector<16xi32> to vector<16xi32>
        %lt3A_734 = arith.cmpi ult, %bitcast3A_733, %broadcast_in_dim3A_370 : vector<16xi32>
        tpu.vector_store_idx %arg8[%add3A_732], %get3A_319 masked %lt3A_734 : memref<51104xf32, #tpu.memory_space<vmem>>[vector<16xi32>], vector<16xf32>, vector<16xi1>
        %add3A_735 = arith.addi %sub3A_710, %add3A_356 : vector<16xi32>
        %bitcast3A_736 = vector.bitcast %add3A_735 : vector<16xi32> to vector<16xi32>
        %lt3A_737 = arith.cmpi ult, %bitcast3A_736, %broadcast_in_dim3A_370 : vector<16xi32>
        tpu.vector_store_idx %arg8[%add3A_735], %get3A_321 masked %lt3A_737 : memref<51104xf32, #tpu.memory_space<vmem>>[vector<16xi32>], vector<16xf32>, vector<16xi1>
        %add3A_738 = arith.addi %sub3A_710, %add3A_359 : vector<16xi32>
        %bitcast3A_739 = vector.bitcast %add3A_738 : vector<16xi32> to vector<16xi32>
        %lt3A_740 = arith.cmpi ult, %bitcast3A_739, %broadcast_in_dim3A_370 : vector<16xi32>
        tpu.vector_store_idx %arg8[%add3A_738], %get3A_323 masked %lt3A_740 : memref<51104xf32, #tpu.memory_space<vmem>>[vector<16xi32>], vector<16xf32>, vector<16xi1>
        %add3A_741 = arith.addi %sub3A_710, %add3A_362 : vector<16xi32>
        %bitcast3A_742 = vector.bitcast %add3A_741 : vector<16xi32> to vector<16xi32>
        %lt3A_743 = arith.cmpi ult, %bitcast3A_742, %broadcast_in_dim3A_370 : vector<16xi32>
        tpu.vector_store_idx %arg8[%add3A_741], %get3A_325 masked %lt3A_743 : memref<51104xf32, #tpu.memory_space<vmem>>[vector<16xi32>], vector<16xf32>, vector<16xi1>
        %add3A_744 = arith.addi %sub3A_710, %add3A_365 : vector<16xi32>
        %bitcast3A_745 = vector.bitcast %add3A_744 : vector<16xi32> to vector<16xi32>
        %lt3A_746 = arith.cmpi ult, %bitcast3A_745, %broadcast_in_dim3A_370 : vector<16xi32>
        tpu.vector_store_idx %arg8[%add3A_744], %get3A_327 masked %lt3A_746 : memref<51104xf32, #tpu.memory_space<vmem>>[vector<16xi32>], vector<16xf32>, vector<16xi1>
        %add3A_747 = arith.addi %sub3A_710, %add3A_368 : vector<16xi32>
        %bitcast3A_748 = vector.bitcast %add3A_747 : vector<16xi32> to vector<16xi32>
        %lt3A_749 = arith.cmpi ult, %bitcast3A_748, %broadcast_in_dim3A_370 : vector<16xi32>
        tpu.vector_store_idx %arg8[%add3A_747], %get3A_329 masked %lt3A_749 : memref<51104xf32, #tpu.memory_space<vmem>>[vector<16xi32>], vector<16xf32>, vector<16xi1>
        %add3A_750 = arith.constant 7 : i32
        %add3A_751 = arith.addi %add3A_428, %add3A_750 : i32
        %min3A_752 = arith.constant 1279 : i32
        %min3A_753 = arith.minsi %add3A_751, %min3A_752 : i32
        %broadcast_in_dim3A_754 = vector.broadcast %min3A_753 : i32 to vector<16xi32>
        %gather3A_755 = tpu.vector_load_idx %arg5[%broadcast_in_dim3A_754] : memref<1280xi32, #tpu.memory_space<vmem>>[vector<16xi32>], vector<16xi32>,
        %sub3A_756 = arith.subi %gather3A_755, %broadcast_in_dim3A : vector<16xi32>
        %add3A_757 = arith.addi %sub3A_756, %add3A_332 : vector<16xi32>
        %bitcast3A_758 = vector.bitcast %add3A_757 : vector<16xi32> to vector<16xi32>
        %lt3A_759 = arith.cmpi ult, %bitcast3A_758, %broadcast_in_dim3A_370 : vector<16xi32>
        tpu.vector_store_idx %arg8[%add3A_757], %get3A_305 masked %lt3A_759 : memref<51104xf32, #tpu.memory_space<vmem>>[vector<16xi32>], vector<16xf32>, vector<16xi1>
        %add3A_760 = arith.addi %sub3A_756, %add3A_335 : vector<16xi32>
        %bitcast3A_761 = vector.bitcast %add3A_760 : vector<16xi32> to vector<16xi32>
        %lt3A_762 = arith.cmpi ult, %bitcast3A_761, %broadcast_in_dim3A_370 : vector<16xi32>
        tpu.vector_store_idx %arg8[%add3A_760], %get3A_307 masked %lt3A_762 : memref<51104xf32, #tpu.memory_space<vmem>>[vector<16xi32>], vector<16xf32>, vector<16xi1>
        %add3A_763 = arith.addi %sub3A_756, %add3A_338 : vector<16xi32>
        %bitcast3A_764 = vector.bitcast %add3A_763 : vector<16xi32> to vector<16xi32>
        %lt3A_765 = arith.cmpi ult, %bitcast3A_764, %broadcast_in_dim3A_370 : vector<16xi32>
        tpu.vector_store_idx %arg8[%add3A_763], %get3A_309 masked %lt3A_765 : memref<51104xf32, #tpu.memory_space<vmem>>[vector<16xi32>], vector<16xf32>, vector<16xi1>
        %add3A_766 = arith.addi %sub3A_756, %add3A_341 : vector<16xi32>
        %bitcast3A_767 = vector.bitcast %add3A_766 : vector<16xi32> to vector<16xi32>
        %lt3A_768 = arith.cmpi ult, %bitcast3A_767, %broadcast_in_dim3A_370 : vector<16xi32>
        tpu.vector_store_idx %arg8[%add3A_766], %get3A_311 masked %lt3A_768 : memref<51104xf32, #tpu.memory_space<vmem>>[vector<16xi32>], vector<16xf32>, vector<16xi1>
        %add3A_769 = arith.addi %sub3A_756, %add3A_344 : vector<16xi32>
        %bitcast3A_770 = vector.bitcast %add3A_769 : vector<16xi32> to vector<16xi32>
        %lt3A_771 = arith.cmpi ult, %bitcast3A_770, %broadcast_in_dim3A_370 : vector<16xi32>
        tpu.vector_store_idx %arg8[%add3A_769], %get3A_313 masked %lt3A_771 : memref<51104xf32, #tpu.memory_space<vmem>>[vector<16xi32>], vector<16xf32>, vector<16xi1>
        %add3A_772 = arith.addi %sub3A_756, %add3A_347 : vector<16xi32>
        %bitcast3A_773 = vector.bitcast %add3A_772 : vector<16xi32> to vector<16xi32>
        %lt3A_774 = arith.cmpi ult, %bitcast3A_773, %broadcast_in_dim3A_370 : vector<16xi32>
        tpu.vector_store_idx %arg8[%add3A_772], %get3A_315 masked %lt3A_774 : memref<51104xf32, #tpu.memory_space<vmem>>[vector<16xi32>], vector<16xf32>, vector<16xi1>
        %add3A_775 = arith.addi %sub3A_756, %add3A_350 : vector<16xi32>
        %bitcast3A_776 = vector.bitcast %add3A_775 : vector<16xi32> to vector<16xi32>
        %lt3A_777 = arith.cmpi ult, %bitcast3A_776, %broadcast_in_dim3A_370 : vector<16xi32>
        tpu.vector_store_idx %arg8[%add3A_775], %get3A_317 masked %lt3A_777 : memref<51104xf32, #tpu.memory_space<vmem>>[vector<16xi32>], vector<16xf32>, vector<16xi1>
        %add3A_778 = arith.addi %sub3A_756, %add3A_353 : vector<16xi32>
        %bitcast3A_779 = vector.bitcast %add3A_778 : vector<16xi32> to vector<16xi32>
        %lt3A_780 = arith.cmpi ult, %bitcast3A_779, %broadcast_in_dim3A_370 : vector<16xi32>
        tpu.vector_store_idx %arg8[%add3A_778], %get3A_319 masked %lt3A_780 : memref<51104xf32, #tpu.memory_space<vmem>>[vector<16xi32>], vector<16xf32>, vector<16xi1>
        %add3A_781 = arith.addi %sub3A_756, %add3A_356 : vector<16xi32>
        %bitcast3A_782 = vector.bitcast %add3A_781 : vector<16xi32> to vector<16xi32>
        %lt3A_783 = arith.cmpi ult, %bitcast3A_782, %broadcast_in_dim3A_370 : vector<16xi32>
        tpu.vector_store_idx %arg8[%add3A_781], %get3A_321 masked %lt3A_783 : memref<51104xf32, #tpu.memory_space<vmem>>[vector<16xi32>], vector<16xf32>, vector<16xi1>
        %add3A_784 = arith.addi %sub3A_756, %add3A_359 : vector<16xi32>
        %bitcast3A_785 = vector.bitcast %add3A_784 : vector<16xi32> to vector<16xi32>
        %lt3A_786 = arith.cmpi ult, %bitcast3A_785, %broadcast_in_dim3A_370 : vector<16xi32>
        tpu.vector_store_idx %arg8[%add3A_784], %get3A_323 masked %lt3A_786 : memref<51104xf32, #tpu.memory_space<vmem>>[vector<16xi32>], vector<16xf32>, vector<16xi1>
        %add3A_787 = arith.addi %sub3A_756, %add3A_362 : vector<16xi32>
        %bitcast3A_788 = vector.bitcast %add3A_787 : vector<16xi32> to vector<16xi32>
        %lt3A_789 = arith.cmpi ult, %bitcast3A_788, %broadcast_in_dim3A_370 : vector<16xi32>
        tpu.vector_store_idx %arg8[%add3A_787], %get3A_325 masked %lt3A_789 : memref<51104xf32, #tpu.memory_space<vmem>>[vector<16xi32>], vector<16xf32>, vector<16xi1>
        %add3A_790 = arith.addi %sub3A_756, %add3A_365 : vector<16xi32>
        %bitcast3A_791 = vector.bitcast %add3A_790 : vector<16xi32> to vector<16xi32>
        %lt3A_792 = arith.cmpi ult, %bitcast3A_791, %broadcast_in_dim3A_370 : vector<16xi32>
        tpu.vector_store_idx %arg8[%add3A_790], %get3A_327 masked %lt3A_792 : memref<51104xf32, #tpu.memory_space<vmem>>[vector<16xi32>], vector<16xf32>, vector<16xi1>
        %add3A_793 = arith.addi %sub3A_756, %add3A_368 : vector<16xi32>
        %bitcast3A_794 = vector.bitcast %add3A_793 : vector<16xi32> to vector<16xi32>
        %lt3A_795 = arith.cmpi ult, %bitcast3A_794, %broadcast_in_dim3A_370 : vector<16xi32>
        tpu.vector_store_idx %arg8[%add3A_793], %get3A_329 masked %lt3A_795 : memref<51104xf32, #tpu.memory_space<vmem>>[vector<16xi32>], vector<16xf32>, vector<16xi1>
      }
      %while3A_410 = arith.constant 1 : i32
      scf.for %while3A_425 = %while3A_408 to %while3A_404 step %while3A_410  : i32 {
        %mul3A_426 = arith.constant 8 : i32
        %mul3A_427 = arith.muli %while3A_425, %mul3A_426 : i32
        %add3A_428 = arith.addi %reduce_max3A_296, %mul3A_427 : i32
        %add3A_429 = arith.constant 0 : i32
        %add3A_430 = arith.addi %add3A_428, %add3A_429 : i32
        %min3A_431 = arith.constant 1279 : i32
        %min3A_432 = arith.minsi %add3A_430, %min3A_431 : i32
        %broadcast_in_dim3A_433 = vector.broadcast %min3A_432 : i32 to vector<16xi32>
        %gather3A_434 = tpu.vector_load_idx %arg5[%broadcast_in_dim3A_433] : memref<1280xi32, #tpu.memory_space<vmem>>[vector<16xi32>], vector<16xi32>,
        %sub3A_435 = arith.subi %gather3A_434, %broadcast_in_dim3A : vector<16xi32>
        %add3A_436 = arith.addi %sub3A_435, %add3A_332 : vector<16xi32>
        %bitcast3A = vector.bitcast %add3A_436 : vector<16xi32> to vector<16xi32>
        %lt3A_437 = arith.cmpi ult, %bitcast3A, %broadcast_in_dim3A_370 : vector<16xi32>
        tpu.vector_store_idx %arg8[%add3A_436], %get3A_305 masked %lt3A_437 : memref<51104xf32, #tpu.memory_space<vmem>>[vector<16xi32>], vector<16xf32>, vector<16xi1>
        %add3A_438 = arith.addi %sub3A_435, %add3A_335 : vector<16xi32>
        %bitcast3A_439 = vector.bitcast %add3A_438 : vector<16xi32> to vector<16xi32>
        %lt3A_440 = arith.cmpi ult, %bitcast3A_439, %broadcast_in_dim3A_370 : vector<16xi32>
        tpu.vector_store_idx %arg8[%add3A_438], %get3A_307 masked %lt3A_440 : memref<51104xf32, #tpu.memory_space<vmem>>[vector<16xi32>], vector<16xf32>, vector<16xi1>
        %add3A_441 = arith.addi %sub3A_435, %add3A_338 : vector<16xi32>
        %bitcast3A_442 = vector.bitcast %add3A_441 : vector<16xi32> to vector<16xi32>
        %lt3A_443 = arith.cmpi ult, %bitcast3A_442, %broadcast_in_dim3A_370 : vector<16xi32>
        tpu.vector_store_idx %arg8[%add3A_441], %get3A_309 masked %lt3A_443 : memref<51104xf32, #tpu.memory_space<vmem>>[vector<16xi32>], vector<16xf32>, vector<16xi1>
        %add3A_444 = arith.addi %sub3A_435, %add3A_341 : vector<16xi32>
        %bitcast3A_445 = vector.bitcast %add3A_444 : vector<16xi32> to vector<16xi32>
        %lt3A_446 = arith.cmpi ult, %bitcast3A_445, %broadcast_in_dim3A_370 : vector<16xi32>
        tpu.vector_store_idx %arg8[%add3A_444], %get3A_311 masked %lt3A_446 : memref<51104xf32, #tpu.memory_space<vmem>>[vector<16xi32>], vector<16xf32>, vector<16xi1>
        %add3A_447 = arith.addi %sub3A_435, %add3A_344 : vector<16xi32>
        %bitcast3A_448 = vector.bitcast %add3A_447 : vector<16xi32> to vector<16xi32>
        %lt3A_449 = arith.cmpi ult, %bitcast3A_448, %broadcast_in_dim3A_370 : vector<16xi32>
        tpu.vector_store_idx %arg8[%add3A_447], %get3A_313 masked %lt3A_449 : memref<51104xf32, #tpu.memory_space<vmem>>[vector<16xi32>], vector<16xf32>, vector<16xi1>
        %add3A_450 = arith.addi %sub3A_435, %add3A_347 : vector<16xi32>
        %bitcast3A_451 = vector.bitcast %add3A_450 : vector<16xi32> to vector<16xi32>
        %lt3A_452 = arith.cmpi ult, %bitcast3A_451, %broadcast_in_dim3A_370 : vector<16xi32>
        tpu.vector_store_idx %arg8[%add3A_450], %get3A_315 masked %lt3A_452 : memref<51104xf32, #tpu.memory_space<vmem>>[vector<16xi32>], vector<16xf32>, vector<16xi1>
        %add3A_453 = arith.addi %sub3A_435, %add3A_350 : vector<16xi32>
        %bitcast3A_454 = vector.bitcast %add3A_453 : vector<16xi32> to vector<16xi32>
        %lt3A_455 = arith.cmpi ult, %bitcast3A_454, %broadcast_in_dim3A_370 : vector<16xi32>
        tpu.vector_store_idx %arg8[%add3A_453], %get3A_317 masked %lt3A_455 : memref<51104xf32, #tpu.memory_space<vmem>>[vector<16xi32>], vector<16xf32>, vector<16xi1>
        %add3A_456 = arith.addi %sub3A_435, %add3A_353 : vector<16xi32>
        %bitcast3A_457 = vector.bitcast %add3A_456 : vector<16xi32> to vector<16xi32>
        %lt3A_458 = arith.cmpi ult, %bitcast3A_457, %broadcast_in_dim3A_370 : vector<16xi32>
        tpu.vector_store_idx %arg8[%add3A_456], %get3A_319 masked %lt3A_458 : memref<51104xf32, #tpu.memory_space<vmem>>[vector<16xi32>], vector<16xf32>, vector<16xi1>
        %add3A_459 = arith.addi %sub3A_435, %add3A_356 : vector<16xi32>
        %bitcast3A_460 = vector.bitcast %add3A_459 : vector<16xi32> to vector<16xi32>
        %lt3A_461 = arith.cmpi ult, %bitcast3A_460, %broadcast_in_dim3A_370 : vector<16xi32>
        tpu.vector_store_idx %arg8[%add3A_459], %get3A_321 masked %lt3A_461 : memref<51104xf32, #tpu.memory_space<vmem>>[vector<16xi32>], vector<16xf32>, vector<16xi1>
        %add3A_462 = arith.addi %sub3A_435, %add3A_359 : vector<16xi32>
        %bitcast3A_463 = vector.bitcast %add3A_462 : vector<16xi32> to vector<16xi32>
        %lt3A_464 = arith.cmpi ult, %bitcast3A_463, %broadcast_in_dim3A_370 : vector<16xi32>
        tpu.vector_store_idx %arg8[%add3A_462], %get3A_323 masked %lt3A_464 : memref<51104xf32, #tpu.memory_space<vmem>>[vector<16xi32>], vector<16xf32>, vector<16xi1>
        %add3A_465 = arith.addi %sub3A_435, %add3A_362 : vector<16xi32>
        %bitcast3A_466 = vector.bitcast %add3A_465 : vector<16xi32> to vector<16xi32>
        %lt3A_467 = arith.cmpi ult, %bitcast3A_466, %broadcast_in_dim3A_370 : vector<16xi32>
        tpu.vector_store_idx %arg8[%add3A_465], %get3A_325 masked %lt3A_467 : memref<51104xf32, #tpu.memory_space<vmem>>[vector<16xi32>], vector<16xf32>, vector<16xi1>
        %add3A_468 = arith.addi %sub3A_435, %add3A_365 : vector<16xi32>
        %bitcast3A_469 = vector.bitcast %add3A_468 : vector<16xi32> to vector<16xi32>
        %lt3A_470 = arith.cmpi ult, %bitcast3A_469, %broadcast_in_dim3A_370 : vector<16xi32>
        tpu.vector_store_idx %arg8[%add3A_468], %get3A_327 masked %lt3A_470 : memref<51104xf32, #tpu.memory_space<vmem>>[vector<16xi32>], vector<16xf32>, vector<16xi1>
        %add3A_471 = arith.addi %sub3A_435, %add3A_368 : vector<16xi32>
        %bitcast3A_472 = vector.bitcast %add3A_471 : vector<16xi32> to vector<16xi32>
        %lt3A_473 = arith.cmpi ult, %bitcast3A_472, %broadcast_in_dim3A_370 : vector<16xi32>
        tpu.vector_store_idx %arg8[%add3A_471], %get3A_329 masked %lt3A_473 : memref<51104xf32, #tpu.memory_space<vmem>>[vector<16xi32>], vector<16xf32>, vector<16xi1>
        %add3A_474 = arith.constant 1 : i32
        %add3A_475 = arith.addi %add3A_428, %add3A_474 : i32
        %min3A_476 = arith.constant 1279 : i32
        %min3A_477 = arith.minsi %add3A_475, %min3A_476 : i32
        %broadcast_in_dim3A_478 = vector.broadcast %min3A_477 : i32 to vector<16xi32>
        %gather3A_479 = tpu.vector_load_idx %arg5[%broadcast_in_dim3A_478] : memref<1280xi32, #tpu.memory_space<vmem>>[vector<16xi32>], vector<16xi32>,
        %sub3A_480 = arith.subi %gather3A_479, %broadcast_in_dim3A : vector<16xi32>
        %add3A_481 = arith.addi %sub3A_480, %add3A_332 : vector<16xi32>
        %bitcast3A_482 = vector.bitcast %add3A_481 : vector<16xi32> to vector<16xi32>
        %lt3A_483 = arith.cmpi ult, %bitcast3A_482, %broadcast_in_dim3A_370 : vector<16xi32>
        tpu.vector_store_idx %arg8[%add3A_481], %get3A_305 masked %lt3A_483 : memref<51104xf32, #tpu.memory_space<vmem>>[vector<16xi32>], vector<16xf32>, vector<16xi1>
        %add3A_484 = arith.addi %sub3A_480, %add3A_335 : vector<16xi32>
        %bitcast3A_485 = vector.bitcast %add3A_484 : vector<16xi32> to vector<16xi32>
        %lt3A_486 = arith.cmpi ult, %bitcast3A_485, %broadcast_in_dim3A_370 : vector<16xi32>
        tpu.vector_store_idx %arg8[%add3A_484], %get3A_307 masked %lt3A_486 : memref<51104xf32, #tpu.memory_space<vmem>>[vector<16xi32>], vector<16xf32>, vector<16xi1>
        %add3A_487 = arith.addi %sub3A_480, %add3A_338 : vector<16xi32>
        %bitcast3A_488 = vector.bitcast %add3A_487 : vector<16xi32> to vector<16xi32>
        %lt3A_489 = arith.cmpi ult, %bitcast3A_488, %broadcast_in_dim3A_370 : vector<16xi32>
        tpu.vector_store_idx %arg8[%add3A_487], %get3A_309 masked %lt3A_489 : memref<51104xf32, #tpu.memory_space<vmem>>[vector<16xi32>], vector<16xf32>, vector<16xi1>
        %add3A_490 = arith.addi %sub3A_480, %add3A_341 : vector<16xi32>
        %bitcast3A_491 = vector.bitcast %add3A_490 : vector<16xi32> to vector<16xi32>
        %lt3A_492 = arith.cmpi ult, %bitcast3A_491, %broadcast_in_dim3A_370 : vector<16xi32>
        tpu.vector_store_idx %arg8[%add3A_490], %get3A_311 masked %lt3A_492 : memref<51104xf32, #tpu.memory_space<vmem>>[vector<16xi32>], vector<16xf32>, vector<16xi1>
        %add3A_493 = arith.addi %sub3A_480, %add3A_344 : vector<16xi32>
        %bitcast3A_494 = vector.bitcast %add3A_493 : vector<16xi32> to vector<16xi32>
        %lt3A_495 = arith.cmpi ult, %bitcast3A_494, %broadcast_in_dim3A_370 : vector<16xi32>
        tpu.vector_store_idx %arg8[%add3A_493], %get3A_313 masked %lt3A_495 : memref<51104xf32, #tpu.memory_space<vmem>>[vector<16xi32>], vector<16xf32>, vector<16xi1>
        %add3A_496 = arith.addi %sub3A_480, %add3A_347 : vector<16xi32>
        %bitcast3A_497 = vector.bitcast %add3A_496 : vector<16xi32> to vector<16xi32>
        %lt3A_498 = arith.cmpi ult, %bitcast3A_497, %broadcast_in_dim3A_370 : vector<16xi32>
        tpu.vector_store_idx %arg8[%add3A_496], %get3A_315 masked %lt3A_498 : memref<51104xf32, #tpu.memory_space<vmem>>[vector<16xi32>], vector<16xf32>, vector<16xi1>
        %add3A_499 = arith.addi %sub3A_480, %add3A_350 : vector<16xi32>
        %bitcast3A_500 = vector.bitcast %add3A_499 : vector<16xi32> to vector<16xi32>
        %lt3A_501 = arith.cmpi ult, %bitcast3A_500, %broadcast_in_dim3A_370 : vector<16xi32>
        tpu.vector_store_idx %arg8[%add3A_499], %get3A_317 masked %lt3A_501 : memref<51104xf32, #tpu.memory_space<vmem>>[vector<16xi32>], vector<16xf32>, vector<16xi1>
        %add3A_502 = arith.addi %sub3A_480, %add3A_353 : vector<16xi32>
        %bitcast3A_503 = vector.bitcast %add3A_502 : vector<16xi32> to vector<16xi32>
        %lt3A_504 = arith.cmpi ult, %bitcast3A_503, %broadcast_in_dim3A_370 : vector<16xi32>
        tpu.vector_store_idx %arg8[%add3A_502], %get3A_319 masked %lt3A_504 : memref<51104xf32, #tpu.memory_space<vmem>>[vector<16xi32>], vector<16xf32>, vector<16xi1>
        %add3A_505 = arith.addi %sub3A_480, %add3A_356 : vector<16xi32>
        %bitcast3A_506 = vector.bitcast %add3A_505 : vector<16xi32> to vector<16xi32>
        %lt3A_507 = arith.cmpi ult, %bitcast3A_506, %broadcast_in_dim3A_370 : vector<16xi32>
        tpu.vector_store_idx %arg8[%add3A_505], %get3A_321 masked %lt3A_507 : memref<51104xf32, #tpu.memory_space<vmem>>[vector<16xi32>], vector<16xf32>, vector<16xi1>
        %add3A_508 = arith.addi %sub3A_480, %add3A_359 : vector<16xi32>
        %bitcast3A_509 = vector.bitcast %add3A_508 : vector<16xi32> to vector<16xi32>
        %lt3A_510 = arith.cmpi ult, %bitcast3A_509, %broadcast_in_dim3A_370 : vector<16xi32>
        tpu.vector_store_idx %arg8[%add3A_508], %get3A_323 masked %lt3A_510 : memref<51104xf32, #tpu.memory_space<vmem>>[vector<16xi32>], vector<16xf32>, vector<16xi1>
        %add3A_511 = arith.addi %sub3A_480, %add3A_362 : vector<16xi32>
        %bitcast3A_512 = vector.bitcast %add3A_511 : vector<16xi32> to vector<16xi32>
        %lt3A_513 = arith.cmpi ult, %bitcast3A_512, %broadcast_in_dim3A_370 : vector<16xi32>
        tpu.vector_store_idx %arg8[%add3A_511], %get3A_325 masked %lt3A_513 : memref<51104xf32, #tpu.memory_space<vmem>>[vector<16xi32>], vector<16xf32>, vector<16xi1>
        %add3A_514 = arith.addi %sub3A_480, %add3A_365 : vector<16xi32>
        %bitcast3A_515 = vector.bitcast %add3A_514 : vector<16xi32> to vector<16xi32>
        %lt3A_516 = arith.cmpi ult, %bitcast3A_515, %broadcast_in_dim3A_370 : vector<16xi32>
        tpu.vector_store_idx %arg8[%add3A_514], %get3A_327 masked %lt3A_516 : memref<51104xf32, #tpu.memory_space<vmem>>[vector<16xi32>], vector<16xf32>, vector<16xi1>
        %add3A_517 = arith.addi %sub3A_480, %add3A_368 : vector<16xi32>
        %bitcast3A_518 = vector.bitcast %add3A_517 : vector<16xi32> to vector<16xi32>
        %lt3A_519 = arith.cmpi ult, %bitcast3A_518, %broadcast_in_dim3A_370 : vector<16xi32>
        tpu.vector_store_idx %arg8[%add3A_517], %get3A_329 masked %lt3A_519 : memref<51104xf32, #tpu.memory_space<vmem>>[vector<16xi32>], vector<16xf32>, vector<16xi1>
        %add3A_520 = arith.constant 2 : i32
        %add3A_521 = arith.addi %add3A_428, %add3A_520 : i32
        %min3A_522 = arith.constant 1279 : i32
        %min3A_523 = arith.minsi %add3A_521, %min3A_522 : i32
        %broadcast_in_dim3A_524 = vector.broadcast %min3A_523 : i32 to vector<16xi32>
        %gather3A_525 = tpu.vector_load_idx %arg5[%broadcast_in_dim3A_524] : memref<1280xi32, #tpu.memory_space<vmem>>[vector<16xi32>], vector<16xi32>,
        %sub3A_526 = arith.subi %gather3A_525, %broadcast_in_dim3A : vector<16xi32>
        %add3A_527 = arith.addi %sub3A_526, %add3A_332 : vector<16xi32>
        %bitcast3A_528 = vector.bitcast %add3A_527 : vector<16xi32> to vector<16xi32>
        %lt3A_529 = arith.cmpi ult, %bitcast3A_528, %broadcast_in_dim3A_370 : vector<16xi32>
        tpu.vector_store_idx %arg8[%add3A_527], %get3A_305 masked %lt3A_529 : memref<51104xf32, #tpu.memory_space<vmem>>[vector<16xi32>], vector<16xf32>, vector<16xi1>
        %add3A_530 = arith.addi %sub3A_526, %add3A_335 : vector<16xi32>
        %bitcast3A_531 = vector.bitcast %add3A_530 : vector<16xi32> to vector<16xi32>
        %lt3A_532 = arith.cmpi ult, %bitcast3A_531, %broadcast_in_dim3A_370 : vector<16xi32>
        tpu.vector_store_idx %arg8[%add3A_530], %get3A_307 masked %lt3A_532 : memref<51104xf32, #tpu.memory_space<vmem>>[vector<16xi32>], vector<16xf32>, vector<16xi1>
        %add3A_533 = arith.addi %sub3A_526, %add3A_338 : vector<16xi32>
        %bitcast3A_534 = vector.bitcast %add3A_533 : vector<16xi32> to vector<16xi32>
        %lt3A_535 = arith.cmpi ult, %bitcast3A_534, %broadcast_in_dim3A_370 : vector<16xi32>
        tpu.vector_store_idx %arg8[%add3A_533], %get3A_309 masked %lt3A_535 : memref<51104xf32, #tpu.memory_space<vmem>>[vector<16xi32>], vector<16xf32>, vector<16xi1>
        %add3A_536 = arith.addi %sub3A_526, %add3A_341 : vector<16xi32>
        %bitcast3A_537 = vector.bitcast %add3A_536 : vector<16xi32> to vector<16xi32>
        %lt3A_538 = arith.cmpi ult, %bitcast3A_537, %broadcast_in_dim3A_370 : vector<16xi32>
        tpu.vector_store_idx %arg8[%add3A_536], %get3A_311 masked %lt3A_538 : memref<51104xf32, #tpu.memory_space<vmem>>[vector<16xi32>], vector<16xf32>, vector<16xi1>
        %add3A_539 = arith.addi %sub3A_526, %add3A_344 : vector<16xi32>
        %bitcast3A_540 = vector.bitcast %add3A_539 : vector<16xi32> to vector<16xi32>
        %lt3A_541 = arith.cmpi ult, %bitcast3A_540, %broadcast_in_dim3A_370 : vector<16xi32>
        tpu.vector_store_idx %arg8[%add3A_539], %get3A_313 masked %lt3A_541 : memref<51104xf32, #tpu.memory_space<vmem>>[vector<16xi32>], vector<16xf32>, vector<16xi1>
        %add3A_542 = arith.addi %sub3A_526, %add3A_347 : vector<16xi32>
        %bitcast3A_543 = vector.bitcast %add3A_542 : vector<16xi32> to vector<16xi32>
        %lt3A_544 = arith.cmpi ult, %bitcast3A_543, %broadcast_in_dim3A_370 : vector<16xi32>
        tpu.vector_store_idx %arg8[%add3A_542], %get3A_315 masked %lt3A_544 : memref<51104xf32, #tpu.memory_space<vmem>>[vector<16xi32>], vector<16xf32>, vector<16xi1>
        %add3A_545 = arith.addi %sub3A_526, %add3A_350 : vector<16xi32>
        %bitcast3A_546 = vector.bitcast %add3A_545 : vector<16xi32> to vector<16xi32>
        %lt3A_547 = arith.cmpi ult, %bitcast3A_546, %broadcast_in_dim3A_370 : vector<16xi32>
        tpu.vector_store_idx %arg8[%add3A_545], %get3A_317 masked %lt3A_547 : memref<51104xf32, #tpu.memory_space<vmem>>[vector<16xi32>], vector<16xf32>, vector<16xi1>
        %add3A_548 = arith.addi %sub3A_526, %add3A_353 : vector<16xi32>
        %bitcast3A_549 = vector.bitcast %add3A_548 : vector<16xi32> to vector<16xi32>
        %lt3A_550 = arith.cmpi ult, %bitcast3A_549, %broadcast_in_dim3A_370 : vector<16xi32>
        tpu.vector_store_idx %arg8[%add3A_548], %get3A_319 masked %lt3A_550 : memref<51104xf32, #tpu.memory_space<vmem>>[vector<16xi32>], vector<16xf32>, vector<16xi1>
        %add3A_551 = arith.addi %sub3A_526, %add3A_356 : vector<16xi32>
        %bitcast3A_552 = vector.bitcast %add3A_551 : vector<16xi32> to vector<16xi32>
        %lt3A_553 = arith.cmpi ult, %bitcast3A_552, %broadcast_in_dim3A_370 : vector<16xi32>
        tpu.vector_store_idx %arg8[%add3A_551], %get3A_321 masked %lt3A_553 : memref<51104xf32, #tpu.memory_space<vmem>>[vector<16xi32>], vector<16xf32>, vector<16xi1>
        %add3A_554 = arith.addi %sub3A_526, %add3A_359 : vector<16xi32>
        %bitcast3A_555 = vector.bitcast %add3A_554 : vector<16xi32> to vector<16xi32>
        %lt3A_556 = arith.cmpi ult, %bitcast3A_555, %broadcast_in_dim3A_370 : vector<16xi32>
        tpu.vector_store_idx %arg8[%add3A_554], %get3A_323 masked %lt3A_556 : memref<51104xf32, #tpu.memory_space<vmem>>[vector<16xi32>], vector<16xf32>, vector<16xi1>
        %add3A_557 = arith.addi %sub3A_526, %add3A_362 : vector<16xi32>
        %bitcast3A_558 = vector.bitcast %add3A_557 : vector<16xi32> to vector<16xi32>
        %lt3A_559 = arith.cmpi ult, %bitcast3A_558, %broadcast_in_dim3A_370 : vector<16xi32>
        tpu.vector_store_idx %arg8[%add3A_557], %get3A_325 masked %lt3A_559 : memref<51104xf32, #tpu.memory_space<vmem>>[vector<16xi32>], vector<16xf32>, vector<16xi1>
        %add3A_560 = arith.addi %sub3A_526, %add3A_365 : vector<16xi32>
        %bitcast3A_561 = vector.bitcast %add3A_560 : vector<16xi32> to vector<16xi32>
        %lt3A_562 = arith.cmpi ult, %bitcast3A_561, %broadcast_in_dim3A_370 : vector<16xi32>
        tpu.vector_store_idx %arg8[%add3A_560], %get3A_327 masked %lt3A_562 : memref<51104xf32, #tpu.memory_space<vmem>>[vector<16xi32>], vector<16xf32>, vector<16xi1>
        %add3A_563 = arith.addi %sub3A_526, %add3A_368 : vector<16xi32>
        %bitcast3A_564 = vector.bitcast %add3A_563 : vector<16xi32> to vector<16xi32>
        %lt3A_565 = arith.cmpi ult, %bitcast3A_564, %broadcast_in_dim3A_370 : vector<16xi32>
        tpu.vector_store_idx %arg8[%add3A_563], %get3A_329 masked %lt3A_565 : memref<51104xf32, #tpu.memory_space<vmem>>[vector<16xi32>], vector<16xf32>, vector<16xi1>
        %add3A_566 = arith.constant 3 : i32
        %add3A_567 = arith.addi %add3A_428, %add3A_566 : i32
        %min3A_568 = arith.constant 1279 : i32
        %min3A_569 = arith.minsi %add3A_567, %min3A_568 : i32
        %broadcast_in_dim3A_570 = vector.broadcast %min3A_569 : i32 to vector<16xi32>
        %gather3A_571 = tpu.vector_load_idx %arg5[%broadcast_in_dim3A_570] : memref<1280xi32, #tpu.memory_space<vmem>>[vector<16xi32>], vector<16xi32>,
        %sub3A_572 = arith.subi %gather3A_571, %broadcast_in_dim3A : vector<16xi32>
        %add3A_573 = arith.addi %sub3A_572, %add3A_332 : vector<16xi32>
        %bitcast3A_574 = vector.bitcast %add3A_573 : vector<16xi32> to vector<16xi32>
        %lt3A_575 = arith.cmpi ult, %bitcast3A_574, %broadcast_in_dim3A_370 : vector<16xi32>
        tpu.vector_store_idx %arg8[%add3A_573], %get3A_305 masked %lt3A_575 : memref<51104xf32, #tpu.memory_space<vmem>>[vector<16xi32>], vector<16xf32>, vector<16xi1>
        %add3A_576 = arith.addi %sub3A_572, %add3A_335 : vector<16xi32>
        %bitcast3A_577 = vector.bitcast %add3A_576 : vector<16xi32> to vector<16xi32>
        %lt3A_578 = arith.cmpi ult, %bitcast3A_577, %broadcast_in_dim3A_370 : vector<16xi32>
        tpu.vector_store_idx %arg8[%add3A_576], %get3A_307 masked %lt3A_578 : memref<51104xf32, #tpu.memory_space<vmem>>[vector<16xi32>], vector<16xf32>, vector<16xi1>
        %add3A_579 = arith.addi %sub3A_572, %add3A_338 : vector<16xi32>
        %bitcast3A_580 = vector.bitcast %add3A_579 : vector<16xi32> to vector<16xi32>
        %lt3A_581 = arith.cmpi ult, %bitcast3A_580, %broadcast_in_dim3A_370 : vector<16xi32>
        tpu.vector_store_idx %arg8[%add3A_579], %get3A_309 masked %lt3A_581 : memref<51104xf32, #tpu.memory_space<vmem>>[vector<16xi32>], vector<16xf32>, vector<16xi1>
        %add3A_582 = arith.addi %sub3A_572, %add3A_341 : vector<16xi32>
        %bitcast3A_583 = vector.bitcast %add3A_582 : vector<16xi32> to vector<16xi32>
        %lt3A_584 = arith.cmpi ult, %bitcast3A_583, %broadcast_in_dim3A_370 : vector<16xi32>
        tpu.vector_store_idx %arg8[%add3A_582], %get3A_311 masked %lt3A_584 : memref<51104xf32, #tpu.memory_space<vmem>>[vector<16xi32>], vector<16xf32>, vector<16xi1>
        %add3A_585 = arith.addi %sub3A_572, %add3A_344 : vector<16xi32>
        %bitcast3A_586 = vector.bitcast %add3A_585 : vector<16xi32> to vector<16xi32>
        %lt3A_587 = arith.cmpi ult, %bitcast3A_586, %broadcast_in_dim3A_370 : vector<16xi32>
        tpu.vector_store_idx %arg8[%add3A_585], %get3A_313 masked %lt3A_587 : memref<51104xf32, #tpu.memory_space<vmem>>[vector<16xi32>], vector<16xf32>, vector<16xi1>
        %add3A_588 = arith.addi %sub3A_572, %add3A_347 : vector<16xi32>
        %bitcast3A_589 = vector.bitcast %add3A_588 : vector<16xi32> to vector<16xi32>
        %lt3A_590 = arith.cmpi ult, %bitcast3A_589, %broadcast_in_dim3A_370 : vector<16xi32>
        tpu.vector_store_idx %arg8[%add3A_588], %get3A_315 masked %lt3A_590 : memref<51104xf32, #tpu.memory_space<vmem>>[vector<16xi32>], vector<16xf32>, vector<16xi1>
        %add3A_591 = arith.addi %sub3A_572, %add3A_350 : vector<16xi32>
        %bitcast3A_592 = vector.bitcast %add3A_591 : vector<16xi32> to vector<16xi32>
        %lt3A_593 = arith.cmpi ult, %bitcast3A_592, %broadcast_in_dim3A_370 : vector<16xi32>
        tpu.vector_store_idx %arg8[%add3A_591], %get3A_317 masked %lt3A_593 : memref<51104xf32, #tpu.memory_space<vmem>>[vector<16xi32>], vector<16xf32>, vector<16xi1>
        %add3A_594 = arith.addi %sub3A_572, %add3A_353 : vector<16xi32>
        %bitcast3A_595 = vector.bitcast %add3A_594 : vector<16xi32> to vector<16xi32>
        %lt3A_596 = arith.cmpi ult, %bitcast3A_595, %broadcast_in_dim3A_370 : vector<16xi32>
        tpu.vector_store_idx %arg8[%add3A_594], %get3A_319 masked %lt3A_596 : memref<51104xf32, #tpu.memory_space<vmem>>[vector<16xi32>], vector<16xf32>, vector<16xi1>
        %add3A_597 = arith.addi %sub3A_572, %add3A_356 : vector<16xi32>
        %bitcast3A_598 = vector.bitcast %add3A_597 : vector<16xi32> to vector<16xi32>
        %lt3A_599 = arith.cmpi ult, %bitcast3A_598, %broadcast_in_dim3A_370 : vector<16xi32>
        tpu.vector_store_idx %arg8[%add3A_597], %get3A_321 masked %lt3A_599 : memref<51104xf32, #tpu.memory_space<vmem>>[vector<16xi32>], vector<16xf32>, vector<16xi1>
        %add3A_600 = arith.addi %sub3A_572, %add3A_359 : vector<16xi32>
        %bitcast3A_601 = vector.bitcast %add3A_600 : vector<16xi32> to vector<16xi32>
        %lt3A_602 = arith.cmpi ult, %bitcast3A_601, %broadcast_in_dim3A_370 : vector<16xi32>
        tpu.vector_store_idx %arg8[%add3A_600], %get3A_323 masked %lt3A_602 : memref<51104xf32, #tpu.memory_space<vmem>>[vector<16xi32>], vector<16xf32>, vector<16xi1>
        %add3A_603 = arith.addi %sub3A_572, %add3A_362 : vector<16xi32>
        %bitcast3A_604 = vector.bitcast %add3A_603 : vector<16xi32> to vector<16xi32>
        %lt3A_605 = arith.cmpi ult, %bitcast3A_604, %broadcast_in_dim3A_370 : vector<16xi32>
        tpu.vector_store_idx %arg8[%add3A_603], %get3A_325 masked %lt3A_605 : memref<51104xf32, #tpu.memory_space<vmem>>[vector<16xi32>], vector<16xf32>, vector<16xi1>
        %add3A_606 = arith.addi %sub3A_572, %add3A_365 : vector<16xi32>
        %bitcast3A_607 = vector.bitcast %add3A_606 : vector<16xi32> to vector<16xi32>
        %lt3A_608 = arith.cmpi ult, %bitcast3A_607, %broadcast_in_dim3A_370 : vector<16xi32>
        tpu.vector_store_idx %arg8[%add3A_606], %get3A_327 masked %lt3A_608 : memref<51104xf32, #tpu.memory_space<vmem>>[vector<16xi32>], vector<16xf32>, vector<16xi1>
        %add3A_609 = arith.addi %sub3A_572, %add3A_368 : vector<16xi32>
        %bitcast3A_610 = vector.bitcast %add3A_609 : vector<16xi32> to vector<16xi32>
        %lt3A_611 = arith.cmpi ult, %bitcast3A_610, %broadcast_in_dim3A_370 : vector<16xi32>
        tpu.vector_store_idx %arg8[%add3A_609], %get3A_329 masked %lt3A_611 : memref<51104xf32, #tpu.memory_space<vmem>>[vector<16xi32>], vector<16xf32>, vector<16xi1>
        %add3A_612 = arith.constant 4 : i32
        %add3A_613 = arith.addi %add3A_428, %add3A_612 : i32
        %min3A_614 = arith.constant 1279 : i32
        %min3A_615 = arith.minsi %add3A_613, %min3A_614 : i32
        %broadcast_in_dim3A_616 = vector.broadcast %min3A_615 : i32 to vector<16xi32>
        %gather3A_617 = tpu.vector_load_idx %arg5[%broadcast_in_dim3A_616] : memref<1280xi32, #tpu.memory_space<vmem>>[vector<16xi32>], vector<16xi32>,
        %sub3A_618 = arith.subi %gather3A_617, %broadcast_in_dim3A : vector<16xi32>
        %add3A_619 = arith.addi %sub3A_618, %add3A_332 : vector<16xi32>
        %bitcast3A_620 = vector.bitcast %add3A_619 : vector<16xi32> to vector<16xi32>
        %lt3A_621 = arith.cmpi ult, %bitcast3A_620, %broadcast_in_dim3A_370 : vector<16xi32>
        tpu.vector_store_idx %arg8[%add3A_619], %get3A_305 masked %lt3A_621 : memref<51104xf32, #tpu.memory_space<vmem>>[vector<16xi32>], vector<16xf32>, vector<16xi1>
        %add3A_622 = arith.addi %sub3A_618, %add3A_335 : vector<16xi32>
        %bitcast3A_623 = vector.bitcast %add3A_622 : vector<16xi32> to vector<16xi32>
        %lt3A_624 = arith.cmpi ult, %bitcast3A_623, %broadcast_in_dim3A_370 : vector<16xi32>
        tpu.vector_store_idx %arg8[%add3A_622], %get3A_307 masked %lt3A_624 : memref<51104xf32, #tpu.memory_space<vmem>>[vector<16xi32>], vector<16xf32>, vector<16xi1>
        %add3A_625 = arith.addi %sub3A_618, %add3A_338 : vector<16xi32>
        %bitcast3A_626 = vector.bitcast %add3A_625 : vector<16xi32> to vector<16xi32>
        %lt3A_627 = arith.cmpi ult, %bitcast3A_626, %broadcast_in_dim3A_370 : vector<16xi32>
        tpu.vector_store_idx %arg8[%add3A_625], %get3A_309 masked %lt3A_627 : memref<51104xf32, #tpu.memory_space<vmem>>[vector<16xi32>], vector<16xf32>, vector<16xi1>
        %add3A_628 = arith.addi %sub3A_618, %add3A_341 : vector<16xi32>
        %bitcast3A_629 = vector.bitcast %add3A_628 : vector<16xi32> to vector<16xi32>
        %lt3A_630 = arith.cmpi ult, %bitcast3A_629, %broadcast_in_dim3A_370 : vector<16xi32>
        tpu.vector_store_idx %arg8[%add3A_628], %get3A_311 masked %lt3A_630 : memref<51104xf32, #tpu.memory_space<vmem>>[vector<16xi32>], vector<16xf32>, vector<16xi1>
        %add3A_631 = arith.addi %sub3A_618, %add3A_344 : vector<16xi32>
        %bitcast3A_632 = vector.bitcast %add3A_631 : vector<16xi32> to vector<16xi32>
        %lt3A_633 = arith.cmpi ult, %bitcast3A_632, %broadcast_in_dim3A_370 : vector<16xi32>
        tpu.vector_store_idx %arg8[%add3A_631], %get3A_313 masked %lt3A_633 : memref<51104xf32, #tpu.memory_space<vmem>>[vector<16xi32>], vector<16xf32>, vector<16xi1>
        %add3A_634 = arith.addi %sub3A_618, %add3A_347 : vector<16xi32>
        %bitcast3A_635 = vector.bitcast %add3A_634 : vector<16xi32> to vector<16xi32>
        %lt3A_636 = arith.cmpi ult, %bitcast3A_635, %broadcast_in_dim3A_370 : vector<16xi32>
        tpu.vector_store_idx %arg8[%add3A_634], %get3A_315 masked %lt3A_636 : memref<51104xf32, #tpu.memory_space<vmem>>[vector<16xi32>], vector<16xf32>, vector<16xi1>
        %add3A_637 = arith.addi %sub3A_618, %add3A_350 : vector<16xi32>
        %bitcast3A_638 = vector.bitcast %add3A_637 : vector<16xi32> to vector<16xi32>
        %lt3A_639 = arith.cmpi ult, %bitcast3A_638, %broadcast_in_dim3A_370 : vector<16xi32>
        tpu.vector_store_idx %arg8[%add3A_637], %get3A_317 masked %lt3A_639 : memref<51104xf32, #tpu.memory_space<vmem>>[vector<16xi32>], vector<16xf32>, vector<16xi1>
        %add3A_640 = arith.addi %sub3A_618, %add3A_353 : vector<16xi32>
        %bitcast3A_641 = vector.bitcast %add3A_640 : vector<16xi32> to vector<16xi32>
        %lt3A_642 = arith.cmpi ult, %bitcast3A_641, %broadcast_in_dim3A_370 : vector<16xi32>
        tpu.vector_store_idx %arg8[%add3A_640], %get3A_319 masked %lt3A_642 : memref<51104xf32, #tpu.memory_space<vmem>>[vector<16xi32>], vector<16xf32>, vector<16xi1>
        %add3A_643 = arith.addi %sub3A_618, %add3A_356 : vector<16xi32>
        %bitcast3A_644 = vector.bitcast %add3A_643 : vector<16xi32> to vector<16xi32>
        %lt3A_645 = arith.cmpi ult, %bitcast3A_644, %broadcast_in_dim3A_370 : vector<16xi32>
        tpu.vector_store_idx %arg8[%add3A_643], %get3A_321 masked %lt3A_645 : memref<51104xf32, #tpu.memory_space<vmem>>[vector<16xi32>], vector<16xf32>, vector<16xi1>
        %add3A_646 = arith.addi %sub3A_618, %add3A_359 : vector<16xi32>
        %bitcast3A_647 = vector.bitcast %add3A_646 : vector<16xi32> to vector<16xi32>
        %lt3A_648 = arith.cmpi ult, %bitcast3A_647, %broadcast_in_dim3A_370 : vector<16xi32>
        tpu.vector_store_idx %arg8[%add3A_646], %get3A_323 masked %lt3A_648 : memref<51104xf32, #tpu.memory_space<vmem>>[vector<16xi32>], vector<16xf32>, vector<16xi1>
        %add3A_649 = arith.addi %sub3A_618, %add3A_362 : vector<16xi32>
        %bitcast3A_650 = vector.bitcast %add3A_649 : vector<16xi32> to vector<16xi32>
        %lt3A_651 = arith.cmpi ult, %bitcast3A_650, %broadcast_in_dim3A_370 : vector<16xi32>
        tpu.vector_store_idx %arg8[%add3A_649], %get3A_325 masked %lt3A_651 : memref<51104xf32, #tpu.memory_space<vmem>>[vector<16xi32>], vector<16xf32>, vector<16xi1>
        %add3A_652 = arith.addi %sub3A_618, %add3A_365 : vector<16xi32>
        %bitcast3A_653 = vector.bitcast %add3A_652 : vector<16xi32> to vector<16xi32>
        %lt3A_654 = arith.cmpi ult, %bitcast3A_653, %broadcast_in_dim3A_370 : vector<16xi32>
        tpu.vector_store_idx %arg8[%add3A_652], %get3A_327 masked %lt3A_654 : memref<51104xf32, #tpu.memory_space<vmem>>[vector<16xi32>], vector<16xf32>, vector<16xi1>
        %add3A_655 = arith.addi %sub3A_618, %add3A_368 : vector<16xi32>
        %bitcast3A_656 = vector.bitcast %add3A_655 : vector<16xi32> to vector<16xi32>
        %lt3A_657 = arith.cmpi ult, %bitcast3A_656, %broadcast_in_dim3A_370 : vector<16xi32>
        tpu.vector_store_idx %arg8[%add3A_655], %get3A_329 masked %lt3A_657 : memref<51104xf32, #tpu.memory_space<vmem>>[vector<16xi32>], vector<16xf32>, vector<16xi1>
        %add3A_658 = arith.constant 5 : i32
        %add3A_659 = arith.addi %add3A_428, %add3A_658 : i32
        %min3A_660 = arith.constant 1279 : i32
        %min3A_661 = arith.minsi %add3A_659, %min3A_660 : i32
        %broadcast_in_dim3A_662 = vector.broadcast %min3A_661 : i32 to vector<16xi32>
        %gather3A_663 = tpu.vector_load_idx %arg5[%broadcast_in_dim3A_662] : memref<1280xi32, #tpu.memory_space<vmem>>[vector<16xi32>], vector<16xi32>,
        %sub3A_664 = arith.subi %gather3A_663, %broadcast_in_dim3A : vector<16xi32>
        %add3A_665 = arith.addi %sub3A_664, %add3A_332 : vector<16xi32>
        %bitcast3A_666 = vector.bitcast %add3A_665 : vector<16xi32> to vector<16xi32>
        %lt3A_667 = arith.cmpi ult, %bitcast3A_666, %broadcast_in_dim3A_370 : vector<16xi32>
        tpu.vector_store_idx %arg8[%add3A_665], %get3A_305 masked %lt3A_667 : memref<51104xf32, #tpu.memory_space<vmem>>[vector<16xi32>], vector<16xf32>, vector<16xi1>
        %add3A_668 = arith.addi %sub3A_664, %add3A_335 : vector<16xi32>
        %bitcast3A_669 = vector.bitcast %add3A_668 : vector<16xi32> to vector<16xi32>
        %lt3A_670 = arith.cmpi ult, %bitcast3A_669, %broadcast_in_dim3A_370 : vector<16xi32>
        tpu.vector_store_idx %arg8[%add3A_668], %get3A_307 masked %lt3A_670 : memref<51104xf32, #tpu.memory_space<vmem>>[vector<16xi32>], vector<16xf32>, vector<16xi1>
        %add3A_671 = arith.addi %sub3A_664, %add3A_338 : vector<16xi32>
        %bitcast3A_672 = vector.bitcast %add3A_671 : vector<16xi32> to vector<16xi32>
        %lt3A_673 = arith.cmpi ult, %bitcast3A_672, %broadcast_in_dim3A_370 : vector<16xi32>
        tpu.vector_store_idx %arg8[%add3A_671], %get3A_309 masked %lt3A_673 : memref<51104xf32, #tpu.memory_space<vmem>>[vector<16xi32>], vector<16xf32>, vector<16xi1>
        %add3A_674 = arith.addi %sub3A_664, %add3A_341 : vector<16xi32>
        %bitcast3A_675 = vector.bitcast %add3A_674 : vector<16xi32> to vector<16xi32>
        %lt3A_676 = arith.cmpi ult, %bitcast3A_675, %broadcast_in_dim3A_370 : vector<16xi32>
        tpu.vector_store_idx %arg8[%add3A_674], %get3A_311 masked %lt3A_676 : memref<51104xf32, #tpu.memory_space<vmem>>[vector<16xi32>], vector<16xf32>, vector<16xi1>
        %add3A_677 = arith.addi %sub3A_664, %add3A_344 : vector<16xi32>
        %bitcast3A_678 = vector.bitcast %add3A_677 : vector<16xi32> to vector<16xi32>
        %lt3A_679 = arith.cmpi ult, %bitcast3A_678, %broadcast_in_dim3A_370 : vector<16xi32>
        tpu.vector_store_idx %arg8[%add3A_677], %get3A_313 masked %lt3A_679 : memref<51104xf32, #tpu.memory_space<vmem>>[vector<16xi32>], vector<16xf32>, vector<16xi1>
        %add3A_680 = arith.addi %sub3A_664, %add3A_347 : vector<16xi32>
        %bitcast3A_681 = vector.bitcast %add3A_680 : vector<16xi32> to vector<16xi32>
        %lt3A_682 = arith.cmpi ult, %bitcast3A_681, %broadcast_in_dim3A_370 : vector<16xi32>
        tpu.vector_store_idx %arg8[%add3A_680], %get3A_315 masked %lt3A_682 : memref<51104xf32, #tpu.memory_space<vmem>>[vector<16xi32>], vector<16xf32>, vector<16xi1>
        %add3A_683 = arith.addi %sub3A_664, %add3A_350 : vector<16xi32>
        %bitcast3A_684 = vector.bitcast %add3A_683 : vector<16xi32> to vector<16xi32>
        %lt3A_685 = arith.cmpi ult, %bitcast3A_684, %broadcast_in_dim3A_370 : vector<16xi32>
        tpu.vector_store_idx %arg8[%add3A_683], %get3A_317 masked %lt3A_685 : memref<51104xf32, #tpu.memory_space<vmem>>[vector<16xi32>], vector<16xf32>, vector<16xi1>
        %add3A_686 = arith.addi %sub3A_664, %add3A_353 : vector<16xi32>
        %bitcast3A_687 = vector.bitcast %add3A_686 : vector<16xi32> to vector<16xi32>
        %lt3A_688 = arith.cmpi ult, %bitcast3A_687, %broadcast_in_dim3A_370 : vector<16xi32>
        tpu.vector_store_idx %arg8[%add3A_686], %get3A_319 masked %lt3A_688 : memref<51104xf32, #tpu.memory_space<vmem>>[vector<16xi32>], vector<16xf32>, vector<16xi1>
        %add3A_689 = arith.addi %sub3A_664, %add3A_356 : vector<16xi32>
        %bitcast3A_690 = vector.bitcast %add3A_689 : vector<16xi32> to vector<16xi32>
        %lt3A_691 = arith.cmpi ult, %bitcast3A_690, %broadcast_in_dim3A_370 : vector<16xi32>
        tpu.vector_store_idx %arg8[%add3A_689], %get3A_321 masked %lt3A_691 : memref<51104xf32, #tpu.memory_space<vmem>>[vector<16xi32>], vector<16xf32>, vector<16xi1>
        %add3A_692 = arith.addi %sub3A_664, %add3A_359 : vector<16xi32>
        %bitcast3A_693 = vector.bitcast %add3A_692 : vector<16xi32> to vector<16xi32>
        %lt3A_694 = arith.cmpi ult, %bitcast3A_693, %broadcast_in_dim3A_370 : vector<16xi32>
        tpu.vector_store_idx %arg8[%add3A_692], %get3A_323 masked %lt3A_694 : memref<51104xf32, #tpu.memory_space<vmem>>[vector<16xi32>], vector<16xf32>, vector<16xi1>
        %add3A_695 = arith.addi %sub3A_664, %add3A_362 : vector<16xi32>
        %bitcast3A_696 = vector.bitcast %add3A_695 : vector<16xi32> to vector<16xi32>
        %lt3A_697 = arith.cmpi ult, %bitcast3A_696, %broadcast_in_dim3A_370 : vector<16xi32>
        tpu.vector_store_idx %arg8[%add3A_695], %get3A_325 masked %lt3A_697 : memref<51104xf32, #tpu.memory_space<vmem>>[vector<16xi32>], vector<16xf32>, vector<16xi1>
        %add3A_698 = arith.addi %sub3A_664, %add3A_365 : vector<16xi32>
        %bitcast3A_699 = vector.bitcast %add3A_698 : vector<16xi32> to vector<16xi32>
        %lt3A_700 = arith.cmpi ult, %bitcast3A_699, %broadcast_in_dim3A_370 : vector<16xi32>
        tpu.vector_store_idx %arg8[%add3A_698], %get3A_327 masked %lt3A_700 : memref<51104xf32, #tpu.memory_space<vmem>>[vector<16xi32>], vector<16xf32>, vector<16xi1>
        %add3A_701 = arith.addi %sub3A_664, %add3A_368 : vector<16xi32>
        %bitcast3A_702 = vector.bitcast %add3A_701 : vector<16xi32> to vector<16xi32>
        %lt3A_703 = arith.cmpi ult, %bitcast3A_702, %broadcast_in_dim3A_370 : vector<16xi32>
        tpu.vector_store_idx %arg8[%add3A_701], %get3A_329 masked %lt3A_703 : memref<51104xf32, #tpu.memory_space<vmem>>[vector<16xi32>], vector<16xf32>, vector<16xi1>
        %add3A_704 = arith.constant 6 : i32
        %add3A_705 = arith.addi %add3A_428, %add3A_704 : i32
        %min3A_706 = arith.constant 1279 : i32
        %min3A_707 = arith.minsi %add3A_705, %min3A_706 : i32
        %broadcast_in_dim3A_708 = vector.broadcast %min3A_707 : i32 to vector<16xi32>
        %gather3A_709 = tpu.vector_load_idx %arg5[%broadcast_in_dim3A_708] : memref<1280xi32, #tpu.memory_space<vmem>>[vector<16xi32>], vector<16xi32>,
        %sub3A_710 = arith.subi %gather3A_709, %broadcast_in_dim3A : vector<16xi32>
        %add3A_711 = arith.addi %sub3A_710, %add3A_332 : vector<16xi32>
        %bitcast3A_712 = vector.bitcast %add3A_711 : vector<16xi32> to vector<16xi32>
        %lt3A_713 = arith.cmpi ult, %bitcast3A_712, %broadcast_in_dim3A_370 : vector<16xi32>
        tpu.vector_store_idx %arg8[%add3A_711], %get3A_305 masked %lt3A_713 : memref<51104xf32, #tpu.memory_space<vmem>>[vector<16xi32>], vector<16xf32>, vector<16xi1>
        %add3A_714 = arith.addi %sub3A_710, %add3A_335 : vector<16xi32>
        %bitcast3A_715 = vector.bitcast %add3A_714 : vector<16xi32> to vector<16xi32>
        %lt3A_716 = arith.cmpi ult, %bitcast3A_715, %broadcast_in_dim3A_370 : vector<16xi32>
        tpu.vector_store_idx %arg8[%add3A_714], %get3A_307 masked %lt3A_716 : memref<51104xf32, #tpu.memory_space<vmem>>[vector<16xi32>], vector<16xf32>, vector<16xi1>
        %add3A_717 = arith.addi %sub3A_710, %add3A_338 : vector<16xi32>
        %bitcast3A_718 = vector.bitcast %add3A_717 : vector<16xi32> to vector<16xi32>
        %lt3A_719 = arith.cmpi ult, %bitcast3A_718, %broadcast_in_dim3A_370 : vector<16xi32>
        tpu.vector_store_idx %arg8[%add3A_717], %get3A_309 masked %lt3A_719 : memref<51104xf32, #tpu.memory_space<vmem>>[vector<16xi32>], vector<16xf32>, vector<16xi1>
        %add3A_720 = arith.addi %sub3A_710, %add3A_341 : vector<16xi32>
        %bitcast3A_721 = vector.bitcast %add3A_720 : vector<16xi32> to vector<16xi32>
        %lt3A_722 = arith.cmpi ult, %bitcast3A_721, %broadcast_in_dim3A_370 : vector<16xi32>
        tpu.vector_store_idx %arg8[%add3A_720], %get3A_311 masked %lt3A_722 : memref<51104xf32, #tpu.memory_space<vmem>>[vector<16xi32>], vector<16xf32>, vector<16xi1>
        %add3A_723 = arith.addi %sub3A_710, %add3A_344 : vector<16xi32>
        %bitcast3A_724 = vector.bitcast %add3A_723 : vector<16xi32> to vector<16xi32>
        %lt3A_725 = arith.cmpi ult, %bitcast3A_724, %broadcast_in_dim3A_370 : vector<16xi32>
        tpu.vector_store_idx %arg8[%add3A_723], %get3A_313 masked %lt3A_725 : memref<51104xf32, #tpu.memory_space<vmem>>[vector<16xi32>], vector<16xf32>, vector<16xi1>
        %add3A_726 = arith.addi %sub3A_710, %add3A_347 : vector<16xi32>
        %bitcast3A_727 = vector.bitcast %add3A_726 : vector<16xi32> to vector<16xi32>
        %lt3A_728 = arith.cmpi ult, %bitcast3A_727, %broadcast_in_dim3A_370 : vector<16xi32>
        tpu.vector_store_idx %arg8[%add3A_726], %get3A_315 masked %lt3A_728 : memref<51104xf32, #tpu.memory_space<vmem>>[vector<16xi32>], vector<16xf32>, vector<16xi1>
        %add3A_729 = arith.addi %sub3A_710, %add3A_350 : vector<16xi32>
        %bitcast3A_730 = vector.bitcast %add3A_729 : vector<16xi32> to vector<16xi32>
        %lt3A_731 = arith.cmpi ult, %bitcast3A_730, %broadcast_in_dim3A_370 : vector<16xi32>
        tpu.vector_store_idx %arg8[%add3A_729], %get3A_317 masked %lt3A_731 : memref<51104xf32, #tpu.memory_space<vmem>>[vector<16xi32>], vector<16xf32>, vector<16xi1>
        %add3A_732 = arith.addi %sub3A_710, %add3A_353 : vector<16xi32>
        %bitcast3A_733 = vector.bitcast %add3A_732 : vector<16xi32> to vector<16xi32>
        %lt3A_734 = arith.cmpi ult, %bitcast3A_733, %broadcast_in_dim3A_370 : vector<16xi32>
        tpu.vector_store_idx %arg8[%add3A_732], %get3A_319 masked %lt3A_734 : memref<51104xf32, #tpu.memory_space<vmem>>[vector<16xi32>], vector<16xf32>, vector<16xi1>
        %add3A_735 = arith.addi %sub3A_710, %add3A_356 : vector<16xi32>
        %bitcast3A_736 = vector.bitcast %add3A_735 : vector<16xi32> to vector<16xi32>
        %lt3A_737 = arith.cmpi ult, %bitcast3A_736, %broadcast_in_dim3A_370 : vector<16xi32>
        tpu.vector_store_idx %arg8[%add3A_735], %get3A_321 masked %lt3A_737 : memref<51104xf32, #tpu.memory_space<vmem>>[vector<16xi32>], vector<16xf32>, vector<16xi1>
        %add3A_738 = arith.addi %sub3A_710, %add3A_359 : vector<16xi32>
        %bitcast3A_739 = vector.bitcast %add3A_738 : vector<16xi32> to vector<16xi32>
        %lt3A_740 = arith.cmpi ult, %bitcast3A_739, %broadcast_in_dim3A_370 : vector<16xi32>
        tpu.vector_store_idx %arg8[%add3A_738], %get3A_323 masked %lt3A_740 : memref<51104xf32, #tpu.memory_space<vmem>>[vector<16xi32>], vector<16xf32>, vector<16xi1>
        %add3A_741 = arith.addi %sub3A_710, %add3A_362 : vector<16xi32>
        %bitcast3A_742 = vector.bitcast %add3A_741 : vector<16xi32> to vector<16xi32>
        %lt3A_743 = arith.cmpi ult, %bitcast3A_742, %broadcast_in_dim3A_370 : vector<16xi32>
        tpu.vector_store_idx %arg8[%add3A_741], %get3A_325 masked %lt3A_743 : memref<51104xf32, #tpu.memory_space<vmem>>[vector<16xi32>], vector<16xf32>, vector<16xi1>
        %add3A_744 = arith.addi %sub3A_710, %add3A_365 : vector<16xi32>
        %bitcast3A_745 = vector.bitcast %add3A_744 : vector<16xi32> to vector<16xi32>
        %lt3A_746 = arith.cmpi ult, %bitcast3A_745, %broadcast_in_dim3A_370 : vector<16xi32>
        tpu.vector_store_idx %arg8[%add3A_744], %get3A_327 masked %lt3A_746 : memref<51104xf32, #tpu.memory_space<vmem>>[vector<16xi32>], vector<16xf32>, vector<16xi1>
        %add3A_747 = arith.addi %sub3A_710, %add3A_368 : vector<16xi32>
        %bitcast3A_748 = vector.bitcast %add3A_747 : vector<16xi32> to vector<16xi32>
        %lt3A_749 = arith.cmpi ult, %bitcast3A_748, %broadcast_in_dim3A_370 : vector<16xi32>
        tpu.vector_store_idx %arg8[%add3A_747], %get3A_329 masked %lt3A_749 : memref<51104xf32, #tpu.memory_space<vmem>>[vector<16xi32>], vector<16xf32>, vector<16xi1>
        %add3A_750 = arith.constant 7 : i32
        %add3A_751 = arith.addi %add3A_428, %add3A_750 : i32
        %min3A_752 = arith.constant 1279 : i32
        %min3A_753 = arith.minsi %add3A_751, %min3A_752 : i32
        %broadcast_in_dim3A_754 = vector.broadcast %min3A_753 : i32 to vector<16xi32>
        %gather3A_755 = tpu.vector_load_idx %arg5[%broadcast_in_dim3A_754] : memref<1280xi32, #tpu.memory_space<vmem>>[vector<16xi32>], vector<16xi32>,
        %sub3A_756 = arith.subi %gather3A_755, %broadcast_in_dim3A : vector<16xi32>
        %add3A_757 = arith.addi %sub3A_756, %add3A_332 : vector<16xi32>
        %bitcast3A_758 = vector.bitcast %add3A_757 : vector<16xi32> to vector<16xi32>
        %lt3A_759 = arith.cmpi ult, %bitcast3A_758, %broadcast_in_dim3A_370 : vector<16xi32>
        tpu.vector_store_idx %arg8[%add3A_757], %get3A_305 masked %lt3A_759 : memref<51104xf32, #tpu.memory_space<vmem>>[vector<16xi32>], vector<16xf32>, vector<16xi1>
        %add3A_760 = arith.addi %sub3A_756, %add3A_335 : vector<16xi32>
        %bitcast3A_761 = vector.bitcast %add3A_760 : vector<16xi32> to vector<16xi32>
        %lt3A_762 = arith.cmpi ult, %bitcast3A_761, %broadcast_in_dim3A_370 : vector<16xi32>
        tpu.vector_store_idx %arg8[%add3A_760], %get3A_307 masked %lt3A_762 : memref<51104xf32, #tpu.memory_space<vmem>>[vector<16xi32>], vector<16xf32>, vector<16xi1>
        %add3A_763 = arith.addi %sub3A_756, %add3A_338 : vector<16xi32>
        %bitcast3A_764 = vector.bitcast %add3A_763 : vector<16xi32> to vector<16xi32>
        %lt3A_765 = arith.cmpi ult, %bitcast3A_764, %broadcast_in_dim3A_370 : vector<16xi32>
        tpu.vector_store_idx %arg8[%add3A_763], %get3A_309 masked %lt3A_765 : memref<51104xf32, #tpu.memory_space<vmem>>[vector<16xi32>], vector<16xf32>, vector<16xi1>
        %add3A_766 = arith.addi %sub3A_756, %add3A_341 : vector<16xi32>
        %bitcast3A_767 = vector.bitcast %add3A_766 : vector<16xi32> to vector<16xi32>
        %lt3A_768 = arith.cmpi ult, %bitcast3A_767, %broadcast_in_dim3A_370 : vector<16xi32>
        tpu.vector_store_idx %arg8[%add3A_766], %get3A_311 masked %lt3A_768 : memref<51104xf32, #tpu.memory_space<vmem>>[vector<16xi32>], vector<16xf32>, vector<16xi1>
        %add3A_769 = arith.addi %sub3A_756, %add3A_344 : vector<16xi32>
        %bitcast3A_770 = vector.bitcast %add3A_769 : vector<16xi32> to vector<16xi32>
        %lt3A_771 = arith.cmpi ult, %bitcast3A_770, %broadcast_in_dim3A_370 : vector<16xi32>
        tpu.vector_store_idx %arg8[%add3A_769], %get3A_313 masked %lt3A_771 : memref<51104xf32, #tpu.memory_space<vmem>>[vector<16xi32>], vector<16xf32>, vector<16xi1>
        %add3A_772 = arith.addi %sub3A_756, %add3A_347 : vector<16xi32>
        %bitcast3A_773 = vector.bitcast %add3A_772 : vector<16xi32> to vector<16xi32>
        %lt3A_774 = arith.cmpi ult, %bitcast3A_773, %broadcast_in_dim3A_370 : vector<16xi32>
        tpu.vector_store_idx %arg8[%add3A_772], %get3A_315 masked %lt3A_774 : memref<51104xf32, #tpu.memory_space<vmem>>[vector<16xi32>], vector<16xf32>, vector<16xi1>
        %add3A_775 = arith.addi %sub3A_756, %add3A_350 : vector<16xi32>
        %bitcast3A_776 = vector.bitcast %add3A_775 : vector<16xi32> to vector<16xi32>
        %lt3A_777 = arith.cmpi ult, %bitcast3A_776, %broadcast_in_dim3A_370 : vector<16xi32>
        tpu.vector_store_idx %arg8[%add3A_775], %get3A_317 masked %lt3A_777 : memref<51104xf32, #tpu.memory_space<vmem>>[vector<16xi32>], vector<16xf32>, vector<16xi1>
        %add3A_778 = arith.addi %sub3A_756, %add3A_353 : vector<16xi32>
        %bitcast3A_779 = vector.bitcast %add3A_778 : vector<16xi32> to vector<16xi32>
        %lt3A_780 = arith.cmpi ult, %bitcast3A_779, %broadcast_in_dim3A_370 : vector<16xi32>
        tpu.vector_store_idx %arg8[%add3A_778], %get3A_319 masked %lt3A_780 : memref<51104xf32, #tpu.memory_space<vmem>>[vector<16xi32>], vector<16xf32>, vector<16xi1>
        %add3A_781 = arith.addi %sub3A_756, %add3A_356 : vector<16xi32>
        %bitcast3A_782 = vector.bitcast %add3A_781 : vector<16xi32> to vector<16xi32>
        %lt3A_783 = arith.cmpi ult, %bitcast3A_782, %broadcast_in_dim3A_370 : vector<16xi32>
        tpu.vector_store_idx %arg8[%add3A_781], %get3A_321 masked %lt3A_783 : memref<51104xf32, #tpu.memory_space<vmem>>[vector<16xi32>], vector<16xf32>, vector<16xi1>
        %add3A_784 = arith.addi %sub3A_756, %add3A_359 : vector<16xi32>
        %bitcast3A_785 = vector.bitcast %add3A_784 : vector<16xi32> to vector<16xi32>
        %lt3A_786 = arith.cmpi ult, %bitcast3A_785, %broadcast_in_dim3A_370 : vector<16xi32>
        tpu.vector_store_idx %arg8[%add3A_784], %get3A_323 masked %lt3A_786 : memref<51104xf32, #tpu.memory_space<vmem>>[vector<16xi32>], vector<16xf32>, vector<16xi1>
        %add3A_787 = arith.addi %sub3A_756, %add3A_362 : vector<16xi32>
        %bitcast3A_788 = vector.bitcast %add3A_787 : vector<16xi32> to vector<16xi32>
        %lt3A_789 = arith.cmpi ult, %bitcast3A_788, %broadcast_in_dim3A_370 : vector<16xi32>
        tpu.vector_store_idx %arg8[%add3A_787], %get3A_325 masked %lt3A_789 : memref<51104xf32, #tpu.memory_space<vmem>>[vector<16xi32>], vector<16xf32>, vector<16xi1>
        %add3A_790 = arith.addi %sub3A_756, %add3A_365 : vector<16xi32>
        %bitcast3A_791 = vector.bitcast %add3A_790 : vector<16xi32> to vector<16xi32>
        %lt3A_792 = arith.cmpi ult, %bitcast3A_791, %broadcast_in_dim3A_370 : vector<16xi32>
        tpu.vector_store_idx %arg8[%add3A_790], %get3A_327 masked %lt3A_792 : memref<51104xf32, #tpu.memory_space<vmem>>[vector<16xi32>], vector<16xf32>, vector<16xi1>
        %add3A_793 = arith.addi %sub3A_756, %add3A_368 : vector<16xi32>
        %bitcast3A_794 = vector.bitcast %add3A_793 : vector<16xi32> to vector<16xi32>
        %lt3A_795 = arith.cmpi ult, %bitcast3A_794, %broadcast_in_dim3A_370 : vector<16xi32>
        tpu.vector_store_idx %arg8[%add3A_793], %get3A_329 masked %lt3A_795 : memref<51104xf32, #tpu.memory_space<vmem>>[vector<16xi32>], vector<16xf32>, vector<16xi1>
      }
      %add3A_411 = arith.constant 0 : i32
      %add3A_412 = arith.addi %mul3A_2, %add3A_411 : i32
      %dma_start3A_413 = arith.constant 0 : i32
      %dma_start3A_414 = tpu.memref_slice %arg8[%dma_start3A_413] : memref<51104xf32, #tpu.memory_space<vmem>> -> memref<51104xf32, #tpu.memory_space<vmem>>
      %dma_start3A_415 = tpu.memref_slice %arg4[%add3A_412] : memref<1635328xf32, #tpu.memory_space<hbm>> -> memref<51104xf32, #tpu.memory_space<hbm>>
      %dma_start3A_416 = tpu.memref_slice %arg4[%add3A_412] : memref<1635328xf32, #tpu.memory_space<hbm>> -> memref<51104xf32, #tpu.memory_space<hbm>>
      %dma_start3A_417 = arith.constant 0 : i32
      %dma_start3A_418 = tpu.memref_slice %arg8[%dma_start3A_417] : memref<51104xf32, #tpu.memory_space<vmem>> -> memref<51104xf32, #tpu.memory_space<vmem>>
      tpu.enqueue_dma source(%dma_start3A_418 : memref<51104xf32, #tpu.memory_space<vmem>>) target(%dma_start3A_416 : memref<51104xf32, #tpu.memory_space<hbm>>) target_semaphore(%arg9 : memref<!tpu.dma_semaphore, #tpu.memory_space<semaphore_mem>>)
      %dma_wait3A_419 = arith.constant 0 : i32
      %dma_wait3A_420 = tpu.memref_slice %arg8[%dma_wait3A_419] : memref<51104xf32, #tpu.memory_space<vmem>> -> memref<51104xf32, #tpu.memory_space<vmem>>
      %dma_wait3A_421 = tpu.memref_slice %arg4[%add3A_412] : memref<1635328xf32, #tpu.memory_space<hbm>> -> memref<51104xf32, #tpu.memory_space<hbm>>
      %dma_wait3A_422 = tpu.memref_slice %arg4[%add3A_412] : memref<1635328xf32, #tpu.memory_space<hbm>> -> memref<51104xf32, #tpu.memory_space<hbm>>
      %dma_wait3A_423 = arith.constant 0 : i32
      %dma_wait3A_424 = tpu.memref_slice %arg8[%dma_wait3A_423] : memref<51104xf32, #tpu.memory_space<vmem>> -> memref<51104xf32, #tpu.memory_space<vmem>>
      tpu.wait_dma2 semaphore(%arg9 : memref<!tpu.dma_semaphore, #tpu.memory_space<semaphore_mem>>) src(%dma_wait3A_424 : memref<51104xf32, #tpu.memory_space<vmem>>) dst(%dma_wait3A_422 : memref<51104xf32, #tpu.memory_space<hbm>>)
    } else {
    }
    %not3A = arith.constant true
    %not3A_80 = arith.xori %and3A_78, %not3A : i1
    %convert_element_type3A_81 = arith.extui %not3A_80 : i1 to i32
    %cond3A_82 = arith.constant 0 : i32
    %cond3A_83 = arith.cmpi ne, %convert_element_type3A_81, %cond3A_82 : i32
    scf.if %cond3A_83 {
      %eq3A = arith.constant 0 : i32
      %eq3A_84 = vector.broadcast %eq3A : i32 to vector<16xi32>
      %eq3A_85 = arith.cmpi eq, %iota3A, %eq3A_84 : vector<16xi32>
      %broadcast_in_dim3A_86 = arith.constant 1635003 : i32
      %broadcast_in_dim3A_87 = vector.broadcast %broadcast_in_dim3A_86 : i32 to vector<16xi32>
      %broadcast_in_dim3A_88 = arith.constant 2147483647 : i32
      %broadcast_in_dim3A_89 = vector.broadcast %broadcast_in_dim3A_88 : i32 to vector<16xi32>
      %select_n3A_90 = arith.select %eq3A_85, %broadcast_in_dim3A_87, %broadcast_in_dim3A_89 : vector<16xi1>, vector<16xi32>
      %swap3A = arith.constant 16384 : index
      %swap3A_91 = tpu.vector_load %arg6[%swap3A] {strides = array<i32>} : memref<16400xi32, #tpu.memory_space<vmem>>, vector<16xi32>,
      tpu.vector_store %arg6[%swap3A], %select_n3A_90 {strides = array<i32>} : memref<16400xi32, #tpu.memory_space<vmem>>, vector<16xi32>,
      %mul3A_92 = arith.constant 8 : i32
      %mul3A_93 = arith.muli %mul3A_92, %arg0 : i32
      %add3A_94 = arith.addi %arg1, %mul3A_93 : i32
      %add3A_95 = arith.constant 0 : i32
      %add3A_96 = arith.addi %add3A_94, %add3A_95 : i32
      %rem3A_97 = arith.constant 16 : i32
      %rem3A_98 = arith.remsi %add3A_96, %rem3A_97 : i32
      %mul3A_99 = arith.constant 1024 : i32
      %mul3A_100 = arith.muli %rem3A_98, %mul3A_99 : i32
      %dma_start3A_101 = tpu.memref_slice %arg6[%mul3A_100] : memref<16400xi32, #tpu.memory_space<vmem>> -> memref<1024xi32, #tpu.memory_space<vmem>>
      %dma_start3A_102 = tpu.memref_slice %arg2[%mul3A_100] : memref<16385xi32, #tpu.memory_space<hbm>> -> memref<1024xi32, #tpu.memory_space<hbm>>
      %dma_start3A_103 = tpu.memref_slice %arg6[%mul3A_100] : memref<16400xi32, #tpu.memory_space<vmem>> -> memref<1024xi32, #tpu.memory_space<vmem>>
      %dma_start3A_104 = tpu.memref_slice %arg2[%mul3A_100] : memref<16385xi32, #tpu.memory_space<hbm>> -> memref<1024xi32, #tpu.memory_space<hbm>>
      tpu.enqueue_dma source(%dma_start3A_104 : memref<1024xi32, #tpu.memory_space<hbm>>) target(%dma_start3A_103 : memref<1024xi32, #tpu.memory_space<vmem>>) target_semaphore(%arg9 : memref<!tpu.dma_semaphore, #tpu.memory_space<semaphore_mem>>)
      %add3A_105 = arith.constant 1 : i32
      %add3A_106 = arith.addi %add3A_94, %add3A_105 : i32
      %rem3A_107 = arith.constant 16 : i32
      %rem3A_108 = arith.remsi %add3A_106, %rem3A_107 : i32
      %mul3A_109 = arith.constant 1024 : i32
      %mul3A_110 = arith.muli %rem3A_108, %mul3A_109 : i32
      %dma_start3A_111 = tpu.memref_slice %arg6[%mul3A_110] : memref<16400xi32, #tpu.memory_space<vmem>> -> memref<1024xi32, #tpu.memory_space<vmem>>
      %dma_start3A_112 = tpu.memref_slice %arg2[%mul3A_110] : memref<16385xi32, #tpu.memory_space<hbm>> -> memref<1024xi32, #tpu.memory_space<hbm>>
      %dma_start3A_113 = tpu.memref_slice %arg6[%mul3A_110] : memref<16400xi32, #tpu.memory_space<vmem>> -> memref<1024xi32, #tpu.memory_space<vmem>>
      %dma_start3A_114 = tpu.memref_slice %arg2[%mul3A_110] : memref<16385xi32, #tpu.memory_space<hbm>> -> memref<1024xi32, #tpu.memory_space<hbm>>
      tpu.enqueue_dma source(%dma_start3A_114 : memref<1024xi32, #tpu.memory_space<hbm>>) target(%dma_start3A_113 : memref<1024xi32, #tpu.memory_space<vmem>>) target_semaphore(%arg9 : memref<!tpu.dma_semaphore, #tpu.memory_space<semaphore_mem>>)
      %add3A_115 = arith.constant 2 : i32
      %add3A_116 = arith.addi %add3A_94, %add3A_115 : i32
      %rem3A_117 = arith.constant 16 : i32
      %rem3A_118 = arith.remsi %add3A_116, %rem3A_117 : i32
      %mul3A_119 = arith.constant 1024 : i32
      %mul3A_120 = arith.muli %rem3A_118, %mul3A_119 : i32
      %dma_start3A_121 = tpu.memref_slice %arg6[%mul3A_120] : memref<16400xi32, #tpu.memory_space<vmem>> -> memref<1024xi32, #tpu.memory_space<vmem>>
      %dma_start3A_122 = tpu.memref_slice %arg2[%mul3A_120] : memref<16385xi32, #tpu.memory_space<hbm>> -> memref<1024xi32, #tpu.memory_space<hbm>>
      %dma_start3A_123 = tpu.memref_slice %arg6[%mul3A_120] : memref<16400xi32, #tpu.memory_space<vmem>> -> memref<1024xi32, #tpu.memory_space<vmem>>
      %dma_start3A_124 = tpu.memref_slice %arg2[%mul3A_120] : memref<16385xi32, #tpu.memory_space<hbm>> -> memref<1024xi32, #tpu.memory_space<hbm>>
      tpu.enqueue_dma source(%dma_start3A_124 : memref<1024xi32, #tpu.memory_space<hbm>>) target(%dma_start3A_123 : memref<1024xi32, #tpu.memory_space<vmem>>) target_semaphore(%arg9 : memref<!tpu.dma_semaphore, #tpu.memory_space<semaphore_mem>>)
      %add3A_125 = arith.constant 3 : i32
      %add3A_126 = arith.addi %add3A_94, %add3A_125 : i32
      %rem3A_127 = arith.constant 16 : i32
      %rem3A_128 = arith.remsi %add3A_126, %rem3A_127 : i32
      %mul3A_129 = arith.constant 1024 : i32
      %mul3A_130 = arith.muli %rem3A_128, %mul3A_129 : i32
      %dma_start3A_131 = tpu.memref_slice %arg6[%mul3A_130] : memref<16400xi32, #tpu.memory_space<vmem>> -> memref<1024xi32, #tpu.memory_space<vmem>>
      %dma_start3A_132 = tpu.memref_slice %arg2[%mul3A_130] : memref<16385xi32, #tpu.memory_space<hbm>> -> memref<1024xi32, #tpu.memory_space<hbm>>
      %dma_start3A_133 = tpu.memref_slice %arg6[%mul3A_130] : memref<16400xi32, #tpu.memory_space<vmem>> -> memref<1024xi32, #tpu.memory_space<vmem>>
      %dma_start3A_134 = tpu.memref_slice %arg2[%mul3A_130] : memref<16385xi32, #tpu.memory_space<hbm>> -> memref<1024xi32, #tpu.memory_space<hbm>>
      tpu.enqueue_dma source(%dma_start3A_134 : memref<1024xi32, #tpu.memory_space<hbm>>) target(%dma_start3A_133 : memref<1024xi32, #tpu.memory_space<vmem>>) target_semaphore(%arg9 : memref<!tpu.dma_semaphore, #tpu.memory_space<semaphore_mem>>)
      %add3A_135 = arith.constant 4 : i32
      %add3A_136 = arith.addi %add3A_94, %add3A_135 : i32
      %rem3A_137 = arith.constant 16 : i32
      %rem3A_138 = arith.remsi %add3A_136, %rem3A_137 : i32
      %mul3A_139 = arith.constant 1024 : i32
      %mul3A_140 = arith.muli %rem3A_138, %mul3A_139 : i32
      %dma_start3A_141 = tpu.memref_slice %arg6[%mul3A_140] : memref<16400xi32, #tpu.memory_space<vmem>> -> memref<1024xi32, #tpu.memory_space<vmem>>
      %dma_start3A_142 = tpu.memref_slice %arg2[%mul3A_140] : memref<16385xi32, #tpu.memory_space<hbm>> -> memref<1024xi32, #tpu.memory_space<hbm>>
      %dma_start3A_143 = tpu.memref_slice %arg6[%mul3A_140] : memref<16400xi32, #tpu.memory_space<vmem>> -> memref<1024xi32, #tpu.memory_space<vmem>>
      %dma_start3A_144 = tpu.memref_slice %arg2[%mul3A_140] : memref<16385xi32, #tpu.memory_space<hbm>> -> memref<1024xi32, #tpu.memory_space<hbm>>
      tpu.enqueue_dma source(%dma_start3A_144 : memref<1024xi32, #tpu.memory_space<hbm>>) target(%dma_start3A_143 : memref<1024xi32, #tpu.memory_space<vmem>>) target_semaphore(%arg9 : memref<!tpu.dma_semaphore, #tpu.memory_space<semaphore_mem>>)
      %add3A_145 = arith.constant 5 : i32
      %add3A_146 = arith.addi %add3A_94, %add3A_145 : i32
      %rem3A_147 = arith.constant 16 : i32
      %rem3A_148 = arith.remsi %add3A_146, %rem3A_147 : i32
      %mul3A_149 = arith.constant 1024 : i32
      %mul3A_150 = arith.muli %rem3A_148, %mul3A_149 : i32
      %dma_start3A_151 = tpu.memref_slice %arg6[%mul3A_150] : memref<16400xi32, #tpu.memory_space<vmem>> -> memref<1024xi32, #tpu.memory_space<vmem>>
      %dma_start3A_152 = tpu.memref_slice %arg2[%mul3A_150] : memref<16385xi32, #tpu.memory_space<hbm>> -> memref<1024xi32, #tpu.memory_space<hbm>>
      %dma_start3A_153 = tpu.memref_slice %arg6[%mul3A_150] : memref<16400xi32, #tpu.memory_space<vmem>> -> memref<1024xi32, #tpu.memory_space<vmem>>
      %dma_start3A_154 = tpu.memref_slice %arg2[%mul3A_150] : memref<16385xi32, #tpu.memory_space<hbm>> -> memref<1024xi32, #tpu.memory_space<hbm>>
      tpu.enqueue_dma source(%dma_start3A_154 : memref<1024xi32, #tpu.memory_space<hbm>>) target(%dma_start3A_153 : memref<1024xi32, #tpu.memory_space<vmem>>) target_semaphore(%arg9 : memref<!tpu.dma_semaphore, #tpu.memory_space<semaphore_mem>>)
      %add3A_155 = arith.constant 6 : i32
      %add3A_156 = arith.addi %add3A_94, %add3A_155 : i32
      %rem3A_157 = arith.constant 16 : i32
      %rem3A_158 = arith.remsi %add3A_156, %rem3A_157 : i32
      %mul3A_159 = arith.constant 1024 : i32
      %mul3A_160 = arith.muli %rem3A_158, %mul3A_159 : i32
      %dma_start3A_161 = tpu.memref_slice %arg6[%mul3A_160] : memref<16400xi32, #tpu.memory_space<vmem>> -> memref<1024xi32, #tpu.memory_space<vmem>>
      %dma_start3A_162 = tpu.memref_slice %arg2[%mul3A_160] : memref<16385xi32, #tpu.memory_space<hbm>> -> memref<1024xi32, #tpu.memory_space<hbm>>
      %dma_start3A_163 = tpu.memref_slice %arg6[%mul3A_160] : memref<16400xi32, #tpu.memory_space<vmem>> -> memref<1024xi32, #tpu.memory_space<vmem>>
      %dma_start3A_164 = tpu.memref_slice %arg2[%mul3A_160] : memref<16385xi32, #tpu.memory_space<hbm>> -> memref<1024xi32, #tpu.memory_space<hbm>>
      tpu.enqueue_dma source(%dma_start3A_164 : memref<1024xi32, #tpu.memory_space<hbm>>) target(%dma_start3A_163 : memref<1024xi32, #tpu.memory_space<vmem>>) target_semaphore(%arg9 : memref<!tpu.dma_semaphore, #tpu.memory_space<semaphore_mem>>)
      %add3A_165 = arith.constant 7 : i32
      %add3A_166 = arith.addi %add3A_94, %add3A_165 : i32
      %rem3A_167 = arith.constant 16 : i32
      %rem3A_168 = arith.remsi %add3A_166, %rem3A_167 : i32
      %mul3A_169 = arith.constant 1024 : i32
      %mul3A_170 = arith.muli %rem3A_168, %mul3A_169 : i32
      %dma_start3A_171 = tpu.memref_slice %arg6[%mul3A_170] : memref<16400xi32, #tpu.memory_space<vmem>> -> memref<1024xi32, #tpu.memory_space<vmem>>
      %dma_start3A_172 = tpu.memref_slice %arg2[%mul3A_170] : memref<16385xi32, #tpu.memory_space<hbm>> -> memref<1024xi32, #tpu.memory_space<hbm>>
      %dma_start3A_173 = tpu.memref_slice %arg6[%mul3A_170] : memref<16400xi32, #tpu.memory_space<vmem>> -> memref<1024xi32, #tpu.memory_space<vmem>>
      %dma_start3A_174 = tpu.memref_slice %arg2[%mul3A_170] : memref<16385xi32, #tpu.memory_space<hbm>> -> memref<1024xi32, #tpu.memory_space<hbm>>
      tpu.enqueue_dma source(%dma_start3A_174 : memref<1024xi32, #tpu.memory_space<hbm>>) target(%dma_start3A_173 : memref<1024xi32, #tpu.memory_space<vmem>>) target_semaphore(%arg9 : memref<!tpu.dma_semaphore, #tpu.memory_space<semaphore_mem>>)
      %add3A_175 = arith.constant 8 : i32
      %add3A_176 = arith.addi %add3A_94, %add3A_175 : i32
      %rem3A_177 = arith.constant 16 : i32
      %rem3A_178 = arith.remsi %add3A_176, %rem3A_177 : i32
      %mul3A_179 = arith.constant 1024 : i32
      %mul3A_180 = arith.muli %rem3A_178, %mul3A_179 : i32
      %dma_start3A_181 = tpu.memref_slice %arg6[%mul3A_180] : memref<16400xi32, #tpu.memory_space<vmem>> -> memref<1024xi32, #tpu.memory_space<vmem>>
      %dma_start3A_182 = tpu.memref_slice %arg2[%mul3A_180] : memref<16385xi32, #tpu.memory_space<hbm>> -> memref<1024xi32, #tpu.memory_space<hbm>>
      %dma_start3A_183 = tpu.memref_slice %arg6[%mul3A_180] : memref<16400xi32, #tpu.memory_space<vmem>> -> memref<1024xi32, #tpu.memory_space<vmem>>
      %dma_start3A_184 = tpu.memref_slice %arg2[%mul3A_180] : memref<16385xi32, #tpu.memory_space<hbm>> -> memref<1024xi32, #tpu.memory_space<hbm>>
      tpu.enqueue_dma source(%dma_start3A_184 : memref<1024xi32, #tpu.memory_space<hbm>>) target(%dma_start3A_183 : memref<1024xi32, #tpu.memory_space<vmem>>) target_semaphore(%arg9 : memref<!tpu.dma_semaphore, #tpu.memory_space<semaphore_mem>>)
      %add3A_185 = arith.constant 9 : i32
      %add3A_186 = arith.addi %add3A_94, %add3A_185 : i32
      %rem3A_187 = arith.constant 16 : i32
      %rem3A_188 = arith.remsi %add3A_186, %rem3A_187 : i32
      %mul3A_189 = arith.constant 1024 : i32
      %mul3A_190 = arith.muli %rem3A_188, %mul3A_189 : i32
      %dma_start3A_191 = tpu.memref_slice %arg6[%mul3A_190] : memref<16400xi32, #tpu.memory_space<vmem>> -> memref<1024xi32, #tpu.memory_space<vmem>>
      %dma_start3A_192 = tpu.memref_slice %arg2[%mul3A_190] : memref<16385xi32, #tpu.memory_space<hbm>> -> memref<1024xi32, #tpu.memory_space<hbm>>
      %dma_start3A_193 = tpu.memref_slice %arg6[%mul3A_190] : memref<16400xi32, #tpu.memory_space<vmem>> -> memref<1024xi32, #tpu.memory_space<vmem>>
      %dma_start3A_194 = tpu.memref_slice %arg2[%mul3A_190] : memref<16385xi32, #tpu.memory_space<hbm>> -> memref<1024xi32, #tpu.memory_space<hbm>>
      tpu.enqueue_dma source(%dma_start3A_194 : memref<1024xi32, #tpu.memory_space<hbm>>) target(%dma_start3A_193 : memref<1024xi32, #tpu.memory_space<vmem>>) target_semaphore(%arg9 : memref<!tpu.dma_semaphore, #tpu.memory_space<semaphore_mem>>)
      %add3A_195 = arith.constant 10 : i32
      %add3A_196 = arith.addi %add3A_94, %add3A_195 : i32
      %rem3A_197 = arith.constant 16 : i32
      %rem3A_198 = arith.remsi %add3A_196, %rem3A_197 : i32
      %mul3A_199 = arith.constant 1024 : i32
      %mul3A_200 = arith.muli %rem3A_198, %mul3A_199 : i32
      %dma_start3A_201 = tpu.memref_slice %arg6[%mul3A_200] : memref<16400xi32, #tpu.memory_space<vmem>> -> memref<1024xi32, #tpu.memory_space<vmem>>
      %dma_start3A_202 = tpu.memref_slice %arg2[%mul3A_200] : memref<16385xi32, #tpu.memory_space<hbm>> -> memref<1024xi32, #tpu.memory_space<hbm>>
      %dma_start3A_203 = tpu.memref_slice %arg6[%mul3A_200] : memref<16400xi32, #tpu.memory_space<vmem>> -> memref<1024xi32, #tpu.memory_space<vmem>>
      %dma_start3A_204 = tpu.memref_slice %arg2[%mul3A_200] : memref<16385xi32, #tpu.memory_space<hbm>> -> memref<1024xi32, #tpu.memory_space<hbm>>
      tpu.enqueue_dma source(%dma_start3A_204 : memref<1024xi32, #tpu.memory_space<hbm>>) target(%dma_start3A_203 : memref<1024xi32, #tpu.memory_space<vmem>>) target_semaphore(%arg9 : memref<!tpu.dma_semaphore, #tpu.memory_space<semaphore_mem>>)
      %add3A_205 = arith.constant 11 : i32
      %add3A_206 = arith.addi %add3A_94, %add3A_205 : i32
      %rem3A_207 = arith.constant 16 : i32
      %rem3A_208 = arith.remsi %add3A_206, %rem3A_207 : i32
      %mul3A_209 = arith.constant 1024 : i32
      %mul3A_210 = arith.muli %rem3A_208, %mul3A_209 : i32
      %dma_start3A_211 = tpu.memref_slice %arg6[%mul3A_210] : memref<16400xi32, #tpu.memory_space<vmem>> -> memref<1024xi32, #tpu.memory_space<vmem>>
      %dma_start3A_212 = tpu.memref_slice %arg2[%mul3A_210] : memref<16385xi32, #tpu.memory_space<hbm>> -> memref<1024xi32, #tpu.memory_space<hbm>>
      %dma_start3A_213 = tpu.memref_slice %arg6[%mul3A_210] : memref<16400xi32, #tpu.memory_space<vmem>> -> memref<1024xi32, #tpu.memory_space<vmem>>
      %dma_start3A_214 = tpu.memref_slice %arg2[%mul3A_210] : memref<16385xi32, #tpu.memory_space<hbm>> -> memref<1024xi32, #tpu.memory_space<hbm>>
      tpu.enqueue_dma source(%dma_start3A_214 : memref<1024xi32, #tpu.memory_space<hbm>>) target(%dma_start3A_213 : memref<1024xi32, #tpu.memory_space<vmem>>) target_semaphore(%arg9 : memref<!tpu.dma_semaphore, #tpu.memory_space<semaphore_mem>>)
      %add3A_215 = arith.constant 12 : i32
      %add3A_216 = arith.addi %add3A_94, %add3A_215 : i32
      %rem3A_217 = arith.constant 16 : i32
      %rem3A_218 = arith.remsi %add3A_216, %rem3A_217 : i32
      %mul3A_219 = arith.constant 1024 : i32
      %mul3A_220 = arith.muli %rem3A_218, %mul3A_219 : i32
      %dma_start3A_221 = tpu.memref_slice %arg6[%mul3A_220] : memref<16400xi32, #tpu.memory_space<vmem>> -> memref<1024xi32, #tpu.memory_space<vmem>>
      %dma_start3A_222 = tpu.memref_slice %arg2[%mul3A_220] : memref<16385xi32, #tpu.memory_space<hbm>> -> memref<1024xi32, #tpu.memory_space<hbm>>
      %dma_start3A_223 = tpu.memref_slice %arg6[%mul3A_220] : memref<16400xi32, #tpu.memory_space<vmem>> -> memref<1024xi32, #tpu.memory_space<vmem>>
      %dma_start3A_224 = tpu.memref_slice %arg2[%mul3A_220] : memref<16385xi32, #tpu.memory_space<hbm>> -> memref<1024xi32, #tpu.memory_space<hbm>>
      tpu.enqueue_dma source(%dma_start3A_224 : memref<1024xi32, #tpu.memory_space<hbm>>) target(%dma_start3A_223 : memref<1024xi32, #tpu.memory_space<vmem>>) target_semaphore(%arg9 : memref<!tpu.dma_semaphore, #tpu.memory_space<semaphore_mem>>)
      %add3A_225 = arith.constant 13 : i32
      %add3A_226 = arith.addi %add3A_94, %add3A_225 : i32
      %rem3A_227 = arith.constant 16 : i32
      %rem3A_228 = arith.remsi %add3A_226, %rem3A_227 : i32
      %mul3A_229 = arith.constant 1024 : i32
      %mul3A_230 = arith.muli %rem3A_228, %mul3A_229 : i32
      %dma_start3A_231 = tpu.memref_slice %arg6[%mul3A_230] : memref<16400xi32, #tpu.memory_space<vmem>> -> memref<1024xi32, #tpu.memory_space<vmem>>
      %dma_start3A_232 = tpu.memref_slice %arg2[%mul3A_230] : memref<16385xi32, #tpu.memory_space<hbm>> -> memref<1024xi32, #tpu.memory_space<hbm>>
      %dma_start3A_233 = tpu.memref_slice %arg6[%mul3A_230] : memref<16400xi32, #tpu.memory_space<vmem>> -> memref<1024xi32, #tpu.memory_space<vmem>>
      %dma_start3A_234 = tpu.memref_slice %arg2[%mul3A_230] : memref<16385xi32, #tpu.memory_space<hbm>> -> memref<1024xi32, #tpu.memory_space<hbm>>
      tpu.enqueue_dma source(%dma_start3A_234 : memref<1024xi32, #tpu.memory_space<hbm>>) target(%dma_start3A_233 : memref<1024xi32, #tpu.memory_space<vmem>>) target_semaphore(%arg9 : memref<!tpu.dma_semaphore, #tpu.memory_space<semaphore_mem>>)
      %add3A_235 = arith.constant 14 : i32
      %add3A_236 = arith.addi %add3A_94, %add3A_235 : i32
      %rem3A_237 = arith.constant 16 : i32
      %rem3A_238 = arith.remsi %add3A_236, %rem3A_237 : i32
      %mul3A_239 = arith.constant 1024 : i32
      %mul3A_240 = arith.muli %rem3A_238, %mul3A_239 : i32
      %dma_start3A_241 = tpu.memref_slice %arg6[%mul3A_240] : memref<16400xi32, #tpu.memory_space<vmem>> -> memref<1024xi32, #tpu.memory_space<vmem>>
      %dma_start3A_242 = tpu.memref_slice %arg2[%mul3A_240] : memref<16385xi32, #tpu.memory_space<hbm>> -> memref<1024xi32, #tpu.memory_space<hbm>>
      %dma_start3A_243 = tpu.memref_slice %arg6[%mul3A_240] : memref<16400xi32, #tpu.memory_space<vmem>> -> memref<1024xi32, #tpu.memory_space<vmem>>
      %dma_start3A_244 = tpu.memref_slice %arg2[%mul3A_240] : memref<16385xi32, #tpu.memory_space<hbm>> -> memref<1024xi32, #tpu.memory_space<hbm>>
      tpu.enqueue_dma source(%dma_start3A_244 : memref<1024xi32, #tpu.memory_space<hbm>>) target(%dma_start3A_243 : memref<1024xi32, #tpu.memory_space<vmem>>) target_semaphore(%arg9 : memref<!tpu.dma_semaphore, #tpu.memory_space<semaphore_mem>>)
      %add3A_245 = arith.constant 15 : i32
      %add3A_246 = arith.addi %add3A_94, %add3A_245 : i32
      %rem3A_247 = arith.constant 16 : i32
      %rem3A_248 = arith.remsi %add3A_246, %rem3A_247 : i32
      %mul3A_249 = arith.constant 1024 : i32
      %mul3A_250 = arith.muli %rem3A_248, %mul3A_249 : i32
      %dma_start3A_251 = tpu.memref_slice %arg6[%mul3A_250] : memref<16400xi32, #tpu.memory_space<vmem>> -> memref<1024xi32, #tpu.memory_space<vmem>>
      %dma_start3A_252 = tpu.memref_slice %arg2[%mul3A_250] : memref<16385xi32, #tpu.memory_space<hbm>> -> memref<1024xi32, #tpu.memory_space<hbm>>
      %dma_start3A_253 = tpu.memref_slice %arg6[%mul3A_250] : memref<16400xi32, #tpu.memory_space<vmem>> -> memref<1024xi32, #tpu.memory_space<vmem>>
      %dma_start3A_254 = tpu.memref_slice %arg2[%mul3A_250] : memref<16385xi32, #tpu.memory_space<hbm>> -> memref<1024xi32, #tpu.memory_space<hbm>>
      tpu.enqueue_dma source(%dma_start3A_254 : memref<1024xi32, #tpu.memory_space<hbm>>) target(%dma_start3A_253 : memref<1024xi32, #tpu.memory_space<vmem>>) target_semaphore(%arg9 : memref<!tpu.dma_semaphore, #tpu.memory_space<semaphore_mem>>)
      %dma_wait3A_255 = tpu.memref_slice %arg6[%mul3A_100] : memref<16400xi32, #tpu.memory_space<vmem>> -> memref<1024xi32, #tpu.memory_space<vmem>>
      %dma_wait3A_256 = tpu.memref_slice %arg2[%mul3A_100] : memref<16385xi32, #tpu.memory_space<hbm>> -> memref<1024xi32, #tpu.memory_space<hbm>>
      %dma_wait3A_257 = tpu.memref_slice %arg6[%mul3A_100] : memref<16400xi32, #tpu.memory_space<vmem>> -> memref<1024xi32, #tpu.memory_space<vmem>>
      %dma_wait3A_258 = tpu.memref_slice %arg2[%mul3A_100] : memref<16385xi32, #tpu.memory_space<hbm>> -> memref<1024xi32, #tpu.memory_space<hbm>>
      tpu.wait_dma2 semaphore(%arg9 : memref<!tpu.dma_semaphore, #tpu.memory_space<semaphore_mem>>) src(%dma_wait3A_258 : memref<1024xi32, #tpu.memory_space<hbm>>) dst(%dma_wait3A_257 : memref<1024xi32, #tpu.memory_space<vmem>>)
      %dma_wait3A_259 = tpu.memref_slice %arg6[%mul3A_110] : memref<16400xi32, #tpu.memory_space<vmem>> -> memref<1024xi32, #tpu.memory_space<vmem>>
      %dma_wait3A_260 = tpu.memref_slice %arg2[%mul3A_110] : memref<16385xi32, #tpu.memory_space<hbm>> -> memref<1024xi32, #tpu.memory_space<hbm>>
      %dma_wait3A_261 = tpu.memref_slice %arg6[%mul3A_110] : memref<16400xi32, #tpu.memory_space<vmem>> -> memref<1024xi32, #tpu.memory_space<vmem>>
      %dma_wait3A_262 = tpu.memref_slice %arg2[%mul3A_110] : memref<16385xi32, #tpu.memory_space<hbm>> -> memref<1024xi32, #tpu.memory_space<hbm>>
      tpu.wait_dma2 semaphore(%arg9 : memref<!tpu.dma_semaphore, #tpu.memory_space<semaphore_mem>>) src(%dma_wait3A_262 : memref<1024xi32, #tpu.memory_space<hbm>>) dst(%dma_wait3A_261 : memref<1024xi32, #tpu.memory_space<vmem>>)
      %dma_wait3A_263 = tpu.memref_slice %arg6[%mul3A_120] : memref<16400xi32, #tpu.memory_space<vmem>> -> memref<1024xi32, #tpu.memory_space<vmem>>
      %dma_wait3A_264 = tpu.memref_slice %arg2[%mul3A_120] : memref<16385xi32, #tpu.memory_space<hbm>> -> memref<1024xi32, #tpu.memory_space<hbm>>
      %dma_wait3A_265 = tpu.memref_slice %arg6[%mul3A_120] : memref<16400xi32, #tpu.memory_space<vmem>> -> memref<1024xi32, #tpu.memory_space<vmem>>
      %dma_wait3A_266 = tpu.memref_slice %arg2[%mul3A_120] : memref<16385xi32, #tpu.memory_space<hbm>> -> memref<1024xi32, #tpu.memory_space<hbm>>
      tpu.wait_dma2 semaphore(%arg9 : memref<!tpu.dma_semaphore, #tpu.memory_space<semaphore_mem>>) src(%dma_wait3A_266 : memref<1024xi32, #tpu.memory_space<hbm>>) dst(%dma_wait3A_265 : memref<1024xi32, #tpu.memory_space<vmem>>)
      %dma_wait3A_267 = tpu.memref_slice %arg6[%mul3A_130] : memref<16400xi32, #tpu.memory_space<vmem>> -> memref<1024xi32, #tpu.memory_space<vmem>>
      %dma_wait3A_268 = tpu.memref_slice %arg2[%mul3A_130] : memref<16385xi32, #tpu.memory_space<hbm>> -> memref<1024xi32, #tpu.memory_space<hbm>>
      %dma_wait3A_269 = tpu.memref_slice %arg6[%mul3A_130] : memref<16400xi32, #tpu.memory_space<vmem>> -> memref<1024xi32, #tpu.memory_space<vmem>>
      %dma_wait3A_270 = tpu.memref_slice %arg2[%mul3A_130] : memref<16385xi32, #tpu.memory_space<hbm>> -> memref<1024xi32, #tpu.memory_space<hbm>>
      tpu.wait_dma2 semaphore(%arg9 : memref<!tpu.dma_semaphore, #tpu.memory_space<semaphore_mem>>) src(%dma_wait3A_270 : memref<1024xi32, #tpu.memory_space<hbm>>) dst(%dma_wait3A_269 : memref<1024xi32, #tpu.memory_space<vmem>>)
      %dma_wait3A_271 = tpu.memref_slice %arg6[%mul3A_140] : memref<16400xi32, #tpu.memory_space<vmem>> -> memref<1024xi32, #tpu.memory_space<vmem>>
      %dma_wait3A_272 = tpu.memref_slice %arg2[%mul3A_140] : memref<16385xi32, #tpu.memory_space<hbm>> -> memref<1024xi32, #tpu.memory_space<hbm>>
      %dma_wait3A_273 = tpu.memref_slice %arg6[%mul3A_140] : memref<16400xi32, #tpu.memory_space<vmem>> -> memref<1024xi32, #tpu.memory_space<vmem>>
      %dma_wait3A_274 = tpu.memref_slice %arg2[%mul3A_140] : memref<16385xi32, #tpu.memory_space<hbm>> -> memref<1024xi32, #tpu.memory_space<hbm>>
      tpu.wait_dma2 semaphore(%arg9 : memref<!tpu.dma_semaphore, #tpu.memory_space<semaphore_mem>>) src(%dma_wait3A_274 : memref<1024xi32, #tpu.memory_space<hbm>>) dst(%dma_wait3A_273 : memref<1024xi32, #tpu.memory_space<vmem>>)
      %dma_wait3A_275 = tpu.memref_slice %arg6[%mul3A_150] : memref<16400xi32, #tpu.memory_space<vmem>> -> memref<1024xi32, #tpu.memory_space<vmem>>
      %dma_wait3A_276 = tpu.memref_slice %arg2[%mul3A_150] : memref<16385xi32, #tpu.memory_space<hbm>> -> memref<1024xi32, #tpu.memory_space<hbm>>
      %dma_wait3A_277 = tpu.memref_slice %arg6[%mul3A_150] : memref<16400xi32, #tpu.memory_space<vmem>> -> memref<1024xi32, #tpu.memory_space<vmem>>
      %dma_wait3A_278 = tpu.memref_slice %arg2[%mul3A_150] : memref<16385xi32, #tpu.memory_space<hbm>> -> memref<1024xi32, #tpu.memory_space<hbm>>
      tpu.wait_dma2 semaphore(%arg9 : memref<!tpu.dma_semaphore, #tpu.memory_space<semaphore_mem>>) src(%dma_wait3A_278 : memref<1024xi32, #tpu.memory_space<hbm>>) dst(%dma_wait3A_277 : memref<1024xi32, #tpu.memory_space<vmem>>)
      %dma_wait3A_279 = tpu.memref_slice %arg6[%mul3A_160] : memref<16400xi32, #tpu.memory_space<vmem>> -> memref<1024xi32, #tpu.memory_space<vmem>>
      %dma_wait3A_280 = tpu.memref_slice %arg2[%mul3A_160] : memref<16385xi32, #tpu.memory_space<hbm>> -> memref<1024xi32, #tpu.memory_space<hbm>>
      %dma_wait3A_281 = tpu.memref_slice %arg6[%mul3A_160] : memref<16400xi32, #tpu.memory_space<vmem>> -> memref<1024xi32, #tpu.memory_space<vmem>>
      %dma_wait3A_282 = tpu.memref_slice %arg2[%mul3A_160] : memref<16385xi32, #tpu.memory_space<hbm>> -> memref<1024xi32, #tpu.memory_space<hbm>>
      tpu.wait_dma2 semaphore(%arg9 : memref<!tpu.dma_semaphore, #tpu.memory_space<semaphore_mem>>) src(%dma_wait3A_282 : memref<1024xi32, #tpu.memory_space<hbm>>) dst(%dma_wait3A_281 : memref<1024xi32, #tpu.memory_space<vmem>>)
      %dma_wait3A_283 = tpu.memref_slice %arg6[%mul3A_170] : memref<16400xi32, #tpu.memory_space<vmem>> -> memref<1024xi32, #tpu.memory_space<vmem>>
      %dma_wait3A_284 = tpu.memref_slice %arg2[%mul3A_170] : memref<16385xi32, #tpu.memory_space<hbm>> -> memref<1024xi32, #tpu.memory_space<hbm>>
      %dma_wait3A_285 = tpu.memref_slice %arg6[%mul3A_170] : memref<16400xi32, #tpu.memory_space<vmem>> -> memref<1024xi32, #tpu.memory_space<vmem>>
      %dma_wait3A_286 = tpu.memref_slice %arg2[%mul3A_170] : memref<16385xi32, #tpu.memory_space<hbm>> -> memref<1024xi32, #tpu.memory_space<hbm>>
      tpu.wait_dma2 semaphore(%arg9 : memref<!tpu.dma_semaphore, #tpu.memory_space<semaphore_mem>>) src(%dma_wait3A_286 : memref<1024xi32, #tpu.memory_space<hbm>>) dst(%dma_wait3A_285 : memref<1024xi32, #tpu.memory_space<vmem>>)
      %dma_wait3A_287 = tpu.memref_slice %arg6[%mul3A_180] : memref<16400xi32, #tpu.memory_space<vmem>> -> memref<1024xi32, #tpu.memory_space<vmem>>
      %dma_wait3A_288 = tpu.memref_slice %arg2[%mul3A_180] : memref<16385xi32, #tpu.memory_space<hbm>> -> memref<1024xi32, #tpu.memory_space<hbm>>
      %dma_wait3A_289 = tpu.memref_slice %arg6[%mul3A_180] : memref<16400xi32, #tpu.memory_space<vmem>> -> memref<1024xi32, #tpu.memory_space<vmem>>
      %dma_wait3A_290 = tpu.memref_slice %arg2[%mul3A_180] : memref<16385xi32, #tpu.memory_space<hbm>> -> memref<1024xi32, #tpu.memory_space<hbm>>
      tpu.wait_dma2 semaphore(%arg9 : memref<!tpu.dma_semaphore, #tpu.memory_space<semaphore_mem>>) src(%dma_wait3A_290 : memref<1024xi32, #tpu.memory_space<hbm>>) dst(%dma_wait3A_289 : memref<1024xi32, #tpu.memory_space<vmem>>)
      %dma_wait3A_291 = tpu.memref_slice %arg6[%mul3A_190] : memref<16400xi32, #tpu.memory_space<vmem>> -> memref<1024xi32, #tpu.memory_space<vmem>>
      %dma_wait3A_292 = tpu.memref_slice %arg2[%mul3A_190] : memref<16385xi32, #tpu.memory_space<hbm>> -> memref<1024xi32, #tpu.memory_space<hbm>>
      %dma_wait3A_293 = tpu.memref_slice %arg6[%mul3A_190] : memref<16400xi32, #tpu.memory_space<vmem>> -> memref<1024xi32, #tpu.memory_space<vmem>>
      %dma_wait3A_294 = tpu.memref_slice %arg2[%mul3A_190] : memref<16385xi32, #tpu.memory_space<hbm>> -> memref<1024xi32, #tpu.memory_space<hbm>>
      tpu.wait_dma2 semaphore(%arg9 : memref<!tpu.dma_semaphore, #tpu.memory_space<semaphore_mem>>) src(%dma_wait3A_294 : memref<1024xi32, #tpu.memory_space<hbm>>) dst(%dma_wait3A_293 : memref<1024xi32, #tpu.memory_space<vmem>>)
      %dma_wait3A_295 = tpu.memref_slice %arg6[%mul3A_200] : memref<16400xi32, #tpu.memory_space<vmem>> -> memref<1024xi32, #tpu.memory_space<vmem>>
      %dma_wait3A_296 = tpu.memref_slice %arg2[%mul3A_200] : memref<16385xi32, #tpu.memory_space<hbm>> -> memref<1024xi32, #tpu.memory_space<hbm>>
      %dma_wait3A_297 = tpu.memref_slice %arg6[%mul3A_200] : memref<16400xi32, #tpu.memory_space<vmem>> -> memref<1024xi32, #tpu.memory_space<vmem>>
      %dma_wait3A_298 = tpu.memref_slice %arg2[%mul3A_200] : memref<16385xi32, #tpu.memory_space<hbm>> -> memref<1024xi32, #tpu.memory_space<hbm>>
      tpu.wait_dma2 semaphore(%arg9 : memref<!tpu.dma_semaphore, #tpu.memory_space<semaphore_mem>>) src(%dma_wait3A_298 : memref<1024xi32, #tpu.memory_space<hbm>>) dst(%dma_wait3A_297 : memref<1024xi32, #tpu.memory_space<vmem>>)
      %dma_wait3A_299 = tpu.memref_slice %arg6[%mul3A_210] : memref<16400xi32, #tpu.memory_space<vmem>> -> memref<1024xi32, #tpu.memory_space<vmem>>
      %dma_wait3A_300 = tpu.memref_slice %arg2[%mul3A_210] : memref<16385xi32, #tpu.memory_space<hbm>> -> memref<1024xi32, #tpu.memory_space<hbm>>
      %dma_wait3A_301 = tpu.memref_slice %arg6[%mul3A_210] : memref<16400xi32, #tpu.memory_space<vmem>> -> memref<1024xi32, #tpu.memory_space<vmem>>
      %dma_wait3A_302 = tpu.memref_slice %arg2[%mul3A_210] : memref<16385xi32, #tpu.memory_space<hbm>> -> memref<1024xi32, #tpu.memory_space<hbm>>
      tpu.wait_dma2 semaphore(%arg9 : memref<!tpu.dma_semaphore, #tpu.memory_space<semaphore_mem>>) src(%dma_wait3A_302 : memref<1024xi32, #tpu.memory_space<hbm>>) dst(%dma_wait3A_301 : memref<1024xi32, #tpu.memory_space<vmem>>)
      %dma_wait3A_303 = tpu.memref_slice %arg6[%mul3A_220] : memref<16400xi32, #tpu.memory_space<vmem>> -> memref<1024xi32, #tpu.memory_space<vmem>>
      %dma_wait3A_304 = tpu.memref_slice %arg2[%mul3A_220] : memref<16385xi32, #tpu.memory_space<hbm>> -> memref<1024xi32, #tpu.memory_space<hbm>>
      %dma_wait3A_305 = tpu.memref_slice %arg6[%mul3A_220] : memref<16400xi32, #tpu.memory_space<vmem>> -> memref<1024xi32, #tpu.memory_space<vmem>>
      %dma_wait3A_306 = tpu.memref_slice %arg2[%mul3A_220] : memref<16385xi32, #tpu.memory_space<hbm>> -> memref<1024xi32, #tpu.memory_space<hbm>>
      tpu.wait_dma2 semaphore(%arg9 : memref<!tpu.dma_semaphore, #tpu.memory_space<semaphore_mem>>) src(%dma_wait3A_306 : memref<1024xi32, #tpu.memory_space<hbm>>) dst(%dma_wait3A_305 : memref<1024xi32, #tpu.memory_space<vmem>>)
      %dma_wait3A_307 = tpu.memref_slice %arg6[%mul3A_230] : memref<16400xi32, #tpu.memory_space<vmem>> -> memref<1024xi32, #tpu.memory_space<vmem>>
      %dma_wait3A_308 = tpu.memref_slice %arg2[%mul3A_230] : memref<16385xi32, #tpu.memory_space<hbm>> -> memref<1024xi32, #tpu.memory_space<hbm>>
      %dma_wait3A_309 = tpu.memref_slice %arg6[%mul3A_230] : memref<16400xi32, #tpu.memory_space<vmem>> -> memref<1024xi32, #tpu.memory_space<vmem>>
      %dma_wait3A_310 = tpu.memref_slice %arg2[%mul3A_230] : memref<16385xi32, #tpu.memory_space<hbm>> -> memref<1024xi32, #tpu.memory_space<hbm>>
      tpu.wait_dma2 semaphore(%arg9 : memref<!tpu.dma_semaphore, #tpu.memory_space<semaphore_mem>>) src(%dma_wait3A_310 : memref<1024xi32, #tpu.memory_space<hbm>>) dst(%dma_wait3A_309 : memref<1024xi32, #tpu.memory_space<vmem>>)
      %dma_wait3A_311 = tpu.memref_slice %arg6[%mul3A_240] : memref<16400xi32, #tpu.memory_space<vmem>> -> memref<1024xi32, #tpu.memory_space<vmem>>
      %dma_wait3A_312 = tpu.memref_slice %arg2[%mul3A_240] : memref<16385xi32, #tpu.memory_space<hbm>> -> memref<1024xi32, #tpu.memory_space<hbm>>
      %dma_wait3A_313 = tpu.memref_slice %arg6[%mul3A_240] : memref<16400xi32, #tpu.memory_space<vmem>> -> memref<1024xi32, #tpu.memory_space<vmem>>
      %dma_wait3A_314 = tpu.memref_slice %arg2[%mul3A_240] : memref<16385xi32, #tpu.memory_space<hbm>> -> memref<1024xi32, #tpu.memory_space<hbm>>
      tpu.wait_dma2 semaphore(%arg9 : memref<!tpu.dma_semaphore, #tpu.memory_space<semaphore_mem>>) src(%dma_wait3A_314 : memref<1024xi32, #tpu.memory_space<hbm>>) dst(%dma_wait3A_313 : memref<1024xi32, #tpu.memory_space<vmem>>)
      %dma_wait3A_315 = tpu.memref_slice %arg6[%mul3A_250] : memref<16400xi32, #tpu.memory_space<vmem>> -> memref<1024xi32, #tpu.memory_space<vmem>>
      %dma_wait3A_316 = tpu.memref_slice %arg2[%mul3A_250] : memref<16385xi32, #tpu.memory_space<hbm>> -> memref<1024xi32, #tpu.memory_space<hbm>>
      %dma_wait3A_317 = tpu.memref_slice %arg6[%mul3A_250] : memref<16400xi32, #tpu.memory_space<vmem>> -> memref<1024xi32, #tpu.memory_space<vmem>>
      %dma_wait3A_318 = tpu.memref_slice %arg2[%mul3A_250] : memref<16385xi32, #tpu.memory_space<hbm>> -> memref<1024xi32, #tpu.memory_space<hbm>>
      tpu.wait_dma2 semaphore(%arg9 : memref<!tpu.dma_semaphore, #tpu.memory_space<semaphore_mem>>) src(%dma_wait3A_318 : memref<1024xi32, #tpu.memory_space<hbm>>) dst(%dma_wait3A_317 : memref<1024xi32, #tpu.memory_space<vmem>>)
      %add3A_319 = arith.constant 51103 : i32
      %add3A_320 = vector.broadcast %add3A_319 : i32 to vector<16xi32>
      %add3A_321 = arith.addi %broadcast_in_dim3A, %add3A_320 : vector<16xi32>
      %broadcast_in_dim3A_322 = arith.constant 0 : i32
      %broadcast_in_dim3A_323 = vector.broadcast %broadcast_in_dim3A_322 : i32 to vector<16xi32>
      %broadcast_in_dim3A_324 = arith.constant 0 : i32
      %broadcast_in_dim3A_325 = vector.broadcast %broadcast_in_dim3A_324 : i32 to vector<16xi32>
      %add3A_326 = arith.constant 16384 : i32
      %add3A_327 = vector.broadcast %add3A_326 : i32 to vector<16xi32>
      %add3A_328 = arith.addi %broadcast_in_dim3A_323, %add3A_327 : vector<16xi32>
      %min3A_329 = arith.constant 16399 : i32
      %min3A_330 = vector.broadcast %min3A_329 : i32 to vector<16xi32>
      %min3A_331 = arith.minsi %add3A_328, %min3A_330 : vector<16xi32>
      %add3A_332 = arith.constant 16384 : i32
      %add3A_333 = vector.broadcast %add3A_332 : i32 to vector<16xi32>
      %add3A_334 = arith.addi %broadcast_in_dim3A_325, %add3A_333 : vector<16xi32>
      %min3A_335 = arith.constant 16399 : i32
      %min3A_336 = vector.broadcast %min3A_335 : i32 to vector<16xi32>
      %min3A_337 = arith.minsi %add3A_334, %min3A_336 : vector<16xi32>
      %gather3A_338 = tpu.vector_load_idx %arg6[%min3A_331] : memref<16400xi32, #tpu.memory_space<vmem>>[vector<16xi32>], vector<16xi32>,
      %gather3A_339 = tpu.vector_load_idx %arg6[%min3A_337] : memref<16400xi32, #tpu.memory_space<vmem>>[vector<16xi32>], vector<16xi32>,
      %le3A_340 = arith.cmpi sle, %gather3A_338, %broadcast_in_dim3A : vector<16xi32>
      %select_n3A_341 = arith.select %le3A_340, %min3A_331, %broadcast_in_dim3A_323 : vector<16xi1>, vector<16xi32>
      %le3A_342 = arith.cmpi sle, %gather3A_339, %add3A_321 : vector<16xi32>
      %select_n3A_343 = arith.select %le3A_342, %min3A_337, %broadcast_in_dim3A_325 : vector<16xi1>, vector<16xi32>
      %add3A_344 = arith.constant 8192 : i32
      %add3A_345 = vector.broadcast %add3A_344 : i32 to vector<16xi32>
      %add3A_346 = arith.addi %select_n3A_341, %add3A_345 : vector<16xi32>
      %min3A_347 = arith.constant 16399 : i32
      %min3A_348 = vector.broadcast %min3A_347 : i32 to vector<16xi32>
      %min3A_349 = arith.minsi %add3A_346, %min3A_348 : vector<16xi32>
      %add3A_350 = arith.constant 8192 : i32
      %add3A_351 = vector.broadcast %add3A_350 : i32 to vector<16xi32>
      %add3A_352 = arith.addi %select_n3A_343, %add3A_351 : vector<16xi32>
      %min3A_353 = arith.constant 16399 : i32
      %min3A_354 = vector.broadcast %min3A_353 : i32 to vector<16xi32>
      %min3A_355 = arith.minsi %add3A_352, %min3A_354 : vector<16xi32>
      %gather3A_356 = tpu.vector_load_idx %arg6[%min3A_349] : memref<16400xi32, #tpu.memory_space<vmem>>[vector<16xi32>], vector<16xi32>,
      %gather3A_357 = tpu.vector_load_idx %arg6[%min3A_355] : memref<16400xi32, #tpu.memory_space<vmem>>[vector<16xi32>], vector<16xi32>,
      %le3A_358 = arith.cmpi sle, %gather3A_356, %broadcast_in_dim3A : vector<16xi32>
      %select_n3A_359 = arith.select %le3A_358, %min3A_349, %select_n3A_341 : vector<16xi1>, vector<16xi32>
      %le3A_360 = arith.cmpi sle, %gather3A_357, %add3A_321 : vector<16xi32>
      %select_n3A_361 = arith.select %le3A_360, %min3A_355, %select_n3A_343 : vector<16xi1>, vector<16xi32>
      %add3A_362 = arith.constant 4096 : i32
      %add3A_363 = vector.broadcast %add3A_362 : i32 to vector<16xi32>
      %add3A_364 = arith.addi %select_n3A_359, %add3A_363 : vector<16xi32>
      %min3A_365 = arith.constant 16399 : i32
      %min3A_366 = vector.broadcast %min3A_365 : i32 to vector<16xi32>
      %min3A_367 = arith.minsi %add3A_364, %min3A_366 : vector<16xi32>
      %add3A_368 = arith.constant 4096 : i32
      %add3A_369 = vector.broadcast %add3A_368 : i32 to vector<16xi32>
      %add3A_370 = arith.addi %select_n3A_361, %add3A_369 : vector<16xi32>
      %min3A_371 = arith.constant 16399 : i32
      %min3A_372 = vector.broadcast %min3A_371 : i32 to vector<16xi32>
      %min3A_373 = arith.minsi %add3A_370, %min3A_372 : vector<16xi32>
      %gather3A_374 = tpu.vector_load_idx %arg6[%min3A_367] : memref<16400xi32, #tpu.memory_space<vmem>>[vector<16xi32>], vector<16xi32>,
      %gather3A_375 = tpu.vector_load_idx %arg6[%min3A_373] : memref<16400xi32, #tpu.memory_space<vmem>>[vector<16xi32>], vector<16xi32>,
      %le3A_376 = arith.cmpi sle, %gather3A_374, %broadcast_in_dim3A : vector<16xi32>
      %select_n3A_377 = arith.select %le3A_376, %min3A_367, %select_n3A_359 : vector<16xi1>, vector<16xi32>
      %le3A_378 = arith.cmpi sle, %gather3A_375, %add3A_321 : vector<16xi32>
      %select_n3A_379 = arith.select %le3A_378, %min3A_373, %select_n3A_361 : vector<16xi1>, vector<16xi32>
      %add3A_380 = arith.constant 2048 : i32
      %add3A_381 = vector.broadcast %add3A_380 : i32 to vector<16xi32>
      %add3A_382 = arith.addi %select_n3A_377, %add3A_381 : vector<16xi32>
      %min3A_383 = arith.constant 16399 : i32
      %min3A_384 = vector.broadcast %min3A_383 : i32 to vector<16xi32>
      %min3A_385 = arith.minsi %add3A_382, %min3A_384 : vector<16xi32>
      %add3A_386 = arith.constant 2048 : i32
      %add3A_387 = vector.broadcast %add3A_386 : i32 to vector<16xi32>
      %add3A_388 = arith.addi %select_n3A_379, %add3A_387 : vector<16xi32>
      %min3A_389 = arith.constant 16399 : i32
      %min3A_390 = vector.broadcast %min3A_389 : i32 to vector<16xi32>
      %min3A_391 = arith.minsi %add3A_388, %min3A_390 : vector<16xi32>
      %gather3A_392 = tpu.vector_load_idx %arg6[%min3A_385] : memref<16400xi32, #tpu.memory_space<vmem>>[vector<16xi32>], vector<16xi32>,
      %gather3A_393 = tpu.vector_load_idx %arg6[%min3A_391] : memref<16400xi32, #tpu.memory_space<vmem>>[vector<16xi32>], vector<16xi32>,
      %le3A_394 = arith.cmpi sle, %gather3A_392, %broadcast_in_dim3A : vector<16xi32>
      %select_n3A_395 = arith.select %le3A_394, %min3A_385, %select_n3A_377 : vector<16xi1>, vector<16xi32>
      %le3A_396 = arith.cmpi sle, %gather3A_393, %add3A_321 : vector<16xi32>
      %select_n3A_397 = arith.select %le3A_396, %min3A_391, %select_n3A_379 : vector<16xi1>, vector<16xi32>
      %add3A_398 = arith.constant 1024 : i32
      %add3A_399 = vector.broadcast %add3A_398 : i32 to vector<16xi32>
      %add3A_400 = arith.addi %select_n3A_395, %add3A_399 : vector<16xi32>
      %min3A_401 = arith.constant 16399 : i32
      %min3A_402 = vector.broadcast %min3A_401 : i32 to vector<16xi32>
      %min3A_403 = arith.minsi %add3A_400, %min3A_402 : vector<16xi32>
      %add3A_404 = arith.constant 1024 : i32
      %add3A_405 = vector.broadcast %add3A_404 : i32 to vector<16xi32>
      %add3A_406 = arith.addi %select_n3A_397, %add3A_405 : vector<16xi32>
      %min3A_407 = arith.constant 16399 : i32
      %min3A_408 = vector.broadcast %min3A_407 : i32 to vector<16xi32>
      %min3A_409 = arith.minsi %add3A_406, %min3A_408 : vector<16xi32>
      %gather3A_410 = tpu.vector_load_idx %arg6[%min3A_403] : memref<16400xi32, #tpu.memory_space<vmem>>[vector<16xi32>], vector<16xi32>,
      %gather3A_411 = tpu.vector_load_idx %arg6[%min3A_409] : memref<16400xi32, #tpu.memory_space<vmem>>[vector<16xi32>], vector<16xi32>,
      %le3A_412 = arith.cmpi sle, %gather3A_410, %broadcast_in_dim3A : vector<16xi32>
      %select_n3A_413 = arith.select %le3A_412, %min3A_403, %select_n3A_395 : vector<16xi1>, vector<16xi32>
      %le3A_414 = arith.cmpi sle, %gather3A_411, %add3A_321 : vector<16xi32>
      %select_n3A_415 = arith.select %le3A_414, %min3A_409, %select_n3A_397 : vector<16xi1>, vector<16xi32>
      %add3A_416 = arith.constant 512 : i32
      %add3A_417 = vector.broadcast %add3A_416 : i32 to vector<16xi32>
      %add3A_418 = arith.addi %select_n3A_413, %add3A_417 : vector<16xi32>
      %min3A_419 = arith.constant 16399 : i32
      %min3A_420 = vector.broadcast %min3A_419 : i32 to vector<16xi32>
      %min3A_421 = arith.minsi %add3A_418, %min3A_420 : vector<16xi32>
      %add3A_422 = arith.constant 512 : i32
      %add3A_423 = vector.broadcast %add3A_422 : i32 to vector<16xi32>
      %add3A_424 = arith.addi %select_n3A_415, %add3A_423 : vector<16xi32>
      %min3A_425 = arith.constant 16399 : i32
      %min3A_426 = vector.broadcast %min3A_425 : i32 to vector<16xi32>
      %min3A_427 = arith.minsi %add3A_424, %min3A_426 : vector<16xi32>
      %gather3A_428 = tpu.vector_load_idx %arg6[%min3A_421] : memref<16400xi32, #tpu.memory_space<vmem>>[vector<16xi32>], vector<16xi32>,
      %gather3A_429 = tpu.vector_load_idx %arg6[%min3A_427] : memref<16400xi32, #tpu.memory_space<vmem>>[vector<16xi32>], vector<16xi32>,
      %le3A_430 = arith.cmpi sle, %gather3A_428, %broadcast_in_dim3A : vector<16xi32>
      %select_n3A_431 = arith.select %le3A_430, %min3A_421, %select_n3A_413 : vector<16xi1>, vector<16xi32>
      %le3A_432 = arith.cmpi sle, %gather3A_429, %add3A_321 : vector<16xi32>
      %select_n3A_433 = arith.select %le3A_432, %min3A_427, %select_n3A_415 : vector<16xi1>, vector<16xi32>
      %add3A_434 = arith.constant 256 : i32
      %add3A_435 = vector.broadcast %add3A_434 : i32 to vector<16xi32>
      %add3A_436 = arith.addi %select_n3A_431, %add3A_435 : vector<16xi32>
      %min3A_437 = arith.constant 16399 : i32
      %min3A_438 = vector.broadcast %min3A_437 : i32 to vector<16xi32>
      %min3A_439 = arith.minsi %add3A_436, %min3A_438 : vector<16xi32>
      %add3A_440 = arith.constant 256 : i32
      %add3A_441 = vector.broadcast %add3A_440 : i32 to vector<16xi32>
      %add3A_442 = arith.addi %select_n3A_433, %add3A_441 : vector<16xi32>
      %min3A_443 = arith.constant 16399 : i32
      %min3A_444 = vector.broadcast %min3A_443 : i32 to vector<16xi32>
      %min3A_445 = arith.minsi %add3A_442, %min3A_444 : vector<16xi32>
      %gather3A_446 = tpu.vector_load_idx %arg6[%min3A_439] : memref<16400xi32, #tpu.memory_space<vmem>>[vector<16xi32>], vector<16xi32>,
      %gather3A_447 = tpu.vector_load_idx %arg6[%min3A_445] : memref<16400xi32, #tpu.memory_space<vmem>>[vector<16xi32>], vector<16xi32>,
      %le3A_448 = arith.cmpi sle, %gather3A_446, %broadcast_in_dim3A : vector<16xi32>
      %select_n3A_449 = arith.select %le3A_448, %min3A_439, %select_n3A_431 : vector<16xi1>, vector<16xi32>
      %le3A_450 = arith.cmpi sle, %gather3A_447, %add3A_321 : vector<16xi32>
      %select_n3A_451 = arith.select %le3A_450, %min3A_445, %select_n3A_433 : vector<16xi1>, vector<16xi32>
      %add3A_452 = arith.constant 128 : i32
      %add3A_453 = vector.broadcast %add3A_452 : i32 to vector<16xi32>
      %add3A_454 = arith.addi %select_n3A_449, %add3A_453 : vector<16xi32>
      %min3A_455 = arith.constant 16399 : i32
      %min3A_456 = vector.broadcast %min3A_455 : i32 to vector<16xi32>
      %min3A_457 = arith.minsi %add3A_454, %min3A_456 : vector<16xi32>
      %add3A_458 = arith.constant 128 : i32
      %add3A_459 = vector.broadcast %add3A_458 : i32 to vector<16xi32>
      %add3A_460 = arith.addi %select_n3A_451, %add3A_459 : vector<16xi32>
      %min3A_461 = arith.constant 16399 : i32
      %min3A_462 = vector.broadcast %min3A_461 : i32 to vector<16xi32>
      %min3A_463 = arith.minsi %add3A_460, %min3A_462 : vector<16xi32>
      %gather3A_464 = tpu.vector_load_idx %arg6[%min3A_457] : memref<16400xi32, #tpu.memory_space<vmem>>[vector<16xi32>], vector<16xi32>,
      %gather3A_465 = tpu.vector_load_idx %arg6[%min3A_463] : memref<16400xi32, #tpu.memory_space<vmem>>[vector<16xi32>], vector<16xi32>,
      %le3A_466 = arith.cmpi sle, %gather3A_464, %broadcast_in_dim3A : vector<16xi32>
      %select_n3A_467 = arith.select %le3A_466, %min3A_457, %select_n3A_449 : vector<16xi1>, vector<16xi32>
      %le3A_468 = arith.cmpi sle, %gather3A_465, %add3A_321 : vector<16xi32>
      %select_n3A_469 = arith.select %le3A_468, %min3A_463, %select_n3A_451 : vector<16xi1>, vector<16xi32>
      %add3A_470 = arith.constant 64 : i32
      %add3A_471 = vector.broadcast %add3A_470 : i32 to vector<16xi32>
      %add3A_472 = arith.addi %select_n3A_467, %add3A_471 : vector<16xi32>
      %min3A_473 = arith.constant 16399 : i32
      %min3A_474 = vector.broadcast %min3A_473 : i32 to vector<16xi32>
      %min3A_475 = arith.minsi %add3A_472, %min3A_474 : vector<16xi32>
      %add3A_476 = arith.constant 64 : i32
      %add3A_477 = vector.broadcast %add3A_476 : i32 to vector<16xi32>
      %add3A_478 = arith.addi %select_n3A_469, %add3A_477 : vector<16xi32>
      %min3A_479 = arith.constant 16399 : i32
      %min3A_480 = vector.broadcast %min3A_479 : i32 to vector<16xi32>
      %min3A_481 = arith.minsi %add3A_478, %min3A_480 : vector<16xi32>
      %gather3A_482 = tpu.vector_load_idx %arg6[%min3A_475] : memref<16400xi32, #tpu.memory_space<vmem>>[vector<16xi32>], vector<16xi32>,
      %gather3A_483 = tpu.vector_load_idx %arg6[%min3A_481] : memref<16400xi32, #tpu.memory_space<vmem>>[vector<16xi32>], vector<16xi32>,
      %le3A_484 = arith.cmpi sle, %gather3A_482, %broadcast_in_dim3A : vector<16xi32>
      %select_n3A_485 = arith.select %le3A_484, %min3A_475, %select_n3A_467 : vector<16xi1>, vector<16xi32>
      %le3A_486 = arith.cmpi sle, %gather3A_483, %add3A_321 : vector<16xi32>
      %select_n3A_487 = arith.select %le3A_486, %min3A_481, %select_n3A_469 : vector<16xi1>, vector<16xi32>
      %add3A_488 = arith.constant 32 : i32
      %add3A_489 = vector.broadcast %add3A_488 : i32 to vector<16xi32>
      %add3A_490 = arith.addi %select_n3A_485, %add3A_489 : vector<16xi32>
      %min3A_491 = arith.constant 16399 : i32
      %min3A_492 = vector.broadcast %min3A_491 : i32 to vector<16xi32>
      %min3A_493 = arith.minsi %add3A_490, %min3A_492 : vector<16xi32>
      %add3A_494 = arith.constant 32 : i32
      %add3A_495 = vector.broadcast %add3A_494 : i32 to vector<16xi32>
      %add3A_496 = arith.addi %select_n3A_487, %add3A_495 : vector<16xi32>
      %min3A_497 = arith.constant 16399 : i32
      %min3A_498 = vector.broadcast %min3A_497 : i32 to vector<16xi32>
      %min3A_499 = arith.minsi %add3A_496, %min3A_498 : vector<16xi32>
      %gather3A_500 = tpu.vector_load_idx %arg6[%min3A_493] : memref<16400xi32, #tpu.memory_space<vmem>>[vector<16xi32>], vector<16xi32>,
      %gather3A_501 = tpu.vector_load_idx %arg6[%min3A_499] : memref<16400xi32, #tpu.memory_space<vmem>>[vector<16xi32>], vector<16xi32>,
      %le3A_502 = arith.cmpi sle, %gather3A_500, %broadcast_in_dim3A : vector<16xi32>
      %select_n3A_503 = arith.select %le3A_502, %min3A_493, %select_n3A_485 : vector<16xi1>, vector<16xi32>
      %le3A_504 = arith.cmpi sle, %gather3A_501, %add3A_321 : vector<16xi32>
      %select_n3A_505 = arith.select %le3A_504, %min3A_499, %select_n3A_487 : vector<16xi1>, vector<16xi32>
      %add3A_506 = arith.constant 16 : i32
      %add3A_507 = vector.broadcast %add3A_506 : i32 to vector<16xi32>
      %add3A_508 = arith.addi %select_n3A_503, %add3A_507 : vector<16xi32>
      %min3A_509 = arith.constant 16399 : i32
      %min3A_510 = vector.broadcast %min3A_509 : i32 to vector<16xi32>
      %min3A_511 = arith.minsi %add3A_508, %min3A_510 : vector<16xi32>
      %add3A_512 = arith.constant 16 : i32
      %add3A_513 = vector.broadcast %add3A_512 : i32 to vector<16xi32>
      %add3A_514 = arith.addi %select_n3A_505, %add3A_513 : vector<16xi32>
      %min3A_515 = arith.constant 16399 : i32
      %min3A_516 = vector.broadcast %min3A_515 : i32 to vector<16xi32>
      %min3A_517 = arith.minsi %add3A_514, %min3A_516 : vector<16xi32>
      %gather3A_518 = tpu.vector_load_idx %arg6[%min3A_511] : memref<16400xi32, #tpu.memory_space<vmem>>[vector<16xi32>], vector<16xi32>,
      %gather3A_519 = tpu.vector_load_idx %arg6[%min3A_517] : memref<16400xi32, #tpu.memory_space<vmem>>[vector<16xi32>], vector<16xi32>,
      %le3A_520 = arith.cmpi sle, %gather3A_518, %broadcast_in_dim3A : vector<16xi32>
      %select_n3A_521 = arith.select %le3A_520, %min3A_511, %select_n3A_503 : vector<16xi1>, vector<16xi32>
      %le3A_522 = arith.cmpi sle, %gather3A_519, %add3A_321 : vector<16xi32>
      %select_n3A_523 = arith.select %le3A_522, %min3A_517, %select_n3A_505 : vector<16xi1>, vector<16xi32>
      %add3A_524 = arith.constant 8 : i32
      %add3A_525 = vector.broadcast %add3A_524 : i32 to vector<16xi32>
      %add3A_526 = arith.addi %select_n3A_521, %add3A_525 : vector<16xi32>
      %min3A_527 = arith.constant 16399 : i32
      %min3A_528 = vector.broadcast %min3A_527 : i32 to vector<16xi32>
      %min3A_529 = arith.minsi %add3A_526, %min3A_528 : vector<16xi32>
      %add3A_530 = arith.constant 8 : i32
      %add3A_531 = vector.broadcast %add3A_530 : i32 to vector<16xi32>
      %add3A_532 = arith.addi %select_n3A_523, %add3A_531 : vector<16xi32>
      %min3A_533 = arith.constant 16399 : i32
      %min3A_534 = vector.broadcast %min3A_533 : i32 to vector<16xi32>
      %min3A_535 = arith.minsi %add3A_532, %min3A_534 : vector<16xi32>
      %gather3A_536 = tpu.vector_load_idx %arg6[%min3A_529] : memref<16400xi32, #tpu.memory_space<vmem>>[vector<16xi32>], vector<16xi32>,
      %gather3A_537 = tpu.vector_load_idx %arg6[%min3A_535] : memref<16400xi32, #tpu.memory_space<vmem>>[vector<16xi32>], vector<16xi32>,
      %le3A_538 = arith.cmpi sle, %gather3A_536, %broadcast_in_dim3A : vector<16xi32>
      %select_n3A_539 = arith.select %le3A_538, %min3A_529, %select_n3A_521 : vector<16xi1>, vector<16xi32>
      %le3A_540 = arith.cmpi sle, %gather3A_537, %add3A_321 : vector<16xi32>
      %select_n3A_541 = arith.select %le3A_540, %min3A_535, %select_n3A_523 : vector<16xi1>, vector<16xi32>
      %add3A_542 = arith.constant 4 : i32
      %add3A_543 = vector.broadcast %add3A_542 : i32 to vector<16xi32>
      %add3A_544 = arith.addi %select_n3A_539, %add3A_543 : vector<16xi32>
      %min3A_545 = arith.constant 16399 : i32
      %min3A_546 = vector.broadcast %min3A_545 : i32 to vector<16xi32>
      %min3A_547 = arith.minsi %add3A_544, %min3A_546 : vector<16xi32>
      %add3A_548 = arith.constant 4 : i32
      %add3A_549 = vector.broadcast %add3A_548 : i32 to vector<16xi32>
      %add3A_550 = arith.addi %select_n3A_541, %add3A_549 : vector<16xi32>
      %min3A_551 = arith.constant 16399 : i32
      %min3A_552 = vector.broadcast %min3A_551 : i32 to vector<16xi32>
      %min3A_553 = arith.minsi %add3A_550, %min3A_552 : vector<16xi32>
      %gather3A_554 = tpu.vector_load_idx %arg6[%min3A_547] : memref<16400xi32, #tpu.memory_space<vmem>>[vector<16xi32>], vector<16xi32>,
      %gather3A_555 = tpu.vector_load_idx %arg6[%min3A_553] : memref<16400xi32, #tpu.memory_space<vmem>>[vector<16xi32>], vector<16xi32>,
      %le3A_556 = arith.cmpi sle, %gather3A_554, %broadcast_in_dim3A : vector<16xi32>
      %select_n3A_557 = arith.select %le3A_556, %min3A_547, %select_n3A_539 : vector<16xi1>, vector<16xi32>
      %le3A_558 = arith.cmpi sle, %gather3A_555, %add3A_321 : vector<16xi32>
      %select_n3A_559 = arith.select %le3A_558, %min3A_553, %select_n3A_541 : vector<16xi1>, vector<16xi32>
      %add3A_560 = arith.constant 2 : i32
      %add3A_561 = vector.broadcast %add3A_560 : i32 to vector<16xi32>
      %add3A_562 = arith.addi %select_n3A_557, %add3A_561 : vector<16xi32>
      %min3A_563 = arith.constant 16399 : i32
      %min3A_564 = vector.broadcast %min3A_563 : i32 to vector<16xi32>
      %min3A_565 = arith.minsi %add3A_562, %min3A_564 : vector<16xi32>
      %add3A_566 = arith.constant 2 : i32
      %add3A_567 = vector.broadcast %add3A_566 : i32 to vector<16xi32>
      %add3A_568 = arith.addi %select_n3A_559, %add3A_567 : vector<16xi32>
      %min3A_569 = arith.constant 16399 : i32
      %min3A_570 = vector.broadcast %min3A_569 : i32 to vector<16xi32>
      %min3A_571 = arith.minsi %add3A_568, %min3A_570 : vector<16xi32>
      %gather3A_572 = tpu.vector_load_idx %arg6[%min3A_565] : memref<16400xi32, #tpu.memory_space<vmem>>[vector<16xi32>], vector<16xi32>,
      %gather3A_573 = tpu.vector_load_idx %arg6[%min3A_571] : memref<16400xi32, #tpu.memory_space<vmem>>[vector<16xi32>], vector<16xi32>,
      %le3A_574 = arith.cmpi sle, %gather3A_572, %broadcast_in_dim3A : vector<16xi32>
      %select_n3A_575 = arith.select %le3A_574, %min3A_565, %select_n3A_557 : vector<16xi1>, vector<16xi32>
      %le3A_576 = arith.cmpi sle, %gather3A_573, %add3A_321 : vector<16xi32>
      %select_n3A_577 = arith.select %le3A_576, %min3A_571, %select_n3A_559 : vector<16xi1>, vector<16xi32>
      %add3A_578 = arith.constant 1 : i32
      %add3A_579 = vector.broadcast %add3A_578 : i32 to vector<16xi32>
      %add3A_580 = arith.addi %select_n3A_575, %add3A_579 : vector<16xi32>
      %min3A_581 = arith.constant 16399 : i32
      %min3A_582 = vector.broadcast %min3A_581 : i32 to vector<16xi32>
      %min3A_583 = arith.minsi %add3A_580, %min3A_582 : vector<16xi32>
      %add3A_584 = arith.constant 1 : i32
      %add3A_585 = vector.broadcast %add3A_584 : i32 to vector<16xi32>
      %add3A_586 = arith.addi %select_n3A_577, %add3A_585 : vector<16xi32>
      %min3A_587 = arith.constant 16399 : i32
      %min3A_588 = vector.broadcast %min3A_587 : i32 to vector<16xi32>
      %min3A_589 = arith.minsi %add3A_586, %min3A_588 : vector<16xi32>
      %gather3A_590 = tpu.vector_load_idx %arg6[%min3A_583] : memref<16400xi32, #tpu.memory_space<vmem>>[vector<16xi32>], vector<16xi32>,
      %gather3A_591 = tpu.vector_load_idx %arg6[%min3A_589] : memref<16400xi32, #tpu.memory_space<vmem>>[vector<16xi32>], vector<16xi32>,
      %le3A_592 = arith.cmpi sle, %gather3A_590, %broadcast_in_dim3A : vector<16xi32>
      %select_n3A_593 = arith.select %le3A_592, %min3A_583, %select_n3A_575 : vector<16xi1>, vector<16xi32>
      %le3A_594 = arith.cmpi sle, %gather3A_591, %add3A_321 : vector<16xi32>
      %select_n3A_595 = arith.select %le3A_594, %min3A_589, %select_n3A_577 : vector<16xi1>, vector<16xi32>
      %reduce_max3A_596 = arith.constant true
      %reduce_max3A_597 = vector.broadcast %reduce_max3A_596 : i1 to vector<16xi1>
      %reduce_max3A_598 = arith.constant -2147483648 : i32
      %reduce_max3A_599 = vector.broadcast %reduce_max3A_598 : i32 to vector<16xi32>
      %reduce_max3A_600 = arith.xori %select_n3A_593, %reduce_max3A_599 : vector<16xi32>
      %reduce_max3A_601 = tpu.scan <max>, %reduce_max3A_600 masked %reduce_max3A_597 : vector<16xi32>, vector<16xi1> -> vector<16xi32>
      %reduce_max3A_602 = arith.xori %reduce_max3A_601, %reduce_max3A_599 : vector<16xi32>
      %reduce_max3A_603 = vector.extract %reduce_max3A_602[15] : i32 from vector<16xi32>
      %reduce_max3A_604 = arith.constant true
      %reduce_max3A_605 = vector.broadcast %reduce_max3A_604 : i1 to vector<16xi1>
      %reduce_max3A_606 = arith.constant -2147483648 : i32
      %reduce_max3A_607 = vector.broadcast %reduce_max3A_606 : i32 to vector<16xi32>
      %reduce_max3A_608 = arith.xori %select_n3A_595, %reduce_max3A_607 : vector<16xi32>
      %reduce_max3A_609 = tpu.scan <max>, %reduce_max3A_608 masked %reduce_max3A_605 : vector<16xi32>, vector<16xi1> -> vector<16xi32>
      %reduce_max3A_610 = arith.xori %reduce_max3A_609, %reduce_max3A_607 : vector<16xi32>
      %reduce_max3A_611 = vector.extract %reduce_max3A_610[15] : i32 from vector<16xi32>
      %get3A = arith.constant 0 : index
      %get3A_612 = tpu.vector_load %arg7[%get3A] {strides = array<i32>} : memref<208xf32, #tpu.memory_space<vmem>>, vector<16xf32>,
      %get3A_613 = arith.constant 16 : index
      %get3A_614 = tpu.vector_load %arg7[%get3A_613] {strides = array<i32>} : memref<208xf32, #tpu.memory_space<vmem>>, vector<16xf32>,
      %get3A_615 = arith.constant 32 : index
      %get3A_616 = tpu.vector_load %arg7[%get3A_615] {strides = array<i32>} : memref<208xf32, #tpu.memory_space<vmem>>, vector<16xf32>,
      %get3A_617 = arith.constant 48 : index
      %get3A_618 = tpu.vector_load %arg7[%get3A_617] {strides = array<i32>} : memref<208xf32, #tpu.memory_space<vmem>>, vector<16xf32>,
      %get3A_619 = arith.constant 64 : index
      %get3A_620 = tpu.vector_load %arg7[%get3A_619] {strides = array<i32>} : memref<208xf32, #tpu.memory_space<vmem>>, vector<16xf32>,
      %get3A_621 = arith.constant 80 : index
      %get3A_622 = tpu.vector_load %arg7[%get3A_621] {strides = array<i32>} : memref<208xf32, #tpu.memory_space<vmem>>, vector<16xf32>,
      %get3A_623 = arith.constant 96 : index
      %get3A_624 = tpu.vector_load %arg7[%get3A_623] {strides = array<i32>} : memref<208xf32, #tpu.memory_space<vmem>>, vector<16xf32>,
      %get3A_625 = arith.constant 112 : index
      %get3A_626 = tpu.vector_load %arg7[%get3A_625] {strides = array<i32>} : memref<208xf32, #tpu.memory_space<vmem>>, vector<16xf32>,
      %get3A_627 = arith.constant 128 : index
      %get3A_628 = tpu.vector_load %arg7[%get3A_627] {strides = array<i32>} : memref<208xf32, #tpu.memory_space<vmem>>, vector<16xf32>,
      %get3A_629 = arith.constant 144 : index
      %get3A_630 = tpu.vector_load %arg7[%get3A_629] {strides = array<i32>} : memref<208xf32, #tpu.memory_space<vmem>>, vector<16xf32>,
      %get3A_631 = arith.constant 160 : index
      %get3A_632 = tpu.vector_load %arg7[%get3A_631] {strides = array<i32>} : memref<208xf32, #tpu.memory_space<vmem>>, vector<16xf32>,
      %get3A_633 = arith.constant 176 : index
      %get3A_634 = tpu.vector_load %arg7[%get3A_633] {strides = array<i32>} : memref<208xf32, #tpu.memory_space<vmem>>, vector<16xf32>,
      %get3A_635 = arith.constant 192 : index
      %get3A_636 = tpu.vector_load %arg7[%get3A_635] {strides = array<i32>} : memref<208xf32, #tpu.memory_space<vmem>>, vector<16xf32>,
      %add3A_637 = arith.constant 0 : i32
      %add3A_638 = vector.broadcast %add3A_637 : i32 to vector<16xi32>
      %add3A_639 = arith.addi %iota3A, %add3A_638 : vector<16xi32>
      %add3A_640 = arith.constant 16 : i32
      %add3A_641 = vector.broadcast %add3A_640 : i32 to vector<16xi32>
      %add3A_642 = arith.addi %iota3A, %add3A_641 : vector<16xi32>
      %add3A_643 = arith.constant 32 : i32
      %add3A_644 = vector.broadcast %add3A_643 : i32 to vector<16xi32>
      %add3A_645 = arith.addi %iota3A, %add3A_644 : vector<16xi32>
      %add3A_646 = arith.constant 48 : i32
      %add3A_647 = vector.broadcast %add3A_646 : i32 to vector<16xi32>
      %add3A_648 = arith.addi %iota3A, %add3A_647 : vector<16xi32>
      %add3A_649 = arith.constant 64 : i32
      %add3A_650 = vector.broadcast %add3A_649 : i32 to vector<16xi32>
      %add3A_651 = arith.addi %iota3A, %add3A_650 : vector<16xi32>
      %add3A_652 = arith.constant 80 : i32
      %add3A_653 = vector.broadcast %add3A_652 : i32 to vector<16xi32>
      %add3A_654 = arith.addi %iota3A, %add3A_653 : vector<16xi32>
      %add3A_655 = arith.constant 96 : i32
      %add3A_656 = vector.broadcast %add3A_655 : i32 to vector<16xi32>
      %add3A_657 = arith.addi %iota3A, %add3A_656 : vector<16xi32>
      %add3A_658 = arith.constant 112 : i32
      %add3A_659 = vector.broadcast %add3A_658 : i32 to vector<16xi32>
      %add3A_660 = arith.addi %iota3A, %add3A_659 : vector<16xi32>
      %add3A_661 = arith.constant 128 : i32
      %add3A_662 = vector.broadcast %add3A_661 : i32 to vector<16xi32>
      %add3A_663 = arith.addi %iota3A, %add3A_662 : vector<16xi32>
      %add3A_664 = arith.constant 144 : i32
      %add3A_665 = vector.broadcast %add3A_664 : i32 to vector<16xi32>
      %add3A_666 = arith.addi %iota3A, %add3A_665 : vector<16xi32>
      %add3A_667 = arith.constant 160 : i32
      %add3A_668 = vector.broadcast %add3A_667 : i32 to vector<16xi32>
      %add3A_669 = arith.addi %iota3A, %add3A_668 : vector<16xi32>
      %add3A_670 = arith.constant 176 : i32
      %add3A_671 = vector.broadcast %add3A_670 : i32 to vector<16xi32>
      %add3A_672 = arith.addi %iota3A, %add3A_671 : vector<16xi32>
      %add3A_673 = arith.constant 192 : i32
      %add3A_674 = vector.broadcast %add3A_673 : i32 to vector<16xi32>
      %add3A_675 = arith.addi %iota3A, %add3A_674 : vector<16xi32>
      %broadcast_in_dim3A_676 = arith.constant 51104 : i32
      %broadcast_in_dim3A_677 = vector.broadcast %broadcast_in_dim3A_676 : i32 to vector<16xi32>
      %add3A_678 = arith.constant 1 : i32
      %add3A_679 = arith.addi %reduce_max3A_611, %add3A_678 : i32
      %sub3A_680 = arith.subi %add3A_679, %reduce_max3A_603 : i32
      %add3A_681 = arith.constant 8 : i32
      %add3A_682 = arith.addi %sub3A_680, %add3A_681 : i32
      %sub3A_683 = arith.constant 1 : i32
      %sub3A_684 = arith.subi %add3A_682, %sub3A_683 : i32
      %jit3A_685 = arith.constant 8 : i32
      %div3A_686 = arith.divsi %sub3A_684, %jit3A_685 : i32
      %sign3A_687 = arith.constant 0 : i32
      %sign3A_688 = arith.cmpi sgt, %sub3A_684, %sign3A_687 : i32
      %sign3A_689 = arith.extui %sign3A_688 : i1 to i32
      %sign3A_690 = arith.constant 0 : i32
      %sign3A_691 = arith.cmpi slt, %sub3A_684, %sign3A_690 : i32
      %sign3A_692 = arith.extui %sign3A_691 : i1 to i32
      %sign3A_693 = arith.subi %sign3A_689, %sign3A_692 : i32
      %sign3A_694 = arith.constant 0 : i32
      %sign3A_695 = arith.cmpi sgt, %jit3A_685, %sign3A_694 : i32
      %sign3A_696 = arith.extui %sign3A_695 : i1 to i32
      %sign3A_697 = arith.constant 0 : i32
      %sign3A_698 = arith.cmpi slt, %jit3A_685, %sign3A_697 : i32
      %sign3A_699 = arith.extui %sign3A_698 : i1 to i32
      %sign3A_700 = arith.subi %sign3A_696, %sign3A_699 : i32
      %ne3A_701 = arith.cmpi ne, %sign3A_693, %sign3A_700 : i32
      %rem3A_702 = arith.remsi %sub3A_684, %jit3A_685 : i32
      %ne3A_703 = arith.constant 0 : i32
      %ne3A_704 = arith.cmpi ne, %rem3A_702, %ne3A_703 : i32
      %and3A_705 = arith.andi %ne3A_701, %ne3A_704 : i1
      %sub3A_706 = arith.constant 1 : i32
      %sub3A_707 = arith.subi %div3A_686, %sub3A_706 : i32
      %select_n3A_708 = arith.select %and3A_705, %sub3A_707, %div3A_686 : i32
      %while3A = arith.constant 0 : i32
      %while3A_709 = arith.constant 0 : i32
      %while3A_710 = arith.subi %select_n3A_708, %while3A_709 : i32
      %while3A_711 = arith.addi %while3A_709, %while3A_710 : i32
      %while3A_712 = arith.constant 1 : i32
      %while3A_713 = arith.divsi %while3A_710, %while3A_712 : i32
      %while3A_714 = arith.muli %while3A_713, %while3A_712 : i32
      %while3A_715 = arith.addi %while3A_709, %while3A_714 : i32
      %while3A_716 = arith.constant 1 : i32
      scf.for %while3A_732 = %while3A_709 to %while3A_715 step %while3A_716  : i32 {
        %mul3A_733 = arith.constant 8 : i32
        %mul3A_734 = arith.muli %while3A_732, %mul3A_733 : i32
        %add3A_735 = arith.addi %reduce_max3A_603, %mul3A_734 : i32
        %add3A_736 = arith.constant 0 : i32
        %add3A_737 = arith.addi %add3A_735, %add3A_736 : i32
        %min3A_738 = arith.constant 16399 : i32
        %min3A_739 = arith.minsi %add3A_737, %min3A_738 : i32
        %broadcast_in_dim3A_740 = vector.broadcast %min3A_739 : i32 to vector<16xi32>
        %gather3A_741 = tpu.vector_load_idx %arg6[%broadcast_in_dim3A_740] : memref<16400xi32, #tpu.memory_space<vmem>>[vector<16xi32>], vector<16xi32>,
        %sub3A_742 = arith.subi %gather3A_741, %broadcast_in_dim3A : vector<16xi32>
        %add3A_743 = arith.addi %sub3A_742, %add3A_639 : vector<16xi32>
        %bitcast3A = vector.bitcast %add3A_743 : vector<16xi32> to vector<16xi32>
        %lt3A_744 = arith.cmpi ult, %bitcast3A, %broadcast_in_dim3A_677 : vector<16xi32>
        tpu.vector_store_idx %arg8[%add3A_743], %get3A_612 masked %lt3A_744 : memref<51104xf32, #tpu.memory_space<vmem>>[vector<16xi32>], vector<16xf32>, vector<16xi1>
        %add3A_745 = arith.addi %sub3A_742, %add3A_642 : vector<16xi32>
        %bitcast3A_746 = vector.bitcast %add3A_745 : vector<16xi32> to vector<16xi32>
        %lt3A_747 = arith.cmpi ult, %bitcast3A_746, %broadcast_in_dim3A_677 : vector<16xi32>
        tpu.vector_store_idx %arg8[%add3A_745], %get3A_614 masked %lt3A_747 : memref<51104xf32, #tpu.memory_space<vmem>>[vector<16xi32>], vector<16xf32>, vector<16xi1>
        %add3A_748 = arith.addi %sub3A_742, %add3A_645 : vector<16xi32>
        %bitcast3A_749 = vector.bitcast %add3A_748 : vector<16xi32> to vector<16xi32>
        %lt3A_750 = arith.cmpi ult, %bitcast3A_749, %broadcast_in_dim3A_677 : vector<16xi32>
        tpu.vector_store_idx %arg8[%add3A_748], %get3A_616 masked %lt3A_750 : memref<51104xf32, #tpu.memory_space<vmem>>[vector<16xi32>], vector<16xf32>, vector<16xi1>
        %add3A_751 = arith.addi %sub3A_742, %add3A_648 : vector<16xi32>
        %bitcast3A_752 = vector.bitcast %add3A_751 : vector<16xi32> to vector<16xi32>
        %lt3A_753 = arith.cmpi ult, %bitcast3A_752, %broadcast_in_dim3A_677 : vector<16xi32>
        tpu.vector_store_idx %arg8[%add3A_751], %get3A_618 masked %lt3A_753 : memref<51104xf32, #tpu.memory_space<vmem>>[vector<16xi32>], vector<16xf32>, vector<16xi1>
        %add3A_754 = arith.addi %sub3A_742, %add3A_651 : vector<16xi32>
        %bitcast3A_755 = vector.bitcast %add3A_754 : vector<16xi32> to vector<16xi32>
        %lt3A_756 = arith.cmpi ult, %bitcast3A_755, %broadcast_in_dim3A_677 : vector<16xi32>
        tpu.vector_store_idx %arg8[%add3A_754], %get3A_620 masked %lt3A_756 : memref<51104xf32, #tpu.memory_space<vmem>>[vector<16xi32>], vector<16xf32>, vector<16xi1>
        %add3A_757 = arith.addi %sub3A_742, %add3A_654 : vector<16xi32>
        %bitcast3A_758 = vector.bitcast %add3A_757 : vector<16xi32> to vector<16xi32>
        %lt3A_759 = arith.cmpi ult, %bitcast3A_758, %broadcast_in_dim3A_677 : vector<16xi32>
        tpu.vector_store_idx %arg8[%add3A_757], %get3A_622 masked %lt3A_759 : memref<51104xf32, #tpu.memory_space<vmem>>[vector<16xi32>], vector<16xf32>, vector<16xi1>
        %add3A_760 = arith.addi %sub3A_742, %add3A_657 : vector<16xi32>
        %bitcast3A_761 = vector.bitcast %add3A_760 : vector<16xi32> to vector<16xi32>
        %lt3A_762 = arith.cmpi ult, %bitcast3A_761, %broadcast_in_dim3A_677 : vector<16xi32>
        tpu.vector_store_idx %arg8[%add3A_760], %get3A_624 masked %lt3A_762 : memref<51104xf32, #tpu.memory_space<vmem>>[vector<16xi32>], vector<16xf32>, vector<16xi1>
        %add3A_763 = arith.addi %sub3A_742, %add3A_660 : vector<16xi32>
        %bitcast3A_764 = vector.bitcast %add3A_763 : vector<16xi32> to vector<16xi32>
        %lt3A_765 = arith.cmpi ult, %bitcast3A_764, %broadcast_in_dim3A_677 : vector<16xi32>
        tpu.vector_store_idx %arg8[%add3A_763], %get3A_626 masked %lt3A_765 : memref<51104xf32, #tpu.memory_space<vmem>>[vector<16xi32>], vector<16xf32>, vector<16xi1>
        %add3A_766 = arith.addi %sub3A_742, %add3A_663 : vector<16xi32>
        %bitcast3A_767 = vector.bitcast %add3A_766 : vector<16xi32> to vector<16xi32>
        %lt3A_768 = arith.cmpi ult, %bitcast3A_767, %broadcast_in_dim3A_677 : vector<16xi32>
        tpu.vector_store_idx %arg8[%add3A_766], %get3A_628 masked %lt3A_768 : memref<51104xf32, #tpu.memory_space<vmem>>[vector<16xi32>], vector<16xf32>, vector<16xi1>
        %add3A_769 = arith.addi %sub3A_742, %add3A_666 : vector<16xi32>
        %bitcast3A_770 = vector.bitcast %add3A_769 : vector<16xi32> to vector<16xi32>
        %lt3A_771 = arith.cmpi ult, %bitcast3A_770, %broadcast_in_dim3A_677 : vector<16xi32>
        tpu.vector_store_idx %arg8[%add3A_769], %get3A_630 masked %lt3A_771 : memref<51104xf32, #tpu.memory_space<vmem>>[vector<16xi32>], vector<16xf32>, vector<16xi1>
        %add3A_772 = arith.addi %sub3A_742, %add3A_669 : vector<16xi32>
        %bitcast3A_773 = vector.bitcast %add3A_772 : vector<16xi32> to vector<16xi32>
        %lt3A_774 = arith.cmpi ult, %bitcast3A_773, %broadcast_in_dim3A_677 : vector<16xi32>
        tpu.vector_store_idx %arg8[%add3A_772], %get3A_632 masked %lt3A_774 : memref<51104xf32, #tpu.memory_space<vmem>>[vector<16xi32>], vector<16xf32>, vector<16xi1>
        %add3A_775 = arith.addi %sub3A_742, %add3A_672 : vector<16xi32>
        %bitcast3A_776 = vector.bitcast %add3A_775 : vector<16xi32> to vector<16xi32>
        %lt3A_777 = arith.cmpi ult, %bitcast3A_776, %broadcast_in_dim3A_677 : vector<16xi32>
        tpu.vector_store_idx %arg8[%add3A_775], %get3A_634 masked %lt3A_777 : memref<51104xf32, #tpu.memory_space<vmem>>[vector<16xi32>], vector<16xf32>, vector<16xi1>
        %add3A_778 = arith.addi %sub3A_742, %add3A_675 : vector<16xi32>
        %bitcast3A_779 = vector.bitcast %add3A_778 : vector<16xi32> to vector<16xi32>
        %lt3A_780 = arith.cmpi ult, %bitcast3A_779, %broadcast_in_dim3A_677 : vector<16xi32>
        tpu.vector_store_idx %arg8[%add3A_778], %get3A_636 masked %lt3A_780 : memref<51104xf32, #tpu.memory_space<vmem>>[vector<16xi32>], vector<16xf32>, vector<16xi1>
        %add3A_781 = arith.constant 1 : i32
        %add3A_782 = arith.addi %add3A_735, %add3A_781 : i32
        %min3A_783 = arith.constant 16399 : i32
        %min3A_784 = arith.minsi %add3A_782, %min3A_783 : i32
        %broadcast_in_dim3A_785 = vector.broadcast %min3A_784 : i32 to vector<16xi32>
        %gather3A_786 = tpu.vector_load_idx %arg6[%broadcast_in_dim3A_785] : memref<16400xi32, #tpu.memory_space<vmem>>[vector<16xi32>], vector<16xi32>,
        %sub3A_787 = arith.subi %gather3A_786, %broadcast_in_dim3A : vector<16xi32>
        %add3A_788 = arith.addi %sub3A_787, %add3A_639 : vector<16xi32>
        %bitcast3A_789 = vector.bitcast %add3A_788 : vector<16xi32> to vector<16xi32>
        %lt3A_790 = arith.cmpi ult, %bitcast3A_789, %broadcast_in_dim3A_677 : vector<16xi32>
        tpu.vector_store_idx %arg8[%add3A_788], %get3A_612 masked %lt3A_790 : memref<51104xf32, #tpu.memory_space<vmem>>[vector<16xi32>], vector<16xf32>, vector<16xi1>
        %add3A_791 = arith.addi %sub3A_787, %add3A_642 : vector<16xi32>
        %bitcast3A_792 = vector.bitcast %add3A_791 : vector<16xi32> to vector<16xi32>
        %lt3A_793 = arith.cmpi ult, %bitcast3A_792, %broadcast_in_dim3A_677 : vector<16xi32>
        tpu.vector_store_idx %arg8[%add3A_791], %get3A_614 masked %lt3A_793 : memref<51104xf32, #tpu.memory_space<vmem>>[vector<16xi32>], vector<16xf32>, vector<16xi1>
        %add3A_794 = arith.addi %sub3A_787, %add3A_645 : vector<16xi32>
        %bitcast3A_795 = vector.bitcast %add3A_794 : vector<16xi32> to vector<16xi32>
        %lt3A_796 = arith.cmpi ult, %bitcast3A_795, %broadcast_in_dim3A_677 : vector<16xi32>
        tpu.vector_store_idx %arg8[%add3A_794], %get3A_616 masked %lt3A_796 : memref<51104xf32, #tpu.memory_space<vmem>>[vector<16xi32>], vector<16xf32>, vector<16xi1>
        %add3A_797 = arith.addi %sub3A_787, %add3A_648 : vector<16xi32>
        %bitcast3A_798 = vector.bitcast %add3A_797 : vector<16xi32> to vector<16xi32>
        %lt3A_799 = arith.cmpi ult, %bitcast3A_798, %broadcast_in_dim3A_677 : vector<16xi32>
        tpu.vector_store_idx %arg8[%add3A_797], %get3A_618 masked %lt3A_799 : memref<51104xf32, #tpu.memory_space<vmem>>[vector<16xi32>], vector<16xf32>, vector<16xi1>
        %add3A_800 = arith.addi %sub3A_787, %add3A_651 : vector<16xi32>
        %bitcast3A_801 = vector.bitcast %add3A_800 : vector<16xi32> to vector<16xi32>
        %lt3A_802 = arith.cmpi ult, %bitcast3A_801, %broadcast_in_dim3A_677 : vector<16xi32>
        tpu.vector_store_idx %arg8[%add3A_800], %get3A_620 masked %lt3A_802 : memref<51104xf32, #tpu.memory_space<vmem>>[vector<16xi32>], vector<16xf32>, vector<16xi1>
        %add3A_803 = arith.addi %sub3A_787, %add3A_654 : vector<16xi32>
        %bitcast3A_804 = vector.bitcast %add3A_803 : vector<16xi32> to vector<16xi32>
        %lt3A_805 = arith.cmpi ult, %bitcast3A_804, %broadcast_in_dim3A_677 : vector<16xi32>
        tpu.vector_store_idx %arg8[%add3A_803], %get3A_622 masked %lt3A_805 : memref<51104xf32, #tpu.memory_space<vmem>>[vector<16xi32>], vector<16xf32>, vector<16xi1>
        %add3A_806 = arith.addi %sub3A_787, %add3A_657 : vector<16xi32>
        %bitcast3A_807 = vector.bitcast %add3A_806 : vector<16xi32> to vector<16xi32>
        %lt3A_808 = arith.cmpi ult, %bitcast3A_807, %broadcast_in_dim3A_677 : vector<16xi32>
        tpu.vector_store_idx %arg8[%add3A_806], %get3A_624 masked %lt3A_808 : memref<51104xf32, #tpu.memory_space<vmem>>[vector<16xi32>], vector<16xf32>, vector<16xi1>
        %add3A_809 = arith.addi %sub3A_787, %add3A_660 : vector<16xi32>
        %bitcast3A_810 = vector.bitcast %add3A_809 : vector<16xi32> to vector<16xi32>
        %lt3A_811 = arith.cmpi ult, %bitcast3A_810, %broadcast_in_dim3A_677 : vector<16xi32>
        tpu.vector_store_idx %arg8[%add3A_809], %get3A_626 masked %lt3A_811 : memref<51104xf32, #tpu.memory_space<vmem>>[vector<16xi32>], vector<16xf32>, vector<16xi1>
        %add3A_812 = arith.addi %sub3A_787, %add3A_663 : vector<16xi32>
        %bitcast3A_813 = vector.bitcast %add3A_812 : vector<16xi32> to vector<16xi32>
        %lt3A_814 = arith.cmpi ult, %bitcast3A_813, %broadcast_in_dim3A_677 : vector<16xi32>
        tpu.vector_store_idx %arg8[%add3A_812], %get3A_628 masked %lt3A_814 : memref<51104xf32, #tpu.memory_space<vmem>>[vector<16xi32>], vector<16xf32>, vector<16xi1>
        %add3A_815 = arith.addi %sub3A_787, %add3A_666 : vector<16xi32>
        %bitcast3A_816 = vector.bitcast %add3A_815 : vector<16xi32> to vector<16xi32>
        %lt3A_817 = arith.cmpi ult, %bitcast3A_816, %broadcast_in_dim3A_677 : vector<16xi32>
        tpu.vector_store_idx %arg8[%add3A_815], %get3A_630 masked %lt3A_817 : memref<51104xf32, #tpu.memory_space<vmem>>[vector<16xi32>], vector<16xf32>, vector<16xi1>
        %add3A_818 = arith.addi %sub3A_787, %add3A_669 : vector<16xi32>
        %bitcast3A_819 = vector.bitcast %add3A_818 : vector<16xi32> to vector<16xi32>
        %lt3A_820 = arith.cmpi ult, %bitcast3A_819, %broadcast_in_dim3A_677 : vector<16xi32>
        tpu.vector_store_idx %arg8[%add3A_818], %get3A_632 masked %lt3A_820 : memref<51104xf32, #tpu.memory_space<vmem>>[vector<16xi32>], vector<16xf32>, vector<16xi1>
        %add3A_821 = arith.addi %sub3A_787, %add3A_672 : vector<16xi32>
        %bitcast3A_822 = vector.bitcast %add3A_821 : vector<16xi32> to vector<16xi32>
        %lt3A_823 = arith.cmpi ult, %bitcast3A_822, %broadcast_in_dim3A_677 : vector<16xi32>
        tpu.vector_store_idx %arg8[%add3A_821], %get3A_634 masked %lt3A_823 : memref<51104xf32, #tpu.memory_space<vmem>>[vector<16xi32>], vector<16xf32>, vector<16xi1>
        %add3A_824 = arith.addi %sub3A_787, %add3A_675 : vector<16xi32>
        %bitcast3A_825 = vector.bitcast %add3A_824 : vector<16xi32> to vector<16xi32>
        %lt3A_826 = arith.cmpi ult, %bitcast3A_825, %broadcast_in_dim3A_677 : vector<16xi32>
        tpu.vector_store_idx %arg8[%add3A_824], %get3A_636 masked %lt3A_826 : memref<51104xf32, #tpu.memory_space<vmem>>[vector<16xi32>], vector<16xf32>, vector<16xi1>
        %add3A_827 = arith.constant 2 : i32
        %add3A_828 = arith.addi %add3A_735, %add3A_827 : i32
        %min3A_829 = arith.constant 16399 : i32
        %min3A_830 = arith.minsi %add3A_828, %min3A_829 : i32
        %broadcast_in_dim3A_831 = vector.broadcast %min3A_830 : i32 to vector<16xi32>
        %gather3A_832 = tpu.vector_load_idx %arg6[%broadcast_in_dim3A_831] : memref<16400xi32, #tpu.memory_space<vmem>>[vector<16xi32>], vector<16xi32>,
        %sub3A_833 = arith.subi %gather3A_832, %broadcast_in_dim3A : vector<16xi32>
        %add3A_834 = arith.addi %sub3A_833, %add3A_639 : vector<16xi32>
        %bitcast3A_835 = vector.bitcast %add3A_834 : vector<16xi32> to vector<16xi32>
        %lt3A_836 = arith.cmpi ult, %bitcast3A_835, %broadcast_in_dim3A_677 : vector<16xi32>
        tpu.vector_store_idx %arg8[%add3A_834], %get3A_612 masked %lt3A_836 : memref<51104xf32, #tpu.memory_space<vmem>>[vector<16xi32>], vector<16xf32>, vector<16xi1>
        %add3A_837 = arith.addi %sub3A_833, %add3A_642 : vector<16xi32>
        %bitcast3A_838 = vector.bitcast %add3A_837 : vector<16xi32> to vector<16xi32>
        %lt3A_839 = arith.cmpi ult, %bitcast3A_838, %broadcast_in_dim3A_677 : vector<16xi32>
        tpu.vector_store_idx %arg8[%add3A_837], %get3A_614 masked %lt3A_839 : memref<51104xf32, #tpu.memory_space<vmem>>[vector<16xi32>], vector<16xf32>, vector<16xi1>
        %add3A_840 = arith.addi %sub3A_833, %add3A_645 : vector<16xi32>
        %bitcast3A_841 = vector.bitcast %add3A_840 : vector<16xi32> to vector<16xi32>
        %lt3A_842 = arith.cmpi ult, %bitcast3A_841, %broadcast_in_dim3A_677 : vector<16xi32>
        tpu.vector_store_idx %arg8[%add3A_840], %get3A_616 masked %lt3A_842 : memref<51104xf32, #tpu.memory_space<vmem>>[vector<16xi32>], vector<16xf32>, vector<16xi1>
        %add3A_843 = arith.addi %sub3A_833, %add3A_648 : vector<16xi32>
        %bitcast3A_844 = vector.bitcast %add3A_843 : vector<16xi32> to vector<16xi32>
        %lt3A_845 = arith.cmpi ult, %bitcast3A_844, %broadcast_in_dim3A_677 : vector<16xi32>
        tpu.vector_store_idx %arg8[%add3A_843], %get3A_618 masked %lt3A_845 : memref<51104xf32, #tpu.memory_space<vmem>>[vector<16xi32>], vector<16xf32>, vector<16xi1>
        %add3A_846 = arith.addi %sub3A_833, %add3A_651 : vector<16xi32>
        %bitcast3A_847 = vector.bitcast %add3A_846 : vector<16xi32> to vector<16xi32>
        %lt3A_848 = arith.cmpi ult, %bitcast3A_847, %broadcast_in_dim3A_677 : vector<16xi32>
        tpu.vector_store_idx %arg8[%add3A_846], %get3A_620 masked %lt3A_848 : memref<51104xf32, #tpu.memory_space<vmem>>[vector<16xi32>], vector<16xf32>, vector<16xi1>
        %add3A_849 = arith.addi %sub3A_833, %add3A_654 : vector<16xi32>
        %bitcast3A_850 = vector.bitcast %add3A_849 : vector<16xi32> to vector<16xi32>
        %lt3A_851 = arith.cmpi ult, %bitcast3A_850, %broadcast_in_dim3A_677 : vector<16xi32>
        tpu.vector_store_idx %arg8[%add3A_849], %get3A_622 masked %lt3A_851 : memref<51104xf32, #tpu.memory_space<vmem>>[vector<16xi32>], vector<16xf32>, vector<16xi1>
        %add3A_852 = arith.addi %sub3A_833, %add3A_657 : vector<16xi32>
        %bitcast3A_853 = vector.bitcast %add3A_852 : vector<16xi32> to vector<16xi32>
        %lt3A_854 = arith.cmpi ult, %bitcast3A_853, %broadcast_in_dim3A_677 : vector<16xi32>
        tpu.vector_store_idx %arg8[%add3A_852], %get3A_624 masked %lt3A_854 : memref<51104xf32, #tpu.memory_space<vmem>>[vector<16xi32>], vector<16xf32>, vector<16xi1>
        %add3A_855 = arith.addi %sub3A_833, %add3A_660 : vector<16xi32>
        %bitcast3A_856 = vector.bitcast %add3A_855 : vector<16xi32> to vector<16xi32>
        %lt3A_857 = arith.cmpi ult, %bitcast3A_856, %broadcast_in_dim3A_677 : vector<16xi32>
        tpu.vector_store_idx %arg8[%add3A_855], %get3A_626 masked %lt3A_857 : memref<51104xf32, #tpu.memory_space<vmem>>[vector<16xi32>], vector<16xf32>, vector<16xi1>
        %add3A_858 = arith.addi %sub3A_833, %add3A_663 : vector<16xi32>
        %bitcast3A_859 = vector.bitcast %add3A_858 : vector<16xi32> to vector<16xi32>
        %lt3A_860 = arith.cmpi ult, %bitcast3A_859, %broadcast_in_dim3A_677 : vector<16xi32>
        tpu.vector_store_idx %arg8[%add3A_858], %get3A_628 masked %lt3A_860 : memref<51104xf32, #tpu.memory_space<vmem>>[vector<16xi32>], vector<16xf32>, vector<16xi1>
        %add3A_861 = arith.addi %sub3A_833, %add3A_666 : vector<16xi32>
        %bitcast3A_862 = vector.bitcast %add3A_861 : vector<16xi32> to vector<16xi32>
        %lt3A_863 = arith.cmpi ult, %bitcast3A_862, %broadcast_in_dim3A_677 : vector<16xi32>
        tpu.vector_store_idx %arg8[%add3A_861], %get3A_630 masked %lt3A_863 : memref<51104xf32, #tpu.memory_space<vmem>>[vector<16xi32>], vector<16xf32>, vector<16xi1>
        %add3A_864 = arith.addi %sub3A_833, %add3A_669 : vector<16xi32>
        %bitcast3A_865 = vector.bitcast %add3A_864 : vector<16xi32> to vector<16xi32>
        %lt3A_866 = arith.cmpi ult, %bitcast3A_865, %broadcast_in_dim3A_677 : vector<16xi32>
        tpu.vector_store_idx %arg8[%add3A_864], %get3A_632 masked %lt3A_866 : memref<51104xf32, #tpu.memory_space<vmem>>[vector<16xi32>], vector<16xf32>, vector<16xi1>
        %add3A_867 = arith.addi %sub3A_833, %add3A_672 : vector<16xi32>
        %bitcast3A_868 = vector.bitcast %add3A_867 : vector<16xi32> to vector<16xi32>
        %lt3A_869 = arith.cmpi ult, %bitcast3A_868, %broadcast_in_dim3A_677 : vector<16xi32>
        tpu.vector_store_idx %arg8[%add3A_867], %get3A_634 masked %lt3A_869 : memref<51104xf32, #tpu.memory_space<vmem>>[vector<16xi32>], vector<16xf32>, vector<16xi1>
        %add3A_870 = arith.addi %sub3A_833, %add3A_675 : vector<16xi32>
        %bitcast3A_871 = vector.bitcast %add3A_870 : vector<16xi32> to vector<16xi32>
        %lt3A_872 = arith.cmpi ult, %bitcast3A_871, %broadcast_in_dim3A_677 : vector<16xi32>
        tpu.vector_store_idx %arg8[%add3A_870], %get3A_636 masked %lt3A_872 : memref<51104xf32, #tpu.memory_space<vmem>>[vector<16xi32>], vector<16xf32>, vector<16xi1>
        %add3A_873 = arith.constant 3 : i32
        %add3A_874 = arith.addi %add3A_735, %add3A_873 : i32
        %min3A_875 = arith.constant 16399 : i32
        %min3A_876 = arith.minsi %add3A_874, %min3A_875 : i32
        %broadcast_in_dim3A_877 = vector.broadcast %min3A_876 : i32 to vector<16xi32>
        %gather3A_878 = tpu.vector_load_idx %arg6[%broadcast_in_dim3A_877] : memref<16400xi32, #tpu.memory_space<vmem>>[vector<16xi32>], vector<16xi32>,
        %sub3A_879 = arith.subi %gather3A_878, %broadcast_in_dim3A : vector<16xi32>
        %add3A_880 = arith.addi %sub3A_879, %add3A_639 : vector<16xi32>
        %bitcast3A_881 = vector.bitcast %add3A_880 : vector<16xi32> to vector<16xi32>
        %lt3A_882 = arith.cmpi ult, %bitcast3A_881, %broadcast_in_dim3A_677 : vector<16xi32>
        tpu.vector_store_idx %arg8[%add3A_880], %get3A_612 masked %lt3A_882 : memref<51104xf32, #tpu.memory_space<vmem>>[vector<16xi32>], vector<16xf32>, vector<16xi1>
        %add3A_883 = arith.addi %sub3A_879, %add3A_642 : vector<16xi32>
        %bitcast3A_884 = vector.bitcast %add3A_883 : vector<16xi32> to vector<16xi32>
        %lt3A_885 = arith.cmpi ult, %bitcast3A_884, %broadcast_in_dim3A_677 : vector<16xi32>
        tpu.vector_store_idx %arg8[%add3A_883], %get3A_614 masked %lt3A_885 : memref<51104xf32, #tpu.memory_space<vmem>>[vector<16xi32>], vector<16xf32>, vector<16xi1>
        %add3A_886 = arith.addi %sub3A_879, %add3A_645 : vector<16xi32>
        %bitcast3A_887 = vector.bitcast %add3A_886 : vector<16xi32> to vector<16xi32>
        %lt3A_888 = arith.cmpi ult, %bitcast3A_887, %broadcast_in_dim3A_677 : vector<16xi32>
        tpu.vector_store_idx %arg8[%add3A_886], %get3A_616 masked %lt3A_888 : memref<51104xf32, #tpu.memory_space<vmem>>[vector<16xi32>], vector<16xf32>, vector<16xi1>
        %add3A_889 = arith.addi %sub3A_879, %add3A_648 : vector<16xi32>
        %bitcast3A_890 = vector.bitcast %add3A_889 : vector<16xi32> to vector<16xi32>
        %lt3A_891 = arith.cmpi ult, %bitcast3A_890, %broadcast_in_dim3A_677 : vector<16xi32>
        tpu.vector_store_idx %arg8[%add3A_889], %get3A_618 masked %lt3A_891 : memref<51104xf32, #tpu.memory_space<vmem>>[vector<16xi32>], vector<16xf32>, vector<16xi1>
        %add3A_892 = arith.addi %sub3A_879, %add3A_651 : vector<16xi32>
        %bitcast3A_893 = vector.bitcast %add3A_892 : vector<16xi32> to vector<16xi32>
        %lt3A_894 = arith.cmpi ult, %bitcast3A_893, %broadcast_in_dim3A_677 : vector<16xi32>
        tpu.vector_store_idx %arg8[%add3A_892], %get3A_620 masked %lt3A_894 : memref<51104xf32, #tpu.memory_space<vmem>>[vector<16xi32>], vector<16xf32>, vector<16xi1>
        %add3A_895 = arith.addi %sub3A_879, %add3A_654 : vector<16xi32>
        %bitcast3A_896 = vector.bitcast %add3A_895 : vector<16xi32> to vector<16xi32>
        %lt3A_897 = arith.cmpi ult, %bitcast3A_896, %broadcast_in_dim3A_677 : vector<16xi32>
        tpu.vector_store_idx %arg8[%add3A_895], %get3A_622 masked %lt3A_897 : memref<51104xf32, #tpu.memory_space<vmem>>[vector<16xi32>], vector<16xf32>, vector<16xi1>
        %add3A_898 = arith.addi %sub3A_879, %add3A_657 : vector<16xi32>
        %bitcast3A_899 = vector.bitcast %add3A_898 : vector<16xi32> to vector<16xi32>
        %lt3A_900 = arith.cmpi ult, %bitcast3A_899, %broadcast_in_dim3A_677 : vector<16xi32>
        tpu.vector_store_idx %arg8[%add3A_898], %get3A_624 masked %lt3A_900 : memref<51104xf32, #tpu.memory_space<vmem>>[vector<16xi32>], vector<16xf32>, vector<16xi1>
        %add3A_901 = arith.addi %sub3A_879, %add3A_660 : vector<16xi32>
        %bitcast3A_902 = vector.bitcast %add3A_901 : vector<16xi32> to vector<16xi32>
        %lt3A_903 = arith.cmpi ult, %bitcast3A_902, %broadcast_in_dim3A_677 : vector<16xi32>
        tpu.vector_store_idx %arg8[%add3A_901], %get3A_626 masked %lt3A_903 : memref<51104xf32, #tpu.memory_space<vmem>>[vector<16xi32>], vector<16xf32>, vector<16xi1>
        %add3A_904 = arith.addi %sub3A_879, %add3A_663 : vector<16xi32>
        %bitcast3A_905 = vector.bitcast %add3A_904 : vector<16xi32> to vector<16xi32>
        %lt3A_906 = arith.cmpi ult, %bitcast3A_905, %broadcast_in_dim3A_677 : vector<16xi32>
        tpu.vector_store_idx %arg8[%add3A_904], %get3A_628 masked %lt3A_906 : memref<51104xf32, #tpu.memory_space<vmem>>[vector<16xi32>], vector<16xf32>, vector<16xi1>
        %add3A_907 = arith.addi %sub3A_879, %add3A_666 : vector<16xi32>
        %bitcast3A_908 = vector.bitcast %add3A_907 : vector<16xi32> to vector<16xi32>
        %lt3A_909 = arith.cmpi ult, %bitcast3A_908, %broadcast_in_dim3A_677 : vector<16xi32>
        tpu.vector_store_idx %arg8[%add3A_907], %get3A_630 masked %lt3A_909 : memref<51104xf32, #tpu.memory_space<vmem>>[vector<16xi32>], vector<16xf32>, vector<16xi1>
        %add3A_910 = arith.addi %sub3A_879, %add3A_669 : vector<16xi32>
        %bitcast3A_911 = vector.bitcast %add3A_910 : vector<16xi32> to vector<16xi32>
        %lt3A_912 = arith.cmpi ult, %bitcast3A_911, %broadcast_in_dim3A_677 : vector<16xi32>
        tpu.vector_store_idx %arg8[%add3A_910], %get3A_632 masked %lt3A_912 : memref<51104xf32, #tpu.memory_space<vmem>>[vector<16xi32>], vector<16xf32>, vector<16xi1>
        %add3A_913 = arith.addi %sub3A_879, %add3A_672 : vector<16xi32>
        %bitcast3A_914 = vector.bitcast %add3A_913 : vector<16xi32> to vector<16xi32>
        %lt3A_915 = arith.cmpi ult, %bitcast3A_914, %broadcast_in_dim3A_677 : vector<16xi32>
        tpu.vector_store_idx %arg8[%add3A_913], %get3A_634 masked %lt3A_915 : memref<51104xf32, #tpu.memory_space<vmem>>[vector<16xi32>], vector<16xf32>, vector<16xi1>
        %add3A_916 = arith.addi %sub3A_879, %add3A_675 : vector<16xi32>
        %bitcast3A_917 = vector.bitcast %add3A_916 : vector<16xi32> to vector<16xi32>
        %lt3A_918 = arith.cmpi ult, %bitcast3A_917, %broadcast_in_dim3A_677 : vector<16xi32>
        tpu.vector_store_idx %arg8[%add3A_916], %get3A_636 masked %lt3A_918 : memref<51104xf32, #tpu.memory_space<vmem>>[vector<16xi32>], vector<16xf32>, vector<16xi1>
        %add3A_919 = arith.constant 4 : i32
        %add3A_920 = arith.addi %add3A_735, %add3A_919 : i32
        %min3A_921 = arith.constant 16399 : i32
        %min3A_922 = arith.minsi %add3A_920, %min3A_921 : i32
        %broadcast_in_dim3A_923 = vector.broadcast %min3A_922 : i32 to vector<16xi32>
        %gather3A_924 = tpu.vector_load_idx %arg6[%broadcast_in_dim3A_923] : memref<16400xi32, #tpu.memory_space<vmem>>[vector<16xi32>], vector<16xi32>,
        %sub3A_925 = arith.subi %gather3A_924, %broadcast_in_dim3A : vector<16xi32>
        %add3A_926 = arith.addi %sub3A_925, %add3A_639 : vector<16xi32>
        %bitcast3A_927 = vector.bitcast %add3A_926 : vector<16xi32> to vector<16xi32>
        %lt3A_928 = arith.cmpi ult, %bitcast3A_927, %broadcast_in_dim3A_677 : vector<16xi32>
        tpu.vector_store_idx %arg8[%add3A_926], %get3A_612 masked %lt3A_928 : memref<51104xf32, #tpu.memory_space<vmem>>[vector<16xi32>], vector<16xf32>, vector<16xi1>
        %add3A_929 = arith.addi %sub3A_925, %add3A_642 : vector<16xi32>
        %bitcast3A_930 = vector.bitcast %add3A_929 : vector<16xi32> to vector<16xi32>
        %lt3A_931 = arith.cmpi ult, %bitcast3A_930, %broadcast_in_dim3A_677 : vector<16xi32>
        tpu.vector_store_idx %arg8[%add3A_929], %get3A_614 masked %lt3A_931 : memref<51104xf32, #tpu.memory_space<vmem>>[vector<16xi32>], vector<16xf32>, vector<16xi1>
        %add3A_932 = arith.addi %sub3A_925, %add3A_645 : vector<16xi32>
        %bitcast3A_933 = vector.bitcast %add3A_932 : vector<16xi32> to vector<16xi32>
        %lt3A_934 = arith.cmpi ult, %bitcast3A_933, %broadcast_in_dim3A_677 : vector<16xi32>
        tpu.vector_store_idx %arg8[%add3A_932], %get3A_616 masked %lt3A_934 : memref<51104xf32, #tpu.memory_space<vmem>>[vector<16xi32>], vector<16xf32>, vector<16xi1>
        %add3A_935 = arith.addi %sub3A_925, %add3A_648 : vector<16xi32>
        %bitcast3A_936 = vector.bitcast %add3A_935 : vector<16xi32> to vector<16xi32>
        %lt3A_937 = arith.cmpi ult, %bitcast3A_936, %broadcast_in_dim3A_677 : vector<16xi32>
        tpu.vector_store_idx %arg8[%add3A_935], %get3A_618 masked %lt3A_937 : memref<51104xf32, #tpu.memory_space<vmem>>[vector<16xi32>], vector<16xf32>, vector<16xi1>
        %add3A_938 = arith.addi %sub3A_925, %add3A_651 : vector<16xi32>
        %bitcast3A_939 = vector.bitcast %add3A_938 : vector<16xi32> to vector<16xi32>
        %lt3A_940 = arith.cmpi ult, %bitcast3A_939, %broadcast_in_dim3A_677 : vector<16xi32>
        tpu.vector_store_idx %arg8[%add3A_938], %get3A_620 masked %lt3A_940 : memref<51104xf32, #tpu.memory_space<vmem>>[vector<16xi32>], vector<16xf32>, vector<16xi1>
        %add3A_941 = arith.addi %sub3A_925, %add3A_654 : vector<16xi32>
        %bitcast3A_942 = vector.bitcast %add3A_941 : vector<16xi32> to vector<16xi32>
        %lt3A_943 = arith.cmpi ult, %bitcast3A_942, %broadcast_in_dim3A_677 : vector<16xi32>
        tpu.vector_store_idx %arg8[%add3A_941], %get3A_622 masked %lt3A_943 : memref<51104xf32, #tpu.memory_space<vmem>>[vector<16xi32>], vector<16xf32>, vector<16xi1>
        %add3A_944 = arith.addi %sub3A_925, %add3A_657 : vector<16xi32>
        %bitcast3A_945 = vector.bitcast %add3A_944 : vector<16xi32> to vector<16xi32>
        %lt3A_946 = arith.cmpi ult, %bitcast3A_945, %broadcast_in_dim3A_677 : vector<16xi32>
        tpu.vector_store_idx %arg8[%add3A_944], %get3A_624 masked %lt3A_946 : memref<51104xf32, #tpu.memory_space<vmem>>[vector<16xi32>], vector<16xf32>, vector<16xi1>
        %add3A_947 = arith.addi %sub3A_925, %add3A_660 : vector<16xi32>
        %bitcast3A_948 = vector.bitcast %add3A_947 : vector<16xi32> to vector<16xi32>
        %lt3A_949 = arith.cmpi ult, %bitcast3A_948, %broadcast_in_dim3A_677 : vector<16xi32>
        tpu.vector_store_idx %arg8[%add3A_947], %get3A_626 masked %lt3A_949 : memref<51104xf32, #tpu.memory_space<vmem>>[vector<16xi32>], vector<16xf32>, vector<16xi1>
        %add3A_950 = arith.addi %sub3A_925, %add3A_663 : vector<16xi32>
        %bitcast3A_951 = vector.bitcast %add3A_950 : vector<16xi32> to vector<16xi32>
        %lt3A_952 = arith.cmpi ult, %bitcast3A_951, %broadcast_in_dim3A_677 : vector<16xi32>
        tpu.vector_store_idx %arg8[%add3A_950], %get3A_628 masked %lt3A_952 : memref<51104xf32, #tpu.memory_space<vmem>>[vector<16xi32>], vector<16xf32>, vector<16xi1>
        %add3A_953 = arith.addi %sub3A_925, %add3A_666 : vector<16xi32>
        %bitcast3A_954 = vector.bitcast %add3A_953 : vector<16xi32> to vector<16xi32>
        %lt3A_955 = arith.cmpi ult, %bitcast3A_954, %broadcast_in_dim3A_677 : vector<16xi32>
        tpu.vector_store_idx %arg8[%add3A_953], %get3A_630 masked %lt3A_955 : memref<51104xf32, #tpu.memory_space<vmem>>[vector<16xi32>], vector<16xf32>, vector<16xi1>
        %add3A_956 = arith.addi %sub3A_925, %add3A_669 : vector<16xi32>
        %bitcast3A_957 = vector.bitcast %add3A_956 : vector<16xi32> to vector<16xi32>
        %lt3A_958 = arith.cmpi ult, %bitcast3A_957, %broadcast_in_dim3A_677 : vector<16xi32>
        tpu.vector_store_idx %arg8[%add3A_956], %get3A_632 masked %lt3A_958 : memref<51104xf32, #tpu.memory_space<vmem>>[vector<16xi32>], vector<16xf32>, vector<16xi1>
        %add3A_959 = arith.addi %sub3A_925, %add3A_672 : vector<16xi32>
        %bitcast3A_960 = vector.bitcast %add3A_959 : vector<16xi32> to vector<16xi32>
        %lt3A_961 = arith.cmpi ult, %bitcast3A_960, %broadcast_in_dim3A_677 : vector<16xi32>
        tpu.vector_store_idx %arg8[%add3A_959], %get3A_634 masked %lt3A_961 : memref<51104xf32, #tpu.memory_space<vmem>>[vector<16xi32>], vector<16xf32>, vector<16xi1>
        %add3A_962 = arith.addi %sub3A_925, %add3A_675 : vector<16xi32>
        %bitcast3A_963 = vector.bitcast %add3A_962 : vector<16xi32> to vector<16xi32>
        %lt3A_964 = arith.cmpi ult, %bitcast3A_963, %broadcast_in_dim3A_677 : vector<16xi32>
        tpu.vector_store_idx %arg8[%add3A_962], %get3A_636 masked %lt3A_964 : memref<51104xf32, #tpu.memory_space<vmem>>[vector<16xi32>], vector<16xf32>, vector<16xi1>
        %add3A_965 = arith.constant 5 : i32
        %add3A_966 = arith.addi %add3A_735, %add3A_965 : i32
        %min3A_967 = arith.constant 16399 : i32
        %min3A_968 = arith.minsi %add3A_966, %min3A_967 : i32
        %broadcast_in_dim3A_969 = vector.broadcast %min3A_968 : i32 to vector<16xi32>
        %gather3A_970 = tpu.vector_load_idx %arg6[%broadcast_in_dim3A_969] : memref<16400xi32, #tpu.memory_space<vmem>>[vector<16xi32>], vector<16xi32>,
        %sub3A_971 = arith.subi %gather3A_970, %broadcast_in_dim3A : vector<16xi32>
        %add3A_972 = arith.addi %sub3A_971, %add3A_639 : vector<16xi32>
        %bitcast3A_973 = vector.bitcast %add3A_972 : vector<16xi32> to vector<16xi32>
        %lt3A_974 = arith.cmpi ult, %bitcast3A_973, %broadcast_in_dim3A_677 : vector<16xi32>
        tpu.vector_store_idx %arg8[%add3A_972], %get3A_612 masked %lt3A_974 : memref<51104xf32, #tpu.memory_space<vmem>>[vector<16xi32>], vector<16xf32>, vector<16xi1>
        %add3A_975 = arith.addi %sub3A_971, %add3A_642 : vector<16xi32>
        %bitcast3A_976 = vector.bitcast %add3A_975 : vector<16xi32> to vector<16xi32>
        %lt3A_977 = arith.cmpi ult, %bitcast3A_976, %broadcast_in_dim3A_677 : vector<16xi32>
        tpu.vector_store_idx %arg8[%add3A_975], %get3A_614 masked %lt3A_977 : memref<51104xf32, #tpu.memory_space<vmem>>[vector<16xi32>], vector<16xf32>, vector<16xi1>
        %add3A_978 = arith.addi %sub3A_971, %add3A_645 : vector<16xi32>
        %bitcast3A_979 = vector.bitcast %add3A_978 : vector<16xi32> to vector<16xi32>
        %lt3A_980 = arith.cmpi ult, %bitcast3A_979, %broadcast_in_dim3A_677 : vector<16xi32>
        tpu.vector_store_idx %arg8[%add3A_978], %get3A_616 masked %lt3A_980 : memref<51104xf32, #tpu.memory_space<vmem>>[vector<16xi32>], vector<16xf32>, vector<16xi1>
        %add3A_981 = arith.addi %sub3A_971, %add3A_648 : vector<16xi32>
        %bitcast3A_982 = vector.bitcast %add3A_981 : vector<16xi32> to vector<16xi32>
        %lt3A_983 = arith.cmpi ult, %bitcast3A_982, %broadcast_in_dim3A_677 : vector<16xi32>
        tpu.vector_store_idx %arg8[%add3A_981], %get3A_618 masked %lt3A_983 : memref<51104xf32, #tpu.memory_space<vmem>>[vector<16xi32>], vector<16xf32>, vector<16xi1>
        %add3A_984 = arith.addi %sub3A_971, %add3A_651 : vector<16xi32>
        %bitcast3A_985 = vector.bitcast %add3A_984 : vector<16xi32> to vector<16xi32>
        %lt3A_986 = arith.cmpi ult, %bitcast3A_985, %broadcast_in_dim3A_677 : vector<16xi32>
        tpu.vector_store_idx %arg8[%add3A_984], %get3A_620 masked %lt3A_986 : memref<51104xf32, #tpu.memory_space<vmem>>[vector<16xi32>], vector<16xf32>, vector<16xi1>
        %add3A_987 = arith.addi %sub3A_971, %add3A_654 : vector<16xi32>
        %bitcast3A_988 = vector.bitcast %add3A_987 : vector<16xi32> to vector<16xi32>
        %lt3A_989 = arith.cmpi ult, %bitcast3A_988, %broadcast_in_dim3A_677 : vector<16xi32>
        tpu.vector_store_idx %arg8[%add3A_987], %get3A_622 masked %lt3A_989 : memref<51104xf32, #tpu.memory_space<vmem>>[vector<16xi32>], vector<16xf32>, vector<16xi1>
        %add3A_990 = arith.addi %sub3A_971, %add3A_657 : vector<16xi32>
        %bitcast3A_991 = vector.bitcast %add3A_990 : vector<16xi32> to vector<16xi32>
        %lt3A_992 = arith.cmpi ult, %bitcast3A_991, %broadcast_in_dim3A_677 : vector<16xi32>
        tpu.vector_store_idx %arg8[%add3A_990], %get3A_624 masked %lt3A_992 : memref<51104xf32, #tpu.memory_space<vmem>>[vector<16xi32>], vector<16xf32>, vector<16xi1>
        %add3A_993 = arith.addi %sub3A_971, %add3A_660 : vector<16xi32>
        %bitcast3A_994 = vector.bitcast %add3A_993 : vector<16xi32> to vector<16xi32>
        %lt3A_995 = arith.cmpi ult, %bitcast3A_994, %broadcast_in_dim3A_677 : vector<16xi32>
        tpu.vector_store_idx %arg8[%add3A_993], %get3A_626 masked %lt3A_995 : memref<51104xf32, #tpu.memory_space<vmem>>[vector<16xi32>], vector<16xf32>, vector<16xi1>
        %add3A_996 = arith.addi %sub3A_971, %add3A_663 : vector<16xi32>
        %bitcast3A_997 = vector.bitcast %add3A_996 : vector<16xi32> to vector<16xi32>
        %lt3A_998 = arith.cmpi ult, %bitcast3A_997, %broadcast_in_dim3A_677 : vector<16xi32>
        tpu.vector_store_idx %arg8[%add3A_996], %get3A_628 masked %lt3A_998 : memref<51104xf32, #tpu.memory_space<vmem>>[vector<16xi32>], vector<16xf32>, vector<16xi1>
        %add3A_999 = arith.addi %sub3A_971, %add3A_666 : vector<16xi32>
        %bitcast3A_1000 = vector.bitcast %add3A_999 : vector<16xi32> to vector<16xi32>
        %lt3A_1001 = arith.cmpi ult, %bitcast3A_1000, %broadcast_in_dim3A_677 : vector<16xi32>
        tpu.vector_store_idx %arg8[%add3A_999], %get3A_630 masked %lt3A_1001 : memref<51104xf32, #tpu.memory_space<vmem>>[vector<16xi32>], vector<16xf32>, vector<16xi1>
        %add3A_1002 = arith.addi %sub3A_971, %add3A_669 : vector<16xi32>
        %bitcast3A_1003 = vector.bitcast %add3A_1002 : vector<16xi32> to vector<16xi32>
        %lt3A_1004 = arith.cmpi ult, %bitcast3A_1003, %broadcast_in_dim3A_677 : vector<16xi32>
        tpu.vector_store_idx %arg8[%add3A_1002], %get3A_632 masked %lt3A_1004 : memref<51104xf32, #tpu.memory_space<vmem>>[vector<16xi32>], vector<16xf32>, vector<16xi1>
        %add3A_1005 = arith.addi %sub3A_971, %add3A_672 : vector<16xi32>
        %bitcast3A_1006 = vector.bitcast %add3A_1005 : vector<16xi32> to vector<16xi32>
        %lt3A_1007 = arith.cmpi ult, %bitcast3A_1006, %broadcast_in_dim3A_677 : vector<16xi32>
        tpu.vector_store_idx %arg8[%add3A_1005], %get3A_634 masked %lt3A_1007 : memref<51104xf32, #tpu.memory_space<vmem>>[vector<16xi32>], vector<16xf32>, vector<16xi1>
        %add3A_1008 = arith.addi %sub3A_971, %add3A_675 : vector<16xi32>
        %bitcast3A_1009 = vector.bitcast %add3A_1008 : vector<16xi32> to vector<16xi32>
        %lt3A_1010 = arith.cmpi ult, %bitcast3A_1009, %broadcast_in_dim3A_677 : vector<16xi32>
        tpu.vector_store_idx %arg8[%add3A_1008], %get3A_636 masked %lt3A_1010 : memref<51104xf32, #tpu.memory_space<vmem>>[vector<16xi32>], vector<16xf32>, vector<16xi1>
        %add3A_1011 = arith.constant 6 : i32
        %add3A_1012 = arith.addi %add3A_735, %add3A_1011 : i32
        %min3A_1013 = arith.constant 16399 : i32
        %min3A_1014 = arith.minsi %add3A_1012, %min3A_1013 : i32
        %broadcast_in_dim3A_1015 = vector.broadcast %min3A_1014 : i32 to vector<16xi32>
        %gather3A_1016 = tpu.vector_load_idx %arg6[%broadcast_in_dim3A_1015] : memref<16400xi32, #tpu.memory_space<vmem>>[vector<16xi32>], vector<16xi32>,
        %sub3A_1017 = arith.subi %gather3A_1016, %broadcast_in_dim3A : vector<16xi32>
        %add3A_1018 = arith.addi %sub3A_1017, %add3A_639 : vector<16xi32>
        %bitcast3A_1019 = vector.bitcast %add3A_1018 : vector<16xi32> to vector<16xi32>
        %lt3A_1020 = arith.cmpi ult, %bitcast3A_1019, %broadcast_in_dim3A_677 : vector<16xi32>
        tpu.vector_store_idx %arg8[%add3A_1018], %get3A_612 masked %lt3A_1020 : memref<51104xf32, #tpu.memory_space<vmem>>[vector<16xi32>], vector<16xf32>, vector<16xi1>
        %add3A_1021 = arith.addi %sub3A_1017, %add3A_642 : vector<16xi32>
        %bitcast3A_1022 = vector.bitcast %add3A_1021 : vector<16xi32> to vector<16xi32>
        %lt3A_1023 = arith.cmpi ult, %bitcast3A_1022, %broadcast_in_dim3A_677 : vector<16xi32>
        tpu.vector_store_idx %arg8[%add3A_1021], %get3A_614 masked %lt3A_1023 : memref<51104xf32, #tpu.memory_space<vmem>>[vector<16xi32>], vector<16xf32>, vector<16xi1>
        %add3A_1024 = arith.addi %sub3A_1017, %add3A_645 : vector<16xi32>
        %bitcast3A_1025 = vector.bitcast %add3A_1024 : vector<16xi32> to vector<16xi32>
        %lt3A_1026 = arith.cmpi ult, %bitcast3A_1025, %broadcast_in_dim3A_677 : vector<16xi32>
        tpu.vector_store_idx %arg8[%add3A_1024], %get3A_616 masked %lt3A_1026 : memref<51104xf32, #tpu.memory_space<vmem>>[vector<16xi32>], vector<16xf32>, vector<16xi1>
        %add3A_1027 = arith.addi %sub3A_1017, %add3A_648 : vector<16xi32>
        %bitcast3A_1028 = vector.bitcast %add3A_1027 : vector<16xi32> to vector<16xi32>
        %lt3A_1029 = arith.cmpi ult, %bitcast3A_1028, %broadcast_in_dim3A_677 : vector<16xi32>
        tpu.vector_store_idx %arg8[%add3A_1027], %get3A_618 masked %lt3A_1029 : memref<51104xf32, #tpu.memory_space<vmem>>[vector<16xi32>], vector<16xf32>, vector<16xi1>
        %add3A_1030 = arith.addi %sub3A_1017, %add3A_651 : vector<16xi32>
        %bitcast3A_1031 = vector.bitcast %add3A_1030 : vector<16xi32> to vector<16xi32>
        %lt3A_1032 = arith.cmpi ult, %bitcast3A_1031, %broadcast_in_dim3A_677 : vector<16xi32>
        tpu.vector_store_idx %arg8[%add3A_1030], %get3A_620 masked %lt3A_1032 : memref<51104xf32, #tpu.memory_space<vmem>>[vector<16xi32>], vector<16xf32>, vector<16xi1>
        %add3A_1033 = arith.addi %sub3A_1017, %add3A_654 : vector<16xi32>
        %bitcast3A_1034 = vector.bitcast %add3A_1033 : vector<16xi32> to vector<16xi32>
        %lt3A_1035 = arith.cmpi ult, %bitcast3A_1034, %broadcast_in_dim3A_677 : vector<16xi32>
        tpu.vector_store_idx %arg8[%add3A_1033], %get3A_622 masked %lt3A_1035 : memref<51104xf32, #tpu.memory_space<vmem>>[vector<16xi32>], vector<16xf32>, vector<16xi1>
        %add3A_1036 = arith.addi %sub3A_1017, %add3A_657 : vector<16xi32>
        %bitcast3A_1037 = vector.bitcast %add3A_1036 : vector<16xi32> to vector<16xi32>
        %lt3A_1038 = arith.cmpi ult, %bitcast3A_1037, %broadcast_in_dim3A_677 : vector<16xi32>
        tpu.vector_store_idx %arg8[%add3A_1036], %get3A_624 masked %lt3A_1038 : memref<51104xf32, #tpu.memory_space<vmem>>[vector<16xi32>], vector<16xf32>, vector<16xi1>
        %add3A_1039 = arith.addi %sub3A_1017, %add3A_660 : vector<16xi32>
        %bitcast3A_1040 = vector.bitcast %add3A_1039 : vector<16xi32> to vector<16xi32>
        %lt3A_1041 = arith.cmpi ult, %bitcast3A_1040, %broadcast_in_dim3A_677 : vector<16xi32>
        tpu.vector_store_idx %arg8[%add3A_1039], %get3A_626 masked %lt3A_1041 : memref<51104xf32, #tpu.memory_space<vmem>>[vector<16xi32>], vector<16xf32>, vector<16xi1>
        %add3A_1042 = arith.addi %sub3A_1017, %add3A_663 : vector<16xi32>
        %bitcast3A_1043 = vector.bitcast %add3A_1042 : vector<16xi32> to vector<16xi32>
        %lt3A_1044 = arith.cmpi ult, %bitcast3A_1043, %broadcast_in_dim3A_677 : vector<16xi32>
        tpu.vector_store_idx %arg8[%add3A_1042], %get3A_628 masked %lt3A_1044 : memref<51104xf32, #tpu.memory_space<vmem>>[vector<16xi32>], vector<16xf32>, vector<16xi1>
        %add3A_1045 = arith.addi %sub3A_1017, %add3A_666 : vector<16xi32>
        %bitcast3A_1046 = vector.bitcast %add3A_1045 : vector<16xi32> to vector<16xi32>
        %lt3A_1047 = arith.cmpi ult, %bitcast3A_1046, %broadcast_in_dim3A_677 : vector<16xi32>
        tpu.vector_store_idx %arg8[%add3A_1045], %get3A_630 masked %lt3A_1047 : memref<51104xf32, #tpu.memory_space<vmem>>[vector<16xi32>], vector<16xf32>, vector<16xi1>
        %add3A_1048 = arith.addi %sub3A_1017, %add3A_669 : vector<16xi32>
        %bitcast3A_1049 = vector.bitcast %add3A_1048 : vector<16xi32> to vector<16xi32>
        %lt3A_1050 = arith.cmpi ult, %bitcast3A_1049, %broadcast_in_dim3A_677 : vector<16xi32>
        tpu.vector_store_idx %arg8[%add3A_1048], %get3A_632 masked %lt3A_1050 : memref<51104xf32, #tpu.memory_space<vmem>>[vector<16xi32>], vector<16xf32>, vector<16xi1>
        %add3A_1051 = arith.addi %sub3A_1017, %add3A_672 : vector<16xi32>
        %bitcast3A_1052 = vector.bitcast %add3A_1051 : vector<16xi32> to vector<16xi32>
        %lt3A_1053 = arith.cmpi ult, %bitcast3A_1052, %broadcast_in_dim3A_677 : vector<16xi32>
        tpu.vector_store_idx %arg8[%add3A_1051], %get3A_634 masked %lt3A_1053 : memref<51104xf32, #tpu.memory_space<vmem>>[vector<16xi32>], vector<16xf32>, vector<16xi1>
        %add3A_1054 = arith.addi %sub3A_1017, %add3A_675 : vector<16xi32>
        %bitcast3A_1055 = vector.bitcast %add3A_1054 : vector<16xi32> to vector<16xi32>
        %lt3A_1056 = arith.cmpi ult, %bitcast3A_1055, %broadcast_in_dim3A_677 : vector<16xi32>
        tpu.vector_store_idx %arg8[%add3A_1054], %get3A_636 masked %lt3A_1056 : memref<51104xf32, #tpu.memory_space<vmem>>[vector<16xi32>], vector<16xf32>, vector<16xi1>
        %add3A_1057 = arith.constant 7 : i32
        %add3A_1058 = arith.addi %add3A_735, %add3A_1057 : i32
        %min3A_1059 = arith.constant 16399 : i32
        %min3A_1060 = arith.minsi %add3A_1058, %min3A_1059 : i32
        %broadcast_in_dim3A_1061 = vector.broadcast %min3A_1060 : i32 to vector<16xi32>
        %gather3A_1062 = tpu.vector_load_idx %arg6[%broadcast_in_dim3A_1061] : memref<16400xi32, #tpu.memory_space<vmem>>[vector<16xi32>], vector<16xi32>,
        %sub3A_1063 = arith.subi %gather3A_1062, %broadcast_in_dim3A : vector<16xi32>
        %add3A_1064 = arith.addi %sub3A_1063, %add3A_639 : vector<16xi32>
        %bitcast3A_1065 = vector.bitcast %add3A_1064 : vector<16xi32> to vector<16xi32>
        %lt3A_1066 = arith.cmpi ult, %bitcast3A_1065, %broadcast_in_dim3A_677 : vector<16xi32>
        tpu.vector_store_idx %arg8[%add3A_1064], %get3A_612 masked %lt3A_1066 : memref<51104xf32, #tpu.memory_space<vmem>>[vector<16xi32>], vector<16xf32>, vector<16xi1>
        %add3A_1067 = arith.addi %sub3A_1063, %add3A_642 : vector<16xi32>
        %bitcast3A_1068 = vector.bitcast %add3A_1067 : vector<16xi32> to vector<16xi32>
        %lt3A_1069 = arith.cmpi ult, %bitcast3A_1068, %broadcast_in_dim3A_677 : vector<16xi32>
        tpu.vector_store_idx %arg8[%add3A_1067], %get3A_614 masked %lt3A_1069 : memref<51104xf32, #tpu.memory_space<vmem>>[vector<16xi32>], vector<16xf32>, vector<16xi1>
        %add3A_1070 = arith.addi %sub3A_1063, %add3A_645 : vector<16xi32>
        %bitcast3A_1071 = vector.bitcast %add3A_1070 : vector<16xi32> to vector<16xi32>
        %lt3A_1072 = arith.cmpi ult, %bitcast3A_1071, %broadcast_in_dim3A_677 : vector<16xi32>
        tpu.vector_store_idx %arg8[%add3A_1070], %get3A_616 masked %lt3A_1072 : memref<51104xf32, #tpu.memory_space<vmem>>[vector<16xi32>], vector<16xf32>, vector<16xi1>
        %add3A_1073 = arith.addi %sub3A_1063, %add3A_648 : vector<16xi32>
        %bitcast3A_1074 = vector.bitcast %add3A_1073 : vector<16xi32> to vector<16xi32>
        %lt3A_1075 = arith.cmpi ult, %bitcast3A_1074, %broadcast_in_dim3A_677 : vector<16xi32>
        tpu.vector_store_idx %arg8[%add3A_1073], %get3A_618 masked %lt3A_1075 : memref<51104xf32, #tpu.memory_space<vmem>>[vector<16xi32>], vector<16xf32>, vector<16xi1>
        %add3A_1076 = arith.addi %sub3A_1063, %add3A_651 : vector<16xi32>
        %bitcast3A_1077 = vector.bitcast %add3A_1076 : vector<16xi32> to vector<16xi32>
        %lt3A_1078 = arith.cmpi ult, %bitcast3A_1077, %broadcast_in_dim3A_677 : vector<16xi32>
        tpu.vector_store_idx %arg8[%add3A_1076], %get3A_620 masked %lt3A_1078 : memref<51104xf32, #tpu.memory_space<vmem>>[vector<16xi32>], vector<16xf32>, vector<16xi1>
        %add3A_1079 = arith.addi %sub3A_1063, %add3A_654 : vector<16xi32>
        %bitcast3A_1080 = vector.bitcast %add3A_1079 : vector<16xi32> to vector<16xi32>
        %lt3A_1081 = arith.cmpi ult, %bitcast3A_1080, %broadcast_in_dim3A_677 : vector<16xi32>
        tpu.vector_store_idx %arg8[%add3A_1079], %get3A_622 masked %lt3A_1081 : memref<51104xf32, #tpu.memory_space<vmem>>[vector<16xi32>], vector<16xf32>, vector<16xi1>
        %add3A_1082 = arith.addi %sub3A_1063, %add3A_657 : vector<16xi32>
        %bitcast3A_1083 = vector.bitcast %add3A_1082 : vector<16xi32> to vector<16xi32>
        %lt3A_1084 = arith.cmpi ult, %bitcast3A_1083, %broadcast_in_dim3A_677 : vector<16xi32>
        tpu.vector_store_idx %arg8[%add3A_1082], %get3A_624 masked %lt3A_1084 : memref<51104xf32, #tpu.memory_space<vmem>>[vector<16xi32>], vector<16xf32>, vector<16xi1>
        %add3A_1085 = arith.addi %sub3A_1063, %add3A_660 : vector<16xi32>
        %bitcast3A_1086 = vector.bitcast %add3A_1085 : vector<16xi32> to vector<16xi32>
        %lt3A_1087 = arith.cmpi ult, %bitcast3A_1086, %broadcast_in_dim3A_677 : vector<16xi32>
        tpu.vector_store_idx %arg8[%add3A_1085], %get3A_626 masked %lt3A_1087 : memref<51104xf32, #tpu.memory_space<vmem>>[vector<16xi32>], vector<16xf32>, vector<16xi1>
        %add3A_1088 = arith.addi %sub3A_1063, %add3A_663 : vector<16xi32>
        %bitcast3A_1089 = vector.bitcast %add3A_1088 : vector<16xi32> to vector<16xi32>
        %lt3A_1090 = arith.cmpi ult, %bitcast3A_1089, %broadcast_in_dim3A_677 : vector<16xi32>
        tpu.vector_store_idx %arg8[%add3A_1088], %get3A_628 masked %lt3A_1090 : memref<51104xf32, #tpu.memory_space<vmem>>[vector<16xi32>], vector<16xf32>, vector<16xi1>
        %add3A_1091 = arith.addi %sub3A_1063, %add3A_666 : vector<16xi32>
        %bitcast3A_1092 = vector.bitcast %add3A_1091 : vector<16xi32> to vector<16xi32>
        %lt3A_1093 = arith.cmpi ult, %bitcast3A_1092, %broadcast_in_dim3A_677 : vector<16xi32>
        tpu.vector_store_idx %arg8[%add3A_1091], %get3A_630 masked %lt3A_1093 : memref<51104xf32, #tpu.memory_space<vmem>>[vector<16xi32>], vector<16xf32>, vector<16xi1>
        %add3A_1094 = arith.addi %sub3A_1063, %add3A_669 : vector<16xi32>
        %bitcast3A_1095 = vector.bitcast %add3A_1094 : vector<16xi32> to vector<16xi32>
        %lt3A_1096 = arith.cmpi ult, %bitcast3A_1095, %broadcast_in_dim3A_677 : vector<16xi32>
        tpu.vector_store_idx %arg8[%add3A_1094], %get3A_632 masked %lt3A_1096 : memref<51104xf32, #tpu.memory_space<vmem>>[vector<16xi32>], vector<16xf32>, vector<16xi1>
        %add3A_1097 = arith.addi %sub3A_1063, %add3A_672 : vector<16xi32>
        %bitcast3A_1098 = vector.bitcast %add3A_1097 : vector<16xi32> to vector<16xi32>
        %lt3A_1099 = arith.cmpi ult, %bitcast3A_1098, %broadcast_in_dim3A_677 : vector<16xi32>
        tpu.vector_store_idx %arg8[%add3A_1097], %get3A_634 masked %lt3A_1099 : memref<51104xf32, #tpu.memory_space<vmem>>[vector<16xi32>], vector<16xf32>, vector<16xi1>
        %add3A_1100 = arith.addi %sub3A_1063, %add3A_675 : vector<16xi32>
        %bitcast3A_1101 = vector.bitcast %add3A_1100 : vector<16xi32> to vector<16xi32>
        %lt3A_1102 = arith.cmpi ult, %bitcast3A_1101, %broadcast_in_dim3A_677 : vector<16xi32>
        tpu.vector_store_idx %arg8[%add3A_1100], %get3A_636 masked %lt3A_1102 : memref<51104xf32, #tpu.memory_space<vmem>>[vector<16xi32>], vector<16xf32>, vector<16xi1>
      }
      %while3A_717 = arith.constant 1 : i32
      scf.for %while3A_732 = %while3A_715 to %while3A_711 step %while3A_717  : i32 {
        %mul3A_733 = arith.constant 8 : i32
        %mul3A_734 = arith.muli %while3A_732, %mul3A_733 : i32
        %add3A_735 = arith.addi %reduce_max3A_603, %mul3A_734 : i32
        %add3A_736 = arith.constant 0 : i32
        %add3A_737 = arith.addi %add3A_735, %add3A_736 : i32
        %min3A_738 = arith.constant 16399 : i32
        %min3A_739 = arith.minsi %add3A_737, %min3A_738 : i32
        %broadcast_in_dim3A_740 = vector.broadcast %min3A_739 : i32 to vector<16xi32>
        %gather3A_741 = tpu.vector_load_idx %arg6[%broadcast_in_dim3A_740] : memref<16400xi32, #tpu.memory_space<vmem>>[vector<16xi32>], vector<16xi32>,
        %sub3A_742 = arith.subi %gather3A_741, %broadcast_in_dim3A : vector<16xi32>
        %add3A_743 = arith.addi %sub3A_742, %add3A_639 : vector<16xi32>
        %bitcast3A = vector.bitcast %add3A_743 : vector<16xi32> to vector<16xi32>
        %lt3A_744 = arith.cmpi ult, %bitcast3A, %broadcast_in_dim3A_677 : vector<16xi32>
        tpu.vector_store_idx %arg8[%add3A_743], %get3A_612 masked %lt3A_744 : memref<51104xf32, #tpu.memory_space<vmem>>[vector<16xi32>], vector<16xf32>, vector<16xi1>
        %add3A_745 = arith.addi %sub3A_742, %add3A_642 : vector<16xi32>
        %bitcast3A_746 = vector.bitcast %add3A_745 : vector<16xi32> to vector<16xi32>
        %lt3A_747 = arith.cmpi ult, %bitcast3A_746, %broadcast_in_dim3A_677 : vector<16xi32>
        tpu.vector_store_idx %arg8[%add3A_745], %get3A_614 masked %lt3A_747 : memref<51104xf32, #tpu.memory_space<vmem>>[vector<16xi32>], vector<16xf32>, vector<16xi1>
        %add3A_748 = arith.addi %sub3A_742, %add3A_645 : vector<16xi32>
        %bitcast3A_749 = vector.bitcast %add3A_748 : vector<16xi32> to vector<16xi32>
        %lt3A_750 = arith.cmpi ult, %bitcast3A_749, %broadcast_in_dim3A_677 : vector<16xi32>
        tpu.vector_store_idx %arg8[%add3A_748], %get3A_616 masked %lt3A_750 : memref<51104xf32, #tpu.memory_space<vmem>>[vector<16xi32>], vector<16xf32>, vector<16xi1>
        %add3A_751 = arith.addi %sub3A_742, %add3A_648 : vector<16xi32>
        %bitcast3A_752 = vector.bitcast %add3A_751 : vector<16xi32> to vector<16xi32>
        %lt3A_753 = arith.cmpi ult, %bitcast3A_752, %broadcast_in_dim3A_677 : vector<16xi32>
        tpu.vector_store_idx %arg8[%add3A_751], %get3A_618 masked %lt3A_753 : memref<51104xf32, #tpu.memory_space<vmem>>[vector<16xi32>], vector<16xf32>, vector<16xi1>
        %add3A_754 = arith.addi %sub3A_742, %add3A_651 : vector<16xi32>
        %bitcast3A_755 = vector.bitcast %add3A_754 : vector<16xi32> to vector<16xi32>
        %lt3A_756 = arith.cmpi ult, %bitcast3A_755, %broadcast_in_dim3A_677 : vector<16xi32>
        tpu.vector_store_idx %arg8[%add3A_754], %get3A_620 masked %lt3A_756 : memref<51104xf32, #tpu.memory_space<vmem>>[vector<16xi32>], vector<16xf32>, vector<16xi1>
        %add3A_757 = arith.addi %sub3A_742, %add3A_654 : vector<16xi32>
        %bitcast3A_758 = vector.bitcast %add3A_757 : vector<16xi32> to vector<16xi32>
        %lt3A_759 = arith.cmpi ult, %bitcast3A_758, %broadcast_in_dim3A_677 : vector<16xi32>
        tpu.vector_store_idx %arg8[%add3A_757], %get3A_622 masked %lt3A_759 : memref<51104xf32, #tpu.memory_space<vmem>>[vector<16xi32>], vector<16xf32>, vector<16xi1>
        %add3A_760 = arith.addi %sub3A_742, %add3A_657 : vector<16xi32>
        %bitcast3A_761 = vector.bitcast %add3A_760 : vector<16xi32> to vector<16xi32>
        %lt3A_762 = arith.cmpi ult, %bitcast3A_761, %broadcast_in_dim3A_677 : vector<16xi32>
        tpu.vector_store_idx %arg8[%add3A_760], %get3A_624 masked %lt3A_762 : memref<51104xf32, #tpu.memory_space<vmem>>[vector<16xi32>], vector<16xf32>, vector<16xi1>
        %add3A_763 = arith.addi %sub3A_742, %add3A_660 : vector<16xi32>
        %bitcast3A_764 = vector.bitcast %add3A_763 : vector<16xi32> to vector<16xi32>
        %lt3A_765 = arith.cmpi ult, %bitcast3A_764, %broadcast_in_dim3A_677 : vector<16xi32>
        tpu.vector_store_idx %arg8[%add3A_763], %get3A_626 masked %lt3A_765 : memref<51104xf32, #tpu.memory_space<vmem>>[vector<16xi32>], vector<16xf32>, vector<16xi1>
        %add3A_766 = arith.addi %sub3A_742, %add3A_663 : vector<16xi32>
        %bitcast3A_767 = vector.bitcast %add3A_766 : vector<16xi32> to vector<16xi32>
        %lt3A_768 = arith.cmpi ult, %bitcast3A_767, %broadcast_in_dim3A_677 : vector<16xi32>
        tpu.vector_store_idx %arg8[%add3A_766], %get3A_628 masked %lt3A_768 : memref<51104xf32, #tpu.memory_space<vmem>>[vector<16xi32>], vector<16xf32>, vector<16xi1>
        %add3A_769 = arith.addi %sub3A_742, %add3A_666 : vector<16xi32>
        %bitcast3A_770 = vector.bitcast %add3A_769 : vector<16xi32> to vector<16xi32>
        %lt3A_771 = arith.cmpi ult, %bitcast3A_770, %broadcast_in_dim3A_677 : vector<16xi32>
        tpu.vector_store_idx %arg8[%add3A_769], %get3A_630 masked %lt3A_771 : memref<51104xf32, #tpu.memory_space<vmem>>[vector<16xi32>], vector<16xf32>, vector<16xi1>
        %add3A_772 = arith.addi %sub3A_742, %add3A_669 : vector<16xi32>
        %bitcast3A_773 = vector.bitcast %add3A_772 : vector<16xi32> to vector<16xi32>
        %lt3A_774 = arith.cmpi ult, %bitcast3A_773, %broadcast_in_dim3A_677 : vector<16xi32>
        tpu.vector_store_idx %arg8[%add3A_772], %get3A_632 masked %lt3A_774 : memref<51104xf32, #tpu.memory_space<vmem>>[vector<16xi32>], vector<16xf32>, vector<16xi1>
        %add3A_775 = arith.addi %sub3A_742, %add3A_672 : vector<16xi32>
        %bitcast3A_776 = vector.bitcast %add3A_775 : vector<16xi32> to vector<16xi32>
        %lt3A_777 = arith.cmpi ult, %bitcast3A_776, %broadcast_in_dim3A_677 : vector<16xi32>
        tpu.vector_store_idx %arg8[%add3A_775], %get3A_634 masked %lt3A_777 : memref<51104xf32, #tpu.memory_space<vmem>>[vector<16xi32>], vector<16xf32>, vector<16xi1>
        %add3A_778 = arith.addi %sub3A_742, %add3A_675 : vector<16xi32>
        %bitcast3A_779 = vector.bitcast %add3A_778 : vector<16xi32> to vector<16xi32>
        %lt3A_780 = arith.cmpi ult, %bitcast3A_779, %broadcast_in_dim3A_677 : vector<16xi32>
        tpu.vector_store_idx %arg8[%add3A_778], %get3A_636 masked %lt3A_780 : memref<51104xf32, #tpu.memory_space<vmem>>[vector<16xi32>], vector<16xf32>, vector<16xi1>
        %add3A_781 = arith.constant 1 : i32
        %add3A_782 = arith.addi %add3A_735, %add3A_781 : i32
        %min3A_783 = arith.constant 16399 : i32
        %min3A_784 = arith.minsi %add3A_782, %min3A_783 : i32
        %broadcast_in_dim3A_785 = vector.broadcast %min3A_784 : i32 to vector<16xi32>
        %gather3A_786 = tpu.vector_load_idx %arg6[%broadcast_in_dim3A_785] : memref<16400xi32, #tpu.memory_space<vmem>>[vector<16xi32>], vector<16xi32>,
        %sub3A_787 = arith.subi %gather3A_786, %broadcast_in_dim3A : vector<16xi32>
        %add3A_788 = arith.addi %sub3A_787, %add3A_639 : vector<16xi32>
        %bitcast3A_789 = vector.bitcast %add3A_788 : vector<16xi32> to vector<16xi32>
        %lt3A_790 = arith.cmpi ult, %bitcast3A_789, %broadcast_in_dim3A_677 : vector<16xi32>
        tpu.vector_store_idx %arg8[%add3A_788], %get3A_612 masked %lt3A_790 : memref<51104xf32, #tpu.memory_space<vmem>>[vector<16xi32>], vector<16xf32>, vector<16xi1>
        %add3A_791 = arith.addi %sub3A_787, %add3A_642 : vector<16xi32>
        %bitcast3A_792 = vector.bitcast %add3A_791 : vector<16xi32> to vector<16xi32>
        %lt3A_793 = arith.cmpi ult, %bitcast3A_792, %broadcast_in_dim3A_677 : vector<16xi32>
        tpu.vector_store_idx %arg8[%add3A_791], %get3A_614 masked %lt3A_793 : memref<51104xf32, #tpu.memory_space<vmem>>[vector<16xi32>], vector<16xf32>, vector<16xi1>
        %add3A_794 = arith.addi %sub3A_787, %add3A_645 : vector<16xi32>
        %bitcast3A_795 = vector.bitcast %add3A_794 : vector<16xi32> to vector<16xi32>
        %lt3A_796 = arith.cmpi ult, %bitcast3A_795, %broadcast_in_dim3A_677 : vector<16xi32>
        tpu.vector_store_idx %arg8[%add3A_794], %get3A_616 masked %lt3A_796 : memref<51104xf32, #tpu.memory_space<vmem>>[vector<16xi32>], vector<16xf32>, vector<16xi1>
        %add3A_797 = arith.addi %sub3A_787, %add3A_648 : vector<16xi32>
        %bitcast3A_798 = vector.bitcast %add3A_797 : vector<16xi32> to vector<16xi32>
        %lt3A_799 = arith.cmpi ult, %bitcast3A_798, %broadcast_in_dim3A_677 : vector<16xi32>
        tpu.vector_store_idx %arg8[%add3A_797], %get3A_618 masked %lt3A_799 : memref<51104xf32, #tpu.memory_space<vmem>>[vector<16xi32>], vector<16xf32>, vector<16xi1>
        %add3A_800 = arith.addi %sub3A_787, %add3A_651 : vector<16xi32>
        %bitcast3A_801 = vector.bitcast %add3A_800 : vector<16xi32> to vector<16xi32>
        %lt3A_802 = arith.cmpi ult, %bitcast3A_801, %broadcast_in_dim3A_677 : vector<16xi32>
        tpu.vector_store_idx %arg8[%add3A_800], %get3A_620 masked %lt3A_802 : memref<51104xf32, #tpu.memory_space<vmem>>[vector<16xi32>], vector<16xf32>, vector<16xi1>
        %add3A_803 = arith.addi %sub3A_787, %add3A_654 : vector<16xi32>
        %bitcast3A_804 = vector.bitcast %add3A_803 : vector<16xi32> to vector<16xi32>
        %lt3A_805 = arith.cmpi ult, %bitcast3A_804, %broadcast_in_dim3A_677 : vector<16xi32>
        tpu.vector_store_idx %arg8[%add3A_803], %get3A_622 masked %lt3A_805 : memref<51104xf32, #tpu.memory_space<vmem>>[vector<16xi32>], vector<16xf32>, vector<16xi1>
        %add3A_806 = arith.addi %sub3A_787, %add3A_657 : vector<16xi32>
        %bitcast3A_807 = vector.bitcast %add3A_806 : vector<16xi32> to vector<16xi32>
        %lt3A_808 = arith.cmpi ult, %bitcast3A_807, %broadcast_in_dim3A_677 : vector<16xi32>
        tpu.vector_store_idx %arg8[%add3A_806], %get3A_624 masked %lt3A_808 : memref<51104xf32, #tpu.memory_space<vmem>>[vector<16xi32>], vector<16xf32>, vector<16xi1>
        %add3A_809 = arith.addi %sub3A_787, %add3A_660 : vector<16xi32>
        %bitcast3A_810 = vector.bitcast %add3A_809 : vector<16xi32> to vector<16xi32>
        %lt3A_811 = arith.cmpi ult, %bitcast3A_810, %broadcast_in_dim3A_677 : vector<16xi32>
        tpu.vector_store_idx %arg8[%add3A_809], %get3A_626 masked %lt3A_811 : memref<51104xf32, #tpu.memory_space<vmem>>[vector<16xi32>], vector<16xf32>, vector<16xi1>
        %add3A_812 = arith.addi %sub3A_787, %add3A_663 : vector<16xi32>
        %bitcast3A_813 = vector.bitcast %add3A_812 : vector<16xi32> to vector<16xi32>
        %lt3A_814 = arith.cmpi ult, %bitcast3A_813, %broadcast_in_dim3A_677 : vector<16xi32>
        tpu.vector_store_idx %arg8[%add3A_812], %get3A_628 masked %lt3A_814 : memref<51104xf32, #tpu.memory_space<vmem>>[vector<16xi32>], vector<16xf32>, vector<16xi1>
        %add3A_815 = arith.addi %sub3A_787, %add3A_666 : vector<16xi32>
        %bitcast3A_816 = vector.bitcast %add3A_815 : vector<16xi32> to vector<16xi32>
        %lt3A_817 = arith.cmpi ult, %bitcast3A_816, %broadcast_in_dim3A_677 : vector<16xi32>
        tpu.vector_store_idx %arg8[%add3A_815], %get3A_630 masked %lt3A_817 : memref<51104xf32, #tpu.memory_space<vmem>>[vector<16xi32>], vector<16xf32>, vector<16xi1>
        %add3A_818 = arith.addi %sub3A_787, %add3A_669 : vector<16xi32>
        %bitcast3A_819 = vector.bitcast %add3A_818 : vector<16xi32> to vector<16xi32>
        %lt3A_820 = arith.cmpi ult, %bitcast3A_819, %broadcast_in_dim3A_677 : vector<16xi32>
        tpu.vector_store_idx %arg8[%add3A_818], %get3A_632 masked %lt3A_820 : memref<51104xf32, #tpu.memory_space<vmem>>[vector<16xi32>], vector<16xf32>, vector<16xi1>
        %add3A_821 = arith.addi %sub3A_787, %add3A_672 : vector<16xi32>
        %bitcast3A_822 = vector.bitcast %add3A_821 : vector<16xi32> to vector<16xi32>
        %lt3A_823 = arith.cmpi ult, %bitcast3A_822, %broadcast_in_dim3A_677 : vector<16xi32>
        tpu.vector_store_idx %arg8[%add3A_821], %get3A_634 masked %lt3A_823 : memref<51104xf32, #tpu.memory_space<vmem>>[vector<16xi32>], vector<16xf32>, vector<16xi1>
        %add3A_824 = arith.addi %sub3A_787, %add3A_675 : vector<16xi32>
        %bitcast3A_825 = vector.bitcast %add3A_824 : vector<16xi32> to vector<16xi32>
        %lt3A_826 = arith.cmpi ult, %bitcast3A_825, %broadcast_in_dim3A_677 : vector<16xi32>
        tpu.vector_store_idx %arg8[%add3A_824], %get3A_636 masked %lt3A_826 : memref<51104xf32, #tpu.memory_space<vmem>>[vector<16xi32>], vector<16xf32>, vector<16xi1>
        %add3A_827 = arith.constant 2 : i32
        %add3A_828 = arith.addi %add3A_735, %add3A_827 : i32
        %min3A_829 = arith.constant 16399 : i32
        %min3A_830 = arith.minsi %add3A_828, %min3A_829 : i32
        %broadcast_in_dim3A_831 = vector.broadcast %min3A_830 : i32 to vector<16xi32>
        %gather3A_832 = tpu.vector_load_idx %arg6[%broadcast_in_dim3A_831] : memref<16400xi32, #tpu.memory_space<vmem>>[vector<16xi32>], vector<16xi32>,
        %sub3A_833 = arith.subi %gather3A_832, %broadcast_in_dim3A : vector<16xi32>
        %add3A_834 = arith.addi %sub3A_833, %add3A_639 : vector<16xi32>
        %bitcast3A_835 = vector.bitcast %add3A_834 : vector<16xi32> to vector<16xi32>
        %lt3A_836 = arith.cmpi ult, %bitcast3A_835, %broadcast_in_dim3A_677 : vector<16xi32>
        tpu.vector_store_idx %arg8[%add3A_834], %get3A_612 masked %lt3A_836 : memref<51104xf32, #tpu.memory_space<vmem>>[vector<16xi32>], vector<16xf32>, vector<16xi1>
        %add3A_837 = arith.addi %sub3A_833, %add3A_642 : vector<16xi32>
        %bitcast3A_838 = vector.bitcast %add3A_837 : vector<16xi32> to vector<16xi32>
        %lt3A_839 = arith.cmpi ult, %bitcast3A_838, %broadcast_in_dim3A_677 : vector<16xi32>
        tpu.vector_store_idx %arg8[%add3A_837], %get3A_614 masked %lt3A_839 : memref<51104xf32, #tpu.memory_space<vmem>>[vector<16xi32>], vector<16xf32>, vector<16xi1>
        %add3A_840 = arith.addi %sub3A_833, %add3A_645 : vector<16xi32>
        %bitcast3A_841 = vector.bitcast %add3A_840 : vector<16xi32> to vector<16xi32>
        %lt3A_842 = arith.cmpi ult, %bitcast3A_841, %broadcast_in_dim3A_677 : vector<16xi32>
        tpu.vector_store_idx %arg8[%add3A_840], %get3A_616 masked %lt3A_842 : memref<51104xf32, #tpu.memory_space<vmem>>[vector<16xi32>], vector<16xf32>, vector<16xi1>
        %add3A_843 = arith.addi %sub3A_833, %add3A_648 : vector<16xi32>
        %bitcast3A_844 = vector.bitcast %add3A_843 : vector<16xi32> to vector<16xi32>
        %lt3A_845 = arith.cmpi ult, %bitcast3A_844, %broadcast_in_dim3A_677 : vector<16xi32>
        tpu.vector_store_idx %arg8[%add3A_843], %get3A_618 masked %lt3A_845 : memref<51104xf32, #tpu.memory_space<vmem>>[vector<16xi32>], vector<16xf32>, vector<16xi1>
        %add3A_846 = arith.addi %sub3A_833, %add3A_651 : vector<16xi32>
        %bitcast3A_847 = vector.bitcast %add3A_846 : vector<16xi32> to vector<16xi32>
        %lt3A_848 = arith.cmpi ult, %bitcast3A_847, %broadcast_in_dim3A_677 : vector<16xi32>
        tpu.vector_store_idx %arg8[%add3A_846], %get3A_620 masked %lt3A_848 : memref<51104xf32, #tpu.memory_space<vmem>>[vector<16xi32>], vector<16xf32>, vector<16xi1>
        %add3A_849 = arith.addi %sub3A_833, %add3A_654 : vector<16xi32>
        %bitcast3A_850 = vector.bitcast %add3A_849 : vector<16xi32> to vector<16xi32>
        %lt3A_851 = arith.cmpi ult, %bitcast3A_850, %broadcast_in_dim3A_677 : vector<16xi32>
        tpu.vector_store_idx %arg8[%add3A_849], %get3A_622 masked %lt3A_851 : memref<51104xf32, #tpu.memory_space<vmem>>[vector<16xi32>], vector<16xf32>, vector<16xi1>
        %add3A_852 = arith.addi %sub3A_833, %add3A_657 : vector<16xi32>
        %bitcast3A_853 = vector.bitcast %add3A_852 : vector<16xi32> to vector<16xi32>
        %lt3A_854 = arith.cmpi ult, %bitcast3A_853, %broadcast_in_dim3A_677 : vector<16xi32>
        tpu.vector_store_idx %arg8[%add3A_852], %get3A_624 masked %lt3A_854 : memref<51104xf32, #tpu.memory_space<vmem>>[vector<16xi32>], vector<16xf32>, vector<16xi1>
        %add3A_855 = arith.addi %sub3A_833, %add3A_660 : vector<16xi32>
        %bitcast3A_856 = vector.bitcast %add3A_855 : vector<16xi32> to vector<16xi32>
        %lt3A_857 = arith.cmpi ult, %bitcast3A_856, %broadcast_in_dim3A_677 : vector<16xi32>
        tpu.vector_store_idx %arg8[%add3A_855], %get3A_626 masked %lt3A_857 : memref<51104xf32, #tpu.memory_space<vmem>>[vector<16xi32>], vector<16xf32>, vector<16xi1>
        %add3A_858 = arith.addi %sub3A_833, %add3A_663 : vector<16xi32>
        %bitcast3A_859 = vector.bitcast %add3A_858 : vector<16xi32> to vector<16xi32>
        %lt3A_860 = arith.cmpi ult, %bitcast3A_859, %broadcast_in_dim3A_677 : vector<16xi32>
        tpu.vector_store_idx %arg8[%add3A_858], %get3A_628 masked %lt3A_860 : memref<51104xf32, #tpu.memory_space<vmem>>[vector<16xi32>], vector<16xf32>, vector<16xi1>
        %add3A_861 = arith.addi %sub3A_833, %add3A_666 : vector<16xi32>
        %bitcast3A_862 = vector.bitcast %add3A_861 : vector<16xi32> to vector<16xi32>
        %lt3A_863 = arith.cmpi ult, %bitcast3A_862, %broadcast_in_dim3A_677 : vector<16xi32>
        tpu.vector_store_idx %arg8[%add3A_861], %get3A_630 masked %lt3A_863 : memref<51104xf32, #tpu.memory_space<vmem>>[vector<16xi32>], vector<16xf32>, vector<16xi1>
        %add3A_864 = arith.addi %sub3A_833, %add3A_669 : vector<16xi32>
        %bitcast3A_865 = vector.bitcast %add3A_864 : vector<16xi32> to vector<16xi32>
        %lt3A_866 = arith.cmpi ult, %bitcast3A_865, %broadcast_in_dim3A_677 : vector<16xi32>
        tpu.vector_store_idx %arg8[%add3A_864], %get3A_632 masked %lt3A_866 : memref<51104xf32, #tpu.memory_space<vmem>>[vector<16xi32>], vector<16xf32>, vector<16xi1>
        %add3A_867 = arith.addi %sub3A_833, %add3A_672 : vector<16xi32>
        %bitcast3A_868 = vector.bitcast %add3A_867 : vector<16xi32> to vector<16xi32>
        %lt3A_869 = arith.cmpi ult, %bitcast3A_868, %broadcast_in_dim3A_677 : vector<16xi32>
        tpu.vector_store_idx %arg8[%add3A_867], %get3A_634 masked %lt3A_869 : memref<51104xf32, #tpu.memory_space<vmem>>[vector<16xi32>], vector<16xf32>, vector<16xi1>
        %add3A_870 = arith.addi %sub3A_833, %add3A_675 : vector<16xi32>
        %bitcast3A_871 = vector.bitcast %add3A_870 : vector<16xi32> to vector<16xi32>
        %lt3A_872 = arith.cmpi ult, %bitcast3A_871, %broadcast_in_dim3A_677 : vector<16xi32>
        tpu.vector_store_idx %arg8[%add3A_870], %get3A_636 masked %lt3A_872 : memref<51104xf32, #tpu.memory_space<vmem>>[vector<16xi32>], vector<16xf32>, vector<16xi1>
        %add3A_873 = arith.constant 3 : i32
        %add3A_874 = arith.addi %add3A_735, %add3A_873 : i32
        %min3A_875 = arith.constant 16399 : i32
        %min3A_876 = arith.minsi %add3A_874, %min3A_875 : i32
        %broadcast_in_dim3A_877 = vector.broadcast %min3A_876 : i32 to vector<16xi32>
        %gather3A_878 = tpu.vector_load_idx %arg6[%broadcast_in_dim3A_877] : memref<16400xi32, #tpu.memory_space<vmem>>[vector<16xi32>], vector<16xi32>,
        %sub3A_879 = arith.subi %gather3A_878, %broadcast_in_dim3A : vector<16xi32>
        %add3A_880 = arith.addi %sub3A_879, %add3A_639 : vector<16xi32>
        %bitcast3A_881 = vector.bitcast %add3A_880 : vector<16xi32> to vector<16xi32>
        %lt3A_882 = arith.cmpi ult, %bitcast3A_881, %broadcast_in_dim3A_677 : vector<16xi32>
        tpu.vector_store_idx %arg8[%add3A_880], %get3A_612 masked %lt3A_882 : memref<51104xf32, #tpu.memory_space<vmem>>[vector<16xi32>], vector<16xf32>, vector<16xi1>
        %add3A_883 = arith.addi %sub3A_879, %add3A_642 : vector<16xi32>
        %bitcast3A_884 = vector.bitcast %add3A_883 : vector<16xi32> to vector<16xi32>
        %lt3A_885 = arith.cmpi ult, %bitcast3A_884, %broadcast_in_dim3A_677 : vector<16xi32>
        tpu.vector_store_idx %arg8[%add3A_883], %get3A_614 masked %lt3A_885 : memref<51104xf32, #tpu.memory_space<vmem>>[vector<16xi32>], vector<16xf32>, vector<16xi1>
        %add3A_886 = arith.addi %sub3A_879, %add3A_645 : vector<16xi32>
        %bitcast3A_887 = vector.bitcast %add3A_886 : vector<16xi32> to vector<16xi32>
        %lt3A_888 = arith.cmpi ult, %bitcast3A_887, %broadcast_in_dim3A_677 : vector<16xi32>
        tpu.vector_store_idx %arg8[%add3A_886], %get3A_616 masked %lt3A_888 : memref<51104xf32, #tpu.memory_space<vmem>>[vector<16xi32>], vector<16xf32>, vector<16xi1>
        %add3A_889 = arith.addi %sub3A_879, %add3A_648 : vector<16xi32>
        %bitcast3A_890 = vector.bitcast %add3A_889 : vector<16xi32> to vector<16xi32>
        %lt3A_891 = arith.cmpi ult, %bitcast3A_890, %broadcast_in_dim3A_677 : vector<16xi32>
        tpu.vector_store_idx %arg8[%add3A_889], %get3A_618 masked %lt3A_891 : memref<51104xf32, #tpu.memory_space<vmem>>[vector<16xi32>], vector<16xf32>, vector<16xi1>
        %add3A_892 = arith.addi %sub3A_879, %add3A_651 : vector<16xi32>
        %bitcast3A_893 = vector.bitcast %add3A_892 : vector<16xi32> to vector<16xi32>
        %lt3A_894 = arith.cmpi ult, %bitcast3A_893, %broadcast_in_dim3A_677 : vector<16xi32>
        tpu.vector_store_idx %arg8[%add3A_892], %get3A_620 masked %lt3A_894 : memref<51104xf32, #tpu.memory_space<vmem>>[vector<16xi32>], vector<16xf32>, vector<16xi1>
        %add3A_895 = arith.addi %sub3A_879, %add3A_654 : vector<16xi32>
        %bitcast3A_896 = vector.bitcast %add3A_895 : vector<16xi32> to vector<16xi32>
        %lt3A_897 = arith.cmpi ult, %bitcast3A_896, %broadcast_in_dim3A_677 : vector<16xi32>
        tpu.vector_store_idx %arg8[%add3A_895], %get3A_622 masked %lt3A_897 : memref<51104xf32, #tpu.memory_space<vmem>>[vector<16xi32>], vector<16xf32>, vector<16xi1>
        %add3A_898 = arith.addi %sub3A_879, %add3A_657 : vector<16xi32>
        %bitcast3A_899 = vector.bitcast %add3A_898 : vector<16xi32> to vector<16xi32>
        %lt3A_900 = arith.cmpi ult, %bitcast3A_899, %broadcast_in_dim3A_677 : vector<16xi32>
        tpu.vector_store_idx %arg8[%add3A_898], %get3A_624 masked %lt3A_900 : memref<51104xf32, #tpu.memory_space<vmem>>[vector<16xi32>], vector<16xf32>, vector<16xi1>
        %add3A_901 = arith.addi %sub3A_879, %add3A_660 : vector<16xi32>
        %bitcast3A_902 = vector.bitcast %add3A_901 : vector<16xi32> to vector<16xi32>
        %lt3A_903 = arith.cmpi ult, %bitcast3A_902, %broadcast_in_dim3A_677 : vector<16xi32>
        tpu.vector_store_idx %arg8[%add3A_901], %get3A_626 masked %lt3A_903 : memref<51104xf32, #tpu.memory_space<vmem>>[vector<16xi32>], vector<16xf32>, vector<16xi1>
        %add3A_904 = arith.addi %sub3A_879, %add3A_663 : vector<16xi32>
        %bitcast3A_905 = vector.bitcast %add3A_904 : vector<16xi32> to vector<16xi32>
        %lt3A_906 = arith.cmpi ult, %bitcast3A_905, %broadcast_in_dim3A_677 : vector<16xi32>
        tpu.vector_store_idx %arg8[%add3A_904], %get3A_628 masked %lt3A_906 : memref<51104xf32, #tpu.memory_space<vmem>>[vector<16xi32>], vector<16xf32>, vector<16xi1>
        %add3A_907 = arith.addi %sub3A_879, %add3A_666 : vector<16xi32>
        %bitcast3A_908 = vector.bitcast %add3A_907 : vector<16xi32> to vector<16xi32>
        %lt3A_909 = arith.cmpi ult, %bitcast3A_908, %broadcast_in_dim3A_677 : vector<16xi32>
        tpu.vector_store_idx %arg8[%add3A_907], %get3A_630 masked %lt3A_909 : memref<51104xf32, #tpu.memory_space<vmem>>[vector<16xi32>], vector<16xf32>, vector<16xi1>
        %add3A_910 = arith.addi %sub3A_879, %add3A_669 : vector<16xi32>
        %bitcast3A_911 = vector.bitcast %add3A_910 : vector<16xi32> to vector<16xi32>
        %lt3A_912 = arith.cmpi ult, %bitcast3A_911, %broadcast_in_dim3A_677 : vector<16xi32>
        tpu.vector_store_idx %arg8[%add3A_910], %get3A_632 masked %lt3A_912 : memref<51104xf32, #tpu.memory_space<vmem>>[vector<16xi32>], vector<16xf32>, vector<16xi1>
        %add3A_913 = arith.addi %sub3A_879, %add3A_672 : vector<16xi32>
        %bitcast3A_914 = vector.bitcast %add3A_913 : vector<16xi32> to vector<16xi32>
        %lt3A_915 = arith.cmpi ult, %bitcast3A_914, %broadcast_in_dim3A_677 : vector<16xi32>
        tpu.vector_store_idx %arg8[%add3A_913], %get3A_634 masked %lt3A_915 : memref<51104xf32, #tpu.memory_space<vmem>>[vector<16xi32>], vector<16xf32>, vector<16xi1>
        %add3A_916 = arith.addi %sub3A_879, %add3A_675 : vector<16xi32>
        %bitcast3A_917 = vector.bitcast %add3A_916 : vector<16xi32> to vector<16xi32>
        %lt3A_918 = arith.cmpi ult, %bitcast3A_917, %broadcast_in_dim3A_677 : vector<16xi32>
        tpu.vector_store_idx %arg8[%add3A_916], %get3A_636 masked %lt3A_918 : memref<51104xf32, #tpu.memory_space<vmem>>[vector<16xi32>], vector<16xf32>, vector<16xi1>
        %add3A_919 = arith.constant 4 : i32
        %add3A_920 = arith.addi %add3A_735, %add3A_919 : i32
        %min3A_921 = arith.constant 16399 : i32
        %min3A_922 = arith.minsi %add3A_920, %min3A_921 : i32
        %broadcast_in_dim3A_923 = vector.broadcast %min3A_922 : i32 to vector<16xi32>
        %gather3A_924 = tpu.vector_load_idx %arg6[%broadcast_in_dim3A_923] : memref<16400xi32, #tpu.memory_space<vmem>>[vector<16xi32>], vector<16xi32>,
        %sub3A_925 = arith.subi %gather3A_924, %broadcast_in_dim3A : vector<16xi32>
        %add3A_926 = arith.addi %sub3A_925, %add3A_639 : vector<16xi32>
        %bitcast3A_927 = vector.bitcast %add3A_926 : vector<16xi32> to vector<16xi32>
        %lt3A_928 = arith.cmpi ult, %bitcast3A_927, %broadcast_in_dim3A_677 : vector<16xi32>
        tpu.vector_store_idx %arg8[%add3A_926], %get3A_612 masked %lt3A_928 : memref<51104xf32, #tpu.memory_space<vmem>>[vector<16xi32>], vector<16xf32>, vector<16xi1>
        %add3A_929 = arith.addi %sub3A_925, %add3A_642 : vector<16xi32>
        %bitcast3A_930 = vector.bitcast %add3A_929 : vector<16xi32> to vector<16xi32>
        %lt3A_931 = arith.cmpi ult, %bitcast3A_930, %broadcast_in_dim3A_677 : vector<16xi32>
        tpu.vector_store_idx %arg8[%add3A_929], %get3A_614 masked %lt3A_931 : memref<51104xf32, #tpu.memory_space<vmem>>[vector<16xi32>], vector<16xf32>, vector<16xi1>
        %add3A_932 = arith.addi %sub3A_925, %add3A_645 : vector<16xi32>
        %bitcast3A_933 = vector.bitcast %add3A_932 : vector<16xi32> to vector<16xi32>
        %lt3A_934 = arith.cmpi ult, %bitcast3A_933, %broadcast_in_dim3A_677 : vector<16xi32>
        tpu.vector_store_idx %arg8[%add3A_932], %get3A_616 masked %lt3A_934 : memref<51104xf32, #tpu.memory_space<vmem>>[vector<16xi32>], vector<16xf32>, vector<16xi1>
        %add3A_935 = arith.addi %sub3A_925, %add3A_648 : vector<16xi32>
        %bitcast3A_936 = vector.bitcast %add3A_935 : vector<16xi32> to vector<16xi32>
        %lt3A_937 = arith.cmpi ult, %bitcast3A_936, %broadcast_in_dim3A_677 : vector<16xi32>
        tpu.vector_store_idx %arg8[%add3A_935], %get3A_618 masked %lt3A_937 : memref<51104xf32, #tpu.memory_space<vmem>>[vector<16xi32>], vector<16xf32>, vector<16xi1>
        %add3A_938 = arith.addi %sub3A_925, %add3A_651 : vector<16xi32>
        %bitcast3A_939 = vector.bitcast %add3A_938 : vector<16xi32> to vector<16xi32>
        %lt3A_940 = arith.cmpi ult, %bitcast3A_939, %broadcast_in_dim3A_677 : vector<16xi32>
        tpu.vector_store_idx %arg8[%add3A_938], %get3A_620 masked %lt3A_940 : memref<51104xf32, #tpu.memory_space<vmem>>[vector<16xi32>], vector<16xf32>, vector<16xi1>
        %add3A_941 = arith.addi %sub3A_925, %add3A_654 : vector<16xi32>
        %bitcast3A_942 = vector.bitcast %add3A_941 : vector<16xi32> to vector<16xi32>
        %lt3A_943 = arith.cmpi ult, %bitcast3A_942, %broadcast_in_dim3A_677 : vector<16xi32>
        tpu.vector_store_idx %arg8[%add3A_941], %get3A_622 masked %lt3A_943 : memref<51104xf32, #tpu.memory_space<vmem>>[vector<16xi32>], vector<16xf32>, vector<16xi1>
        %add3A_944 = arith.addi %sub3A_925, %add3A_657 : vector<16xi32>
        %bitcast3A_945 = vector.bitcast %add3A_944 : vector<16xi32> to vector<16xi32>
        %lt3A_946 = arith.cmpi ult, %bitcast3A_945, %broadcast_in_dim3A_677 : vector<16xi32>
        tpu.vector_store_idx %arg8[%add3A_944], %get3A_624 masked %lt3A_946 : memref<51104xf32, #tpu.memory_space<vmem>>[vector<16xi32>], vector<16xf32>, vector<16xi1>
        %add3A_947 = arith.addi %sub3A_925, %add3A_660 : vector<16xi32>
        %bitcast3A_948 = vector.bitcast %add3A_947 : vector<16xi32> to vector<16xi32>
        %lt3A_949 = arith.cmpi ult, %bitcast3A_948, %broadcast_in_dim3A_677 : vector<16xi32>
        tpu.vector_store_idx %arg8[%add3A_947], %get3A_626 masked %lt3A_949 : memref<51104xf32, #tpu.memory_space<vmem>>[vector<16xi32>], vector<16xf32>, vector<16xi1>
        %add3A_950 = arith.addi %sub3A_925, %add3A_663 : vector<16xi32>
        %bitcast3A_951 = vector.bitcast %add3A_950 : vector<16xi32> to vector<16xi32>
        %lt3A_952 = arith.cmpi ult, %bitcast3A_951, %broadcast_in_dim3A_677 : vector<16xi32>
        tpu.vector_store_idx %arg8[%add3A_950], %get3A_628 masked %lt3A_952 : memref<51104xf32, #tpu.memory_space<vmem>>[vector<16xi32>], vector<16xf32>, vector<16xi1>
        %add3A_953 = arith.addi %sub3A_925, %add3A_666 : vector<16xi32>
        %bitcast3A_954 = vector.bitcast %add3A_953 : vector<16xi32> to vector<16xi32>
        %lt3A_955 = arith.cmpi ult, %bitcast3A_954, %broadcast_in_dim3A_677 : vector<16xi32>
        tpu.vector_store_idx %arg8[%add3A_953], %get3A_630 masked %lt3A_955 : memref<51104xf32, #tpu.memory_space<vmem>>[vector<16xi32>], vector<16xf32>, vector<16xi1>
        %add3A_956 = arith.addi %sub3A_925, %add3A_669 : vector<16xi32>
        %bitcast3A_957 = vector.bitcast %add3A_956 : vector<16xi32> to vector<16xi32>
        %lt3A_958 = arith.cmpi ult, %bitcast3A_957, %broadcast_in_dim3A_677 : vector<16xi32>
        tpu.vector_store_idx %arg8[%add3A_956], %get3A_632 masked %lt3A_958 : memref<51104xf32, #tpu.memory_space<vmem>>[vector<16xi32>], vector<16xf32>, vector<16xi1>
        %add3A_959 = arith.addi %sub3A_925, %add3A_672 : vector<16xi32>
        %bitcast3A_960 = vector.bitcast %add3A_959 : vector<16xi32> to vector<16xi32>
        %lt3A_961 = arith.cmpi ult, %bitcast3A_960, %broadcast_in_dim3A_677 : vector<16xi32>
        tpu.vector_store_idx %arg8[%add3A_959], %get3A_634 masked %lt3A_961 : memref<51104xf32, #tpu.memory_space<vmem>>[vector<16xi32>], vector<16xf32>, vector<16xi1>
        %add3A_962 = arith.addi %sub3A_925, %add3A_675 : vector<16xi32>
        %bitcast3A_963 = vector.bitcast %add3A_962 : vector<16xi32> to vector<16xi32>
        %lt3A_964 = arith.cmpi ult, %bitcast3A_963, %broadcast_in_dim3A_677 : vector<16xi32>
        tpu.vector_store_idx %arg8[%add3A_962], %get3A_636 masked %lt3A_964 : memref<51104xf32, #tpu.memory_space<vmem>>[vector<16xi32>], vector<16xf32>, vector<16xi1>
        %add3A_965 = arith.constant 5 : i32
        %add3A_966 = arith.addi %add3A_735, %add3A_965 : i32
        %min3A_967 = arith.constant 16399 : i32
        %min3A_968 = arith.minsi %add3A_966, %min3A_967 : i32
        %broadcast_in_dim3A_969 = vector.broadcast %min3A_968 : i32 to vector<16xi32>
        %gather3A_970 = tpu.vector_load_idx %arg6[%broadcast_in_dim3A_969] : memref<16400xi32, #tpu.memory_space<vmem>>[vector<16xi32>], vector<16xi32>,
        %sub3A_971 = arith.subi %gather3A_970, %broadcast_in_dim3A : vector<16xi32>
        %add3A_972 = arith.addi %sub3A_971, %add3A_639 : vector<16xi32>
        %bitcast3A_973 = vector.bitcast %add3A_972 : vector<16xi32> to vector<16xi32>
        %lt3A_974 = arith.cmpi ult, %bitcast3A_973, %broadcast_in_dim3A_677 : vector<16xi32>
        tpu.vector_store_idx %arg8[%add3A_972], %get3A_612 masked %lt3A_974 : memref<51104xf32, #tpu.memory_space<vmem>>[vector<16xi32>], vector<16xf32>, vector<16xi1>
        %add3A_975 = arith.addi %sub3A_971, %add3A_642 : vector<16xi32>
        %bitcast3A_976 = vector.bitcast %add3A_975 : vector<16xi32> to vector<16xi32>
        %lt3A_977 = arith.cmpi ult, %bitcast3A_976, %broadcast_in_dim3A_677 : vector<16xi32>
        tpu.vector_store_idx %arg8[%add3A_975], %get3A_614 masked %lt3A_977 : memref<51104xf32, #tpu.memory_space<vmem>>[vector<16xi32>], vector<16xf32>, vector<16xi1>
        %add3A_978 = arith.addi %sub3A_971, %add3A_645 : vector<16xi32>
        %bitcast3A_979 = vector.bitcast %add3A_978 : vector<16xi32> to vector<16xi32>
        %lt3A_980 = arith.cmpi ult, %bitcast3A_979, %broadcast_in_dim3A_677 : vector<16xi32>
        tpu.vector_store_idx %arg8[%add3A_978], %get3A_616 masked %lt3A_980 : memref<51104xf32, #tpu.memory_space<vmem>>[vector<16xi32>], vector<16xf32>, vector<16xi1>
        %add3A_981 = arith.addi %sub3A_971, %add3A_648 : vector<16xi32>
        %bitcast3A_982 = vector.bitcast %add3A_981 : vector<16xi32> to vector<16xi32>
        %lt3A_983 = arith.cmpi ult, %bitcast3A_982, %broadcast_in_dim3A_677 : vector<16xi32>
        tpu.vector_store_idx %arg8[%add3A_981], %get3A_618 masked %lt3A_983 : memref<51104xf32, #tpu.memory_space<vmem>>[vector<16xi32>], vector<16xf32>, vector<16xi1>
        %add3A_984 = arith.addi %sub3A_971, %add3A_651 : vector<16xi32>
        %bitcast3A_985 = vector.bitcast %add3A_984 : vector<16xi32> to vector<16xi32>
        %lt3A_986 = arith.cmpi ult, %bitcast3A_985, %broadcast_in_dim3A_677 : vector<16xi32>
        tpu.vector_store_idx %arg8[%add3A_984], %get3A_620 masked %lt3A_986 : memref<51104xf32, #tpu.memory_space<vmem>>[vector<16xi32>], vector<16xf32>, vector<16xi1>
        %add3A_987 = arith.addi %sub3A_971, %add3A_654 : vector<16xi32>
        %bitcast3A_988 = vector.bitcast %add3A_987 : vector<16xi32> to vector<16xi32>
        %lt3A_989 = arith.cmpi ult, %bitcast3A_988, %broadcast_in_dim3A_677 : vector<16xi32>
        tpu.vector_store_idx %arg8[%add3A_987], %get3A_622 masked %lt3A_989 : memref<51104xf32, #tpu.memory_space<vmem>>[vector<16xi32>], vector<16xf32>, vector<16xi1>
        %add3A_990 = arith.addi %sub3A_971, %add3A_657 : vector<16xi32>
        %bitcast3A_991 = vector.bitcast %add3A_990 : vector<16xi32> to vector<16xi32>
        %lt3A_992 = arith.cmpi ult, %bitcast3A_991, %broadcast_in_dim3A_677 : vector<16xi32>
        tpu.vector_store_idx %arg8[%add3A_990], %get3A_624 masked %lt3A_992 : memref<51104xf32, #tpu.memory_space<vmem>>[vector<16xi32>], vector<16xf32>, vector<16xi1>
        %add3A_993 = arith.addi %sub3A_971, %add3A_660 : vector<16xi32>
        %bitcast3A_994 = vector.bitcast %add3A_993 : vector<16xi32> to vector<16xi32>
        %lt3A_995 = arith.cmpi ult, %bitcast3A_994, %broadcast_in_dim3A_677 : vector<16xi32>
        tpu.vector_store_idx %arg8[%add3A_993], %get3A_626 masked %lt3A_995 : memref<51104xf32, #tpu.memory_space<vmem>>[vector<16xi32>], vector<16xf32>, vector<16xi1>
        %add3A_996 = arith.addi %sub3A_971, %add3A_663 : vector<16xi32>
        %bitcast3A_997 = vector.bitcast %add3A_996 : vector<16xi32> to vector<16xi32>
        %lt3A_998 = arith.cmpi ult, %bitcast3A_997, %broadcast_in_dim3A_677 : vector<16xi32>
        tpu.vector_store_idx %arg8[%add3A_996], %get3A_628 masked %lt3A_998 : memref<51104xf32, #tpu.memory_space<vmem>>[vector<16xi32>], vector<16xf32>, vector<16xi1>
        %add3A_999 = arith.addi %sub3A_971, %add3A_666 : vector<16xi32>
        %bitcast3A_1000 = vector.bitcast %add3A_999 : vector<16xi32> to vector<16xi32>
        %lt3A_1001 = arith.cmpi ult, %bitcast3A_1000, %broadcast_in_dim3A_677 : vector<16xi32>
        tpu.vector_store_idx %arg8[%add3A_999], %get3A_630 masked %lt3A_1001 : memref<51104xf32, #tpu.memory_space<vmem>>[vector<16xi32>], vector<16xf32>, vector<16xi1>
        %add3A_1002 = arith.addi %sub3A_971, %add3A_669 : vector<16xi32>
        %bitcast3A_1003 = vector.bitcast %add3A_1002 : vector<16xi32> to vector<16xi32>
        %lt3A_1004 = arith.cmpi ult, %bitcast3A_1003, %broadcast_in_dim3A_677 : vector<16xi32>
        tpu.vector_store_idx %arg8[%add3A_1002], %get3A_632 masked %lt3A_1004 : memref<51104xf32, #tpu.memory_space<vmem>>[vector<16xi32>], vector<16xf32>, vector<16xi1>
        %add3A_1005 = arith.addi %sub3A_971, %add3A_672 : vector<16xi32>
        %bitcast3A_1006 = vector.bitcast %add3A_1005 : vector<16xi32> to vector<16xi32>
        %lt3A_1007 = arith.cmpi ult, %bitcast3A_1006, %broadcast_in_dim3A_677 : vector<16xi32>
        tpu.vector_store_idx %arg8[%add3A_1005], %get3A_634 masked %lt3A_1007 : memref<51104xf32, #tpu.memory_space<vmem>>[vector<16xi32>], vector<16xf32>, vector<16xi1>
        %add3A_1008 = arith.addi %sub3A_971, %add3A_675 : vector<16xi32>
        %bitcast3A_1009 = vector.bitcast %add3A_1008 : vector<16xi32> to vector<16xi32>
        %lt3A_1010 = arith.cmpi ult, %bitcast3A_1009, %broadcast_in_dim3A_677 : vector<16xi32>
        tpu.vector_store_idx %arg8[%add3A_1008], %get3A_636 masked %lt3A_1010 : memref<51104xf32, #tpu.memory_space<vmem>>[vector<16xi32>], vector<16xf32>, vector<16xi1>
        %add3A_1011 = arith.constant 6 : i32
        %add3A_1012 = arith.addi %add3A_735, %add3A_1011 : i32
        %min3A_1013 = arith.constant 16399 : i32
        %min3A_1014 = arith.minsi %add3A_1012, %min3A_1013 : i32
        %broadcast_in_dim3A_1015 = vector.broadcast %min3A_1014 : i32 to vector<16xi32>
        %gather3A_1016 = tpu.vector_load_idx %arg6[%broadcast_in_dim3A_1015] : memref<16400xi32, #tpu.memory_space<vmem>>[vector<16xi32>], vector<16xi32>,
        %sub3A_1017 = arith.subi %gather3A_1016, %broadcast_in_dim3A : vector<16xi32>
        %add3A_1018 = arith.addi %sub3A_1017, %add3A_639 : vector<16xi32>
        %bitcast3A_1019 = vector.bitcast %add3A_1018 : vector<16xi32> to vector<16xi32>
        %lt3A_1020 = arith.cmpi ult, %bitcast3A_1019, %broadcast_in_dim3A_677 : vector<16xi32>
        tpu.vector_store_idx %arg8[%add3A_1018], %get3A_612 masked %lt3A_1020 : memref<51104xf32, #tpu.memory_space<vmem>>[vector<16xi32>], vector<16xf32>, vector<16xi1>
        %add3A_1021 = arith.addi %sub3A_1017, %add3A_642 : vector<16xi32>
        %bitcast3A_1022 = vector.bitcast %add3A_1021 : vector<16xi32> to vector<16xi32>
        %lt3A_1023 = arith.cmpi ult, %bitcast3A_1022, %broadcast_in_dim3A_677 : vector<16xi32>
        tpu.vector_store_idx %arg8[%add3A_1021], %get3A_614 masked %lt3A_1023 : memref<51104xf32, #tpu.memory_space<vmem>>[vector<16xi32>], vector<16xf32>, vector<16xi1>
        %add3A_1024 = arith.addi %sub3A_1017, %add3A_645 : vector<16xi32>
        %bitcast3A_1025 = vector.bitcast %add3A_1024 : vector<16xi32> to vector<16xi32>
        %lt3A_1026 = arith.cmpi ult, %bitcast3A_1025, %broadcast_in_dim3A_677 : vector<16xi32>
        tpu.vector_store_idx %arg8[%add3A_1024], %get3A_616 masked %lt3A_1026 : memref<51104xf32, #tpu.memory_space<vmem>>[vector<16xi32>], vector<16xf32>, vector<16xi1>
        %add3A_1027 = arith.addi %sub3A_1017, %add3A_648 : vector<16xi32>
        %bitcast3A_1028 = vector.bitcast %add3A_1027 : vector<16xi32> to vector<16xi32>
        %lt3A_1029 = arith.cmpi ult, %bitcast3A_1028, %broadcast_in_dim3A_677 : vector<16xi32>
        tpu.vector_store_idx %arg8[%add3A_1027], %get3A_618 masked %lt3A_1029 : memref<51104xf32, #tpu.memory_space<vmem>>[vector<16xi32>], vector<16xf32>, vector<16xi1>
        %add3A_1030 = arith.addi %sub3A_1017, %add3A_651 : vector<16xi32>
        %bitcast3A_1031 = vector.bitcast %add3A_1030 : vector<16xi32> to vector<16xi32>
        %lt3A_1032 = arith.cmpi ult, %bitcast3A_1031, %broadcast_in_dim3A_677 : vector<16xi32>
        tpu.vector_store_idx %arg8[%add3A_1030], %get3A_620 masked %lt3A_1032 : memref<51104xf32, #tpu.memory_space<vmem>>[vector<16xi32>], vector<16xf32>, vector<16xi1>
        %add3A_1033 = arith.addi %sub3A_1017, %add3A_654 : vector<16xi32>
        %bitcast3A_1034 = vector.bitcast %add3A_1033 : vector<16xi32> to vector<16xi32>
        %lt3A_1035 = arith.cmpi ult, %bitcast3A_1034, %broadcast_in_dim3A_677 : vector<16xi32>
        tpu.vector_store_idx %arg8[%add3A_1033], %get3A_622 masked %lt3A_1035 : memref<51104xf32, #tpu.memory_space<vmem>>[vector<16xi32>], vector<16xf32>, vector<16xi1>
        %add3A_1036 = arith.addi %sub3A_1017, %add3A_657 : vector<16xi32>
        %bitcast3A_1037 = vector.bitcast %add3A_1036 : vector<16xi32> to vector<16xi32>
        %lt3A_1038 = arith.cmpi ult, %bitcast3A_1037, %broadcast_in_dim3A_677 : vector<16xi32>
        tpu.vector_store_idx %arg8[%add3A_1036], %get3A_624 masked %lt3A_1038 : memref<51104xf32, #tpu.memory_space<vmem>>[vector<16xi32>], vector<16xf32>, vector<16xi1>
        %add3A_1039 = arith.addi %sub3A_1017, %add3A_660 : vector<16xi32>
        %bitcast3A_1040 = vector.bitcast %add3A_1039 : vector<16xi32> to vector<16xi32>
        %lt3A_1041 = arith.cmpi ult, %bitcast3A_1040, %broadcast_in_dim3A_677 : vector<16xi32>
        tpu.vector_store_idx %arg8[%add3A_1039], %get3A_626 masked %lt3A_1041 : memref<51104xf32, #tpu.memory_space<vmem>>[vector<16xi32>], vector<16xf32>, vector<16xi1>
        %add3A_1042 = arith.addi %sub3A_1017, %add3A_663 : vector<16xi32>
        %bitcast3A_1043 = vector.bitcast %add3A_1042 : vector<16xi32> to vector<16xi32>
        %lt3A_1044 = arith.cmpi ult, %bitcast3A_1043, %broadcast_in_dim3A_677 : vector<16xi32>
        tpu.vector_store_idx %arg8[%add3A_1042], %get3A_628 masked %lt3A_1044 : memref<51104xf32, #tpu.memory_space<vmem>>[vector<16xi32>], vector<16xf32>, vector<16xi1>
        %add3A_1045 = arith.addi %sub3A_1017, %add3A_666 : vector<16xi32>
        %bitcast3A_1046 = vector.bitcast %add3A_1045 : vector<16xi32> to vector<16xi32>
        %lt3A_1047 = arith.cmpi ult, %bitcast3A_1046, %broadcast_in_dim3A_677 : vector<16xi32>
        tpu.vector_store_idx %arg8[%add3A_1045], %get3A_630 masked %lt3A_1047 : memref<51104xf32, #tpu.memory_space<vmem>>[vector<16xi32>], vector<16xf32>, vector<16xi1>
        %add3A_1048 = arith.addi %sub3A_1017, %add3A_669 : vector<16xi32>
        %bitcast3A_1049 = vector.bitcast %add3A_1048 : vector<16xi32> to vector<16xi32>
        %lt3A_1050 = arith.cmpi ult, %bitcast3A_1049, %broadcast_in_dim3A_677 : vector<16xi32>
        tpu.vector_store_idx %arg8[%add3A_1048], %get3A_632 masked %lt3A_1050 : memref<51104xf32, #tpu.memory_space<vmem>>[vector<16xi32>], vector<16xf32>, vector<16xi1>
        %add3A_1051 = arith.addi %sub3A_1017, %add3A_672 : vector<16xi32>
        %bitcast3A_1052 = vector.bitcast %add3A_1051 : vector<16xi32> to vector<16xi32>
        %lt3A_1053 = arith.cmpi ult, %bitcast3A_1052, %broadcast_in_dim3A_677 : vector<16xi32>
        tpu.vector_store_idx %arg8[%add3A_1051], %get3A_634 masked %lt3A_1053 : memref<51104xf32, #tpu.memory_space<vmem>>[vector<16xi32>], vector<16xf32>, vector<16xi1>
        %add3A_1054 = arith.addi %sub3A_1017, %add3A_675 : vector<16xi32>
        %bitcast3A_1055 = vector.bitcast %add3A_1054 : vector<16xi32> to vector<16xi32>
        %lt3A_1056 = arith.cmpi ult, %bitcast3A_1055, %broadcast_in_dim3A_677 : vector<16xi32>
        tpu.vector_store_idx %arg8[%add3A_1054], %get3A_636 masked %lt3A_1056 : memref<51104xf32, #tpu.memory_space<vmem>>[vector<16xi32>], vector<16xf32>, vector<16xi1>
        %add3A_1057 = arith.constant 7 : i32
        %add3A_1058 = arith.addi %add3A_735, %add3A_1057 : i32
        %min3A_1059 = arith.constant 16399 : i32
        %min3A_1060 = arith.minsi %add3A_1058, %min3A_1059 : i32
        %broadcast_in_dim3A_1061 = vector.broadcast %min3A_1060 : i32 to vector<16xi32>
        %gather3A_1062 = tpu.vector_load_idx %arg6[%broadcast_in_dim3A_1061] : memref<16400xi32, #tpu.memory_space<vmem>>[vector<16xi32>], vector<16xi32>,
        %sub3A_1063 = arith.subi %gather3A_1062, %broadcast_in_dim3A : vector<16xi32>
        %add3A_1064 = arith.addi %sub3A_1063, %add3A_639 : vector<16xi32>
        %bitcast3A_1065 = vector.bitcast %add3A_1064 : vector<16xi32> to vector<16xi32>
        %lt3A_1066 = arith.cmpi ult, %bitcast3A_1065, %broadcast_in_dim3A_677 : vector<16xi32>
        tpu.vector_store_idx %arg8[%add3A_1064], %get3A_612 masked %lt3A_1066 : memref<51104xf32, #tpu.memory_space<vmem>>[vector<16xi32>], vector<16xf32>, vector<16xi1>
        %add3A_1067 = arith.addi %sub3A_1063, %add3A_642 : vector<16xi32>
        %bitcast3A_1068 = vector.bitcast %add3A_1067 : vector<16xi32> to vector<16xi32>
        %lt3A_1069 = arith.cmpi ult, %bitcast3A_1068, %broadcast_in_dim3A_677 : vector<16xi32>
        tpu.vector_store_idx %arg8[%add3A_1067], %get3A_614 masked %lt3A_1069 : memref<51104xf32, #tpu.memory_space<vmem>>[vector<16xi32>], vector<16xf32>, vector<16xi1>
        %add3A_1070 = arith.addi %sub3A_1063, %add3A_645 : vector<16xi32>
        %bitcast3A_1071 = vector.bitcast %add3A_1070 : vector<16xi32> to vector<16xi32>
        %lt3A_1072 = arith.cmpi ult, %bitcast3A_1071, %broadcast_in_dim3A_677 : vector<16xi32>
        tpu.vector_store_idx %arg8[%add3A_1070], %get3A_616 masked %lt3A_1072 : memref<51104xf32, #tpu.memory_space<vmem>>[vector<16xi32>], vector<16xf32>, vector<16xi1>
        %add3A_1073 = arith.addi %sub3A_1063, %add3A_648 : vector<16xi32>
        %bitcast3A_1074 = vector.bitcast %add3A_1073 : vector<16xi32> to vector<16xi32>
        %lt3A_1075 = arith.cmpi ult, %bitcast3A_1074, %broadcast_in_dim3A_677 : vector<16xi32>
        tpu.vector_store_idx %arg8[%add3A_1073], %get3A_618 masked %lt3A_1075 : memref<51104xf32, #tpu.memory_space<vmem>>[vector<16xi32>], vector<16xf32>, vector<16xi1>
        %add3A_1076 = arith.addi %sub3A_1063, %add3A_651 : vector<16xi32>
        %bitcast3A_1077 = vector.bitcast %add3A_1076 : vector<16xi32> to vector<16xi32>
        %lt3A_1078 = arith.cmpi ult, %bitcast3A_1077, %broadcast_in_dim3A_677 : vector<16xi32>
        tpu.vector_store_idx %arg8[%add3A_1076], %get3A_620 masked %lt3A_1078 : memref<51104xf32, #tpu.memory_space<vmem>>[vector<16xi32>], vector<16xf32>, vector<16xi1>
        %add3A_1079 = arith.addi %sub3A_1063, %add3A_654 : vector<16xi32>
        %bitcast3A_1080 = vector.bitcast %add3A_1079 : vector<16xi32> to vector<16xi32>
        %lt3A_1081 = arith.cmpi ult, %bitcast3A_1080, %broadcast_in_dim3A_677 : vector<16xi32>
        tpu.vector_store_idx %arg8[%add3A_1079], %get3A_622 masked %lt3A_1081 : memref<51104xf32, #tpu.memory_space<vmem>>[vector<16xi32>], vector<16xf32>, vector<16xi1>
        %add3A_1082 = arith.addi %sub3A_1063, %add3A_657 : vector<16xi32>
        %bitcast3A_1083 = vector.bitcast %add3A_1082 : vector<16xi32> to vector<16xi32>
        %lt3A_1084 = arith.cmpi ult, %bitcast3A_1083, %broadcast_in_dim3A_677 : vector<16xi32>
        tpu.vector_store_idx %arg8[%add3A_1082], %get3A_624 masked %lt3A_1084 : memref<51104xf32, #tpu.memory_space<vmem>>[vector<16xi32>], vector<16xf32>, vector<16xi1>
        %add3A_1085 = arith.addi %sub3A_1063, %add3A_660 : vector<16xi32>
        %bitcast3A_1086 = vector.bitcast %add3A_1085 : vector<16xi32> to vector<16xi32>
        %lt3A_1087 = arith.cmpi ult, %bitcast3A_1086, %broadcast_in_dim3A_677 : vector<16xi32>
        tpu.vector_store_idx %arg8[%add3A_1085], %get3A_626 masked %lt3A_1087 : memref<51104xf32, #tpu.memory_space<vmem>>[vector<16xi32>], vector<16xf32>, vector<16xi1>
        %add3A_1088 = arith.addi %sub3A_1063, %add3A_663 : vector<16xi32>
        %bitcast3A_1089 = vector.bitcast %add3A_1088 : vector<16xi32> to vector<16xi32>
        %lt3A_1090 = arith.cmpi ult, %bitcast3A_1089, %broadcast_in_dim3A_677 : vector<16xi32>
        tpu.vector_store_idx %arg8[%add3A_1088], %get3A_628 masked %lt3A_1090 : memref<51104xf32, #tpu.memory_space<vmem>>[vector<16xi32>], vector<16xf32>, vector<16xi1>
        %add3A_1091 = arith.addi %sub3A_1063, %add3A_666 : vector<16xi32>
        %bitcast3A_1092 = vector.bitcast %add3A_1091 : vector<16xi32> to vector<16xi32>
        %lt3A_1093 = arith.cmpi ult, %bitcast3A_1092, %broadcast_in_dim3A_677 : vector<16xi32>
        tpu.vector_store_idx %arg8[%add3A_1091], %get3A_630 masked %lt3A_1093 : memref<51104xf32, #tpu.memory_space<vmem>>[vector<16xi32>], vector<16xf32>, vector<16xi1>
        %add3A_1094 = arith.addi %sub3A_1063, %add3A_669 : vector<16xi32>
        %bitcast3A_1095 = vector.bitcast %add3A_1094 : vector<16xi32> to vector<16xi32>
        %lt3A_1096 = arith.cmpi ult, %bitcast3A_1095, %broadcast_in_dim3A_677 : vector<16xi32>
        tpu.vector_store_idx %arg8[%add3A_1094], %get3A_632 masked %lt3A_1096 : memref<51104xf32, #tpu.memory_space<vmem>>[vector<16xi32>], vector<16xf32>, vector<16xi1>
        %add3A_1097 = arith.addi %sub3A_1063, %add3A_672 : vector<16xi32>
        %bitcast3A_1098 = vector.bitcast %add3A_1097 : vector<16xi32> to vector<16xi32>
        %lt3A_1099 = arith.cmpi ult, %bitcast3A_1098, %broadcast_in_dim3A_677 : vector<16xi32>
        tpu.vector_store_idx %arg8[%add3A_1097], %get3A_634 masked %lt3A_1099 : memref<51104xf32, #tpu.memory_space<vmem>>[vector<16xi32>], vector<16xf32>, vector<16xi1>
        %add3A_1100 = arith.addi %sub3A_1063, %add3A_675 : vector<16xi32>
        %bitcast3A_1101 = vector.bitcast %add3A_1100 : vector<16xi32> to vector<16xi32>
        %lt3A_1102 = arith.cmpi ult, %bitcast3A_1101, %broadcast_in_dim3A_677 : vector<16xi32>
        tpu.vector_store_idx %arg8[%add3A_1100], %get3A_636 masked %lt3A_1102 : memref<51104xf32, #tpu.memory_space<vmem>>[vector<16xi32>], vector<16xf32>, vector<16xi1>
      }
      %add3A_718 = arith.constant 0 : i32
      %add3A_719 = arith.addi %mul3A_2, %add3A_718 : i32
      %dma_start3A_720 = arith.constant 0 : i32
      %dma_start3A_721 = tpu.memref_slice %arg8[%dma_start3A_720] : memref<51104xf32, #tpu.memory_space<vmem>> -> memref<51104xf32, #tpu.memory_space<vmem>>
      %dma_start3A_722 = tpu.memref_slice %arg4[%add3A_719] : memref<1635328xf32, #tpu.memory_space<hbm>> -> memref<51104xf32, #tpu.memory_space<hbm>>
      %dma_start3A_723 = tpu.memref_slice %arg4[%add3A_719] : memref<1635328xf32, #tpu.memory_space<hbm>> -> memref<51104xf32, #tpu.memory_space<hbm>>
      %dma_start3A_724 = arith.constant 0 : i32
      %dma_start3A_725 = tpu.memref_slice %arg8[%dma_start3A_724] : memref<51104xf32, #tpu.memory_space<vmem>> -> memref<51104xf32, #tpu.memory_space<vmem>>
      tpu.enqueue_dma source(%dma_start3A_725 : memref<51104xf32, #tpu.memory_space<vmem>>) target(%dma_start3A_723 : memref<51104xf32, #tpu.memory_space<hbm>>) target_semaphore(%arg9 : memref<!tpu.dma_semaphore, #tpu.memory_space<semaphore_mem>>)
      %dma_wait3A_726 = arith.constant 0 : i32
      %dma_wait3A_727 = tpu.memref_slice %arg8[%dma_wait3A_726] : memref<51104xf32, #tpu.memory_space<vmem>> -> memref<51104xf32, #tpu.memory_space<vmem>>
      %dma_wait3A_728 = tpu.memref_slice %arg4[%add3A_719] : memref<1635328xf32, #tpu.memory_space<hbm>> -> memref<51104xf32, #tpu.memory_space<hbm>>
      %dma_wait3A_729 = tpu.memref_slice %arg4[%add3A_719] : memref<1635328xf32, #tpu.memory_space<hbm>> -> memref<51104xf32, #tpu.memory_space<hbm>>
      %dma_wait3A_730 = arith.constant 0 : i32
      %dma_wait3A_731 = tpu.memref_slice %arg8[%dma_wait3A_730] : memref<51104xf32, #tpu.memory_space<vmem>> -> memref<51104xf32, #tpu.memory_space<vmem>>
      tpu.wait_dma2 semaphore(%arg9 : memref<!tpu.dma_semaphore, #tpu.memory_space<semaphore_mem>>) src(%dma_wait3A_731 : memref<51104xf32, #tpu.memory_space<vmem>>) dst(%dma_wait3A_729 : memref<51104xf32, #tpu.memory_space<hbm>>)
    } else {
    }
    return
  }
}

</mosaic_0001>

<sc_bundles>
// kernel: kernel.3.cloned.1.call-start
scs
__scs_entry_jumppad:
0x0: {  	(pc) =	sbr.rel $0x88, $3  }
0x1: {  	(tag) =	ssettag $0x0;
	lr =	simm.s32 $0x1  }
0x2: {  	[smem:$0x3F9F] =	sst lr;
	_ =	strace $0xD0000000  }
0x3: {  	_ = 	snop  }
0x4: {  	_ = 	snop  }
0x5: {  	_ = 	snop  }
0x6: {  	_ = 	snop  }
0x7: {  	_ = 	snop  }
__scs_overlays_trampoline_lowered:
0x8: {  	[smem:$0x3FAE] =	sst s0  }
0x9: {  	[smem:$0x3FAF] =	sst s1  }
0xa: {  	[smem:$0x3FB0] =	sst s2  }
0xb: {  	[smem:$0x3FB1] =	sst s3  }
0xc: {  	[smem:$0x3FB2] =	sst s4  }
0xd: {  	[smem:$0x3FB3] =	sst s5  }
0xe: {  	[smem:$0x3FB4] =	sst s6  }
0xf: {  	[smem:$0x3FB5] =	sst s7  }
0x10: {  	[smem:$0x3FB6] =	sst s8  }
0x11: {  	[smem:$0x3FB7] =	sst s9;
	s0 =	simm.s32 @!p0 $0x0  }
0x12: {  	s1 =	sld [smem:$0x3F9D];
	s0 =	simm.s32 @p0 $0x1  }
0x13: {  	[smem:$0x3FB8] =	sst s0;
	s0 =	simm.s32 @!p1 $0x0  }
0x14: {  	s2 =	sld [smem:$0x3F9C];
	s0 =	simm.s32 @p1 $0x1  }
0x15: {  	[smem:$0x3FB9] =	sst s0;
	s0 =	simm.s32 @!p2 $0x0  }
0x16: {  	s3 =	sld [smem:$0x3FDB];
	s0 =	simm.s32 @p2 $0x1  }
0x17: {  	s4 =	simm.s32 $0x1BF5;
	[smem:$0x3FBB] =	sst s0  }
0x18: {  	s0 =	sld [smem:$0x3F9E];
	_ =	swait.ge [sflag:s4], $0x0  }
0x19: {  	s7 =	sld [smem:$0x3F9F]  }
0x1a: {  	s8 =	sadd.s32 $0xFFFFE003, lr  }
0x1b: {  	s9 =	sadd.s32 $0xFFFFFEF7, lr;
	s5 =	simm.s32 $0xFFFFFFFF;
	p2 =	slt.u32 s8, $0xFFFFF086  }
0x1c: {  	p1 =	slt.u32 s9, $0xF7A;
	s5 =	simm.s32 @!p2 $0x0  }
0x1d: {  	s5 =	simm.s32 @p1 $0x1;
	p0 =	seq.s32 s7, s2  }
0x1e: {  	s7 =	smul.u32 @!p0 $0xF7A, s2;
	p2 =	seq.s32 @!p0 s5, $0x0  }
0x1f: {  	s9 =	smul.u32 $0xF7A, s1;
	s8 =	simm.s32 @!p0 $0x1BF5;
	p2 =	por !p2, p0  }
0x20: {  	[sflag:s8] =	ssyncset.s32 @!p0 $0xFFFFF086;
	s6 =	sadd.s32 @!p0 s3, s7;
	s7 =	simm.s32 @!p0 $0x108  }
0x21: {  	s3 =	sadd.s32 s3, s9;
	s6 =	sadd.s32 @!p0 $0x88, s6;
	s7 =	simm.s32 @p2 $0x1082  }
0x22: {  	[simem:s7], [sflag:s8] =	dma.local @!p0 [hbm:s6], $0xF7A  }
0x23: {  	s9 =	sor.u32 $0xD0000000, s2;
	s6 =	simm.s32 $0x108;
	_ =	swait.ge @!p0 [sflag:s8], $0x0  }
0x24: {  	s3 =	sadd.s32 $0x88, s3;
	s6 =	simm.s32 @!p1 $0x1082;
	[sflag:s4] =	ssyncset.s32 $0xFFFFF086  }
0x25: {  	[simem:s6], [sflag:s4] =	dma.local [hbm:s3], $0xF7A  }
0x26: {  	[smem:$0x3F9F] =	sst s1;
	(tag) =	ssettag s2;
	_ =	strace s9  }
0x27: {  	s1 =	sld [smem:$0x3FAF]  }
0x28: {  	s2 =	sld [smem:$0x3FB0]  }
0x29: {  	s4 =	sld [smem:$0x3FB2]  }
0x2a: {  	p0 =	seq.s32 s5, $0x0;
	s5 =	sld [smem:$0x3FB3]  }
0x2b: {  	s6 =	sld [smem:$0x3FB4]  }
0x2c: {  	s7 =	sld [smem:$0x3FB5]  }
0x2d: {  	s3 =	simm.s32 $0x108;
	s8 =	sld [smem:$0x3FB6]  }
0x2e: {  	s3 =	simm.s32 @!p0 $0x1082;
	s9 =	sld [smem:$0x3FB7]  }
0x2f: {  	lr =	sadd.s32 s0, s3;
	s0 =	sld [smem:$0x3FAE]  }
0x30: {  	s3 =	sld [smem:$0x3FB1]  }
0x31: {  	[smem:$0x3FBA] =	sst s10  }
0x32: {  	s10 =	sld [smem:$0x3FB8];
	_ =	sdelay $0x3  }
0x33: {  	p0 =	seq.s32 s10, $0x1;
	s10 =	sld [smem:$0x3FBA];
	_ =	sdelay $0x3  }
0x34: {  	[smem:$0x3FBA] =	sst s10  }
0x35: {  	s10 =	sld [smem:$0x3FB9];
	_ =	sdelay $0x3  }
0x36: {  	p1 =	seq.s32 s10, $0x1;
	s10 =	sld [smem:$0x3FBA];
	_ =	sdelay $0x3  }
0x37: {  	[smem:$0x3FBA] =	sst s10  }
0x38: {  	s10 =	sld [smem:$0x3FBB]  }
0x39: {  	_ = 	snop;
	(pc) =	sbr.ind lr, $3  }
0x3a: {  	_ = 	snop  }
0x3b: {  	_ = 	snop  }
0x3c: {  	p2 =	seq.s32 s10, $0x1;
	s10 =	sld [smem:$0x3FBA]  }
0x3d: {  	_ =	shalt  }
0x3e: {  	_ =	shalt  }
0x3f: {  	_ =	shalt  }
0x40: {  	_ =	shalt  }
0x41: {  	_ =	shalt  }
0x42: {  	_ =	shalt  }
0x43: {  	_ =	shalt  }
0x44: {  	_ =	shalt  }
0x45: {  	_ =	shalt  }
0x46: {  	_ =	shalt  }
0x47: {  	_ =	shalt  }
0x48: {  	_ =	shalt  }
0x49: {  	_ =	shalt  }
0x4a: {  	_ =	shalt  }
0x4b: {  	_ =	shalt  }
0x4c: {  	_ =	shalt  }
0x4d: {  	_ =	shalt  }
0x4e: {  	_ =	shalt  }
0x4f: {  	_ =	shalt  }
0x50: {  	_ =	shalt  }
0x51: {  	_ =	shalt  }
0x52: {  	_ =	shalt  }
0x53: {  	_ =	shalt  }
0x54: {  	_ =	shalt  }
0x55: {  	_ =	shalt  }
0x56: {  	_ =	shalt  }
0x57: {  	_ =	shalt  }
0x58: {  	_ =	shalt  }
0x59: {  	_ =	shalt  }
0x5a: {  	_ =	shalt  }
0x5b: {  	_ =	shalt  }
0x5c: {  	_ =	shalt  }
0x5d: {  	_ =	shalt  }
0x5e: {  	_ =	shalt  }
0x5f: {  	_ =	shalt  }
0x60: {  	_ =	shalt  }
0x61: {  	_ =	shalt  }
0x62: {  	_ =	shalt  }
0x63: {  	_ =	shalt  }
0x64: {  	_ =	shalt  }
0x65: {  	_ =	shalt  }
0x66: {  	_ =	shalt  }
0x67: {  	_ =	shalt  }
0x68: {  	_ =	shalt  }
0x69: {  	_ =	shalt  }
0x6a: {  	_ =	shalt  }
0x6b: {  	_ =	shalt  }
0x6c: {  	_ =	shalt  }
0x6d: {  	_ =	shalt  }
0x6e: {  	_ =	shalt  }
0x6f: {  	_ =	shalt  }
0x70: {  	_ =	shalt  }
0x71: {  	_ =	shalt  }
0x72: {  	_ =	shalt  }
0x73: {  	_ =	shalt  }
0x74: {  	_ =	shalt  }
0x75: {  	_ =	shalt  }
0x76: {  	_ =	shalt  }
0x77: {  	_ =	shalt  }
0x78: {  	_ =	shalt  }
0x79: {  	_ =	shalt  }
0x7a: {  	_ =	shalt  }
0x7b: {  	_ =	shalt  }
0x7c: {  	_ =	shalt  }
0x7d: {  	_ =	shalt  }
0x7e: {  	_ =	shalt  }
0x7f: {  	_ =	shalt  }
0x80: {  	_ =	shalt  }
0x81: {  	_ =	shalt  }
0x82: {  	_ =	shalt  }
0x83: {  	_ =	shalt  }
0x84: {  	_ =	shalt  }
0x85: {  	_ =	shalt  }
0x86: {  	_ =	shalt  }
0x87: {  	_ =	shalt  }
.Lfunc_end0:
.L_simem_size_0:
called_computation_lowered:
.L_overlay_start_0:
0x88: {  	s2 =	sld [smem:$0x3FD9]  }
0x89: {  	s3 =	sld [smem:$0x3FFE];
	_ =	sdelay $0x1  }
0x8a: {  	s1 =	srdreg.scid  }
0x8b: {  	s0 =	sand.u32 $0x1, s1  }
0x8c: {  	s18 =	sshll.u32 s0, $0xA;
	s2 =	sadd.s32 s3, s2  }
0x8d: {  	s2 =	sadd.s32 s2, s18  }
0x8e: {  	[smem:$0x3FC6] =	sst s2  }
0x8f: {  	_ = 	snop  }
0x90: {  	s2 =	sld [smem:$0x3FC9]  }
0x91: {  	s19 =	sld [smem:$0x3FC8]  }
0x92: {  	s4 =	sld [smem:$0x3FD0];
	(tm) =	ssettm $0x1  }
0x93: {  	s5 =	sld [smem:$0x3FFB];
	_ =	sdelay $0x3  }
0x94: {  	_ =	strace s5  }
0x95: {  	s5 =	sld [smem:$0x3FFC];
	_ =	sdelay $0x3  }
0x96: {  	_ =	strace s5  }
0x97: {  	s5 =	sld [smem:$0x3FFD];
	_ =	sdelay $0x3  }
0x98: {  	_ =	strace s5  }
0x99: {  	_ =	strace $0x8FFFFFFF  }
0x9a: {  	s20 =	sld [smem:$0x3FDB];
	_ =	sdelay $0x1  }
0x9b: {  	s6 =	simm.s32 $_scs_section_size  }
0x9c: {  	s7 =	simm.s32 $_size__tile_overlayer_lowered;
	s8 =	simm.s32 $_tile_overlayer_lowered  }
0x9d: {  	s23 =	simm.s32 $0x1BFF;
	s22 =	sshll.u32 s8, $0x1;
	s5 =	sadd.s32 s6, s20  }
0x9e: {  	s9 =	simm.s32 $0x0;
	s21 =	sshll.u32 s7, $0x1;
	s7 =	sadd.s32 s22, s5  }
0x9f: {  	[timem:s9], [sflag:s23] =	dma.local [hbm:s7], s21  }
0xa0: {  	_ =	swait.ge [sflag:s23], s21  }
0xa1: {  	s6 =	ssub.s32 $0x0, s21;
	[sflag:s23] =	ssyncset.done $0x0  }
0xa2: {  	[sflag:s23] =	ssyncadd.s32 s6;
	_ =	sdelay $0x1  }
0xa3: {  	s24 =	simm.s32 $0x1B8B  }
0xa4: {  	_ =	swait.ge [sflag:s24], $0x1  }
0xa5: {  	[sflag:s24] =	ssyncset.done $0x0  }
0xa6: {  	s25 =	simm.s32 $0x1B8E;
	[sflag:s24] =	ssyncadd.s32 $0xFFFFFFFF  }
0xa7: {  	s26 =	simm.s32 $execute0_lowered;
	[smem:$0x3FD2] =	sst s25  }
0xa8: {  	s6 =	sshll.u32 s26, $0x1;
	_ =	strace $0x80000046;
	[dreg:$0x1] =	wrdreg $0xFFFFFFFF  }
0xa9: {  	s28 =	simm.s32 $_size_execute0_lowered;
	s5 =	sadd.s32 s5, s6;
	[dreg:$0x0] =	wrdreg $0x0  }
0xaa: {  	s6 =	sshll.u32 s28, $0x1;
	[dreg:$0x2] =	wrdreg s5  }
0xab: {  	[dreg:$0x3] =	wrdreg s6  }
0xac: {  	[dreg:$0x4] =	wrdreg $0xC0  }
0xad: {  	_ =	task [dreg:s9], $0x5FFFF  }
0xae: {  	[dreg:$0x1] =	wrdreg $0xFFFFFFFF  }
0xaf: {  	[dreg:$0x0] =	wrdreg $0x60  }
0xb0: {  	[dreg:$0x2] =	wrdreg s2  }
0xb1: {  	[dreg:$0x3] =	wrdreg s19  }
0xb2: {  	[dreg:$0x4] =	wrdreg s4  }
0xb3: {  	[dreg:$0x5] =	wrdreg $0x9  }
0xb4: {  	_ =	task.clear_ibuf [dreg:s9], $0x6FFFF;
	_ =	strace $0x90000046  }
0xb5: {  	s29 =	simm.s32 $0x9;
	_ =	strace $0x80000048  }
0xb6: {  	_ =	swait.ge [sflag:s29], $0x1  }
0xb7: {  	[sflag:s29] =	ssyncadd.s32 $0xFFFFFFFF  }
0xb8: {  	_ =	strace $0x90000048  }
0xb9: {  	_ =	sfence  }
0xba: {  	s30 =	sld [smem:$0x0];
	_ =	sdelay $0x2  }
0xbb: {  	s31 =	sshll.u32 s1, $0xD;
	s1 =	sshrl.u32 s1, $0x2  }
0xbc: {  	s3 =	sand.u32 $0x4000, s31;
	s1 =	sadd.s32 s1, s30  }
0xbd: {  	s0 =	sor.u32 s3, s0;
	s1 =	sshll.u32 s1, $0x11  }
0xbe: {  	s0 =	sor.u32 s1, s0  }
0xbf: {  	s0 =	sadd.s32 $0x8F2B, s0  }
0xc0: {  	[sflag:s0] =	ssyncadd.remote.s32 $0x1  }
0xc1: {  	_ =	sfence.sel $0xFFFF  }
0xc2: {  	[dreg:$0x0] =	wrdreg $0xFFFFFFFF;
	(pc) =	sbr.abs _section_cstart, $3  }
0xc3: {  	[dreg:$0x1] =	wrdreg $0xFFFFFFFF  }
0xc4: {  	_ =	task.clear_ibuf [dreg:s9], $0x2FFFF;
	_ =	strace $0x9FFFFFFF  }
0xc5: {  	(tm) =	ssettm $0x7FFFFFFF  }
tec
execute0_lowered:
.L_overlay_start_1:
0x0: {  	(tag) =	ssettag $0x1  }
0x1: {  	s0 =	srdreg.scid  }
0x2: {  	s9 =	stileid.u32;
	s5 =	rddreg [dreg:$0x0]  }
0x3: {  	s4 =	rddreg [dreg:$0x2];
	s1 =	simm.s32 $0x0;
	s2 =	sand.u32 $0x1, s0  }
0x4: {  	s8 =	sshll.u32 s9, $0x1;
	[smem:$0x7FF] =	sst s1;
	s9 =	sshll.u32 s9, $0xA  }
0x5: {  	s0 =	sor.u32 s2, s8;
	s6 =	ssub.s32 $0x2, s2;
	s8 =	sshll.u32 s2, $0xD  }
0x6: {  	s3 =	sshll.u32 s0, $0x9;
	s7 =	sshrl.u32 s6, $0x1;
	s2 =	smul.u32 $0xC7A0, s0  }
0x7: {  	s8 =	sadd.s32 s9, s8;
	p0 =	sne.s32 s0, $0x1F;
	s3 =	smax.u32 s3, $0x180  }
0x8: {  	s11 =	ssub.s32 s6, s7;
	s6 =	sand.u32 $0x3C00, s8;
	s10 =	sadd.s32 $0x400, s8  }
0x9: {  	s15 =	sadd.s32 $0x800, s8;
	s19 =	sadd.s32 $0x1400, s8;
	s25 =	sadd.s32 $0x2C00, s8  }
0xa: {  	s3 =	smin.u32 s3, $0x3C81;
	s9 =	sshrl.u32 s2, $0x3;
	s12 =	sshrl.u32 s6, $0x3  }
0xb: {  	s7 =	sand.u32 $0x3C00, s10;
	s11 =	smax.u32 s11, $0x1;
	s3 =	sadd.s32 $0xFFFFFE80, s3  }
0xc: {  	s4 =	sadd.s32 s4, s9;
	s13 =	sadd.s32 s5, s12;
	s14 =	sshrl.u32 s7, $0x3  }
0xd: {  	s12 =	sadd.s32 $0xC00, s8;
	s3 =	sshrl.u32 s3, $0x3;
	[dreg:$0x4] =	wrdreg s13  }
0xe: {  	s9 =	sadd.s32 s5, s14;
	s10 =	sand.u32 $0x3C00, s12;
	s14 =	sadd.s32 $0x1000, s8  }
0xf: {  	[dreg:$0x5] =	wrdreg s9;
	s9 =	sand.u32 $0x3C00, s15;
	s13 =	sshrl.u32 s10, $0x3  }
0x10: {  	s3 =	sadd.s32 s5, s3;
	s16 =	sshrl.u32 s9, $0x3;
	s17 =	sadd.s32 s5, s13  }
0x11: {  	s15 =	sadd.s32 $0x1800, s8;
	s12 =	sadd.s32 s5, s16;
	[dreg:$0x7] =	wrdreg s17  }
0x12: {  	[dreg:$0x6] =	wrdreg s12;
	s12 =	sand.u32 $0x3C00, s14;
	s14 =	sand.u32 $0x3C00, s15  }
0x13: {  	s17 =	sadd.s32 $0x1C00, s8;
	s18 =	sshrl.u32 s12, $0x3;
	s16 =	sshrl.u32 s14, $0x3  }
0x14: {  	s28 =	sadd.s32 $0x500, s12;
	s30 =	sadd.s32 $0x500, s14;
	s13 =	sadd.s32 s5, s18  }
0x15: {  	s12 =	sadd.s32 $0xC7A0, s2;
	[dreg:$0x8] =	wrdreg s13;
	s13 =	sand.u32 $0x3C00, s19  }
0x16: {  	s14 =	simm.s32 $0x1;
	s21 =	sadd.s32 s5, s16;
	s20 =	sshrl.u32 s13, $0x3  }
0x17: {  	s18 =	sadd.s32 $0x2400, s8;
	[dreg:$0xa] =	wrdreg s21;
	s15 =	sadd.s32 s5, s20  }
0x18: {  	s19 =	sadd.s32 $0x2800, s8;
	[dreg:$0x9] =	wrdreg s15;
	s15 =	sand.u32 $0x3C00, s17  }
0x19: {  	s21 =	sadd.s32 $0x3000, s8;
	s29 =	sadd.s32 $0x500, s13;
	s22 =	sshrl.u32 s15, $0x3  }
0x1a: {  	s13 =	simm.s32 $0x4580;
	s17 =	sxor.u32 $0x2000, s6;
	s16 =	sadd.s32 s5, s22  }
0x1b: {  	s23 =	sshrl.u32 s17, $0x3;
	[dreg:$0xb] =	wrdreg s16;
	s16 =	sand.u32 $0x3C00, s18  }
0x1c: {  	s20 =	sand.u32 $0x3C00, s25;
	s18 =	sadd.s32 s5, s23;
	s24 =	sshrl.u32 s16, $0x3  }
0x1d: {  	s25 =	sadd.s32 $0x3800, s8;
	[dreg:$0xc] =	wrdreg s18;
	s18 =	sadd.s32 s5, s24  }
0x1e: {  	s31 =	sadd.s32 $0x500, s15;
	[dreg:$0xd] =	wrdreg s18;
	s18 =	sand.u32 $0x3C00, s19  }
0x1f: {  	s15 =	simm.s32 $0x500;
	s22 =	sand.u32 $0x3C00, s21;
	s26 =	sshrl.u32 s18, $0x3  }
0x20: {  	s21 =	sshrl.u32 s20, $0x3;
	s23 =	sshrl.u32 s22, $0x3;
	s19 =	sadd.s32 s5, s26  }
0x21: {  	s24 =	sadd.s32 $0x3400, s8;
	[dreg:$0xe] =	wrdreg s19;
	s19 =	sadd.s32 s5, s21  }
0x22: {  	s8 =	sadd.s32 $0x3C00, s8;
	[dreg:$0xf] =	wrdreg s19;
	s19 =	sadd.s32 s5, s23  }
0x23: {  	s23 =	sand.u32 $0x3C00, s24;
	s24 =	sand.u32 $0x3C00, s25;
	s25 =	sand.u32 $0x3C00, s8  }
0x24: {  	[dreg:$0x10] =	wrdreg s19;
	s26 =	sshrl.u32 s23, $0x3;
	s21 =	sshrl.u32 s24, $0x3  }
0x25: {  	s19 =	sadd.s32 s5, s26;
	s8 =	sadd.s32 s5, s21;
	s21 =	rddreg [dreg:$0x1]  }
0x26: {  	s0 =	sadd.s32 $0x500, s16;
	s26 =	sshrl.u32 s25, $0x3;
	[dreg:$0x11] =	wrdreg s19  }
0x27: {  	s16 =	simm.s32 $0x4680;
	[dreg:$0x12] =	wrdreg s8;
	s5 =	sadd.s32 s5, s26  }
0x28: {  	s8 =	sadd.s32 $0x500, s6;
	s19 =	sadd.s32 $0x500, s7;
	s26 =	sadd.s32 $0x500, s9  }
.Ltmp0:
0x29: {  	s6 =	sadd.s32 $0x500, s20;
	[dreg:$0x13] =	wrdreg s5;
	(pc) =	sbr.rel .LBB2_1-.Ltmp0, $4  }
0x2a: {  	v1 =	vlaneseq.u32;
	v4 =	vimm.f32 $0.0e+00;
	s7 =	sadd.s32 $0x500, s22;
	_ =	strace $0x80000047;
	[dreg:$0x14] =	wrdreg s8  }
0x2b: {  	v5 =	vimm.s32 $0x4FF;
	v6 =	vimm.s32 $0x7FFFFFFF;
	vm0 =	vcmask $0x300;
	s9 =	sadd.s32 $0x500, s24;
	s5 =	sadd.s32 $0x500, s18;
	[dreg:$0x15] =	wrdreg s19  }
0x2c: {  	v7 =	vimm.s32 $0x4000;
	v8 =	vimm.s32 $0x400;
	v0 =	vmov s2;
	[dreg:$0x16] =	wrdreg s26;
	s26 =	sadd.s32 $0x500, s10;
	s19 =	sadd.s32 $0x500, s17  }
0x2d: {  	v3 =	vadd.s32 $0xC8, v1;
	v6 =	vsel vm0, $0x18F2BB, v6;
	v2 =	vadd.s32 $0xC79F, v0;
	s8 =	sadd.s32 $0x500, s23;
	s10 =	sadd.s32 $0x500, s25;
	s17 =	simm.s32 $0x0  }
.LBB2_8:
0x2e: {  	s17 =	sadd.s32 $0x1, s17  }
0x2f: {  	p1 =	sne.s32 s17, s11  }
.Ltmp1:
0x30: {  	_ = 	snop;
	(pc) =	sbr.rel @!p1 .LBB2_9-.Ltmp1, $4  }
0x31: {  	[hbm4b:s4+s1] =	stream.linear.scatter [tilespmem:s16], [sflag:$0x1], $0xC7A0, $0x38;
	[tilespmem:$0x10E80] =	vst v63  }
0x32: {  	_ =	swait.ge [sflag:s14], $0xC7A0  }
0x33: {  	[sflag:s14] =	ssyncset.done $0x0  }
0x34: {  	[sflag:s14] =	ssyncadd.s32 $0xFFFF3860  }
.LBB2_1:
0x35: {  	[tilespmem:s13], [sflag:$0x1] =	stream.linear.gather [hbm4b:s21+s1], $0xC8, $0x38;
	[tilespmem:$0x10E80] =	vst v63  }
0x36: {  	_ = 	snop  }
0x37: {  	[tilespmem:s1], [sflag:$0x1] =	stream.linear.gather [hbm4b:s3+s1], $0x500, $0x38;
	[tilespmem:$0x10E80] =	vst v63  }
0x38: {  	_ =	swait.ge [sflag:s14], $0x500  }
0x39: {  	[sflag:s14] =	ssyncset.done $0x0  }
0x3a: {  	[sflag:s14] =	ssyncadd.s32 $0xFFFFFB00  }
0x3b: {  	_ =	swait.ge [sflag:s14], $0xC8  }
0x3c: {  	[sflag:s14] =	ssyncset.done $0x0  }
0x3d: {  	[sflag:s14] =	ssyncadd.s32 $0xFFFFFF38  }
0x3e: {  	[tilespmem:v3+s13+$0x0] =	vst.idx.msk $0xff, v4  }
0x3f: {  	v9 =	vld.msk [tilespmem:s1+$0x0], $0xffff  }
0x40: {  	v10 =	vld.idx.msk [tilespmem:v5+s1+$0x0], $0xffff;
	_ =	sdelay $0x3  }
0x41: {  	v9 =	vxor.u32 $0x80000000, v9  }
0x42: {  	(xrf0) =	vmax.scan.msk.u32 $0xffff, v9;
	v9 =	vxor.u32 $0x80000000, v10  }
0x43: {  	(xrf0) =	vmax.scan.msk.u32 $0xffff, v9;
	_ =	sdelay $0x4  }
0x44: {  	v9, _, _ =	vpop (xrf0)  }
0x45: {  	(v2sf) =	vpush v9, $0xF;
	v9, _, _ =	vpop (xrf0)  }
0x46: {  	(v2sf) =	vpush v9, $0xF;
	_ =	sdelay $0xd  }
0x47: {  	s18 =	spop (v2sf)  }
0x48: {  	s20 =	spop (v2sf)  }
0x49: {  	s20 =	sxor.u32 $0x80000000, s20  }
0x4a: {  	p1 =	slt.s32 s20, s12  }
0x4b: {  	s18 =	sxor.u32 $0x80000000, s18;
	p1 =	por !p0, !p1  }
0x4c: {  	p2 =	sgt.s32 s18, s2;
	p1 =	por !p1, !p1  }
0x4d: {  	p1 =	por p2, p1  }
.Ltmp2:
0x4e: {  	_ = 	snop;
	(pc) =	sbr.rel @p1 .LBB2_5-.Ltmp2, $1  }
0x4f: {  	_ =	sdelay $0x3  }
0x50: {  	_ =	sdelay $0x3  }
0x51: {  	v9 =	vld.idx.msk [tilespmem:v8+s1+$0x0], $0xffff;
	_ =	sdelay $0x4  }
0x52: {  	vm0 =	vgt.s32 v9, v0  }
0x53: {  	vm7 =	vgt.s32 v9, v2;
	v10 =	vsel vm0, $0x0, v8  }
0x54: {  	v9 =	vsel vm7, $0x0, v8;
	v11 =	vor.u32 $0x200, v10  }
0x55: {  	v12 =	vor.u32 $0x200, v9;
	v11 =	vmin.u32 v11, $0x4FF  }
0x56: {  	v12 =	vmin.u32 v12, $0x4FF;
	_ =	sdelay $0x3  }
0x57: {  	v13 =	vld.idx.msk [tilespmem:v11+s1+$0x0], $0xffff  }
0x58: {  	v14 =	vld.idx.msk [tilespmem:v12+s1+$0x0], $0xffff;
	_ =	sdelay $0x3  }
0x59: {  	vm8 =	vgt.s32 v13, v0  }
0x5a: {  	vm9 =	vgt.s32 v14, v2;
	v10 =	vsel vm8, v10, v11  }
0x5b: {  	v9 =	vsel vm9, v9, v12;
	v11 =	vor.u32 $0x100, v10  }
0x5c: {  	v12 =	vor.u32 $0x100, v9;
	v11 =	vmin.u32 v11, $0x4FF  }
0x5d: {  	v12 =	vmin.u32 v12, $0x4FF;
	_ =	sdelay $0x3  }
0x5e: {  	v46 =	vld.idx.msk [tilespmem:v11+s1+$0x0], $0xffff  }
0x5f: {  	v47 =	vld.idx.msk [tilespmem:v12+s1+$0x0], $0xffff;
	_ =	sdelay $0x3  }
0x60: {  	vm10 =	vgt.s32 v46, v0  }
0x61: {  	vm11 =	vgt.s32 v47, v2;
	v10 =	vsel vm10, v10, v11  }
0x62: {  	v9 =	vsel vm11, v9, v12;
	v11 =	vmin.u32 v10, $0x47F  }
0x63: {  	v12 =	vmin.u32 v9, $0x47F;
	v11 =	vadd.s32 $0x80, v11  }
0x64: {  	v12 =	vadd.s32 $0x80, v12;
	_ =	sdelay $0x3  }
0x65: {  	v48 =	vld.idx.msk [tilespmem:v11+s1+$0x0], $0xffff  }
0x66: {  	v49 =	vld.idx.msk [tilespmem:v12+s1+$0x0], $0xffff;
	_ =	sdelay $0x3  }
0x67: {  	vm12 =	vgt.s32 v48, v0  }
0x68: {  	vm13 =	vgt.s32 v49, v2;
	v10 =	vsel vm12, v10, v11  }
0x69: {  	v9 =	vsel vm13, v9, v12;
	v11 =	vmin.u32 v10, $0x4BF  }
0x6a: {  	v12 =	vmin.u32 v9, $0x4BF;
	v11 =	vadd.s32 $0x40, v11  }
0x6b: {  	v12 =	vadd.s32 $0x40, v12;
	_ =	sdelay $0x3  }
0x6c: {  	v50 =	vld.idx.msk [tilespmem:v11+s1+$0x0], $0xffff  }
0x6d: {  	v51 =	vld.idx.msk [tilespmem:v12+s1+$0x0], $0xffff;
	_ =	sdelay $0x3  }
0x6e: {  	vm14 =	vgt.s32 v50, v0  }
0x6f: {  	vm15 =	vgt.s32 v51, v2;
	v10 =	vsel vm14, v10, v11  }
0x70: {  	v9 =	vsel vm15, v9, v12;
	v11 =	vmin.u32 v10, $0x4DF  }
0x71: {  	v12 =	vmin.u32 v9, $0x4DF;
	v11 =	vadd.s32 $0x20, v11  }
0x72: {  	v12 =	vadd.s32 $0x20, v12;
	_ =	sdelay $0x3  }
0x73: {  	v52 =	vld.idx.msk [tilespmem:v11+s1+$0x0], $0xffff  }
0x74: {  	v53 =	vld.idx.msk [tilespmem:v12+s1+$0x0], $0xffff;
	_ =	sdelay $0x3  }
0x75: {  	vm4 =	vgt.s32 v52, v0  }
0x76: {  	vm5 =	vgt.s32 v53, v2;
	v10 =	vsel vm4, v10, v11  }
0x77: {  	v9 =	vsel vm5, v9, v12;
	v11 =	vmin.u32 v10, $0x4EF  }
0x78: {  	v12 =	vmin.u32 v9, $0x4EF;
	v11 =	vadd.s32 $0x10, v11  }
0x79: {  	v12 =	vadd.s32 $0x10, v12;
	_ =	sdelay $0x3  }
0x7a: {  	v54 =	vld.idx.msk [tilespmem:v11+s1+$0x0], $0xffff  }
0x7b: {  	v55 =	vld.idx.msk [tilespmem:v12+s1+$0x0], $0xffff;
	_ =	sdelay $0x3  }
0x7c: {  	vm6 =	vgt.s32 v54, v0  }
0x7d: {  	vm7 =	vgt.s32 v55, v2;
	v10 =	vsel vm6, v10, v11  }
0x7e: {  	v9 =	vsel vm7, v9, v12;
	v11 =	vmin.u32 v10, $0x4F7  }
0x7f: {  	v12 =	vmin.u32 v9, $0x4F7;
	v11 =	vadd.s32 $0x8, v11  }
0x80: {  	v12 =	vadd.s32 $0x8, v12;
	_ =	sdelay $0x3  }
0x81: {  	v56 =	vld.idx.msk [tilespmem:v11+s1+$0x0], $0xffff  }
0x82: {  	v57 =	vld.idx.msk [tilespmem:v12+s1+$0x0], $0xffff;
	_ =	sdelay $0x3  }
0x83: {  	vm8 =	vgt.s32 v56, v0  }
0x84: {  	vm9 =	vgt.s32 v57, v2;
	v10 =	vsel vm8, v10, v11  }
0x85: {  	v9 =	vsel vm9, v9, v12;
	v11 =	vmin.u32 v10, $0x4FB  }
0x86: {  	v12 =	vmin.u32 v9, $0x4FB;
	v11 =	vadd.s32 $0x4, v11  }
0x87: {  	v12 =	vadd.s32 $0x4, v12;
	_ =	sdelay $0x3  }
0x88: {  	v58 =	vld.idx.msk [tilespmem:v11+s1+$0x0], $0xffff  }
0x89: {  	v59 =	vld.idx.msk [tilespmem:v12+s1+$0x0], $0xffff;
	_ =	sdelay $0x3  }
0x8a: {  	vm10 =	vgt.s32 v58, v0  }
0x8b: {  	vm11 =	vgt.s32 v59, v2;
	v10 =	vsel vm10, v10, v11  }
0x8c: {  	v9 =	vsel vm11, v9, v12;
	v11 =	vmin.u32 v10, $0x4FD  }
0x8d: {  	v12 =	vmin.u32 v9, $0x4FD;
	v11 =	vadd.s32 $0x2, v11  }
0x8e: {  	v12 =	vadd.s32 $0x2, v12;
	_ =	sdelay $0x3  }
0x8f: {  	v60 =	vld.idx.msk [tilespmem:v11+s1+$0x0], $0xffff  }
0x90: {  	v61 =	vld.idx.msk [tilespmem:v12+s1+$0x0], $0xffff;
	_ =	sdelay $0x3  }
0x91: {  	vm12 =	vgt.s32 v60, v0  }
0x92: {  	vm13 =	vgt.s32 v61, v2;
	v10 =	vsel vm12, v10, v11  }
0x93: {  	v9 =	vsel vm13, v9, v12;
	v11 =	vmin.u32 v10, $0x4FE  }
0x94: {  	v12 =	vmin.u32 v9, $0x4FE;
	v11 =	vadd.s32 $0x1, v11  }
0x95: {  	v12 =	vadd.s32 $0x1, v12;
	_ =	sdelay $0x3  }
0x96: {  	v62 =	vld.idx.msk [tilespmem:v11+s1+$0x0], $0xffff  }
0x97: {  	v63 =	vld.idx.msk [tilespmem:v12+s1+$0x0], $0xffff;
	_ =	sdelay $0x3  }
0x98: {  	vm14 =	vgt.s32 v62, v0  }
0x99: {  	vm15 =	vgt.s32 v63, v2;
	v10 =	vsel vm14, v10, v11  }
0x9a: {  	v9 =	vsel vm15, v9, v12;
	v10 =	vxor.u32 $0x80000000, v10  }
0x9b: {  	v9 =	vxor.u32 $0x80000000, v9;
	(xrf0) =	vmax.scan.msk.u32 $0xffff, v10  }
0x9c: {  	(xrf0) =	vmax.scan.msk.u32 $0xffff, v9;
	_ =	sdelay $0x4  }
0x9d: {  	v9, _, _ =	vpop (xrf0)  }
0x9e: {  	(v2sf) =	vpush v9, $0xF;
	v9, _, _ =	vpop (xrf0)  }
0x9f: {  	(v2sf) =	vpush v9, $0xF;
	_ =	sdelay $0xd  }
0xa0: {  	s18 =	spop (v2sf)  }
0xa1: {  	s18 =	sxor.u32 $0x80000000, s18;
	s20 =	spop (v2sf)  }
0xa2: {  	s20 =	ssub.s32 s20, s18  }
0xa3: {  	s20 =	sadd.s32 $0x80000008, s20  }
0xa4: {  	s22 =	sand.u32 $0x7, s20  }
0xa5: {  	s25 =	sshra.s32 s20, $0x1F;
	p2 =	slt.s32 s20, $0x1;
	p1 =	sne.s32 s22, $0x0  }
0xa6: {  	s22 =	sshrl.u32 s25, $0x1D;
	p1 =	por !p2, !p1  }
0xa7: {  	s20 =	sadd.s32 s22, s20;
	s22 =	simm.s32 $0x1;
	p1 =	por !p1, !p1  }
0xa8: {  	s20 =	sshra.s32 s20, $0x3;
	s22 =	simm.s32 @!p1 $0x0  }
0xa9: {  	s20 =	ssub.s32 s20, s22  }
0xaa: {  	p1 =	slt.s32 s20, $0x1  }
.Ltmp3:
0xab: {  	_ = 	snop;
	(pc) =	sbr.rel @p1 .LBB2_8-.Ltmp3, $1  }
0xac: {  	_ =	sdelay $0x3  }
0xad: {  	v9 =	vld [tilespmem:$0x4580]  }
0xae: {  	v10 =	vld [tilespmem:$0x4590]  }
0xaf: {  	v11 =	vld [tilespmem:$0x45A0]  }
0xb0: {  	v12 =	vld [tilespmem:$0x45B0]  }
0xb1: {  	v13 =	vld [tilespmem:$0x45C0]  }
0xb2: {  	v14 =	vld [tilespmem:$0x45D0]  }
0xb3: {  	v15 =	vld [tilespmem:$0x45E0]  }
0xb4: {  	v16 =	vld [tilespmem:$0x45F0]  }
0xb5: {  	v17 =	vld [tilespmem:$0x4600]  }
0xb6: {  	v18 =	vld [tilespmem:$0x4610]  }
0xb7: {  	v19 =	vld [tilespmem:$0x4620]  }
0xb8: {  	v20 =	vld [tilespmem:$0x4630]  }
0xb9: {  	v21 =	vld [tilespmem:$0x4640]  }
.LBB2_4:
0xba: {  	p1 =	slt.s32 s18, $0x4FF;
	s22 =	smov.u32 s18  }
0xbb: {  	s22 =	simm.s32 @!p1 $0x4FF  }
0xbc: {  	v22 =	vmov s22;
	_ =	sdelay $0x4  }
0xbd: {  	v22 =	vld.idx.msk [tilespmem:v22+s1+$0x0], $0xffff;
	_ =	sdelay $0x4  }
0xbe: {  	v34 =	vsub.s32 v22, v0  }
0xbf: {  	v22 =	vor.u32 $0x10, v1;
	v29 =	vadd.s32 v1, v34  }
0xc0: {  	v23 =	vor.u32 $0x20, v1;
	v30 =	vadd.s32 v22, v34;
	vm0 =	vlt.u32 v29, $0xC7A0  }
0xc1: {  	v24 =	vor.u32 $0x30, v1;
	v31 =	vadd.s32 v23, v34;
	vm1 =	vlt.u32 v30, $0xC7A0  }
0xc2: {  	v25 =	vor.u32 $0x40, v1;
	v32 =	vadd.s32 v24, v34;
	vm2 =	vlt.u32 v31, $0xC7A0  }
0xc3: {  	v26 =	vor.u32 $0x50, v1;
	v33 =	vadd.s32 v25, v34;
	vm3 =	vlt.u32 v32, $0xC7A0  }
0xc4: {  	v27 =	vor.u32 $0x60, v1;
	v35 =	vadd.s32 v26, v34;
	vm4 =	vlt.u32 v33, $0xC7A0  }
0xc5: {  	v28 =	vor.u32 $0x70, v1;
	v36 =	vadd.s32 v27, v34;
	vm5 =	vlt.u32 v35, $0xC7A0  }
0xc6: {  	v37 =	vadd.s32 v28, v34;
	vm14 =	vlt.u32 v36, $0xC7A0;
	[tilespmem:v29+s16+$0x0] =	vst.idx.msk vm0, v9;
	v29 =	vor.u32 $0x80, v1  }
0xc7: {  	vm15 =	vlt.u32 v37, $0xC7A0;
	[tilespmem:v30+s16+$0x0] =	vst.idx.msk vm1, v10;
	v38 =	vadd.s32 v29, v34;
	v30 =	vor.u32 $0x90, v1  }
0xc8: {  	[tilespmem:v31+s16+$0x0] =	vst.idx.msk vm2, v11;
	vm8 =	vlt.u32 v38, $0xC7A0;
	v39 =	vadd.s32 v30, v34;
	v31 =	vor.u32 $0xA0, v1  }
0xc9: {  	[tilespmem:v32+s16+$0x0] =	vst.idx.msk vm3, v12;
	vm9 =	vlt.u32 v39, $0xC7A0;
	v40 =	vadd.s32 v31, v34;
	v32 =	vor.u32 $0xB0, v1  }
0xca: {  	[tilespmem:v33+s16+$0x0] =	vst.idx.msk vm4, v13;
	vm10 =	vlt.u32 v40, $0xC7A0;
	v41 =	vadd.s32 v32, v34;
	v33 =	vor.u32 $0xC0, v1  }
0xcb: {  	s22 =	sadd.s32 $0x1, s18;
	[tilespmem:v35+s16+$0x0] =	vst.idx.msk vm5, v14;
	vm11 =	vlt.u32 v41, $0xC7A0;
	v34 =	vadd.s32 v33, v34  }
0xcc: {  	p1 =	slt.s32 s22, $0x4FF;
	[tilespmem:v36+s16+$0x0] =	vst.idx.msk vm14, v15;
	vm12 =	vlt.u32 v34, $0xC7A0  }
0xcd: {  	s22 =	simm.s32 @!p1 $0x4FF;
	[tilespmem:v37+s16+$0x0] =	vst.idx.msk vm15, v16  }
0xce: {  	v43 =	vmov s22;
	[tilespmem:v38+s16+$0x0] =	vst.idx.msk vm8, v17  }
0xcf: {  	[tilespmem:v39+s16+$0x0] =	vst.idx.msk vm9, v18  }
0xd0: {  	[tilespmem:v40+s16+$0x0] =	vst.idx.msk vm10, v19  }
0xd1: {  	[tilespmem:v41+s16+$0x0] =	vst.idx.msk vm11, v20  }
0xd2: {  	[tilespmem:v34+s16+$0x0] =	vst.idx.msk vm12, v21  }
0xd3: {  	v34 =	vld.idx.msk [tilespmem:v43+s1+$0x0], $0xffff;
	_ =	sdelay $0x4  }
0xd4: {  	v34 =	vsub.s32 v34, v0  }
0xd5: {  	v44 =	vadd.s32 v1, v34  }
0xd6: {  	v45 =	vadd.s32 v22, v34;
	vm13 =	vlt.u32 v44, $0xC7A0  }
0xd7: {  	v46 =	vadd.s32 v23, v34;
	vm14 =	vlt.u32 v45, $0xC7A0  }
0xd8: {  	v47 =	vadd.s32 v24, v34;
	vm15 =	vlt.u32 v46, $0xC7A0  }
0xd9: {  	v48 =	vadd.s32 v25, v34;
	vm8 =	vlt.u32 v47, $0xC7A0  }
0xda: {  	v49 =	vadd.s32 v26, v34;
	vm9 =	vlt.u32 v48, $0xC7A0  }
0xdb: {  	v50 =	vadd.s32 v27, v34;
	vm10 =	vlt.u32 v49, $0xC7A0  }
0xdc: {  	v51 =	vadd.s32 v28, v34;
	vm11 =	vlt.u32 v50, $0xC7A0;
	[tilespmem:v44+s16+$0x0] =	vst.idx.msk vm13, v9  }
0xdd: {  	v52 =	vadd.s32 v29, v34;
	vm12 =	vlt.u32 v51, $0xC7A0;
	[tilespmem:v45+s16+$0x0] =	vst.idx.msk vm14, v10  }
0xde: {  	v53 =	vadd.s32 v30, v34;
	vm13 =	vlt.u32 v52, $0xC7A0;
	[tilespmem:v46+s16+$0x0] =	vst.idx.msk vm15, v11  }
0xdf: {  	v54 =	vadd.s32 v31, v34;
	vm14 =	vlt.u32 v53, $0xC7A0;
	[tilespmem:v47+s16+$0x0] =	vst.idx.msk vm8, v12  }
0xe0: {  	v55 =	vadd.s32 v32, v34;
	vm15 =	vlt.u32 v54, $0xC7A0;
	[tilespmem:v48+s16+$0x0] =	vst.idx.msk vm9, v13  }
0xe1: {  	s22 =	sadd.s32 $0x2, s18;
	v34 =	vadd.s32 v33, v34;
	vm8 =	vlt.u32 v55, $0xC7A0;
	[tilespmem:v49+s16+$0x0] =	vst.idx.msk vm10, v14  }
0xe2: {  	p1 =	slt.s32 s22, $0x4FF;
	vm9 =	vlt.u32 v34, $0xC7A0;
	[tilespmem:v50+s16+$0x0] =	vst.idx.msk vm11, v15  }
0xe3: {  	s22 =	simm.s32 @!p1 $0x4FF;
	[tilespmem:v51+s16+$0x0] =	vst.idx.msk vm12, v16  }
0xe4: {  	v56 =	vmov s22;
	[tilespmem:v52+s16+$0x0] =	vst.idx.msk vm13, v17  }
0xe5: {  	[tilespmem:v53+s16+$0x0] =	vst.idx.msk vm14, v18  }
0xe6: {  	[tilespmem:v54+s16+$0x0] =	vst.idx.msk vm15, v19  }
0xe7: {  	[tilespmem:v55+s16+$0x0] =	vst.idx.msk vm8, v20  }
0xe8: {  	[tilespmem:v34+s16+$0x0] =	vst.idx.msk vm9, v21  }
0xe9: {  	v34 =	vld.idx.msk [tilespmem:v56+s1+$0x0], $0xffff;
	_ =	sdelay $0x4  }
0xea: {  	v34 =	vsub.s32 v34, v0  }
0xeb: {  	v57 =	vadd.s32 v1, v34  }
0xec: {  	v58 =	vadd.s32 v22, v34;
	vm10 =	vlt.u32 v57, $0xC7A0  }
0xed: {  	v59 =	vadd.s32 v23, v34;
	vm11 =	vlt.u32 v58, $0xC7A0  }
0xee: {  	v60 =	vadd.s32 v24, v34;
	vm12 =	vlt.u32 v59, $0xC7A0  }
0xef: {  	v61 =	vadd.s32 v25, v34;
	vm13 =	vlt.u32 v60, $0xC7A0  }
0xf0: {  	v62 =	vadd.s32 v26, v34;
	vm14 =	vlt.u32 v61, $0xC7A0  }
0xf1: {  	v63 =	vadd.s32 v27, v34;
	vm15 =	vlt.u32 v62, $0xC7A0  }
0xf2: {  	v44 =	vadd.s32 v28, v34;
	vm8 =	vlt.u32 v63, $0xC7A0;
	[tilespmem:v57+s16+$0x0] =	vst.idx.msk vm10, v9  }
0xf3: {  	v45 =	vadd.s32 v29, v34;
	vm9 =	vlt.u32 v44, $0xC7A0;
	[tilespmem:v58+s16+$0x0] =	vst.idx.msk vm11, v10  }
0xf4: {  	v46 =	vadd.s32 v30, v34;
	vm10 =	vlt.u32 v45, $0xC7A0;
	[tilespmem:v59+s16+$0x0] =	vst.idx.msk vm12, v11  }
0xf5: {  	v47 =	vadd.s32 v31, v34;
	vm11 =	vlt.u32 v46, $0xC7A0;
	[tilespmem:v60+s16+$0x0] =	vst.idx.msk vm13, v12  }
0xf6: {  	v48 =	vadd.s32 v32, v34;
	vm12 =	vlt.u32 v47, $0xC7A0;
	[tilespmem:v61+s16+$0x0] =	vst.idx.msk vm14, v13  }
0xf7: {  	s22 =	sadd.s32 $0x3, s18;
	v34 =	vadd.s32 v33, v34;
	vm13 =	vlt.u32 v48, $0xC7A0;
	[tilespmem:v62+s16+$0x0] =	vst.idx.msk vm15, v14  }
0xf8: {  	p1 =	slt.s32 s22, $0x4FF;
	vm14 =	vlt.u32 v34, $0xC7A0;
	[tilespmem:v63+s16+$0x0] =	vst.idx.msk vm8, v15  }
0xf9: {  	s22 =	simm.s32 @!p1 $0x4FF;
	[tilespmem:v44+s16+$0x0] =	vst.idx.msk vm9, v16  }
0xfa: {  	v49 =	vmov s22;
	[tilespmem:v45+s16+$0x0] =	vst.idx.msk vm10, v17  }
0xfb: {  	[tilespmem:v46+s16+$0x0] =	vst.idx.msk vm11, v18  }
0xfc: {  	[tilespmem:v47+s16+$0x0] =	vst.idx.msk vm12, v19  }
0xfd: {  	[tilespmem:v48+s16+$0x0] =	vst.idx.msk vm13, v20  }
0xfe: {  	[tilespmem:v34+s16+$0x0] =	vst.idx.msk vm14, v21  }
0xff: {  	v34 =	vld.idx.msk [tilespmem:v49+s1+$0x0], $0xffff;
	_ =	sdelay $0x4  }
0x100: {  	v34 =	vsub.s32 v34, v0  }
0x101: {  	v50 =	vadd.s32 v1, v34  }
0x102: {  	v51 =	vadd.s32 v22, v34;
	vm15 =	vlt.u32 v50, $0xC7A0  }
0x103: {  	v52 =	vadd.s32 v23, v34;
	vm8 =	vlt.u32 v51, $0xC7A0  }
0x104: {  	v53 =	vadd.s32 v24, v34;
	vm9 =	vlt.u32 v52, $0xC7A0  }
0x105: {  	v54 =	vadd.s32 v25, v34;
	vm10 =	vlt.u32 v53, $0xC7A0  }
0x106: {  	v55 =	vadd.s32 v26, v34;
	vm11 =	vlt.u32 v54, $0xC7A0  }
0x107: {  	v56 =	vadd.s32 v27, v34;
	vm12 =	vlt.u32 v55, $0xC7A0  }
0x108: {  	v57 =	vadd.s32 v28, v34;
	vm13 =	vlt.u32 v56, $0xC7A0;
	[tilespmem:v50+s16+$0x0] =	vst.idx.msk vm15, v9  }
0x109: {  	v58 =	vadd.s32 v29, v34;
	vm14 =	vlt.u32 v57, $0xC7A0;
	[tilespmem:v51+s16+$0x0] =	vst.idx.msk vm8, v10  }
0x10a: {  	v59 =	vadd.s32 v30, v34;
	vm15 =	vlt.u32 v58, $0xC7A0;
	[tilespmem:v52+s16+$0x0] =	vst.idx.msk vm9, v11  }
0x10b: {  	v60 =	vadd.s32 v31, v34;
	vm8 =	vlt.u32 v59, $0xC7A0;
	[tilespmem:v53+s16+$0x0] =	vst.idx.msk vm10, v12  }
0x10c: {  	v61 =	vadd.s32 v32, v34;
	vm9 =	vlt.u32 v60, $0xC7A0;
	[tilespmem:v54+s16+$0x0] =	vst.idx.msk vm11, v13  }
0x10d: {  	s22 =	sadd.s32 $0x4, s18;
	v34 =	vadd.s32 v33, v34;
	vm10 =	vlt.u32 v61, $0xC7A0;
	[tilespmem:v55+s16+$0x0] =	vst.idx.msk vm12, v14  }
0x10e: {  	p1 =	slt.s32 s22, $0x4FF;
	vm11 =	vlt.u32 v34, $0xC7A0;
	[tilespmem:v56+s16+$0x0] =	vst.idx.msk vm13, v15  }
0x10f: {  	s22 =	simm.s32 @!p1 $0x4FF;
	[tilespmem:v57+s16+$0x0] =	vst.idx.msk vm14, v16  }
0x110: {  	v62 =	vmov s22;
	[tilespmem:v58+s16+$0x0] =	vst.idx.msk vm15, v17  }
0x111: {  	[tilespmem:v59+s16+$0x0] =	vst.idx.msk vm8, v18  }
0x112: {  	[tilespmem:v60+s16+$0x0] =	vst.idx.msk vm9, v19  }
0x113: {  	[tilespmem:v61+s16+$0x0] =	vst.idx.msk vm10, v20  }
0x114: {  	[tilespmem:v34+s16+$0x0] =	vst.idx.msk vm11, v21  }
0x115: {  	v34 =	vld.idx.msk [tilespmem:v62+s1+$0x0], $0xffff;
	_ =	sdelay $0x4  }
0x116: {  	v34 =	vsub.s32 v34, v0  }
0x117: {  	v63 =	vadd.s32 v1, v34  }
0x118: {  	v44 =	vadd.s32 v22, v34;
	vm12 =	vlt.u32 v63, $0xC7A0  }
0x119: {  	v45 =	vadd.s32 v23, v34;
	vm13 =	vlt.u32 v44, $0xC7A0  }
0x11a: {  	v46 =	vadd.s32 v24, v34;
	vm14 =	vlt.u32 v45, $0xC7A0  }
0x11b: {  	v47 =	vadd.s32 v25, v34;
	vm15 =	vlt.u32 v46, $0xC7A0  }
0x11c: {  	v48 =	vadd.s32 v26, v34;
	vm8 =	vlt.u32 v47, $0xC7A0  }
0x11d: {  	v49 =	vadd.s32 v27, v34;
	vm9 =	vlt.u32 v48, $0xC7A0  }
0x11e: {  	v50 =	vadd.s32 v28, v34;
	vm10 =	vlt.u32 v49, $0xC7A0;
	[tilespmem:v63+s16+$0x0] =	vst.idx.msk vm12, v9  }
0x11f: {  	v51 =	vadd.s32 v29, v34;
	vm11 =	vlt.u32 v50, $0xC7A0;
	[tilespmem:v44+s16+$0x0] =	vst.idx.msk vm13, v10  }
0x120: {  	v52 =	vadd.s32 v30, v34;
	vm12 =	vlt.u32 v51, $0xC7A0;
	[tilespmem:v45+s16+$0x0] =	vst.idx.msk vm14, v11  }
0x121: {  	v53 =	vadd.s32 v31, v34;
	vm13 =	vlt.u32 v52, $0xC7A0;
	[tilespmem:v46+s16+$0x0] =	vst.idx.msk vm15, v12  }
0x122: {  	v54 =	vadd.s32 v32, v34;
	vm14 =	vlt.u32 v53, $0xC7A0;
	[tilespmem:v47+s16+$0x0] =	vst.idx.msk vm8, v13  }
0x123: {  	s22 =	sadd.s32 $0x5, s18;
	v34 =	vadd.s32 v33, v34;
	vm15 =	vlt.u32 v54, $0xC7A0;
	[tilespmem:v48+s16+$0x0] =	vst.idx.msk vm9, v14  }
0x124: {  	p1 =	slt.s32 s22, $0x4FF;
	vm8 =	vlt.u32 v34, $0xC7A0;
	[tilespmem:v49+s16+$0x0] =	vst.idx.msk vm10, v15  }
0x125: {  	s22 =	simm.s32 @!p1 $0x4FF;
	[tilespmem:v50+s16+$0x0] =	vst.idx.msk vm11, v16  }
0x126: {  	v55 =	vmov s22;
	[tilespmem:v51+s16+$0x0] =	vst.idx.msk vm12, v17  }
0x127: {  	[tilespmem:v52+s16+$0x0] =	vst.idx.msk vm13, v18  }
0x128: {  	[tilespmem:v53+s16+$0x0] =	vst.idx.msk vm14, v19  }
0x129: {  	[tilespmem:v54+s16+$0x0] =	vst.idx.msk vm15, v20  }
0x12a: {  	[tilespmem:v34+s16+$0x0] =	vst.idx.msk vm8, v21  }
0x12b: {  	v34 =	vld.idx.msk [tilespmem:v55+s1+$0x0], $0xffff;
	_ =	sdelay $0x4  }
0x12c: {  	v34 =	vsub.s32 v34, v0  }
0x12d: {  	v56 =	vadd.s32 v1, v34  }
0x12e: {  	v57 =	vadd.s32 v22, v34;
	vm9 =	vlt.u32 v56, $0xC7A0  }
0x12f: {  	v58 =	vadd.s32 v23, v34;
	vm10 =	vlt.u32 v57, $0xC7A0  }
0x130: {  	v59 =	vadd.s32 v24, v34;
	vm11 =	vlt.u32 v58, $0xC7A0  }
0x131: {  	v60 =	vadd.s32 v25, v34;
	vm12 =	vlt.u32 v59, $0xC7A0  }
0x132: {  	v61 =	vadd.s32 v26, v34;
	vm13 =	vlt.u32 v60, $0xC7A0  }
0x133: {  	v62 =	vadd.s32 v27, v34;
	vm14 =	vlt.u32 v61, $0xC7A0  }
0x134: {  	v63 =	vadd.s32 v28, v34;
	vm15 =	vlt.u32 v62, $0xC7A0;
	[tilespmem:v56+s16+$0x0] =	vst.idx.msk vm9, v9  }
0x135: {  	v42 =	vadd.s32 v29, v34;
	vm8 =	vlt.u32 v63, $0xC7A0;
	[tilespmem:v57+s16+$0x0] =	vst.idx.msk vm10, v10  }
0x136: {  	v43 =	vadd.s32 v30, v34;
	vm9 =	vlt.u32 v42, $0xC7A0;
	[tilespmem:v58+s16+$0x0] =	vst.idx.msk vm11, v11  }
0x137: {  	v44 =	vadd.s32 v31, v34;
	vm10 =	vlt.u32 v43, $0xC7A0;
	[tilespmem:v59+s16+$0x0] =	vst.idx.msk vm12, v12  }
0x138: {  	v45 =	vadd.s32 v32, v34;
	vm11 =	vlt.u32 v44, $0xC7A0;
	[tilespmem:v60+s16+$0x0] =	vst.idx.msk vm13, v13  }
0x139: {  	s22 =	sadd.s32 $0x6, s18;
	v34 =	vadd.s32 v33, v34;
	vm12 =	vlt.u32 v45, $0xC7A0;
	[tilespmem:v61+s16+$0x0] =	vst.idx.msk vm14, v14  }
0x13a: {  	p1 =	slt.s32 s22, $0x4FF;
	vm13 =	vlt.u32 v34, $0xC7A0;
	[tilespmem:v62+s16+$0x0] =	vst.idx.msk vm15, v15  }
0x13b: {  	s22 =	simm.s32 @!p1 $0x4FF;
	[tilespmem:v63+s16+$0x0] =	vst.idx.msk vm8, v16  }
0x13c: {  	v46 =	vmov s22;
	[tilespmem:v42+s16+$0x0] =	vst.idx.msk vm9, v17  }
0x13d: {  	[tilespmem:v43+s16+$0x0] =	vst.idx.msk vm10, v18  }
0x13e: {  	[tilespmem:v44+s16+$0x0] =	vst.idx.msk vm11, v19  }
0x13f: {  	[tilespmem:v45+s16+$0x0] =	vst.idx.msk vm12, v20  }
0x140: {  	[tilespmem:v34+s16+$0x0] =	vst.idx.msk vm13, v21  }
0x141: {  	v34 =	vld.idx.msk [tilespmem:v46+s1+$0x0], $0xffff;
	_ =	sdelay $0x4  }
0x142: {  	v34 =	vsub.s32 v34, v0  }
0x143: {  	v47 =	vadd.s32 v1, v34  }
0x144: {  	v48 =	vadd.s32 v22, v34;
	vm14 =	vlt.u32 v47, $0xC7A0  }
0x145: {  	v49 =	vadd.s32 v23, v34;
	vm15 =	vlt.u32 v48, $0xC7A0  }
0x146: {  	v50 =	vadd.s32 v24, v34;
	vm8 =	vlt.u32 v49, $0xC7A0  }
0x147: {  	v51 =	vadd.s32 v25, v34;
	vm9 =	vlt.u32 v50, $0xC7A0  }
0x148: {  	v52 =	vadd.s32 v26, v34;
	vm10 =	vlt.u32 v51, $0xC7A0  }
0x149: {  	v53 =	vadd.s32 v27, v34;
	vm11 =	vlt.u32 v52, $0xC7A0  }
0x14a: {  	v54 =	vadd.s32 v28, v34;
	vm12 =	vlt.u32 v53, $0xC7A0;
	[tilespmem:v47+s16+$0x0] =	vst.idx.msk vm14, v9  }
0x14b: {  	v55 =	vadd.s32 v29, v34;
	vm13 =	vlt.u32 v54, $0xC7A0;
	[tilespmem:v48+s16+$0x0] =	vst.idx.msk vm15, v10  }
0x14c: {  	v56 =	vadd.s32 v30, v34;
	vm14 =	vlt.u32 v55, $0xC7A0;
	[tilespmem:v49+s16+$0x0] =	vst.idx.msk vm8, v11  }
0x14d: {  	v57 =	vadd.s32 v31, v34;
	vm15 =	vlt.u32 v56, $0xC7A0;
	[tilespmem:v50+s16+$0x0] =	vst.idx.msk vm9, v12  }
0x14e: {  	v58 =	vadd.s32 v32, v34;
	vm8 =	vlt.u32 v57, $0xC7A0;
	[tilespmem:v51+s16+$0x0] =	vst.idx.msk vm10, v13  }
0x14f: {  	s22 =	sadd.s32 $0x7, s18;
	v34 =	vadd.s32 v33, v34;
	vm9 =	vlt.u32 v58, $0xC7A0;
	[tilespmem:v52+s16+$0x0] =	vst.idx.msk vm11, v14  }
0x150: {  	p1 =	slt.s32 s22, $0x4FF;
	vm10 =	vlt.u32 v34, $0xC7A0;
	[tilespmem:v53+s16+$0x0] =	vst.idx.msk vm12, v15  }
0x151: {  	s22 =	simm.s32 @!p1 $0x4FF;
	[tilespmem:v54+s16+$0x0] =	vst.idx.msk vm13, v16  }
0x152: {  	v59 =	vmov s22;
	[tilespmem:v55+s16+$0x0] =	vst.idx.msk vm14, v17  }
0x153: {  	[tilespmem:v56+s16+$0x0] =	vst.idx.msk vm15, v18  }
0x154: {  	[tilespmem:v57+s16+$0x0] =	vst.idx.msk vm8, v19  }
0x155: {  	[tilespmem:v58+s16+$0x0] =	vst.idx.msk vm9, v20  }
0x156: {  	[tilespmem:v34+s16+$0x0] =	vst.idx.msk vm10, v21  }
0x157: {  	v34 =	vld.idx.msk [tilespmem:v59+s1+$0x0], $0xffff;
	_ =	sdelay $0x4  }
0x158: {  	v34 =	vsub.s32 v34, v0  }
0x159: {  	v60 =	vadd.s32 v1, v34  }
0x15a: {  	v22 =	vadd.s32 v22, v34;
	vm11 =	vlt.u32 v60, $0xC7A0  }
0x15b: {  	v23 =	vadd.s32 v23, v34;
	vm12 =	vlt.u32 v22, $0xC7A0  }
0x15c: {  	v24 =	vadd.s32 v24, v34;
	vm13 =	vlt.u32 v23, $0xC7A0  }
0x15d: {  	v25 =	vadd.s32 v25, v34;
	vm14 =	vlt.u32 v24, $0xC7A0  }
0x15e: {  	v26 =	vadd.s32 v26, v34;
	vm15 =	vlt.u32 v25, $0xC7A0  }
0x15f: {  	v27 =	vadd.s32 v27, v34;
	vm8 =	vlt.u32 v26, $0xC7A0  }
0x160: {  	v28 =	vadd.s32 v28, v34;
	vm9 =	vlt.u32 v27, $0xC7A0;
	[tilespmem:v60+s16+$0x0] =	vst.idx.msk vm11, v9  }
0x161: {  	vm10 =	vlt.u32 v28, $0xC7A0;
	[tilespmem:v22+s16+$0x0] =	vst.idx.msk vm12, v10;
	v22 =	vadd.s32 v29, v34  }
0x162: {  	[tilespmem:v23+s16+$0x0] =	vst.idx.msk vm13, v11;
	vm11 =	vlt.u32 v22, $0xC7A0;
	v23 =	vadd.s32 v30, v34  }
0x163: {  	v61 =	vadd.s32 v31, v34;
	[tilespmem:v24+s16+$0x0] =	vst.idx.msk vm14, v12;
	vm12 =	vlt.u32 v23, $0xC7A0  }
0x164: {  	v62 =	vadd.s32 v32, v34;
	vm13 =	vlt.u32 v61, $0xC7A0;
	[tilespmem:v25+s16+$0x0] =	vst.idx.msk vm15, v13  }
0x165: {  	v63 =	vadd.s32 v33, v34;
	vm14 =	vlt.u32 v62, $0xC7A0;
	[tilespmem:v26+s16+$0x0] =	vst.idx.msk vm8, v14  }
0x166: {  	vm15 =	vlt.u32 v63, $0xC7A0;
	[tilespmem:v27+s16+$0x0] =	vst.idx.msk vm9, v15  }
0x167: {  	p1 =	seq.s32 s20, $0x1;
	[tilespmem:v28+s16+$0x0] =	vst.idx.msk vm10, v16  }
.Ltmp4:
0x168: {  	[tilespmem:v22+s16+$0x0] =	vst.idx.msk vm11, v17;
	(pc) =	sbr.rel @!p1 .LBB2_4-.Ltmp4, $4  }
0x169: {  	[tilespmem:v23+s16+$0x0] =	vst.idx.msk vm12, v18  }
0x16a: {  	[tilespmem:v61+s16+$0x0] =	vst.idx.msk vm13, v19  }
0x16b: {  	[tilespmem:v62+s16+$0x0] =	vst.idx.msk vm14, v20  }
0x16c: {  	s18 =	sadd.s32 $0x8, s18;
	s20 =	sadd.s32 $0xFFFFFFFF, s20;
	[tilespmem:v63+s16+$0x0] =	vst.idx.msk vm15, v21  }
.Ltmp5:
0x16d: {  	_ = 	snop;
	(pc) =	sbr.rel .LBB2_8-.Ltmp5, $1  }
0x16e: {  	_ =	sdelay $0x3  }
.LBB2_5:
0x16f: {  	s18 =	rddreg [dreg:$0x4]  }
0x170: {  	s20 =	rddreg [dreg:$0x14]  }
0x171: {  	s22 =	rddreg [dreg:$0x15]  }
0x172: {  	[tilespmem:$0x4500] =	vst v6;
	s23 =	rddreg [dreg:$0x6]  }
0x173: {  	[tilespmem:s20], [sflag:$0x1] =	stream.linear.gather [hbm4b:s18+s1], $0x400, $0x38;
	[tilespmem:$0x10E80] =	vst v63  }
0x174: {  	s20 =	rddreg [dreg:$0x5]  }
0x175: {  	[tilespmem:s22], [sflag:$0x1] =	stream.linear.gather [hbm4b:s20+s1], $0x400, $0x38;
	[tilespmem:$0x10E80] =	vst v63  }
0x176: {  	s24 =	rddreg [dreg:$0x16]  }
0x177: {  	[tilespmem:s24], [sflag:$0x1] =	stream.linear.gather [hbm4b:s23+s1], $0x400, $0x38;
	[tilespmem:$0x10E80] =	vst v63  }
0x178: {  	s25 =	rddreg [dreg:$0x7]  }
0x179: {  	[tilespmem:s26], [sflag:$0x1] =	stream.linear.gather [hbm4b:s25+s1], $0x400, $0x38;
	[tilespmem:$0x10E80] =	vst v63  }
0x17a: {  	s20 =	rddreg [dreg:$0x8]  }
0x17b: {  	[tilespmem:s28], [sflag:$0x1] =	stream.linear.gather [hbm4b:s20+s1], $0x400, $0x38;
	[tilespmem:$0x10E80] =	vst v63  }
0x17c: {  	s22 =	rddreg [dreg:$0x9]  }
0x17d: {  	[tilespmem:s29], [sflag:$0x1] =	stream.linear.gather [hbm4b:s22+s1], $0x400, $0x38;
	[tilespmem:$0x10E80] =	vst v63  }
0x17e: {  	s23 =	rddreg [dreg:$0xa]  }
0x17f: {  	[tilespmem:s30], [sflag:$0x1] =	stream.linear.gather [hbm4b:s23+s1], $0x400, $0x38;
	[tilespmem:$0x10E80] =	vst v63  }
0x180: {  	s24 =	rddreg [dreg:$0xb]  }
0x181: {  	[tilespmem:s31], [sflag:$0x1] =	stream.linear.gather [hbm4b:s24+s1], $0x400, $0x38;
	[tilespmem:$0x10E80] =	vst v63  }
0x182: {  	s25 =	rddreg [dreg:$0xc]  }
0x183: {  	[tilespmem:s19], [sflag:$0x1] =	stream.linear.gather [hbm4b:s25+s1], $0x400, $0x38;
	[tilespmem:$0x10E80] =	vst v63  }
0x184: {  	s20 =	rddreg [dreg:$0xd]  }
0x185: {  	[tilespmem:s0], [sflag:$0x1] =	stream.linear.gather [hbm4b:s20+s1], $0x400, $0x38;
	[tilespmem:$0x10E80] =	vst v63  }
0x186: {  	s22 =	rddreg [dreg:$0xe]  }
0x187: {  	[tilespmem:s5], [sflag:$0x1] =	stream.linear.gather [hbm4b:s22+s1], $0x400, $0x38;
	[tilespmem:$0x10E80] =	vst v63  }
0x188: {  	s23 =	rddreg [dreg:$0xf]  }
0x189: {  	[tilespmem:s6], [sflag:$0x1] =	stream.linear.gather [hbm4b:s23+s1], $0x400, $0x38;
	[tilespmem:$0x10E80] =	vst v63  }
0x18a: {  	s24 =	rddreg [dreg:$0x10]  }
0x18b: {  	[tilespmem:s7], [sflag:$0x1] =	stream.linear.gather [hbm4b:s24+s1], $0x400, $0x38;
	[tilespmem:$0x10E80] =	vst v63  }
0x18c: {  	s25 =	rddreg [dreg:$0x11]  }
0x18d: {  	[tilespmem:s8], [sflag:$0x1] =	stream.linear.gather [hbm4b:s25+s1], $0x400, $0x38;
	[tilespmem:$0x10E80] =	vst v63  }
0x18e: {  	s20 =	rddreg [dreg:$0x12]  }
0x18f: {  	[tilespmem:s9], [sflag:$0x1] =	stream.linear.gather [hbm4b:s20+s1], $0x400, $0x38;
	[tilespmem:$0x10E80] =	vst v63  }
0x190: {  	s22 =	rddreg [dreg:$0x13]  }
0x191: {  	[tilespmem:s10], [sflag:$0x1] =	stream.linear.gather [hbm4b:s22+s1], $0x400, $0x38;
	[tilespmem:$0x10E80] =	vst v63  }
0x192: {  	_ =	swait.ge [sflag:s14], $0x400  }
0x193: {  	[sflag:s14] =	ssyncset.done $0x0  }
0x194: {  	[sflag:s14] =	ssyncadd.s32 $0xFFFFFC00  }
0x195: {  	_ =	swait.ge [sflag:s14], $0x400  }
0x196: {  	[sflag:s14] =	ssyncset.done $0x0  }
0x197: {  	[sflag:s14] =	ssyncadd.s32 $0xFFFFFC00  }
0x198: {  	_ =	swait.ge [sflag:s14], $0x400  }
0x199: {  	[sflag:s14] =	ssyncset.done $0x0  }
0x19a: {  	[sflag:s14] =	ssyncadd.s32 $0xFFFFFC00  }
0x19b: {  	_ =	swait.ge [sflag:s14], $0x400  }
0x19c: {  	[sflag:s14] =	ssyncset.done $0x0  }
0x19d: {  	[sflag:s14] =	ssyncadd.s32 $0xFFFFFC00  }
0x19e: {  	_ =	swait.ge [sflag:s14], $0x400  }
0x19f: {  	[sflag:s14] =	ssyncset.done $0x0  }
0x1a0: {  	[sflag:s14] =	ssyncadd.s32 $0xFFFFFC00  }
0x1a1: {  	_ =	swait.ge [sflag:s14], $0x400  }
0x1a2: {  	[sflag:s14] =	ssyncset.done $0x0  }
0x1a3: {  	[sflag:s14] =	ssyncadd.s32 $0xFFFFFC00  }
0x1a4: {  	_ =	swait.ge [sflag:s14], $0x400  }
0x1a5: {  	[sflag:s14] =	ssyncset.done $0x0  }
0x1a6: {  	[sflag:s14] =	ssyncadd.s32 $0xFFFFFC00  }
0x1a7: {  	_ =	swait.ge [sflag:s14], $0x400  }
0x1a8: {  	[sflag:s14] =	ssyncset.done $0x0  }
0x1a9: {  	[sflag:s14] =	ssyncadd.s32 $0xFFFFFC00  }
0x1aa: {  	_ =	swait.ge [sflag:s14], $0x400  }
0x1ab: {  	[sflag:s14] =	ssyncset.done $0x0  }
0x1ac: {  	[sflag:s14] =	ssyncadd.s32 $0xFFFFFC00  }
0x1ad: {  	_ =	swait.ge [sflag:s14], $0x400  }
0x1ae: {  	[sflag:s14] =	ssyncset.done $0x0  }
0x1af: {  	[sflag:s14] =	ssyncadd.s32 $0xFFFFFC00  }
0x1b0: {  	_ =	swait.ge [sflag:s14], $0x400  }
0x1b1: {  	[sflag:s14] =	ssyncset.done $0x0  }
0x1b2: {  	[sflag:s14] =	ssyncadd.s32 $0xFFFFFC00  }
0x1b3: {  	_ =	swait.ge [sflag:s14], $0x400  }
0x1b4: {  	[sflag:s14] =	ssyncset.done $0x0  }
0x1b5: {  	[sflag:s14] =	ssyncadd.s32 $0xFFFFFC00  }
0x1b6: {  	_ =	swait.ge [sflag:s14], $0x400  }
0x1b7: {  	[sflag:s14] =	ssyncset.done $0x0  }
0x1b8: {  	[sflag:s14] =	ssyncadd.s32 $0xFFFFFC00  }
0x1b9: {  	_ =	swait.ge [sflag:s14], $0x400  }
0x1ba: {  	[sflag:s14] =	ssyncset.done $0x0  }
0x1bb: {  	[sflag:s14] =	ssyncadd.s32 $0xFFFFFC00  }
0x1bc: {  	_ =	swait.ge [sflag:s14], $0x400  }
0x1bd: {  	[sflag:s14] =	ssyncset.done $0x0  }
0x1be: {  	[sflag:s14] =	ssyncadd.s32 $0xFFFFFC00  }
0x1bf: {  	_ =	swait.ge [sflag:s14], $0x400  }
0x1c0: {  	[sflag:s14] =	ssyncset.done $0x0  }
0x1c1: {  	[sflag:s14] =	ssyncadd.s32 $0xFFFFFC00  }
0x1c2: {  	v9 =	vld.idx.msk [tilespmem:v7+s15+$0x0], $0xffff;
	_ =	sdelay $0x4  }
0x1c3: {  	vm0 =	vgt.s32 v9, v0  }
0x1c4: {  	vm11 =	vgt.s32 v9, v2;
	v10 =	vsel vm0, $0x0, v7  }
0x1c5: {  	v9 =	vsel vm11, $0x0, v7;
	v11 =	vor.u32 $0x2000, v10  }
0x1c6: {  	v12 =	vor.u32 $0x2000, v9;
	v11 =	vmin.u32 v11, $0x400F  }
0x1c7: {  	v12 =	vmin.u32 v12, $0x400F;
	_ =	sdelay $0x3  }
0x1c8: {  	v13 =	vld.idx.msk [tilespmem:v11+s15+$0x0], $0xffff  }
0x1c9: {  	v14 =	vld.idx.msk [tilespmem:v12+s15+$0x0], $0xffff;
	_ =	sdelay $0x3  }
0x1ca: {  	vm12 =	vgt.s32 v13, v0  }
0x1cb: {  	vm13 =	vgt.s32 v14, v2;
	v10 =	vsel vm12, v10, v11  }
0x1cc: {  	v9 =	vsel vm13, v9, v12;
	v11 =	vor.u32 $0x1000, v10  }
0x1cd: {  	v12 =	vor.u32 $0x1000, v9;
	v11 =	vmin.u32 v11, $0x400F  }
0x1ce: {  	v12 =	vmin.u32 v12, $0x400F;
	_ =	sdelay $0x3  }
0x1cf: {  	v38 =	vld.idx.msk [tilespmem:v11+s15+$0x0], $0xffff  }
0x1d0: {  	v39 =	vld.idx.msk [tilespmem:v12+s15+$0x0], $0xffff;
	_ =	sdelay $0x3  }
0x1d1: {  	vm14 =	vgt.s32 v38, v0  }
0x1d2: {  	vm15 =	vgt.s32 v39, v2;
	v10 =	vsel vm14, v10, v11  }
0x1d3: {  	v9 =	vsel vm15, v9, v12;
	v11 =	vmin.u32 v10, $0x380F  }
0x1d4: {  	v12 =	vmin.u32 v9, $0x380F;
	v11 =	vadd.s32 $0x800, v11  }
0x1d5: {  	v12 =	vadd.s32 $0x800, v12;
	_ =	sdelay $0x3  }
0x1d6: {  	v40 =	vld.idx.msk [tilespmem:v11+s15+$0x0], $0xffff  }
0x1d7: {  	v41 =	vld.idx.msk [tilespmem:v12+s15+$0x0], $0xffff;
	_ =	sdelay $0x3  }
0x1d8: {  	vm4 =	vgt.s32 v40, v0  }
0x1d9: {  	vm5 =	vgt.s32 v41, v2;
	v10 =	vsel vm4, v10, v11  }
0x1da: {  	v9 =	vsel vm5, v9, v12;
	v11 =	vmin.u32 v10, $0x3C0F  }
0x1db: {  	v12 =	vmin.u32 v9, $0x3C0F;
	v11 =	vadd.s32 $0x400, v11  }
0x1dc: {  	v12 =	vadd.s32 $0x400, v12;
	_ =	sdelay $0x3  }
0x1dd: {  	v42 =	vld.idx.msk [tilespmem:v11+s15+$0x0], $0xffff  }
0x1de: {  	v43 =	vld.idx.msk [tilespmem:v12+s15+$0x0], $0xffff;
	_ =	sdelay $0x3  }
0x1df: {  	vm6 =	vgt.s32 v42, v0  }
0x1e0: {  	vm7 =	vgt.s32 v43, v2;
	v10 =	vsel vm6, v10, v11  }
0x1e1: {  	v9 =	vsel vm7, v9, v12;
	v11 =	vmin.u32 v10, $0x3E0F  }
0x1e2: {  	v12 =	vmin.u32 v9, $0x3E0F;
	v11 =	vadd.s32 $0x200, v11  }
0x1e3: {  	v12 =	vadd.s32 $0x200, v12;
	_ =	sdelay $0x3  }
0x1e4: {  	v44 =	vld.idx.msk [tilespmem:v11+s15+$0x0], $0xffff  }
0x1e5: {  	v45 =	vld.idx.msk [tilespmem:v12+s15+$0x0], $0xffff;
	_ =	sdelay $0x3  }
0x1e6: {  	vm8 =	vgt.s32 v44, v0  }
0x1e7: {  	vm9 =	vgt.s32 v45, v2;
	v10 =	vsel vm8, v10, v11  }
0x1e8: {  	v9 =	vsel vm9, v9, v12;
	v11 =	vmin.u32 v10, $0x3F0F  }
0x1e9: {  	v12 =	vmin.u32 v9, $0x3F0F;
	v11 =	vadd.s32 $0x100, v11  }
0x1ea: {  	v12 =	vadd.s32 $0x100, v12;
	_ =	sdelay $0x3  }
0x1eb: {  	v46 =	vld.idx.msk [tilespmem:v11+s15+$0x0], $0xffff  }
0x1ec: {  	v47 =	vld.idx.msk [tilespmem:v12+s15+$0x0], $0xffff;
	_ =	sdelay $0x3  }
0x1ed: {  	vm10 =	vgt.s32 v46, v0  }
0x1ee: {  	vm11 =	vgt.s32 v47, v2;
	v10 =	vsel vm10, v10, v11  }
0x1ef: {  	v9 =	vsel vm11, v9, v12;
	v11 =	vmin.u32 v10, $0x3F8F  }
0x1f0: {  	v12 =	vmin.u32 v9, $0x3F8F;
	v11 =	vadd.s32 $0x80, v11  }
0x1f1: {  	v12 =	vadd.s32 $0x80, v12;
	_ =	sdelay $0x3  }
0x1f2: {  	v48 =	vld.idx.msk [tilespmem:v11+s15+$0x0], $0xffff  }
0x1f3: {  	v49 =	vld.idx.msk [tilespmem:v12+s15+$0x0], $0xffff;
	_ =	sdelay $0x3  }
0x1f4: {  	vm12 =	vgt.s32 v48, v0  }
0x1f5: {  	vm13 =	vgt.s32 v49, v2;
	v10 =	vsel vm12, v10, v11  }
0x1f6: {  	v9 =	vsel vm13, v9, v12;
	v11 =	vmin.u32 v10, $0x3FCF  }
0x1f7: {  	v12 =	vmin.u32 v9, $0x3FCF;
	v11 =	vadd.s32 $0x40, v11  }
0x1f8: {  	v12 =	vadd.s32 $0x40, v12;
	_ =	sdelay $0x3  }
0x1f9: {  	v50 =	vld.idx.msk [tilespmem:v11+s15+$0x0], $0xffff  }
0x1fa: {  	v51 =	vld.idx.msk [tilespmem:v12+s15+$0x0], $0xffff;
	_ =	sdelay $0x3  }
0x1fb: {  	vm14 =	vgt.s32 v50, v0  }
0x1fc: {  	vm15 =	vgt.s32 v51, v2;
	v10 =	vsel vm14, v10, v11  }
0x1fd: {  	v9 =	vsel vm15, v9, v12;
	v11 =	vmin.u32 v10, $0x3FEF  }
0x1fe: {  	v12 =	vmin.u32 v9, $0x3FEF;
	v11 =	vadd.s32 $0x20, v11  }
0x1ff: {  	v12 =	vadd.s32 $0x20, v12;
	_ =	sdelay $0x3  }
0x200: {  	v52 =	vld.idx.msk [tilespmem:v11+s15+$0x0], $0xffff  }
0x201: {  	v53 =	vld.idx.msk [tilespmem:v12+s15+$0x0], $0xffff;
	_ =	sdelay $0x3  }
0x202: {  	vm4 =	vgt.s32 v52, v0  }
0x203: {  	vm5 =	vgt.s32 v53, v2;
	v10 =	vsel vm4, v10, v11  }
0x204: {  	v9 =	vsel vm5, v9, v12;
	v11 =	vmin.u32 v10, $0x3FFF  }
0x205: {  	v12 =	vmin.u32 v9, $0x3FFF;
	v11 =	vadd.s32 $0x10, v11  }
0x206: {  	v12 =	vadd.s32 $0x10, v12;
	_ =	sdelay $0x3  }
0x207: {  	v54 =	vld.idx.msk [tilespmem:v11+s15+$0x0], $0xffff  }
0x208: {  	v55 =	vld.idx.msk [tilespmem:v12+s15+$0x0], $0xffff;
	_ =	sdelay $0x3  }
0x209: {  	vm6 =	vgt.s32 v54, v0  }
0x20a: {  	vm7 =	vgt.s32 v55, v2;
	v10 =	vsel vm6, v10, v11  }
0x20b: {  	v9 =	vsel vm7, v9, v12;
	v11 =	vmin.u32 v10, $0x4007  }
0x20c: {  	v12 =	vmin.u32 v9, $0x4007;
	v11 =	vadd.s32 $0x8, v11  }
0x20d: {  	v12 =	vadd.s32 $0x8, v12;
	_ =	sdelay $0x3  }
0x20e: {  	v56 =	vld.idx.msk [tilespmem:v11+s15+$0x0], $0xffff  }
0x20f: {  	v57 =	vld.idx.msk [tilespmem:v12+s15+$0x0], $0xffff;
	_ =	sdelay $0x3  }
0x210: {  	vm8 =	vgt.s32 v56, v0  }
0x211: {  	vm9 =	vgt.s32 v57, v2;
	v10 =	vsel vm8, v10, v11  }
0x212: {  	v9 =	vsel vm9, v9, v12;
	v11 =	vmin.u32 v10, $0x400B  }
0x213: {  	v12 =	vmin.u32 v9, $0x400B;
	v11 =	vadd.s32 $0x4, v11  }
0x214: {  	v12 =	vadd.s32 $0x4, v12;
	_ =	sdelay $0x3  }
0x215: {  	v58 =	vld.idx.msk [tilespmem:v11+s15+$0x0], $0xffff  }
0x216: {  	v59 =	vld.idx.msk [tilespmem:v12+s15+$0x0], $0xffff;
	_ =	sdelay $0x3  }
0x217: {  	vm10 =	vgt.s32 v58, v0  }
0x218: {  	vm11 =	vgt.s32 v59, v2;
	v10 =	vsel vm10, v10, v11  }
0x219: {  	v9 =	vsel vm11, v9, v12;
	v11 =	vmin.u32 v10, $0x400D  }
0x21a: {  	v12 =	vmin.u32 v9, $0x400D;
	v11 =	vadd.s32 $0x2, v11  }
0x21b: {  	v12 =	vadd.s32 $0x2, v12;
	_ =	sdelay $0x3  }
0x21c: {  	v60 =	vld.idx.msk [tilespmem:v11+s15+$0x0], $0xffff  }
0x21d: {  	v61 =	vld.idx.msk [tilespmem:v12+s15+$0x0], $0xffff;
	_ =	sdelay $0x3  }
0x21e: {  	vm12 =	vgt.s32 v60, v0  }
0x21f: {  	vm13 =	vgt.s32 v61, v2;
	v10 =	vsel vm12, v10, v11  }
0x220: {  	v9 =	vsel vm13, v9, v12;
	v11 =	vmin.u32 v10, $0x400E  }
0x221: {  	v12 =	vmin.u32 v9, $0x400E;
	v11 =	vadd.s32 $0x1, v11  }
0x222: {  	v12 =	vadd.s32 $0x1, v12;
	_ =	sdelay $0x3  }
0x223: {  	v62 =	vld.idx.msk [tilespmem:v11+s15+$0x0], $0xffff  }
0x224: {  	v63 =	vld.idx.msk [tilespmem:v12+s15+$0x0], $0xffff;
	_ =	sdelay $0x3  }
0x225: {  	vm14 =	vgt.s32 v62, v0  }
0x226: {  	vm15 =	vgt.s32 v63, v2;
	v10 =	vsel vm14, v10, v11  }
0x227: {  	v9 =	vsel vm15, v9, v12;
	v10 =	vxor.u32 $0x80000000, v10  }
0x228: {  	v9 =	vxor.u32 $0x80000000, v9;
	(xrf0) =	vmax.scan.msk.u32 $0xffff, v10  }
0x229: {  	(xrf0) =	vmax.scan.msk.u32 $0xffff, v9;
	_ =	sdelay $0x4  }
0x22a: {  	v9, _, _ =	vpop (xrf0)  }
0x22b: {  	(v2sf) =	vpush v9, $0xF;
	v9, _, _ =	vpop (xrf0)  }
0x22c: {  	(v2sf) =	vpush v9, $0xF;
	_ =	sdelay $0xd  }
0x22d: {  	s23 =	spop (v2sf)  }
0x22e: {  	s18 =	sxor.u32 $0x80000000, s23;
	s24 =	spop (v2sf)  }
0x22f: {  	s20 =	ssub.s32 s24, s18  }
0x230: {  	s20 =	sadd.s32 $0x80000008, s20  }
0x231: {  	s22 =	sand.u32 $0x7, s20  }
0x232: {  	s25 =	sshra.s32 s20, $0x1F;
	p2 =	slt.s32 s20, $0x1;
	p1 =	sne.s32 s22, $0x0  }
0x233: {  	s22 =	sshrl.u32 s25, $0x1D;
	p1 =	por !p2, !p1  }
0x234: {  	s20 =	sadd.s32 s22, s20;
	s22 =	simm.s32 $0x1;
	p1 =	por !p1, !p1  }
0x235: {  	s20 =	sshra.s32 s20, $0x3;
	s22 =	simm.s32 @!p1 $0x0  }
0x236: {  	s20 =	ssub.s32 s20, s22  }
0x237: {  	p1 =	slt.s32 s20, $0x1  }
.Ltmp6:
0x238: {  	_ = 	snop;
	(pc) =	sbr.rel @p1 .LBB2_8-.Ltmp6, $1  }
0x239: {  	_ =	sdelay $0x3  }
0x23a: {  	v9 =	vld [tilespmem:$0x4580]  }
0x23b: {  	v10 =	vld [tilespmem:$0x4590]  }
0x23c: {  	v11 =	vld [tilespmem:$0x45A0]  }
0x23d: {  	v12 =	vld [tilespmem:$0x45B0]  }
0x23e: {  	v13 =	vld [tilespmem:$0x45C0]  }
0x23f: {  	v14 =	vld [tilespmem:$0x45D0]  }
0x240: {  	v15 =	vld [tilespmem:$0x45E0]  }
0x241: {  	v16 =	vld [tilespmem:$0x45F0]  }
0x242: {  	v17 =	vld [tilespmem:$0x4600]  }
0x243: {  	v18 =	vld [tilespmem:$0x4610]  }
0x244: {  	v19 =	vld [tilespmem:$0x4620]  }
0x245: {  	v20 =	vld [tilespmem:$0x4630]  }
0x246: {  	v21 =	vld [tilespmem:$0x4640]  }
.LBB2_7:
0x247: {  	p1 =	slt.s32 s18, $0x400F;
	s22 =	smov.u32 s18  }
0x248: {  	s22 =	simm.s32 @!p1 $0x400F  }
0x249: {  	v22 =	vmov s22;
	_ =	sdelay $0x4  }
0x24a: {  	v22 =	vld.idx.msk [tilespmem:v22+s15+$0x0], $0xffff;
	_ =	sdelay $0x4  }
0x24b: {  	v34 =	vsub.s32 v22, v0  }
0x24c: {  	v22 =	vor.u32 $0x10, v1;
	v29 =	vadd.s32 v1, v34  }
0x24d: {  	v23 =	vor.u32 $0x20, v1;
	v30 =	vadd.s32 v22, v34;
	vm0 =	vlt.u32 v29, $0xC7A0  }
0x24e: {  	v24 =	vor.u32 $0x30, v1;
	v31 =	vadd.s32 v23, v34;
	vm1 =	vlt.u32 v30, $0xC7A0  }
0x24f: {  	v25 =	vor.u32 $0x40, v1;
	v32 =	vadd.s32 v24, v34;
	vm2 =	vlt.u32 v31, $0xC7A0  }
0x250: {  	v26 =	vor.u32 $0x50, v1;
	v33 =	vadd.s32 v25, v34;
	vm3 =	vlt.u32 v32, $0xC7A0  }
0x251: {  	v27 =	vor.u32 $0x60, v1;
	v35 =	vadd.s32 v26, v34;
	vm4 =	vlt.u32 v33, $0xC7A0  }
0x252: {  	v28 =	vor.u32 $0x70, v1;
	v36 =	vadd.s32 v27, v34;
	vm5 =	vlt.u32 v35, $0xC7A0  }
0x253: {  	v37 =	vadd.s32 v28, v34;
	vm14 =	vlt.u32 v36, $0xC7A0;
	[tilespmem:v29+s16+$0x0] =	vst.idx.msk vm0, v9;
	v29 =	vor.u32 $0x80, v1  }
0x254: {  	vm15 =	vlt.u32 v37, $0xC7A0;
	[tilespmem:v30+s16+$0x0] =	vst.idx.msk vm1, v10;
	v38 =	vadd.s32 v29, v34;
	v30 =	vor.u32 $0x90, v1  }
0x255: {  	[tilespmem:v31+s16+$0x0] =	vst.idx.msk vm2, v11;
	vm8 =	vlt.u32 v38, $0xC7A0;
	v39 =	vadd.s32 v30, v34;
	v31 =	vor.u32 $0xA0, v1  }
0x256: {  	[tilespmem:v32+s16+$0x0] =	vst.idx.msk vm3, v12;
	vm9 =	vlt.u32 v39, $0xC7A0;
	v40 =	vadd.s32 v31, v34;
	v32 =	vor.u32 $0xB0, v1  }
0x257: {  	[tilespmem:v33+s16+$0x0] =	vst.idx.msk vm4, v13;
	vm10 =	vlt.u32 v40, $0xC7A0;
	v41 =	vadd.s32 v32, v34;
	v33 =	vor.u32 $0xC0, v1  }
0x258: {  	s22 =	sadd.s32 $0x1, s18;
	[tilespmem:v35+s16+$0x0] =	vst.idx.msk vm5, v14;
	vm11 =	vlt.u32 v41, $0xC7A0;
	v34 =	vadd.s32 v33, v34  }
0x259: {  	p1 =	slt.s32 s22, $0x400F;
	[tilespmem:v36+s16+$0x0] =	vst.idx.msk vm14, v15;
	vm12 =	vlt.u32 v34, $0xC7A0  }
0x25a: {  	s22 =	simm.s32 @!p1 $0x400F;
	[tilespmem:v37+s16+$0x0] =	vst.idx.msk vm15, v16  }
0x25b: {  	v43 =	vmov s22;
	[tilespmem:v38+s16+$0x0] =	vst.idx.msk vm8, v17  }
0x25c: {  	[tilespmem:v39+s16+$0x0] =	vst.idx.msk vm9, v18  }
0x25d: {  	[tilespmem:v40+s16+$0x0] =	vst.idx.msk vm10, v19  }
0x25e: {  	[tilespmem:v41+s16+$0x0] =	vst.idx.msk vm11, v20  }
0x25f: {  	[tilespmem:v34+s16+$0x0] =	vst.idx.msk vm12, v21  }
0x260: {  	v34 =	vld.idx.msk [tilespmem:v43+s15+$0x0], $0xffff;
	_ =	sdelay $0x4  }
0x261: {  	v34 =	vsub.s32 v34, v0  }
0x262: {  	v44 =	vadd.s32 v1, v34  }
0x263: {  	v45 =	vadd.s32 v22, v34;
	vm13 =	vlt.u32 v44, $0xC7A0  }
0x264: {  	v46 =	vadd.s32 v23, v34;
	vm14 =	vlt.u32 v45, $0xC7A0  }
0x265: {  	v47 =	vadd.s32 v24, v34;
	vm15 =	vlt.u32 v46, $0xC7A0  }
0x266: {  	v48 =	vadd.s32 v25, v34;
	vm8 =	vlt.u32 v47, $0xC7A0  }
0x267: {  	v49 =	vadd.s32 v26, v34;
	vm9 =	vlt.u32 v48, $0xC7A0  }
0x268: {  	v50 =	vadd.s32 v27, v34;
	vm10 =	vlt.u32 v49, $0xC7A0  }
0x269: {  	v51 =	vadd.s32 v28, v34;
	vm11 =	vlt.u32 v50, $0xC7A0;
	[tilespmem:v44+s16+$0x0] =	vst.idx.msk vm13, v9  }
0x26a: {  	v52 =	vadd.s32 v29, v34;
	vm12 =	vlt.u32 v51, $0xC7A0;
	[tilespmem:v45+s16+$0x0] =	vst.idx.msk vm14, v10  }
0x26b: {  	v53 =	vadd.s32 v30, v34;
	vm13 =	vlt.u32 v52, $0xC7A0;
	[tilespmem:v46+s16+$0x0] =	vst.idx.msk vm15, v11  }
0x26c: {  	v54 =	vadd.s32 v31, v34;
	vm14 =	vlt.u32 v53, $0xC7A0;
	[tilespmem:v47+s16+$0x0] =	vst.idx.msk vm8, v12  }
0x26d: {  	v55 =	vadd.s32 v32, v34;
	vm15 =	vlt.u32 v54, $0xC7A0;
	[tilespmem:v48+s16+$0x0] =	vst.idx.msk vm9, v13  }
0x26e: {  	s22 =	sadd.s32 $0x2, s18;
	v34 =	vadd.s32 v33, v34;
	vm8 =	vlt.u32 v55, $0xC7A0;
	[tilespmem:v49+s16+$0x0] =	vst.idx.msk vm10, v14  }
0x26f: {  	p1 =	slt.s32 s22, $0x400F;
	vm9 =	vlt.u32 v34, $0xC7A0;
	[tilespmem:v50+s16+$0x0] =	vst.idx.msk vm11, v15  }
0x270: {  	s22 =	simm.s32 @!p1 $0x400F;
	[tilespmem:v51+s16+$0x0] =	vst.idx.msk vm12, v16  }
0x271: {  	v56 =	vmov s22;
	[tilespmem:v52+s16+$0x0] =	vst.idx.msk vm13, v17  }
0x272: {  	[tilespmem:v53+s16+$0x0] =	vst.idx.msk vm14, v18  }
0x273: {  	[tilespmem:v54+s16+$0x0] =	vst.idx.msk vm15, v19  }
0x274: {  	[tilespmem:v55+s16+$0x0] =	vst.idx.msk vm8, v20  }
0x275: {  	[tilespmem:v34+s16+$0x0] =	vst.idx.msk vm9, v21  }
0x276: {  	v34 =	vld.idx.msk [tilespmem:v56+s15+$0x0], $0xffff;
	_ =	sdelay $0x4  }
0x277: {  	v34 =	vsub.s32 v34, v0  }
0x278: {  	v57 =	vadd.s32 v1, v34  }
0x279: {  	v58 =	vadd.s32 v22, v34;
	vm10 =	vlt.u32 v57, $0xC7A0  }
0x27a: {  	v59 =	vadd.s32 v23, v34;
	vm11 =	vlt.u32 v58, $0xC7A0  }
0x27b: {  	v60 =	vadd.s32 v24, v34;
	vm12 =	vlt.u32 v59, $0xC7A0  }
0x27c: {  	v61 =	vadd.s32 v25, v34;
	vm13 =	vlt.u32 v60, $0xC7A0  }
0x27d: {  	v62 =	vadd.s32 v26, v34;
	vm14 =	vlt.u32 v61, $0xC7A0  }
0x27e: {  	v63 =	vadd.s32 v27, v34;
	vm15 =	vlt.u32 v62, $0xC7A0  }
0x27f: {  	v44 =	vadd.s32 v28, v34;
	vm8 =	vlt.u32 v63, $0xC7A0;
	[tilespmem:v57+s16+$0x0] =	vst.idx.msk vm10, v9  }
0x280: {  	v45 =	vadd.s32 v29, v34;
	vm9 =	vlt.u32 v44, $0xC7A0;
	[tilespmem:v58+s16+$0x0] =	vst.idx.msk vm11, v10  }
0x281: {  	v46 =	vadd.s32 v30, v34;
	vm10 =	vlt.u32 v45, $0xC7A0;
	[tilespmem:v59+s16+$0x0] =	vst.idx.msk vm12, v11  }
0x282: {  	v47 =	vadd.s32 v31, v34;
	vm11 =	vlt.u32 v46, $0xC7A0;
	[tilespmem:v60+s16+$0x0] =	vst.idx.msk vm13, v12  }
0x283: {  	v48 =	vadd.s32 v32, v34;
	vm12 =	vlt.u32 v47, $0xC7A0;
	[tilespmem:v61+s16+$0x0] =	vst.idx.msk vm14, v13  }
0x284: {  	s22 =	sadd.s32 $0x3, s18;
	v34 =	vadd.s32 v33, v34;
	vm13 =	vlt.u32 v48, $0xC7A0;
	[tilespmem:v62+s16+$0x0] =	vst.idx.msk vm15, v14  }
0x285: {  	p1 =	slt.s32 s22, $0x400F;
	vm14 =	vlt.u32 v34, $0xC7A0;
	[tilespmem:v63+s16+$0x0] =	vst.idx.msk vm8, v15  }
0x286: {  	s22 =	simm.s32 @!p1 $0x400F;
	[tilespmem:v44+s16+$0x0] =	vst.idx.msk vm9, v16  }
0x287: {  	v49 =	vmov s22;
	[tilespmem:v45+s16+$0x0] =	vst.idx.msk vm10, v17  }
0x288: {  	[tilespmem:v46+s16+$0x0] =	vst.idx.msk vm11, v18  }
0x289: {  	[tilespmem:v47+s16+$0x0] =	vst.idx.msk vm12, v19  }
0x28a: {  	[tilespmem:v48+s16+$0x0] =	vst.idx.msk vm13, v20  }
0x28b: {  	[tilespmem:v34+s16+$0x0] =	vst.idx.msk vm14, v21  }
0x28c: {  	v34 =	vld.idx.msk [tilespmem:v49+s15+$0x0], $0xffff;
	_ =	sdelay $0x4  }
0x28d: {  	v34 =	vsub.s32 v34, v0  }
0x28e: {  	v50 =	vadd.s32 v1, v34  }
0x28f: {  	v51 =	vadd.s32 v22, v34;
	vm15 =	vlt.u32 v50, $0xC7A0  }
0x290: {  	v52 =	vadd.s32 v23, v34;
	vm8 =	vlt.u32 v51, $0xC7A0  }
0x291: {  	v53 =	vadd.s32 v24, v34;
	vm9 =	vlt.u32 v52, $0xC7A0  }
0x292: {  	v54 =	vadd.s32 v25, v34;
	vm10 =	vlt.u32 v53, $0xC7A0  }
0x293: {  	v55 =	vadd.s32 v26, v34;
	vm11 =	vlt.u32 v54, $0xC7A0  }
0x294: {  	v56 =	vadd.s32 v27, v34;
	vm12 =	vlt.u32 v55, $0xC7A0  }
0x295: {  	v57 =	vadd.s32 v28, v34;
	vm13 =	vlt.u32 v56, $0xC7A0;
	[tilespmem:v50+s16+$0x0] =	vst.idx.msk vm15, v9  }
0x296: {  	v58 =	vadd.s32 v29, v34;
	vm14 =	vlt.u32 v57, $0xC7A0;
	[tilespmem:v51+s16+$0x0] =	vst.idx.msk vm8, v10  }
0x297: {  	v59 =	vadd.s32 v30, v34;
	vm15 =	vlt.u32 v58, $0xC7A0;
	[tilespmem:v52+s16+$0x0] =	vst.idx.msk vm9, v11  }
0x298: {  	v60 =	vadd.s32 v31, v34;
	vm8 =	vlt.u32 v59, $0xC7A0;
	[tilespmem:v53+s16+$0x0] =	vst.idx.msk vm10, v12  }
0x299: {  	v61 =	vadd.s32 v32, v34;
	vm9 =	vlt.u32 v60, $0xC7A0;
	[tilespmem:v54+s16+$0x0] =	vst.idx.msk vm11, v13  }
0x29a: {  	s22 =	sadd.s32 $0x4, s18;
	v34 =	vadd.s32 v33, v34;
	vm10 =	vlt.u32 v61, $0xC7A0;
	[tilespmem:v55+s16+$0x0] =	vst.idx.msk vm12, v14  }
0x29b: {  	p1 =	slt.s32 s22, $0x400F;
	vm11 =	vlt.u32 v34, $0xC7A0;
	[tilespmem:v56+s16+$0x0] =	vst.idx.msk vm13, v15  }
0x29c: {  	s22 =	simm.s32 @!p1 $0x400F;
	[tilespmem:v57+s16+$0x0] =	vst.idx.msk vm14, v16  }
0x29d: {  	v62 =	vmov s22;
	[tilespmem:v58+s16+$0x0] =	vst.idx.msk vm15, v17  }
0x29e: {  	[tilespmem:v59+s16+$0x0] =	vst.idx.msk vm8, v18  }
0x29f: {  	[tilespmem:v60+s16+$0x0] =	vst.idx.msk vm9, v19  }
0x2a0: {  	[tilespmem:v61+s16+$0x0] =	vst.idx.msk vm10, v20  }
0x2a1: {  	[tilespmem:v34+s16+$0x0] =	vst.idx.msk vm11, v21  }
0x2a2: {  	v34 =	vld.idx.msk [tilespmem:v62+s15+$0x0], $0xffff;
	_ =	sdelay $0x4  }
0x2a3: {  	v34 =	vsub.s32 v34, v0  }
0x2a4: {  	v63 =	vadd.s32 v1, v34  }
0x2a5: {  	v44 =	vadd.s32 v22, v34;
	vm12 =	vlt.u32 v63, $0xC7A0  }
0x2a6: {  	v45 =	vadd.s32 v23, v34;
	vm13 =	vlt.u32 v44, $0xC7A0  }
0x2a7: {  	v46 =	vadd.s32 v24, v34;
	vm14 =	vlt.u32 v45, $0xC7A0  }
0x2a8: {  	v47 =	vadd.s32 v25, v34;
	vm15 =	vlt.u32 v46, $0xC7A0  }
0x2a9: {  	v48 =	vadd.s32 v26, v34;
	vm8 =	vlt.u32 v47, $0xC7A0  }
0x2aa: {  	v49 =	vadd.s32 v27, v34;
	vm9 =	vlt.u32 v48, $0xC7A0  }
0x2ab: {  	v50 =	vadd.s32 v28, v34;
	vm10 =	vlt.u32 v49, $0xC7A0;
	[tilespmem:v63+s16+$0x0] =	vst.idx.msk vm12, v9  }
0x2ac: {  	v51 =	vadd.s32 v29, v34;
	vm11 =	vlt.u32 v50, $0xC7A0;
	[tilespmem:v44+s16+$0x0] =	vst.idx.msk vm13, v10  }
0x2ad: {  	v52 =	vadd.s32 v30, v34;
	vm12 =	vlt.u32 v51, $0xC7A0;
	[tilespmem:v45+s16+$0x0] =	vst.idx.msk vm14, v11  }
0x2ae: {  	v53 =	vadd.s32 v31, v34;
	vm13 =	vlt.u32 v52, $0xC7A0;
	[tilespmem:v46+s16+$0x0] =	vst.idx.msk vm15, v12  }
0x2af: {  	v54 =	vadd.s32 v32, v34;
	vm14 =	vlt.u32 v53, $0xC7A0;
	[tilespmem:v47+s16+$0x0] =	vst.idx.msk vm8, v13  }
0x2b0: {  	s22 =	sadd.s32 $0x5, s18;
	v34 =	vadd.s32 v33, v34;
	vm15 =	vlt.u32 v54, $0xC7A0;
	[tilespmem:v48+s16+$0x0] =	vst.idx.msk vm9, v14  }
0x2b1: {  	p1 =	slt.s32 s22, $0x400F;
	vm8 =	vlt.u32 v34, $0xC7A0;
	[tilespmem:v49+s16+$0x0] =	vst.idx.msk vm10, v15  }
0x2b2: {  	s22 =	simm.s32 @!p1 $0x400F;
	[tilespmem:v50+s16+$0x0] =	vst.idx.msk vm11, v16  }
0x2b3: {  	v55 =	vmov s22;
	[tilespmem:v51+s16+$0x0] =	vst.idx.msk vm12, v17  }
0x2b4: {  	[tilespmem:v52+s16+$0x0] =	vst.idx.msk vm13, v18  }
0x2b5: {  	[tilespmem:v53+s16+$0x0] =	vst.idx.msk vm14, v19  }
0x2b6: {  	[tilespmem:v54+s16+$0x0] =	vst.idx.msk vm15, v20  }
0x2b7: {  	[tilespmem:v34+s16+$0x0] =	vst.idx.msk vm8, v21  }
0x2b8: {  	v34 =	vld.idx.msk [tilespmem:v55+s15+$0x0], $0xffff;
	_ =	sdelay $0x4  }
0x2b9: {  	v34 =	vsub.s32 v34, v0  }
0x2ba: {  	v56 =	vadd.s32 v1, v34  }
0x2bb: {  	v57 =	vadd.s32 v22, v34;
	vm9 =	vlt.u32 v56, $0xC7A0  }
0x2bc: {  	v58 =	vadd.s32 v23, v34;
	vm10 =	vlt.u32 v57, $0xC7A0  }
0x2bd: {  	v59 =	vadd.s32 v24, v34;
	vm11 =	vlt.u32 v58, $0xC7A0  }
0x2be: {  	v60 =	vadd.s32 v25, v34;
	vm12 =	vlt.u32 v59, $0xC7A0  }
0x2bf: {  	v61 =	vadd.s32 v26, v34;
	vm13 =	vlt.u32 v60, $0xC7A0  }
0x2c0: {  	v62 =	vadd.s32 v27, v34;
	vm14 =	vlt.u32 v61, $0xC7A0  }
0x2c1: {  	v63 =	vadd.s32 v28, v34;
	vm15 =	vlt.u32 v62, $0xC7A0;
	[tilespmem:v56+s16+$0x0] =	vst.idx.msk vm9, v9  }
0x2c2: {  	v42 =	vadd.s32 v29, v34;
	vm8 =	vlt.u32 v63, $0xC7A0;
	[tilespmem:v57+s16+$0x0] =	vst.idx.msk vm10, v10  }
0x2c3: {  	v43 =	vadd.s32 v30, v34;
	vm9 =	vlt.u32 v42, $0xC7A0;
	[tilespmem:v58+s16+$0x0] =	vst.idx.msk vm11, v11  }
0x2c4: {  	v44 =	vadd.s32 v31, v34;
	vm10 =	vlt.u32 v43, $0xC7A0;
	[tilespmem:v59+s16+$0x0] =	vst.idx.msk vm12, v12  }
0x2c5: {  	v45 =	vadd.s32 v32, v34;
	vm11 =	vlt.u32 v44, $0xC7A0;
	[tilespmem:v60+s16+$0x0] =	vst.idx.msk vm13, v13  }
0x2c6: {  	s22 =	sadd.s32 $0x6, s18;
	v34 =	vadd.s32 v33, v34;
	vm12 =	vlt.u32 v45, $0xC7A0;
	[tilespmem:v61+s16+$0x0] =	vst.idx.msk vm14, v14  }
0x2c7: {  	p1 =	slt.s32 s22, $0x400F;
	vm13 =	vlt.u32 v34, $0xC7A0;
	[tilespmem:v62+s16+$0x0] =	vst.idx.msk vm15, v15  }
0x2c8: {  	s22 =	simm.s32 @!p1 $0x400F;
	[tilespmem:v63+s16+$0x0] =	vst.idx.msk vm8, v16  }
0x2c9: {  	v46 =	vmov s22;
	[tilespmem:v42+s16+$0x0] =	vst.idx.msk vm9, v17  }
0x2ca: {  	[tilespmem:v43+s16+$0x0] =	vst.idx.msk vm10, v18  }
0x2cb: {  	[tilespmem:v44+s16+$0x0] =	vst.idx.msk vm11, v19  }
0x2cc: {  	[tilespmem:v45+s16+$0x0] =	vst.idx.msk vm12, v20  }
0x2cd: {  	[tilespmem:v34+s16+$0x0] =	vst.idx.msk vm13, v21  }
0x2ce: {  	v34 =	vld.idx.msk [tilespmem:v46+s15+$0x0], $0xffff;
	_ =	sdelay $0x4  }
0x2cf: {  	v34 =	vsub.s32 v34, v0  }
0x2d0: {  	v47 =	vadd.s32 v1, v34  }
0x2d1: {  	v48 =	vadd.s32 v22, v34;
	vm14 =	vlt.u32 v47, $0xC7A0  }
0x2d2: {  	v49 =	vadd.s32 v23, v34;
	vm15 =	vlt.u32 v48, $0xC7A0  }
0x2d3: {  	v50 =	vadd.s32 v24, v34;
	vm8 =	vlt.u32 v49, $0xC7A0  }
0x2d4: {  	v51 =	vadd.s32 v25, v34;
	vm9 =	vlt.u32 v50, $0xC7A0  }
0x2d5: {  	v52 =	vadd.s32 v26, v34;
	vm10 =	vlt.u32 v51, $0xC7A0  }
0x2d6: {  	v53 =	vadd.s32 v27, v34;
	vm11 =	vlt.u32 v52, $0xC7A0  }
0x2d7: {  	v54 =	vadd.s32 v28, v34;
	vm12 =	vlt.u32 v53, $0xC7A0;
	[tilespmem:v47+s16+$0x0] =	vst.idx.msk vm14, v9  }
0x2d8: {  	v55 =	vadd.s32 v29, v34;
	vm13 =	vlt.u32 v54, $0xC7A0;
	[tilespmem:v48+s16+$0x0] =	vst.idx.msk vm15, v10  }
0x2d9: {  	v56 =	vadd.s32 v30, v34;
	vm14 =	vlt.u32 v55, $0xC7A0;
	[tilespmem:v49+s16+$0x0] =	vst.idx.msk vm8, v11  }
0x2da: {  	v57 =	vadd.s32 v31, v34;
	vm15 =	vlt.u32 v56, $0xC7A0;
	[tilespmem:v50+s16+$0x0] =	vst.idx.msk vm9, v12  }
0x2db: {  	v58 =	vadd.s32 v32, v34;
	vm8 =	vlt.u32 v57, $0xC7A0;
	[tilespmem:v51+s16+$0x0] =	vst.idx.msk vm10, v13  }
0x2dc: {  	s22 =	sadd.s32 $0x7, s18;
	v34 =	vadd.s32 v33, v34;
	vm9 =	vlt.u32 v58, $0xC7A0;
	[tilespmem:v52+s16+$0x0] =	vst.idx.msk vm11, v14  }
0x2dd: {  	p1 =	slt.s32 s22, $0x400F;
	vm10 =	vlt.u32 v34, $0xC7A0;
	[tilespmem:v53+s16+$0x0] =	vst.idx.msk vm12, v15  }
0x2de: {  	s22 =	simm.s32 @!p1 $0x400F;
	[tilespmem:v54+s16+$0x0] =	vst.idx.msk vm13, v16  }
0x2df: {  	v59 =	vmov s22;
	[tilespmem:v55+s16+$0x0] =	vst.idx.msk vm14, v17  }
0x2e0: {  	[tilespmem:v56+s16+$0x0] =	vst.idx.msk vm15, v18  }
0x2e1: {  	[tilespmem:v57+s16+$0x0] =	vst.idx.msk vm8, v19  }
0x2e2: {  	[tilespmem:v58+s16+$0x0] =	vst.idx.msk vm9, v20  }
0x2e3: {  	[tilespmem:v34+s16+$0x0] =	vst.idx.msk vm10, v21  }
0x2e4: {  	v34 =	vld.idx.msk [tilespmem:v59+s15+$0x0], $0xffff;
	_ =	sdelay $0x4  }
0x2e5: {  	v34 =	vsub.s32 v34, v0  }
0x2e6: {  	v60 =	vadd.s32 v1, v34  }
0x2e7: {  	v22 =	vadd.s32 v22, v34;
	vm11 =	vlt.u32 v60, $0xC7A0  }
0x2e8: {  	v23 =	vadd.s32 v23, v34;
	vm12 =	vlt.u32 v22, $0xC7A0  }
0x2e9: {  	v24 =	vadd.s32 v24, v34;
	vm13 =	vlt.u32 v23, $0xC7A0  }
0x2ea: {  	v25 =	vadd.s32 v25, v34;
	vm14 =	vlt.u32 v24, $0xC7A0  }
0x2eb: {  	v26 =	vadd.s32 v26, v34;
	vm15 =	vlt.u32 v25, $0xC7A0  }
0x2ec: {  	v27 =	vadd.s32 v27, v34;
	vm8 =	vlt.u32 v26, $0xC7A0  }
0x2ed: {  	v28 =	vadd.s32 v28, v34;
	vm9 =	vlt.u32 v27, $0xC7A0;
	[tilespmem:v60+s16+$0x0] =	vst.idx.msk vm11, v9  }
0x2ee: {  	vm10 =	vlt.u32 v28, $0xC7A0;
	[tilespmem:v22+s16+$0x0] =	vst.idx.msk vm12, v10;
	v22 =	vadd.s32 v29, v34  }
0x2ef: {  	[tilespmem:v23+s16+$0x0] =	vst.idx.msk vm13, v11;
	vm11 =	vlt.u32 v22, $0xC7A0;
	v23 =	vadd.s32 v30, v34  }
0x2f0: {  	v61 =	vadd.s32 v31, v34;
	[tilespmem:v24+s16+$0x0] =	vst.idx.msk vm14, v12;
	vm12 =	vlt.u32 v23, $0xC7A0  }
0x2f1: {  	v62 =	vadd.s32 v32, v34;
	vm13 =	vlt.u32 v61, $0xC7A0;
	[tilespmem:v25+s16+$0x0] =	vst.idx.msk vm15, v13  }
0x2f2: {  	v63 =	vadd.s32 v33, v34;
	vm14 =	vlt.u32 v62, $0xC7A0;
	[tilespmem:v26+s16+$0x0] =	vst.idx.msk vm8, v14  }
0x2f3: {  	vm15 =	vlt.u32 v63, $0xC7A0;
	[tilespmem:v27+s16+$0x0] =	vst.idx.msk vm9, v15  }
0x2f4: {  	p1 =	sne.s32 s20, $0x1;
	[tilespmem:v28+s16+$0x0] =	vst.idx.msk vm10, v16  }
.Ltmp7:
0x2f5: {  	[tilespmem:v22+s16+$0x0] =	vst.idx.msk vm11, v17;
	(pc) =	sbr.rel @p1 .LBB2_7-.Ltmp7, $4  }
0x2f6: {  	[tilespmem:v23+s16+$0x0] =	vst.idx.msk vm12, v18  }
0x2f7: {  	[tilespmem:v61+s16+$0x0] =	vst.idx.msk vm13, v19  }
0x2f8: {  	[tilespmem:v62+s16+$0x0] =	vst.idx.msk vm14, v20  }
0x2f9: {  	s18 =	sadd.s32 $0x8, s18;
	s20 =	sadd.s32 $0xFFFFFFFF, s20;
	[tilespmem:v63+s16+$0x0] =	vst.idx.msk vm15, v21  }
.Ltmp8:
0x2fa: {  	_ = 	snop;
	(pc) =	sbr.rel .LBB2_8-.Ltmp8, $1  }
0x2fb: {  	_ =	sdelay $0x3  }
.LBB2_9:
0x2fc: {  	_ =	sfence.sel $0x180000  }
0x2fd: {  	[bflag:$0x0] =	sbarrier.arrive $0xFFFF  }
0x2fe: {  	_ =	strace $0x90000047  }
0x2ff: {  	s0 =	stileid.u32;
	[bflag:$0x2] =	sbarrier.arrive $0xFFFF  }
0x300: {  	p0 =	sne.s32 s0, $0x0;
	s0 =	rddreg [dreg:$0x3]  }
0x301: {  	s0 =	sadd.s32 @!p0 $0x100000, s0  }
0x302: {  	[sflag:s0] =	ssyncadd.tile.s32 @!p0 $0x1;
	_ =	shalt  }
.Lfunc_end2:
_tile_overlayer_lowered:
.L_overlay_start_2:
0x303: {  	(tag) =	ssettag $0x2  }
0x304: {  	s0 =	rddreg [dreg:$0x0];
	s2 =	stileid.u32  }
0x305: {  	s1 =	rddreg [dreg:$0x1];
	p0 =	sne.s32 s2, $0x0  }
0x306: {  	s3 =	rddreg [dreg:$0x2];
	[bflag:$0x3] =	sbarrier.arrive $0xFFFF;
	s2 =	simm.s32 @!p0 $0x1C02  }
0x307: {  	[timem:s3], [sflag:s2] =	dma.local @!p0 [hbm:s0], s1  }
0x308: {  	s0 =	simm.s32 @!p0 $0x2  }
0x309: {  	_ =	swait.ge @!p0 [sflag:s0], s1  }
0x30a: {  	s1 =	ssub.s32 @!p0 $0x0, s1;
	[sflag:s0] =	ssyncset.done @!p0 $0x0  }
0x30b: {  	[sflag:s0] =	ssyncadd.s32 @!p0 s1  }
0x30c: {  	[bflag:$0x3] =	sbarrier.arrive $0xFFFF  }
0x30d: {  	_ =	shalt  }

</sc_bundles>
